<compile_context>
chip_gen: v7x
topology: tpu7x:2x2x1
jax: 0.10.2.dev20260603
libtpu: 0.0.44.dev20260713+nightly
codegen_flags: <defaults>
</compile_context>

<pallas_src>
import functools

import jax
import jax.numpy as jnp
from jax import lax
from jax.experimental import pallas as pl
from jax.experimental.pallas import tpu as pltpu
from jax.experimental.pallas import tpu_sc as plsc

N = 10000
E = 320000
C = 128
NC = 2
NS = 16
NW = NC * NS
EPW = E // NW
CH = 125
NCHUNK = EPW // CH
NQ = 5
CPQ = NCHUNK // NQ
DW = 16
WCH = 80
NWB = N // WCH
ITS = (NWB + NS - 1) // NS
AUXZ = 128

_SC_PARAMS = pltpu.CompilerParams(use_tc_tiling_on_sc=False)
_MESH = dict(core_axis_name="c", subcore_axis_name="s")


def _sc_aggregate(x, eidx):

    @functools.partial(
        pl.kernel,
        out_type=[
            jax.ShapeDtypeStruct((NC, N, C), jnp.float32),
            jax.ShapeDtypeStruct((NC, N, DW), jnp.float32),
        ],
        mesh=plsc.VectorSubcoreMesh(**_MESH),
        compiler_params=_SC_PARAMS,
        scratch_types=[
            pltpu.VMEM((CPQ, CH), jnp.int32),
            pltpu.VMEM((CPQ, CH), jnp.int32),
            pltpu.VMEM((2, CH, C), jnp.float32),
            pltpu.VMEM((CH, DW), jnp.float32),
            pltpu.VMEM((WCH, DW), jnp.float32),
            pltpu.VMEM_SHARED((N, C), jnp.float32),
            pltpu.VMEM_SHARED((N, DW), jnp.float32),
            pltpu.SemaphoreType.DMA,
            pltpu.SemaphoreType.DMA,
            pltpu.SemaphoreType.DMA,
            pltpu.SemaphoreType.DMA,
        ],
    )
    def agg(x_hbm, e_hbm, out_hbm, deg_hbm,
            src_v, dst_v, rows_v, ones_v, dbuf, acc_sh, deg_sh,
            sem, dsem, ssem0, ssem1):
        cid = lax.axis_index("c")
        sid = lax.axis_index("s")
        wid = cid * NS + sid

        zrow = jnp.zeros((16,), jnp.float32)
        orow = jnp.ones((16,), jnp.float32)

        @pl.loop(0, WCH)
        def _fill_consts(r):
            for cc in range(C // 16):
                rows_v[0, r, pl.ds(cc * 16, 16)] = zrow
            ones_v[r, :] = orow
            dbuf[r, :] = zrow

        @pl.loop(WCH, CH)
        def _fill_tail(r):
            ones_v[r, :] = orow

        for it in range(ITS):
            cidx = it * NS + sid

            @pl.when(cidx < NWB)
            def _zero_chunk():
                pltpu.sync_copy(rows_v.at[0, pl.ds(0, WCH)],
                                acc_sh.at[pl.ds(cidx * WCH, WCH)])
                pltpu.sync_copy(dbuf, deg_sh.at[pl.ds(cidx * WCH, WCH)])

        plsc.subcore_barrier()

        def fire(j, pb):
            pltpu.async_copy(x_hbm.at[src_v.at[j]], rows_v.at[pb], sem)

        def drain(j, pb):
            pltpu.make_async_copy(
                x_hbm.at[src_v.at[j]], rows_v.at[pb], sem).wait()

        ssem = (ssem0, ssem1)

        def fire_s(j, pb):
            pltpu.async_copy(rows_v.at[pb], acc_sh.at[dst_v.at[j]],
                             ssem[pb], add=True)
            pltpu.async_copy(ones_v, deg_sh.at[dst_v.at[j]], dsem, add=True)

        def wait_s(j, pb):
            pltpu.make_async_copy(rows_v.at[pb], acc_sh.at[dst_v.at[j]],
                                  ssem[pb]).wait()

        for q in range(NQ):
            pltpu.sync_copy(e_hbm.at[0, wid, q], src_v)
            pltpu.sync_copy(e_hbm.at[1, wid, q], dst_v)
            fire(0, 0)

            @pl.loop(0, CPQ // 2)
            def _grp(h):
                j0 = 2 * h
                drain(j0, 0)
                fire_s(j0, 0)

                @pl.when(j0 > 0)
                def _wait_prev():
                    wait_s(j0 - 1, 1)

                fire(j0 + 1, 1)
                j1 = j0 + 1
                drain(j1, 1)
                fire_s(j1, 1)
                wait_s(j0, 0)

                @pl.when(j1 + 1 < CPQ)
                def _refill():
                    fire(j1 + 1, 0)

            wait_s(CPQ - 1, 1)

            for _ in range(CPQ):
                pltpu.make_async_copy(
                    ones_v, deg_sh.at[dst_v.at[0]], dsem).wait()

        plsc.subcore_barrier()

        for it in range(ITS):
            cidx = it * NS + sid

            @pl.when(cidx < NWB)
            def _write_chunk():
                r0 = cidx * WCH
                pltpu.sync_copy(acc_sh.at[pl.ds(r0, WCH)],
                                rows_v.at[0, pl.ds(0, WCH)])
                pltpu.sync_copy(rows_v.at[0, pl.ds(0, WCH)],
                                out_hbm.at[cid, pl.ds(r0, WCH)])
                pltpu.sync_copy(deg_sh.at[pl.ds(r0, WCH)], dbuf)
                pltpu.sync_copy(dbuf, deg_hbm.at[cid, pl.ds(r0, WCH)])

    return agg(x, eidx)


BR = 2000


def _tc_body(p_ref, deg_ref, x_ref, wlT_ref, wrT_ref, b_ref, o_ref):
    s = p_ref[0] + p_ref[1]
    d = deg_ref[0, :, 0:1] + deg_ref[1, :, 0:1]
    m = s / jnp.maximum(d, 1.0)
    o_ref[...] = (
        jnp.dot(m, wlT_ref[...], preferred_element_type=jnp.float32,
                precision=lax.Precision.HIGHEST)
        + jnp.dot(x_ref[...], wrT_ref[...], preferred_element_type=jnp.float32,
                  precision=lax.Precision.HIGHEST)
        + b_ref[...]
    )


def _tc_combine(p, degp, x, wlT, wrT, b):
    return pl.pallas_call(
        _tc_body,
        grid=(N // BR,),
        in_specs=[
            pl.BlockSpec((NC, BR, C), lambda i: (0, i, 0)),
            pl.BlockSpec((NC, BR, DW), lambda i: (0, i, 0)),
            pl.BlockSpec((BR, C), lambda i: (i, 0)),
            pl.BlockSpec((C, C), lambda i: (0, 0)),
            pl.BlockSpec((C, C), lambda i: (0, 0)),
            pl.BlockSpec((1, C), lambda i: (0, 0)),
        ],
        out_specs=pl.BlockSpec((BR, C), lambda i: (i, 0)),
        out_shape=jax.ShapeDtypeStruct((N, C), jnp.float32),
    )(p, degp, x, wlT, wrT, b)


def kernel(x, edge_index, W_l, b_l, W_r):
    eidx = edge_index.reshape(2, NW, NQ, CPQ, CH)
    parts, degs = _sc_aggregate(x, eidx)
    return _tc_combine(parts, degs, x, W_l.T, W_r.T, b_l.reshape(1, C))

# --- scband reference (transcript-rebuilt; emitter-appended) ---
"""Pipeline reference for scband-cluster-encoder-35940286333532 (READ-ONLY COPY).

The authoritative reference and input builder live on the scoring server;
editing this copy changes nothing except your own understanding.
"""

import jax, jax.numpy as jnp
import numpy as np

N_NODES = 10000
N_EDGES = 320000
C_IN = 128
C_OUT = 128


def setup_inputs(seed: int = 0) -> dict:
    key = jax.random.key(seed)
    k1, k2, k3, k4 = jax.random.split(key, 4)
    x = jax.random.normal(k1, (N_NODES, C_IN), dtype=jnp.float32)
    edge_index = jax.random.randint(k2, (2, N_EDGES), 0, N_NODES, dtype=jnp.int32)
    scale = 1.0 / np.sqrt(C_IN)
    # SAGEConv params: lin_l (applied to aggregated neighbors, with bias),
    # lin_r (root weight, no bias)
    W_l = jax.random.normal(k3, (C_OUT, C_IN), dtype=jnp.float32) * scale
    b_l = jnp.zeros((C_OUT,), dtype=jnp.float32)
    W_r = jax.random.normal(k4, (C_OUT, C_IN), dtype=jnp.float32) * scale
    return {"x": x, "edge_index": edge_index, "W_l": W_l, "b_l": b_l, "W_r": W_r}


def reference(x, edge_index, W_l, b_l, W_r):
    # HeteroConv with a single ('clusters','near','clusters') relation and
    # aggr='max' across relations reduces to a single SAGEConv (mean neighbor aggr).
    n = x.shape[0]
    src = edge_index[0]
    dst = edge_index[1]
    msg = jnp.take(x, src, axis=0)                                  # gather
    summed = jax.ops.segment_sum(msg, dst, num_segments=n)          # scatter-add
    deg = jax.ops.segment_sum(jnp.ones((msg.shape[0],), dtype=x.dtype), dst, num_segments=n)
    mean = summed / jnp.clip(deg, 1.0, None)[:, None]
    out = mean @ W_l.T + b_l + x @ W_r.T
    return out

if __name__ == "__main__":
    import jax
    _d = setup_inputs()
    print(jax.jit(kernel)(*tuple(_d.values())))

</pallas_src>

<mosaic_0001>
#map = affine_map<(d0, d1) -> (0, 0)>
#map1 = affine_map<(d0, d1) -> (0, 0, 0, 0, 0)>
#map2 = affine_map<(d0, d1) -> (0, 0, 0)>
module attributes {stable_mosaic.version = 14 : i64} {
  func.func @agg(%arg0: i32, %arg1: i32, %arg2: memref<10000x128xf32, #tpu.memory_space<hbm>>, %arg3: memref<2x32x5x16x125xi32, #tpu.memory_space<hbm>>, %arg4: memref<2x10000x128xf32, #tpu.memory_space<hbm>>, %arg5: memref<2x10000x16xf32, #tpu.memory_space<hbm>>, %arg6: memref<16x125xi32, #tpu.memory_space<vmem>>, %arg7: memref<16x125xi32, #tpu.memory_space<vmem>>, %arg8: memref<2x125x128xf32, #tpu.memory_space<vmem>>, %arg9: memref<125x16xf32, #tpu.memory_space<vmem>>, %arg10: memref<80x16xf32, #tpu.memory_space<vmem>>, %arg11: memref<10000x128xf32, #tpu.memory_space<vmem_shared>>, %arg12: memref<10000x16xf32, #tpu.memory_space<vmem_shared>>, %arg13: memref<!tpu.dma_semaphore, #tpu.memory_space<semaphore_mem>>, %arg14: memref<!tpu.dma_semaphore, #tpu.memory_space<semaphore_mem>>, %arg15: memref<!tpu.dma_semaphore, #tpu.memory_space<semaphore_mem>>, %arg16: memref<!tpu.dma_semaphore, #tpu.memory_space<semaphore_mem>>) attributes {dimension_semantics = [#tpu.dimension_semantics<core_parallel>, #tpu.dimension_semantics<subcore_parallel>], iteration_bounds = array<i64: 2, 16>, scalar_prefetch = 0 : i64, scratch_operands = 11 : i64, tpu.core_type = #tpu.core_type<sc_vector_subcore>, window_params = [{transform_indices = #map}, {transform_indices = #map1}, {transform_indices = #map2}, {transform_indices = #map2}]} {
    %mul3A = arith.constant 16 : i32
    %mul3A_0 = arith.muli %arg0, %mul3A : i32
    %add3A = arith.addi %mul3A_0, %arg1 : i32
    %broadcast_in_dim3A = arith.constant 0.000000e+00 : f32
    %broadcast_in_dim3A_1 = vector.broadcast %broadcast_in_dim3A : f32 to vector<16xf32>
    %broadcast_in_dim3A_2 = arith.constant 1.000000e+00 : f32
    %broadcast_in_dim3A_3 = vector.broadcast %broadcast_in_dim3A_2 : f32 to vector<16xf32>
    %scan3A = arith.constant 0 : i32
    %scan3A_4 = arith.constant 80 : i32
    %scan3A_5 = arith.addi %scan3A, %scan3A_4 : i32
    %scan3A_6 = arith.constant 1 : i32
    scf.for %scan3A_845 = %scan3A to %scan3A_5 step %scan3A_6  : i32 {
      %mul3A_846 = arith.constant 1 : i32
      %mul3A_847 = arith.muli %scan3A_845, %mul3A_846 : i32
      %add3A_848 = arith.constant 0 : i32
      %add3A_849 = arith.addi %add3A_848, %mul3A_847 : i32
      %swap3A = arith.constant 0 : i32
      %swap3A_850 = arith.index_cast %swap3A : i32 to index
      %swap3A_851 = arith.index_cast %add3A_849 : i32 to index
      %swap3A_852 = arith.constant 0 : index
      %swap3A_853 = tpu.vector_load %arg8[%swap3A_850, %swap3A_851, %swap3A_852] {strides = array<i32>} : memref<2x125x128xf32, #tpu.memory_space<vmem>>, vector<1x1x16xf32>,
      %swap3A_854 = vector.shape_cast %swap3A_853 : vector<1x1x16xf32> to vector<16xf32>
      %swap3A_855 = vector.shape_cast %broadcast_in_dim3A_1 : vector<16xf32> to vector<1x1x16xf32>
      tpu.vector_store %arg8[%swap3A_850, %swap3A_851, %swap3A_852], %swap3A_855 {strides = array<i32>} : memref<2x125x128xf32, #tpu.memory_space<vmem>>, vector<1x1x16xf32>,
      %swap3A_856 = arith.constant 0 : i32
      %swap3A_857 = arith.index_cast %swap3A_856 : i32 to index
      %swap3A_858 = arith.index_cast %add3A_849 : i32 to index
      %swap3A_859 = arith.constant 16 : index
      %swap3A_860 = tpu.vector_load %arg8[%swap3A_857, %swap3A_858, %swap3A_859] {strides = array<i32>} : memref<2x125x128xf32, #tpu.memory_space<vmem>>, vector<1x1x16xf32>,
      %swap3A_861 = vector.shape_cast %swap3A_860 : vector<1x1x16xf32> to vector<16xf32>
      %swap3A_862 = vector.shape_cast %broadcast_in_dim3A_1 : vector<16xf32> to vector<1x1x16xf32>
      tpu.vector_store %arg8[%swap3A_857, %swap3A_858, %swap3A_859], %swap3A_862 {strides = array<i32>} : memref<2x125x128xf32, #tpu.memory_space<vmem>>, vector<1x1x16xf32>,
      %swap3A_863 = arith.constant 0 : i32
      %swap3A_864 = arith.index_cast %swap3A_863 : i32 to index
      %swap3A_865 = arith.index_cast %add3A_849 : i32 to index
      %swap3A_866 = arith.constant 32 : index
      %swap3A_867 = tpu.vector_load %arg8[%swap3A_864, %swap3A_865, %swap3A_866] {strides = array<i32>} : memref<2x125x128xf32, #tpu.memory_space<vmem>>, vector<1x1x16xf32>,
      %swap3A_868 = vector.shape_cast %swap3A_867 : vector<1x1x16xf32> to vector<16xf32>
      %swap3A_869 = vector.shape_cast %broadcast_in_dim3A_1 : vector<16xf32> to vector<1x1x16xf32>
      tpu.vector_store %arg8[%swap3A_864, %swap3A_865, %swap3A_866], %swap3A_869 {strides = array<i32>} : memref<2x125x128xf32, #tpu.memory_space<vmem>>, vector<1x1x16xf32>,
      %swap3A_870 = arith.constant 0 : i32
      %swap3A_871 = arith.index_cast %swap3A_870 : i32 to index
      %swap3A_872 = arith.index_cast %add3A_849 : i32 to index
      %swap3A_873 = arith.constant 48 : index
      %swap3A_874 = tpu.vector_load %arg8[%swap3A_871, %swap3A_872, %swap3A_873] {strides = array<i32>} : memref<2x125x128xf32, #tpu.memory_space<vmem>>, vector<1x1x16xf32>,
      %swap3A_875 = vector.shape_cast %swap3A_874 : vector<1x1x16xf32> to vector<16xf32>
      %swap3A_876 = vector.shape_cast %broadcast_in_dim3A_1 : vector<16xf32> to vector<1x1x16xf32>
      tpu.vector_store %arg8[%swap3A_871, %swap3A_872, %swap3A_873], %swap3A_876 {strides = array<i32>} : memref<2x125x128xf32, #tpu.memory_space<vmem>>, vector<1x1x16xf32>,
      %swap3A_877 = arith.constant 0 : i32
      %swap3A_878 = arith.index_cast %swap3A_877 : i32 to index
      %swap3A_879 = arith.index_cast %add3A_849 : i32 to index
      %swap3A_880 = arith.constant 64 : index
      %swap3A_881 = tpu.vector_load %arg8[%swap3A_878, %swap3A_879, %swap3A_880] {strides = array<i32>} : memref<2x125x128xf32, #tpu.memory_space<vmem>>, vector<1x1x16xf32>,
      %swap3A_882 = vector.shape_cast %swap3A_881 : vector<1x1x16xf32> to vector<16xf32>
      %swap3A_883 = vector.shape_cast %broadcast_in_dim3A_1 : vector<16xf32> to vector<1x1x16xf32>
      tpu.vector_store %arg8[%swap3A_878, %swap3A_879, %swap3A_880], %swap3A_883 {strides = array<i32>} : memref<2x125x128xf32, #tpu.memory_space<vmem>>, vector<1x1x16xf32>,
      %swap3A_884 = arith.constant 0 : i32
      %swap3A_885 = arith.index_cast %swap3A_884 : i32 to index
      %swap3A_886 = arith.index_cast %add3A_849 : i32 to index
      %swap3A_887 = arith.constant 80 : index
      %swap3A_888 = tpu.vector_load %arg8[%swap3A_885, %swap3A_886, %swap3A_887] {strides = array<i32>} : memref<2x125x128xf32, #tpu.memory_space<vmem>>, vector<1x1x16xf32>,
      %swap3A_889 = vector.shape_cast %swap3A_888 : vector<1x1x16xf32> to vector<16xf32>
      %swap3A_890 = vector.shape_cast %broadcast_in_dim3A_1 : vector<16xf32> to vector<1x1x16xf32>
      tpu.vector_store %arg8[%swap3A_885, %swap3A_886, %swap3A_887], %swap3A_890 {strides = array<i32>} : memref<2x125x128xf32, #tpu.memory_space<vmem>>, vector<1x1x16xf32>,
      %swap3A_891 = arith.constant 0 : i32
      %swap3A_892 = arith.index_cast %swap3A_891 : i32 to index
      %swap3A_893 = arith.index_cast %add3A_849 : i32 to index
      %swap3A_894 = arith.constant 96 : index
      %swap3A_895 = tpu.vector_load %arg8[%swap3A_892, %swap3A_893, %swap3A_894] {strides = array<i32>} : memref<2x125x128xf32, #tpu.memory_space<vmem>>, vector<1x1x16xf32>,
      %swap3A_896 = vector.shape_cast %swap3A_895 : vector<1x1x16xf32> to vector<16xf32>
      %swap3A_897 = vector.shape_cast %broadcast_in_dim3A_1 : vector<16xf32> to vector<1x1x16xf32>
      tpu.vector_store %arg8[%swap3A_892, %swap3A_893, %swap3A_894], %swap3A_897 {strides = array<i32>} : memref<2x125x128xf32, #tpu.memory_space<vmem>>, vector<1x1x16xf32>,
      %swap3A_898 = arith.constant 0 : i32
      %swap3A_899 = arith.index_cast %swap3A_898 : i32 to index
      %swap3A_900 = arith.index_cast %add3A_849 : i32 to index
      %swap3A_901 = arith.constant 112 : index
      %swap3A_902 = tpu.vector_load %arg8[%swap3A_899, %swap3A_900, %swap3A_901] {strides = array<i32>} : memref<2x125x128xf32, #tpu.memory_space<vmem>>, vector<1x1x16xf32>,
      %swap3A_903 = vector.shape_cast %swap3A_902 : vector<1x1x16xf32> to vector<16xf32>
      %swap3A_904 = vector.shape_cast %broadcast_in_dim3A_1 : vector<16xf32> to vector<1x1x16xf32>
      tpu.vector_store %arg8[%swap3A_899, %swap3A_900, %swap3A_901], %swap3A_904 {strides = array<i32>} : memref<2x125x128xf32, #tpu.memory_space<vmem>>, vector<1x1x16xf32>,
      %swap3A_905 = arith.index_cast %add3A_849 : i32 to index
      %swap3A_906 = arith.constant 0 : index
      %swap3A_907 = tpu.vector_load %arg9[%swap3A_905, %swap3A_906] {strides = array<i32>} : memref<125x16xf32, #tpu.memory_space<vmem>>, vector<1x16xf32>,
      %swap3A_908 = vector.shape_cast %swap3A_907 : vector<1x16xf32> to vector<16xf32>
      %swap3A_909 = vector.shape_cast %broadcast_in_dim3A_3 : vector<16xf32> to vector<1x16xf32>
      tpu.vector_store %arg9[%swap3A_905, %swap3A_906], %swap3A_909 {strides = array<i32>} : memref<125x16xf32, #tpu.memory_space<vmem>>, vector<1x16xf32>,
      %swap3A_910 = arith.index_cast %add3A_849 : i32 to index
      %swap3A_911 = arith.constant 0 : index
      %swap3A_912 = tpu.vector_load %arg10[%swap3A_910, %swap3A_911] {strides = array<i32>} : memref<80x16xf32, #tpu.memory_space<vmem>>, vector<1x16xf32>,
      %swap3A_913 = vector.shape_cast %swap3A_912 : vector<1x16xf32> to vector<16xf32>
      %swap3A_914 = vector.shape_cast %broadcast_in_dim3A_1 : vector<16xf32> to vector<1x16xf32>
      tpu.vector_store %arg10[%swap3A_910, %swap3A_911], %swap3A_914 {strides = array<i32>} : memref<80x16xf32, #tpu.memory_space<vmem>>, vector<1x16xf32>,
    }
    %scan3A_7 = arith.constant 80 : i32
    %scan3A_8 = arith.constant 0 : i32
    %scan3A_9 = arith.constant 45 : i32
    %scan3A_10 = arith.addi %scan3A_8, %scan3A_9 : i32
    %scan3A_11 = arith.constant 1 : i32
    scf.for %scan3A_845 = %scan3A_8 to %scan3A_10 step %scan3A_11  : i32 {
      %mul3A_846 = arith.constant 1 : i32
      %mul3A_847 = arith.muli %scan3A_845, %mul3A_846 : i32
      %add3A_848 = arith.constant 80 : i32
      %add3A_849 = arith.addi %add3A_848, %mul3A_847 : i32
      %swap3A = arith.index_cast %add3A_849 : i32 to index
      %swap3A_850 = arith.constant 0 : index
      %swap3A_851 = tpu.vector_load %arg9[%swap3A, %swap3A_850] {strides = array<i32>} : memref<125x16xf32, #tpu.memory_space<vmem>>, vector<1x16xf32>,
      %swap3A_852 = vector.shape_cast %swap3A_851 : vector<1x16xf32> to vector<16xf32>
      %swap3A_853 = vector.shape_cast %broadcast_in_dim3A_3 : vector<16xf32> to vector<1x16xf32>
      tpu.vector_store %arg9[%swap3A, %swap3A_850], %swap3A_853 {strides = array<i32>} : memref<125x16xf32, #tpu.memory_space<vmem>>, vector<1x16xf32>,
    }
    %scan3A_12 = arith.constant 45 : i32
    %add3A_13 = arith.constant 0 : i32
    %add3A_14 = arith.addi %add3A_13, %arg1 : i32
    %lt3A = arith.constant 125 : i32
    %lt3A_15 = arith.cmpi slt, %add3A_14, %lt3A : i32
    %convert_element_type3A = arith.extui %lt3A_15 : i1 to i32
    %cond3A = arith.constant 0 : i32
    %cond3A_16 = arith.cmpi ne, %convert_element_type3A, %cond3A : i32
    scf.if %cond3A_16 {
      %mul3A_845 = arith.constant 80 : i32
      %mul3A_846 = arith.muli %add3A_14, %mul3A_845 : i32
      %run_scoped3A_847 = arith.constant 0 : i32
      "tpu.region"() ({
        %run_scoped3A_850 = tpu.sem_alloc : memref<!tpu.dma_semaphore, #tpu.memory_space<semaphore_mem>>
        %dma_start3A_851 = arith.constant 0 : i32
        %dma_start3A_852 = arith.constant 0 : i32
        %dma_start3A_853 = tpu.memref_slice %arg8[%run_scoped3A_847, %dma_start3A_851, %dma_start3A_852] : memref<2x125x128xf32, #tpu.memory_space<vmem>> -> memref<1x80x128xf32, #tpu.memory_space<vmem>>
        %dma_start3A_854 = tpu.memref_squeeze %dma_start3A_853 : memref<1x80x128xf32, #tpu.memory_space<vmem>> -> memref<80x128xf32, #tpu.memory_space<vmem>>
        %dma_start3A_855 = arith.constant 0 : i32
        %dma_start3A_856 = tpu.memref_slice %arg11[%mul3A_846, %dma_start3A_855] : memref<10000x128xf32, #tpu.memory_space<vmem_shared>> -> memref<80x128xf32, #tpu.memory_space<vmem_shared>>
        %dma_start3A_857 = arith.constant 0 : i32
        %dma_start3A_858 = tpu.memref_slice %arg11[%mul3A_846, %dma_start3A_857] : memref<10000x128xf32, #tpu.memory_space<vmem_shared>> -> memref<80x128xf32, #tpu.memory_space<vmem_shared>>
        %dma_start3A_859 = arith.constant 0 : i32
        %dma_start3A_860 = arith.constant 0 : i32
        %dma_start3A_861 = tpu.memref_slice %arg8[%run_scoped3A_847, %dma_start3A_859, %dma_start3A_860] : memref<2x125x128xf32, #tpu.memory_space<vmem>> -> memref<1x80x128xf32, #tpu.memory_space<vmem>>
        %dma_start3A_862 = tpu.memref_squeeze %dma_start3A_861 : memref<1x80x128xf32, #tpu.memory_space<vmem>> -> memref<80x128xf32, #tpu.memory_space<vmem>>
        tpu.enqueue_dma source(%dma_start3A_862 : memref<80x128xf32, #tpu.memory_space<vmem>>) target(%dma_start3A_858 : memref<80x128xf32, #tpu.memory_space<vmem_shared>>) target_semaphore(%run_scoped3A_850 : memref<!tpu.dma_semaphore, #tpu.memory_space<semaphore_mem>>)
        %dma_wait3A_863 = arith.constant 0 : i32
        %dma_wait3A_864 = arith.constant 0 : i32
        %dma_wait3A_865 = tpu.memref_slice %arg8[%run_scoped3A_847, %dma_wait3A_863, %dma_wait3A_864] : memref<2x125x128xf32, #tpu.memory_space<vmem>> -> memref<1x80x128xf32, #tpu.memory_space<vmem>>
        %dma_wait3A_866 = tpu.memref_squeeze %dma_wait3A_865 : memref<1x80x128xf32, #tpu.memory_space<vmem>> -> memref<80x128xf32, #tpu.memory_space<vmem>>
        %dma_wait3A_867 = arith.constant 0 : i32
        %dma_wait3A_868 = tpu.memref_slice %arg11[%mul3A_846, %dma_wait3A_867] : memref<10000x128xf32, #tpu.memory_space<vmem_shared>> -> memref<80x128xf32, #tpu.memory_space<vmem_shared>>
        %dma_wait3A_869 = arith.constant 0 : i32
        %dma_wait3A_870 = tpu.memref_slice %arg11[%mul3A_846, %dma_wait3A_869] : memref<10000x128xf32, #tpu.memory_space<vmem_shared>> -> memref<80x128xf32, #tpu.memory_space<vmem_shared>>
        %dma_wait3A_871 = arith.constant 0 : i32
        %dma_wait3A_872 = arith.constant 0 : i32
        %dma_wait3A_873 = tpu.memref_slice %arg8[%run_scoped3A_847, %dma_wait3A_871, %dma_wait3A_872] : memref<2x125x128xf32, #tpu.memory_space<vmem>> -> memref<1x80x128xf32, #tpu.memory_space<vmem>>
        %dma_wait3A_874 = tpu.memref_squeeze %dma_wait3A_873 : memref<1x80x128xf32, #tpu.memory_space<vmem>> -> memref<80x128xf32, #tpu.memory_space<vmem>>
        tpu.wait_dma2 semaphore(%run_scoped3A_850 : memref<!tpu.dma_semaphore, #tpu.memory_space<semaphore_mem>>) src(%dma_wait3A_874 : memref<80x128xf32, #tpu.memory_space<vmem>>) dst(%dma_wait3A_870 : memref<80x128xf32, #tpu.memory_space<vmem_shared>>)
        tpu.yield
      }) : () -> ()
      %mul3A_848 = arith.constant 80 : i32
      %mul3A_849 = arith.muli %add3A_14, %mul3A_848 : i32
      "tpu.region"() ({
        %run_scoped3A_850 = tpu.sem_alloc : memref<!tpu.dma_semaphore, #tpu.memory_space<semaphore_mem>>
        %dma_start3A_851 = arith.constant 0 : i32
        %dma_start3A_852 = tpu.memref_slice %arg12[%mul3A_849, %dma_start3A_851] : memref<10000x16xf32, #tpu.memory_space<vmem_shared>> -> memref<80x16xf32, #tpu.memory_space<vmem_shared>>
        %dma_start3A_853 = arith.constant 0 : i32
        %dma_start3A_854 = tpu.memref_slice %arg12[%mul3A_849, %dma_start3A_853] : memref<10000x16xf32, #tpu.memory_space<vmem_shared>> -> memref<80x16xf32, #tpu.memory_space<vmem_shared>>
        tpu.enqueue_dma source(%arg10 : memref<80x16xf32, #tpu.memory_space<vmem>>) target(%dma_start3A_854 : memref<80x16xf32, #tpu.memory_space<vmem_shared>>) target_semaphore(%run_scoped3A_850 : memref<!tpu.dma_semaphore, #tpu.memory_space<semaphore_mem>>)
        %dma_wait3A_855 = arith.constant 0 : i32
        %dma_wait3A_856 = tpu.memref_slice %arg12[%mul3A_849, %dma_wait3A_855] : memref<10000x16xf32, #tpu.memory_space<vmem_shared>> -> memref<80x16xf32, #tpu.memory_space<vmem_shared>>
        %dma_wait3A_857 = arith.constant 0 : i32
        %dma_wait3A_858 = tpu.memref_slice %arg12[%mul3A_849, %dma_wait3A_857] : memref<10000x16xf32, #tpu.memory_space<vmem_shared>> -> memref<80x16xf32, #tpu.memory_space<vmem_shared>>
        tpu.wait_dma2 semaphore(%run_scoped3A_850 : memref<!tpu.dma_semaphore, #tpu.memory_space<semaphore_mem>>) src(%arg10 : memref<80x16xf32, #tpu.memory_space<vmem>>) dst(%dma_wait3A_858 : memref<80x16xf32, #tpu.memory_space<vmem_shared>>)
        tpu.yield
      }) : () -> ()
    } else {
    }
    %add3A_17 = arith.constant 16 : i32
    %add3A_18 = arith.addi %add3A_17, %arg1 : i32
    %lt3A_19 = arith.constant 125 : i32
    %lt3A_20 = arith.cmpi slt, %add3A_18, %lt3A_19 : i32
    %convert_element_type3A_21 = arith.extui %lt3A_20 : i1 to i32
    %cond3A_22 = arith.constant 0 : i32
    %cond3A_23 = arith.cmpi ne, %convert_element_type3A_21, %cond3A_22 : i32
    scf.if %cond3A_23 {
      %mul3A_845 = arith.constant 80 : i32
      %mul3A_846 = arith.muli %add3A_18, %mul3A_845 : i32
      %run_scoped3A_847 = arith.constant 0 : i32
      "tpu.region"() ({
        %run_scoped3A_850 = tpu.sem_alloc : memref<!tpu.dma_semaphore, #tpu.memory_space<semaphore_mem>>
        %dma_start3A_851 = arith.constant 0 : i32
        %dma_start3A_852 = arith.constant 0 : i32
        %dma_start3A_853 = tpu.memref_slice %arg8[%run_scoped3A_847, %dma_start3A_851, %dma_start3A_852] : memref<2x125x128xf32, #tpu.memory_space<vmem>> -> memref<1x80x128xf32, #tpu.memory_space<vmem>>
        %dma_start3A_854 = tpu.memref_squeeze %dma_start3A_853 : memref<1x80x128xf32, #tpu.memory_space<vmem>> -> memref<80x128xf32, #tpu.memory_space<vmem>>
        %dma_start3A_855 = arith.constant 0 : i32
        %dma_start3A_856 = tpu.memref_slice %arg11[%mul3A_846, %dma_start3A_855] : memref<10000x128xf32, #tpu.memory_space<vmem_shared>> -> memref<80x128xf32, #tpu.memory_space<vmem_shared>>
        %dma_start3A_857 = arith.constant 0 : i32
        %dma_start3A_858 = tpu.memref_slice %arg11[%mul3A_846, %dma_start3A_857] : memref<10000x128xf32, #tpu.memory_space<vmem_shared>> -> memref<80x128xf32, #tpu.memory_space<vmem_shared>>
        %dma_start3A_859 = arith.constant 0 : i32
        %dma_start3A_860 = arith.constant 0 : i32
        %dma_start3A_861 = tpu.memref_slice %arg8[%run_scoped3A_847, %dma_start3A_859, %dma_start3A_860] : memref<2x125x128xf32, #tpu.memory_space<vmem>> -> memref<1x80x128xf32, #tpu.memory_space<vmem>>
        %dma_start3A_862 = tpu.memref_squeeze %dma_start3A_861 : memref<1x80x128xf32, #tpu.memory_space<vmem>> -> memref<80x128xf32, #tpu.memory_space<vmem>>
        tpu.enqueue_dma source(%dma_start3A_862 : memref<80x128xf32, #tpu.memory_space<vmem>>) target(%dma_start3A_858 : memref<80x128xf32, #tpu.memory_space<vmem_shared>>) target_semaphore(%run_scoped3A_850 : memref<!tpu.dma_semaphore, #tpu.memory_space<semaphore_mem>>)
        %dma_wait3A_863 = arith.constant 0 : i32
        %dma_wait3A_864 = arith.constant 0 : i32
        %dma_wait3A_865 = tpu.memref_slice %arg8[%run_scoped3A_847, %dma_wait3A_863, %dma_wait3A_864] : memref<2x125x128xf32, #tpu.memory_space<vmem>> -> memref<1x80x128xf32, #tpu.memory_space<vmem>>
        %dma_wait3A_866 = tpu.memref_squeeze %dma_wait3A_865 : memref<1x80x128xf32, #tpu.memory_space<vmem>> -> memref<80x128xf32, #tpu.memory_space<vmem>>
        %dma_wait3A_867 = arith.constant 0 : i32
        %dma_wait3A_868 = tpu.memref_slice %arg11[%mul3A_846, %dma_wait3A_867] : memref<10000x128xf32, #tpu.memory_space<vmem_shared>> -> memref<80x128xf32, #tpu.memory_space<vmem_shared>>
        %dma_wait3A_869 = arith.constant 0 : i32
        %dma_wait3A_870 = tpu.memref_slice %arg11[%mul3A_846, %dma_wait3A_869] : memref<10000x128xf32, #tpu.memory_space<vmem_shared>> -> memref<80x128xf32, #tpu.memory_space<vmem_shared>>
        %dma_wait3A_871 = arith.constant 0 : i32
        %dma_wait3A_872 = arith.constant 0 : i32
        %dma_wait3A_873 = tpu.memref_slice %arg8[%run_scoped3A_847, %dma_wait3A_871, %dma_wait3A_872] : memref<2x125x128xf32, #tpu.memory_space<vmem>> -> memref<1x80x128xf32, #tpu.memory_space<vmem>>
        %dma_wait3A_874 = tpu.memref_squeeze %dma_wait3A_873 : memref<1x80x128xf32, #tpu.memory_space<vmem>> -> memref<80x128xf32, #tpu.memory_space<vmem>>
        tpu.wait_dma2 semaphore(%run_scoped3A_850 : memref<!tpu.dma_semaphore, #tpu.memory_space<semaphore_mem>>) src(%dma_wait3A_874 : memref<80x128xf32, #tpu.memory_space<vmem>>) dst(%dma_wait3A_870 : memref<80x128xf32, #tpu.memory_space<vmem_shared>>)
        tpu.yield
      }) : () -> ()
      %mul3A_848 = arith.constant 80 : i32
      %mul3A_849 = arith.muli %add3A_18, %mul3A_848 : i32
      "tpu.region"() ({
        %run_scoped3A_850 = tpu.sem_alloc : memref<!tpu.dma_semaphore, #tpu.memory_space<semaphore_mem>>
        %dma_start3A_851 = arith.constant 0 : i32
        %dma_start3A_852 = tpu.memref_slice %arg12[%mul3A_849, %dma_start3A_851] : memref<10000x16xf32, #tpu.memory_space<vmem_shared>> -> memref<80x16xf32, #tpu.memory_space<vmem_shared>>
        %dma_start3A_853 = arith.constant 0 : i32
        %dma_start3A_854 = tpu.memref_slice %arg12[%mul3A_849, %dma_start3A_853] : memref<10000x16xf32, #tpu.memory_space<vmem_shared>> -> memref<80x16xf32, #tpu.memory_space<vmem_shared>>
        tpu.enqueue_dma source(%arg10 : memref<80x16xf32, #tpu.memory_space<vmem>>) target(%dma_start3A_854 : memref<80x16xf32, #tpu.memory_space<vmem_shared>>) target_semaphore(%run_scoped3A_850 : memref<!tpu.dma_semaphore, #tpu.memory_space<semaphore_mem>>)
        %dma_wait3A_855 = arith.constant 0 : i32
        %dma_wait3A_856 = tpu.memref_slice %arg12[%mul3A_849, %dma_wait3A_855] : memref<10000x16xf32, #tpu.memory_space<vmem_shared>> -> memref<80x16xf32, #tpu.memory_space<vmem_shared>>
        %dma_wait3A_857 = arith.constant 0 : i32
        %dma_wait3A_858 = tpu.memref_slice %arg12[%mul3A_849, %dma_wait3A_857] : memref<10000x16xf32, #tpu.memory_space<vmem_shared>> -> memref<80x16xf32, #tpu.memory_space<vmem_shared>>
        tpu.wait_dma2 semaphore(%run_scoped3A_850 : memref<!tpu.dma_semaphore, #tpu.memory_space<semaphore_mem>>) src(%arg10 : memref<80x16xf32, #tpu.memory_space<vmem>>) dst(%dma_wait3A_858 : memref<80x16xf32, #tpu.memory_space<vmem_shared>>)
        tpu.yield
      }) : () -> ()
    } else {
    }
    %add3A_24 = arith.constant 32 : i32
    %add3A_25 = arith.addi %add3A_24, %arg1 : i32
    %lt3A_26 = arith.constant 125 : i32
    %lt3A_27 = arith.cmpi slt, %add3A_25, %lt3A_26 : i32
    %convert_element_type3A_28 = arith.extui %lt3A_27 : i1 to i32
    %cond3A_29 = arith.constant 0 : i32
    %cond3A_30 = arith.cmpi ne, %convert_element_type3A_28, %cond3A_29 : i32
    scf.if %cond3A_30 {
      %mul3A_845 = arith.constant 80 : i32
      %mul3A_846 = arith.muli %add3A_25, %mul3A_845 : i32
      %run_scoped3A_847 = arith.constant 0 : i32
      "tpu.region"() ({
        %run_scoped3A_850 = tpu.sem_alloc : memref<!tpu.dma_semaphore, #tpu.memory_space<semaphore_mem>>
        %dma_start3A_851 = arith.constant 0 : i32
        %dma_start3A_852 = arith.constant 0 : i32
        %dma_start3A_853 = tpu.memref_slice %arg8[%run_scoped3A_847, %dma_start3A_851, %dma_start3A_852] : memref<2x125x128xf32, #tpu.memory_space<vmem>> -> memref<1x80x128xf32, #tpu.memory_space<vmem>>
        %dma_start3A_854 = tpu.memref_squeeze %dma_start3A_853 : memref<1x80x128xf32, #tpu.memory_space<vmem>> -> memref<80x128xf32, #tpu.memory_space<vmem>>
        %dma_start3A_855 = arith.constant 0 : i32
        %dma_start3A_856 = tpu.memref_slice %arg11[%mul3A_846, %dma_start3A_855] : memref<10000x128xf32, #tpu.memory_space<vmem_shared>> -> memref<80x128xf32, #tpu.memory_space<vmem_shared>>
        %dma_start3A_857 = arith.constant 0 : i32
        %dma_start3A_858 = tpu.memref_slice %arg11[%mul3A_846, %dma_start3A_857] : memref<10000x128xf32, #tpu.memory_space<vmem_shared>> -> memref<80x128xf32, #tpu.memory_space<vmem_shared>>
        %dma_start3A_859 = arith.constant 0 : i32
        %dma_start3A_860 = arith.constant 0 : i32
        %dma_start3A_861 = tpu.memref_slice %arg8[%run_scoped3A_847, %dma_start3A_859, %dma_start3A_860] : memref<2x125x128xf32, #tpu.memory_space<vmem>> -> memref<1x80x128xf32, #tpu.memory_space<vmem>>
        %dma_start3A_862 = tpu.memref_squeeze %dma_start3A_861 : memref<1x80x128xf32, #tpu.memory_space<vmem>> -> memref<80x128xf32, #tpu.memory_space<vmem>>
        tpu.enqueue_dma source(%dma_start3A_862 : memref<80x128xf32, #tpu.memory_space<vmem>>) target(%dma_start3A_858 : memref<80x128xf32, #tpu.memory_space<vmem_shared>>) target_semaphore(%run_scoped3A_850 : memref<!tpu.dma_semaphore, #tpu.memory_space<semaphore_mem>>)
        %dma_wait3A_863 = arith.constant 0 : i32
        %dma_wait3A_864 = arith.constant 0 : i32
        %dma_wait3A_865 = tpu.memref_slice %arg8[%run_scoped3A_847, %dma_wait3A_863, %dma_wait3A_864] : memref<2x125x128xf32, #tpu.memory_space<vmem>> -> memref<1x80x128xf32, #tpu.memory_space<vmem>>
        %dma_wait3A_866 = tpu.memref_squeeze %dma_wait3A_865 : memref<1x80x128xf32, #tpu.memory_space<vmem>> -> memref<80x128xf32, #tpu.memory_space<vmem>>
        %dma_wait3A_867 = arith.constant 0 : i32
        %dma_wait3A_868 = tpu.memref_slice %arg11[%mul3A_846, %dma_wait3A_867] : memref<10000x128xf32, #tpu.memory_space<vmem_shared>> -> memref<80x128xf32, #tpu.memory_space<vmem_shared>>
        %dma_wait3A_869 = arith.constant 0 : i32
        %dma_wait3A_870 = tpu.memref_slice %arg11[%mul3A_846, %dma_wait3A_869] : memref<10000x128xf32, #tpu.memory_space<vmem_shared>> -> memref<80x128xf32, #tpu.memory_space<vmem_shared>>
        %dma_wait3A_871 = arith.constant 0 : i32
        %dma_wait3A_872 = arith.constant 0 : i32
        %dma_wait3A_873 = tpu.memref_slice %arg8[%run_scoped3A_847, %dma_wait3A_871, %dma_wait3A_872] : memref<2x125x128xf32, #tpu.memory_space<vmem>> -> memref<1x80x128xf32, #tpu.memory_space<vmem>>
        %dma_wait3A_874 = tpu.memref_squeeze %dma_wait3A_873 : memref<1x80x128xf32, #tpu.memory_space<vmem>> -> memref<80x128xf32, #tpu.memory_space<vmem>>
        tpu.wait_dma2 semaphore(%run_scoped3A_850 : memref<!tpu.dma_semaphore, #tpu.memory_space<semaphore_mem>>) src(%dma_wait3A_874 : memref<80x128xf32, #tpu.memory_space<vmem>>) dst(%dma_wait3A_870 : memref<80x128xf32, #tpu.memory_space<vmem_shared>>)
        tpu.yield
      }) : () -> ()
      %mul3A_848 = arith.constant 80 : i32
      %mul3A_849 = arith.muli %add3A_25, %mul3A_848 : i32
      "tpu.region"() ({
        %run_scoped3A_850 = tpu.sem_alloc : memref<!tpu.dma_semaphore, #tpu.memory_space<semaphore_mem>>
        %dma_start3A_851 = arith.constant 0 : i32
        %dma_start3A_852 = tpu.memref_slice %arg12[%mul3A_849, %dma_start3A_851] : memref<10000x16xf32, #tpu.memory_space<vmem_shared>> -> memref<80x16xf32, #tpu.memory_space<vmem_shared>>
        %dma_start3A_853 = arith.constant 0 : i32
        %dma_start3A_854 = tpu.memref_slice %arg12[%mul3A_849, %dma_start3A_853] : memref<10000x16xf32, #tpu.memory_space<vmem_shared>> -> memref<80x16xf32, #tpu.memory_space<vmem_shared>>
        tpu.enqueue_dma source(%arg10 : memref<80x16xf32, #tpu.memory_space<vmem>>) target(%dma_start3A_854 : memref<80x16xf32, #tpu.memory_space<vmem_shared>>) target_semaphore(%run_scoped3A_850 : memref<!tpu.dma_semaphore, #tpu.memory_space<semaphore_mem>>)
        %dma_wait3A_855 = arith.constant 0 : i32
        %dma_wait3A_856 = tpu.memref_slice %arg12[%mul3A_849, %dma_wait3A_855] : memref<10000x16xf32, #tpu.memory_space<vmem_shared>> -> memref<80x16xf32, #tpu.memory_space<vmem_shared>>
        %dma_wait3A_857 = arith.constant 0 : i32
        %dma_wait3A_858 = tpu.memref_slice %arg12[%mul3A_849, %dma_wait3A_857] : memref<10000x16xf32, #tpu.memory_space<vmem_shared>> -> memref<80x16xf32, #tpu.memory_space<vmem_shared>>
        tpu.wait_dma2 semaphore(%run_scoped3A_850 : memref<!tpu.dma_semaphore, #tpu.memory_space<semaphore_mem>>) src(%arg10 : memref<80x16xf32, #tpu.memory_space<vmem>>) dst(%dma_wait3A_858 : memref<80x16xf32, #tpu.memory_space<vmem_shared>>)
        tpu.yield
      }) : () -> ()
    } else {
    }
    %add3A_31 = arith.constant 48 : i32
    %add3A_32 = arith.addi %add3A_31, %arg1 : i32
    %lt3A_33 = arith.constant 125 : i32
    %lt3A_34 = arith.cmpi slt, %add3A_32, %lt3A_33 : i32
    %convert_element_type3A_35 = arith.extui %lt3A_34 : i1 to i32
    %cond3A_36 = arith.constant 0 : i32
    %cond3A_37 = arith.cmpi ne, %convert_element_type3A_35, %cond3A_36 : i32
    scf.if %cond3A_37 {
      %mul3A_845 = arith.constant 80 : i32
      %mul3A_846 = arith.muli %add3A_32, %mul3A_845 : i32
      %run_scoped3A_847 = arith.constant 0 : i32
      "tpu.region"() ({
        %run_scoped3A_850 = tpu.sem_alloc : memref<!tpu.dma_semaphore, #tpu.memory_space<semaphore_mem>>
        %dma_start3A_851 = arith.constant 0 : i32
        %dma_start3A_852 = arith.constant 0 : i32
        %dma_start3A_853 = tpu.memref_slice %arg8[%run_scoped3A_847, %dma_start3A_851, %dma_start3A_852] : memref<2x125x128xf32, #tpu.memory_space<vmem>> -> memref<1x80x128xf32, #tpu.memory_space<vmem>>
        %dma_start3A_854 = tpu.memref_squeeze %dma_start3A_853 : memref<1x80x128xf32, #tpu.memory_space<vmem>> -> memref<80x128xf32, #tpu.memory_space<vmem>>
        %dma_start3A_855 = arith.constant 0 : i32
        %dma_start3A_856 = tpu.memref_slice %arg11[%mul3A_846, %dma_start3A_855] : memref<10000x128xf32, #tpu.memory_space<vmem_shared>> -> memref<80x128xf32, #tpu.memory_space<vmem_shared>>
        %dma_start3A_857 = arith.constant 0 : i32
        %dma_start3A_858 = tpu.memref_slice %arg11[%mul3A_846, %dma_start3A_857] : memref<10000x128xf32, #tpu.memory_space<vmem_shared>> -> memref<80x128xf32, #tpu.memory_space<vmem_shared>>
        %dma_start3A_859 = arith.constant 0 : i32
        %dma_start3A_860 = arith.constant 0 : i32
        %dma_start3A_861 = tpu.memref_slice %arg8[%run_scoped3A_847, %dma_start3A_859, %dma_start3A_860] : memref<2x125x128xf32, #tpu.memory_space<vmem>> -> memref<1x80x128xf32, #tpu.memory_space<vmem>>
        %dma_start3A_862 = tpu.memref_squeeze %dma_start3A_861 : memref<1x80x128xf32, #tpu.memory_space<vmem>> -> memref<80x128xf32, #tpu.memory_space<vmem>>
        tpu.enqueue_dma source(%dma_start3A_862 : memref<80x128xf32, #tpu.memory_space<vmem>>) target(%dma_start3A_858 : memref<80x128xf32, #tpu.memory_space<vmem_shared>>) target_semaphore(%run_scoped3A_850 : memref<!tpu.dma_semaphore, #tpu.memory_space<semaphore_mem>>)
        %dma_wait3A_863 = arith.constant 0 : i32
        %dma_wait3A_864 = arith.constant 0 : i32
        %dma_wait3A_865 = tpu.memref_slice %arg8[%run_scoped3A_847, %dma_wait3A_863, %dma_wait3A_864] : memref<2x125x128xf32, #tpu.memory_space<vmem>> -> memref<1x80x128xf32, #tpu.memory_space<vmem>>
        %dma_wait3A_866 = tpu.memref_squeeze %dma_wait3A_865 : memref<1x80x128xf32, #tpu.memory_space<vmem>> -> memref<80x128xf32, #tpu.memory_space<vmem>>
        %dma_wait3A_867 = arith.constant 0 : i32
        %dma_wait3A_868 = tpu.memref_slice %arg11[%mul3A_846, %dma_wait3A_867] : memref<10000x128xf32, #tpu.memory_space<vmem_shared>> -> memref<80x128xf32, #tpu.memory_space<vmem_shared>>
        %dma_wait3A_869 = arith.constant 0 : i32
        %dma_wait3A_870 = tpu.memref_slice %arg11[%mul3A_846, %dma_wait3A_869] : memref<10000x128xf32, #tpu.memory_space<vmem_shared>> -> memref<80x128xf32, #tpu.memory_space<vmem_shared>>
        %dma_wait3A_871 = arith.constant 0 : i32
        %dma_wait3A_872 = arith.constant 0 : i32
        %dma_wait3A_873 = tpu.memref_slice %arg8[%run_scoped3A_847, %dma_wait3A_871, %dma_wait3A_872] : memref<2x125x128xf32, #tpu.memory_space<vmem>> -> memref<1x80x128xf32, #tpu.memory_space<vmem>>
        %dma_wait3A_874 = tpu.memref_squeeze %dma_wait3A_873 : memref<1x80x128xf32, #tpu.memory_space<vmem>> -> memref<80x128xf32, #tpu.memory_space<vmem>>
        tpu.wait_dma2 semaphore(%run_scoped3A_850 : memref<!tpu.dma_semaphore, #tpu.memory_space<semaphore_mem>>) src(%dma_wait3A_874 : memref<80x128xf32, #tpu.memory_space<vmem>>) dst(%dma_wait3A_870 : memref<80x128xf32, #tpu.memory_space<vmem_shared>>)
        tpu.yield
      }) : () -> ()
      %mul3A_848 = arith.constant 80 : i32
      %mul3A_849 = arith.muli %add3A_32, %mul3A_848 : i32
      "tpu.region"() ({
        %run_scoped3A_850 = tpu.sem_alloc : memref<!tpu.dma_semaphore, #tpu.memory_space<semaphore_mem>>
        %dma_start3A_851 = arith.constant 0 : i32
        %dma_start3A_852 = tpu.memref_slice %arg12[%mul3A_849, %dma_start3A_851] : memref<10000x16xf32, #tpu.memory_space<vmem_shared>> -> memref<80x16xf32, #tpu.memory_space<vmem_shared>>
        %dma_start3A_853 = arith.constant 0 : i32
        %dma_start3A_854 = tpu.memref_slice %arg12[%mul3A_849, %dma_start3A_853] : memref<10000x16xf32, #tpu.memory_space<vmem_shared>> -> memref<80x16xf32, #tpu.memory_space<vmem_shared>>
        tpu.enqueue_dma source(%arg10 : memref<80x16xf32, #tpu.memory_space<vmem>>) target(%dma_start3A_854 : memref<80x16xf32, #tpu.memory_space<vmem_shared>>) target_semaphore(%run_scoped3A_850 : memref<!tpu.dma_semaphore, #tpu.memory_space<semaphore_mem>>)
        %dma_wait3A_855 = arith.constant 0 : i32
        %dma_wait3A_856 = tpu.memref_slice %arg12[%mul3A_849, %dma_wait3A_855] : memref<10000x16xf32, #tpu.memory_space<vmem_shared>> -> memref<80x16xf32, #tpu.memory_space<vmem_shared>>
        %dma_wait3A_857 = arith.constant 0 : i32
        %dma_wait3A_858 = tpu.memref_slice %arg12[%mul3A_849, %dma_wait3A_857] : memref<10000x16xf32, #tpu.memory_space<vmem_shared>> -> memref<80x16xf32, #tpu.memory_space<vmem_shared>>
        tpu.wait_dma2 semaphore(%run_scoped3A_850 : memref<!tpu.dma_semaphore, #tpu.memory_space<semaphore_mem>>) src(%arg10 : memref<80x16xf32, #tpu.memory_space<vmem>>) dst(%dma_wait3A_858 : memref<80x16xf32, #tpu.memory_space<vmem_shared>>)
        tpu.yield
      }) : () -> ()
    } else {
    }
    %add3A_38 = arith.constant 64 : i32
    %add3A_39 = arith.addi %add3A_38, %arg1 : i32
    %lt3A_40 = arith.constant 125 : i32
    %lt3A_41 = arith.cmpi slt, %add3A_39, %lt3A_40 : i32
    %convert_element_type3A_42 = arith.extui %lt3A_41 : i1 to i32
    %cond3A_43 = arith.constant 0 : i32
    %cond3A_44 = arith.cmpi ne, %convert_element_type3A_42, %cond3A_43 : i32
    scf.if %cond3A_44 {
      %mul3A_845 = arith.constant 80 : i32
      %mul3A_846 = arith.muli %add3A_39, %mul3A_845 : i32
      %run_scoped3A_847 = arith.constant 0 : i32
      "tpu.region"() ({
        %run_scoped3A_850 = tpu.sem_alloc : memref<!tpu.dma_semaphore, #tpu.memory_space<semaphore_mem>>
        %dma_start3A_851 = arith.constant 0 : i32
        %dma_start3A_852 = arith.constant 0 : i32
        %dma_start3A_853 = tpu.memref_slice %arg8[%run_scoped3A_847, %dma_start3A_851, %dma_start3A_852] : memref<2x125x128xf32, #tpu.memory_space<vmem>> -> memref<1x80x128xf32, #tpu.memory_space<vmem>>
        %dma_start3A_854 = tpu.memref_squeeze %dma_start3A_853 : memref<1x80x128xf32, #tpu.memory_space<vmem>> -> memref<80x128xf32, #tpu.memory_space<vmem>>
        %dma_start3A_855 = arith.constant 0 : i32
        %dma_start3A_856 = tpu.memref_slice %arg11[%mul3A_846, %dma_start3A_855] : memref<10000x128xf32, #tpu.memory_space<vmem_shared>> -> memref<80x128xf32, #tpu.memory_space<vmem_shared>>
        %dma_start3A_857 = arith.constant 0 : i32
        %dma_start3A_858 = tpu.memref_slice %arg11[%mul3A_846, %dma_start3A_857] : memref<10000x128xf32, #tpu.memory_space<vmem_shared>> -> memref<80x128xf32, #tpu.memory_space<vmem_shared>>
        %dma_start3A_859 = arith.constant 0 : i32
        %dma_start3A_860 = arith.constant 0 : i32
        %dma_start3A_861 = tpu.memref_slice %arg8[%run_scoped3A_847, %dma_start3A_859, %dma_start3A_860] : memref<2x125x128xf32, #tpu.memory_space<vmem>> -> memref<1x80x128xf32, #tpu.memory_space<vmem>>
        %dma_start3A_862 = tpu.memref_squeeze %dma_start3A_861 : memref<1x80x128xf32, #tpu.memory_space<vmem>> -> memref<80x128xf32, #tpu.memory_space<vmem>>
        tpu.enqueue_dma source(%dma_start3A_862 : memref<80x128xf32, #tpu.memory_space<vmem>>) target(%dma_start3A_858 : memref<80x128xf32, #tpu.memory_space<vmem_shared>>) target_semaphore(%run_scoped3A_850 : memref<!tpu.dma_semaphore, #tpu.memory_space<semaphore_mem>>)
        %dma_wait3A_863 = arith.constant 0 : i32
        %dma_wait3A_864 = arith.constant 0 : i32
        %dma_wait3A_865 = tpu.memref_slice %arg8[%run_scoped3A_847, %dma_wait3A_863, %dma_wait3A_864] : memref<2x125x128xf32, #tpu.memory_space<vmem>> -> memref<1x80x128xf32, #tpu.memory_space<vmem>>
        %dma_wait3A_866 = tpu.memref_squeeze %dma_wait3A_865 : memref<1x80x128xf32, #tpu.memory_space<vmem>> -> memref<80x128xf32, #tpu.memory_space<vmem>>
        %dma_wait3A_867 = arith.constant 0 : i32
        %dma_wait3A_868 = tpu.memref_slice %arg11[%mul3A_846, %dma_wait3A_867] : memref<10000x128xf32, #tpu.memory_space<vmem_shared>> -> memref<80x128xf32, #tpu.memory_space<vmem_shared>>
        %dma_wait3A_869 = arith.constant 0 : i32
        %dma_wait3A_870 = tpu.memref_slice %arg11[%mul3A_846, %dma_wait3A_869] : memref<10000x128xf32, #tpu.memory_space<vmem_shared>> -> memref<80x128xf32, #tpu.memory_space<vmem_shared>>
        %dma_wait3A_871 = arith.constant 0 : i32
        %dma_wait3A_872 = arith.constant 0 : i32
        %dma_wait3A_873 = tpu.memref_slice %arg8[%run_scoped3A_847, %dma_wait3A_871, %dma_wait3A_872] : memref<2x125x128xf32, #tpu.memory_space<vmem>> -> memref<1x80x128xf32, #tpu.memory_space<vmem>>
        %dma_wait3A_874 = tpu.memref_squeeze %dma_wait3A_873 : memref<1x80x128xf32, #tpu.memory_space<vmem>> -> memref<80x128xf32, #tpu.memory_space<vmem>>
        tpu.wait_dma2 semaphore(%run_scoped3A_850 : memref<!tpu.dma_semaphore, #tpu.memory_space<semaphore_mem>>) src(%dma_wait3A_874 : memref<80x128xf32, #tpu.memory_space<vmem>>) dst(%dma_wait3A_870 : memref<80x128xf32, #tpu.memory_space<vmem_shared>>)
        tpu.yield
      }) : () -> ()
      %mul3A_848 = arith.constant 80 : i32
      %mul3A_849 = arith.muli %add3A_39, %mul3A_848 : i32
      "tpu.region"() ({
        %run_scoped3A_850 = tpu.sem_alloc : memref<!tpu.dma_semaphore, #tpu.memory_space<semaphore_mem>>
        %dma_start3A_851 = arith.constant 0 : i32
        %dma_start3A_852 = tpu.memref_slice %arg12[%mul3A_849, %dma_start3A_851] : memref<10000x16xf32, #tpu.memory_space<vmem_shared>> -> memref<80x16xf32, #tpu.memory_space<vmem_shared>>
        %dma_start3A_853 = arith.constant 0 : i32
        %dma_start3A_854 = tpu.memref_slice %arg12[%mul3A_849, %dma_start3A_853] : memref<10000x16xf32, #tpu.memory_space<vmem_shared>> -> memref<80x16xf32, #tpu.memory_space<vmem_shared>>
        tpu.enqueue_dma source(%arg10 : memref<80x16xf32, #tpu.memory_space<vmem>>) target(%dma_start3A_854 : memref<80x16xf32, #tpu.memory_space<vmem_shared>>) target_semaphore(%run_scoped3A_850 : memref<!tpu.dma_semaphore, #tpu.memory_space<semaphore_mem>>)
        %dma_wait3A_855 = arith.constant 0 : i32
        %dma_wait3A_856 = tpu.memref_slice %arg12[%mul3A_849, %dma_wait3A_855] : memref<10000x16xf32, #tpu.memory_space<vmem_shared>> -> memref<80x16xf32, #tpu.memory_space<vmem_shared>>
        %dma_wait3A_857 = arith.constant 0 : i32
        %dma_wait3A_858 = tpu.memref_slice %arg12[%mul3A_849, %dma_wait3A_857] : memref<10000x16xf32, #tpu.memory_space<vmem_shared>> -> memref<80x16xf32, #tpu.memory_space<vmem_shared>>
        tpu.wait_dma2 semaphore(%run_scoped3A_850 : memref<!tpu.dma_semaphore, #tpu.memory_space<semaphore_mem>>) src(%arg10 : memref<80x16xf32, #tpu.memory_space<vmem>>) dst(%dma_wait3A_858 : memref<80x16xf32, #tpu.memory_space<vmem_shared>>)
        tpu.yield
      }) : () -> ()
    } else {
    }
    %add3A_45 = arith.constant 80 : i32
    %add3A_46 = arith.addi %add3A_45, %arg1 : i32
    %lt3A_47 = arith.constant 125 : i32
    %lt3A_48 = arith.cmpi slt, %add3A_46, %lt3A_47 : i32
    %convert_element_type3A_49 = arith.extui %lt3A_48 : i1 to i32
    %cond3A_50 = arith.constant 0 : i32
    %cond3A_51 = arith.cmpi ne, %convert_element_type3A_49, %cond3A_50 : i32
    scf.if %cond3A_51 {
      %mul3A_845 = arith.constant 80 : i32
      %mul3A_846 = arith.muli %add3A_46, %mul3A_845 : i32
      %run_scoped3A_847 = arith.constant 0 : i32
      "tpu.region"() ({
        %run_scoped3A_850 = tpu.sem_alloc : memref<!tpu.dma_semaphore, #tpu.memory_space<semaphore_mem>>
        %dma_start3A_851 = arith.constant 0 : i32
        %dma_start3A_852 = arith.constant 0 : i32
        %dma_start3A_853 = tpu.memref_slice %arg8[%run_scoped3A_847, %dma_start3A_851, %dma_start3A_852] : memref<2x125x128xf32, #tpu.memory_space<vmem>> -> memref<1x80x128xf32, #tpu.memory_space<vmem>>
        %dma_start3A_854 = tpu.memref_squeeze %dma_start3A_853 : memref<1x80x128xf32, #tpu.memory_space<vmem>> -> memref<80x128xf32, #tpu.memory_space<vmem>>
        %dma_start3A_855 = arith.constant 0 : i32
        %dma_start3A_856 = tpu.memref_slice %arg11[%mul3A_846, %dma_start3A_855] : memref<10000x128xf32, #tpu.memory_space<vmem_shared>> -> memref<80x128xf32, #tpu.memory_space<vmem_shared>>
        %dma_start3A_857 = arith.constant 0 : i32
        %dma_start3A_858 = tpu.memref_slice %arg11[%mul3A_846, %dma_start3A_857] : memref<10000x128xf32, #tpu.memory_space<vmem_shared>> -> memref<80x128xf32, #tpu.memory_space<vmem_shared>>
        %dma_start3A_859 = arith.constant 0 : i32
        %dma_start3A_860 = arith.constant 0 : i32
        %dma_start3A_861 = tpu.memref_slice %arg8[%run_scoped3A_847, %dma_start3A_859, %dma_start3A_860] : memref<2x125x128xf32, #tpu.memory_space<vmem>> -> memref<1x80x128xf32, #tpu.memory_space<vmem>>
        %dma_start3A_862 = tpu.memref_squeeze %dma_start3A_861 : memref<1x80x128xf32, #tpu.memory_space<vmem>> -> memref<80x128xf32, #tpu.memory_space<vmem>>
        tpu.enqueue_dma source(%dma_start3A_862 : memref<80x128xf32, #tpu.memory_space<vmem>>) target(%dma_start3A_858 : memref<80x128xf32, #tpu.memory_space<vmem_shared>>) target_semaphore(%run_scoped3A_850 : memref<!tpu.dma_semaphore, #tpu.memory_space<semaphore_mem>>)
        %dma_wait3A_863 = arith.constant 0 : i32
        %dma_wait3A_864 = arith.constant 0 : i32
        %dma_wait3A_865 = tpu.memref_slice %arg8[%run_scoped3A_847, %dma_wait3A_863, %dma_wait3A_864] : memref<2x125x128xf32, #tpu.memory_space<vmem>> -> memref<1x80x128xf32, #tpu.memory_space<vmem>>
        %dma_wait3A_866 = tpu.memref_squeeze %dma_wait3A_865 : memref<1x80x128xf32, #tpu.memory_space<vmem>> -> memref<80x128xf32, #tpu.memory_space<vmem>>
        %dma_wait3A_867 = arith.constant 0 : i32
        %dma_wait3A_868 = tpu.memref_slice %arg11[%mul3A_846, %dma_wait3A_867] : memref<10000x128xf32, #tpu.memory_space<vmem_shared>> -> memref<80x128xf32, #tpu.memory_space<vmem_shared>>
        %dma_wait3A_869 = arith.constant 0 : i32
        %dma_wait3A_870 = tpu.memref_slice %arg11[%mul3A_846, %dma_wait3A_869] : memref<10000x128xf32, #tpu.memory_space<vmem_shared>> -> memref<80x128xf32, #tpu.memory_space<vmem_shared>>
        %dma_wait3A_871 = arith.constant 0 : i32
        %dma_wait3A_872 = arith.constant 0 : i32
        %dma_wait3A_873 = tpu.memref_slice %arg8[%run_scoped3A_847, %dma_wait3A_871, %dma_wait3A_872] : memref<2x125x128xf32, #tpu.memory_space<vmem>> -> memref<1x80x128xf32, #tpu.memory_space<vmem>>
        %dma_wait3A_874 = tpu.memref_squeeze %dma_wait3A_873 : memref<1x80x128xf32, #tpu.memory_space<vmem>> -> memref<80x128xf32, #tpu.memory_space<vmem>>
        tpu.wait_dma2 semaphore(%run_scoped3A_850 : memref<!tpu.dma_semaphore, #tpu.memory_space<semaphore_mem>>) src(%dma_wait3A_874 : memref<80x128xf32, #tpu.memory_space<vmem>>) dst(%dma_wait3A_870 : memref<80x128xf32, #tpu.memory_space<vmem_shared>>)
        tpu.yield
      }) : () -> ()
      %mul3A_848 = arith.constant 80 : i32
      %mul3A_849 = arith.muli %add3A_46, %mul3A_848 : i32
      "tpu.region"() ({
        %run_scoped3A_850 = tpu.sem_alloc : memref<!tpu.dma_semaphore, #tpu.memory_space<semaphore_mem>>
        %dma_start3A_851 = arith.constant 0 : i32
        %dma_start3A_852 = tpu.memref_slice %arg12[%mul3A_849, %dma_start3A_851] : memref<10000x16xf32, #tpu.memory_space<vmem_shared>> -> memref<80x16xf32, #tpu.memory_space<vmem_shared>>
        %dma_start3A_853 = arith.constant 0 : i32
        %dma_start3A_854 = tpu.memref_slice %arg12[%mul3A_849, %dma_start3A_853] : memref<10000x16xf32, #tpu.memory_space<vmem_shared>> -> memref<80x16xf32, #tpu.memory_space<vmem_shared>>
        tpu.enqueue_dma source(%arg10 : memref<80x16xf32, #tpu.memory_space<vmem>>) target(%dma_start3A_854 : memref<80x16xf32, #tpu.memory_space<vmem_shared>>) target_semaphore(%run_scoped3A_850 : memref<!tpu.dma_semaphore, #tpu.memory_space<semaphore_mem>>)
        %dma_wait3A_855 = arith.constant 0 : i32
        %dma_wait3A_856 = tpu.memref_slice %arg12[%mul3A_849, %dma_wait3A_855] : memref<10000x16xf32, #tpu.memory_space<vmem_shared>> -> memref<80x16xf32, #tpu.memory_space<vmem_shared>>
        %dma_wait3A_857 = arith.constant 0 : i32
        %dma_wait3A_858 = tpu.memref_slice %arg12[%mul3A_849, %dma_wait3A_857] : memref<10000x16xf32, #tpu.memory_space<vmem_shared>> -> memref<80x16xf32, #tpu.memory_space<vmem_shared>>
        tpu.wait_dma2 semaphore(%run_scoped3A_850 : memref<!tpu.dma_semaphore, #tpu.memory_space<semaphore_mem>>) src(%arg10 : memref<80x16xf32, #tpu.memory_space<vmem>>) dst(%dma_wait3A_858 : memref<80x16xf32, #tpu.memory_space<vmem_shared>>)
        tpu.yield
      }) : () -> ()
    } else {
    }
    %add3A_52 = arith.constant 96 : i32
    %add3A_53 = arith.addi %add3A_52, %arg1 : i32
    %lt3A_54 = arith.constant 125 : i32
    %lt3A_55 = arith.cmpi slt, %add3A_53, %lt3A_54 : i32
    %convert_element_type3A_56 = arith.extui %lt3A_55 : i1 to i32
    %cond3A_57 = arith.constant 0 : i32
    %cond3A_58 = arith.cmpi ne, %convert_element_type3A_56, %cond3A_57 : i32
    scf.if %cond3A_58 {
      %mul3A_845 = arith.constant 80 : i32
      %mul3A_846 = arith.muli %add3A_53, %mul3A_845 : i32
      %run_scoped3A_847 = arith.constant 0 : i32
      "tpu.region"() ({
        %run_scoped3A_850 = tpu.sem_alloc : memref<!tpu.dma_semaphore, #tpu.memory_space<semaphore_mem>>
        %dma_start3A_851 = arith.constant 0 : i32
        %dma_start3A_852 = arith.constant 0 : i32
        %dma_start3A_853 = tpu.memref_slice %arg8[%run_scoped3A_847, %dma_start3A_851, %dma_start3A_852] : memref<2x125x128xf32, #tpu.memory_space<vmem>> -> memref<1x80x128xf32, #tpu.memory_space<vmem>>
        %dma_start3A_854 = tpu.memref_squeeze %dma_start3A_853 : memref<1x80x128xf32, #tpu.memory_space<vmem>> -> memref<80x128xf32, #tpu.memory_space<vmem>>
        %dma_start3A_855 = arith.constant 0 : i32
        %dma_start3A_856 = tpu.memref_slice %arg11[%mul3A_846, %dma_start3A_855] : memref<10000x128xf32, #tpu.memory_space<vmem_shared>> -> memref<80x128xf32, #tpu.memory_space<vmem_shared>>
        %dma_start3A_857 = arith.constant 0 : i32
        %dma_start3A_858 = tpu.memref_slice %arg11[%mul3A_846, %dma_start3A_857] : memref<10000x128xf32, #tpu.memory_space<vmem_shared>> -> memref<80x128xf32, #tpu.memory_space<vmem_shared>>
        %dma_start3A_859 = arith.constant 0 : i32
        %dma_start3A_860 = arith.constant 0 : i32
        %dma_start3A_861 = tpu.memref_slice %arg8[%run_scoped3A_847, %dma_start3A_859, %dma_start3A_860] : memref<2x125x128xf32, #tpu.memory_space<vmem>> -> memref<1x80x128xf32, #tpu.memory_space<vmem>>
        %dma_start3A_862 = tpu.memref_squeeze %dma_start3A_861 : memref<1x80x128xf32, #tpu.memory_space<vmem>> -> memref<80x128xf32, #tpu.memory_space<vmem>>
        tpu.enqueue_dma source(%dma_start3A_862 : memref<80x128xf32, #tpu.memory_space<vmem>>) target(%dma_start3A_858 : memref<80x128xf32, #tpu.memory_space<vmem_shared>>) target_semaphore(%run_scoped3A_850 : memref<!tpu.dma_semaphore, #tpu.memory_space<semaphore_mem>>)
        %dma_wait3A_863 = arith.constant 0 : i32
        %dma_wait3A_864 = arith.constant 0 : i32
        %dma_wait3A_865 = tpu.memref_slice %arg8[%run_scoped3A_847, %dma_wait3A_863, %dma_wait3A_864] : memref<2x125x128xf32, #tpu.memory_space<vmem>> -> memref<1x80x128xf32, #tpu.memory_space<vmem>>
        %dma_wait3A_866 = tpu.memref_squeeze %dma_wait3A_865 : memref<1x80x128xf32, #tpu.memory_space<vmem>> -> memref<80x128xf32, #tpu.memory_space<vmem>>
        %dma_wait3A_867 = arith.constant 0 : i32
        %dma_wait3A_868 = tpu.memref_slice %arg11[%mul3A_846, %dma_wait3A_867] : memref<10000x128xf32, #tpu.memory_space<vmem_shared>> -> memref<80x128xf32, #tpu.memory_space<vmem_shared>>
        %dma_wait3A_869 = arith.constant 0 : i32
        %dma_wait3A_870 = tpu.memref_slice %arg11[%mul3A_846, %dma_wait3A_869] : memref<10000x128xf32, #tpu.memory_space<vmem_shared>> -> memref<80x128xf32, #tpu.memory_space<vmem_shared>>
        %dma_wait3A_871 = arith.constant 0 : i32
        %dma_wait3A_872 = arith.constant 0 : i32
        %dma_wait3A_873 = tpu.memref_slice %arg8[%run_scoped3A_847, %dma_wait3A_871, %dma_wait3A_872] : memref<2x125x128xf32, #tpu.memory_space<vmem>> -> memref<1x80x128xf32, #tpu.memory_space<vmem>>
        %dma_wait3A_874 = tpu.memref_squeeze %dma_wait3A_873 : memref<1x80x128xf32, #tpu.memory_space<vmem>> -> memref<80x128xf32, #tpu.memory_space<vmem>>
        tpu.wait_dma2 semaphore(%run_scoped3A_850 : memref<!tpu.dma_semaphore, #tpu.memory_space<semaphore_mem>>) src(%dma_wait3A_874 : memref<80x128xf32, #tpu.memory_space<vmem>>) dst(%dma_wait3A_870 : memref<80x128xf32, #tpu.memory_space<vmem_shared>>)
        tpu.yield
      }) : () -> ()
      %mul3A_848 = arith.constant 80 : i32
      %mul3A_849 = arith.muli %add3A_53, %mul3A_848 : i32
      "tpu.region"() ({
        %run_scoped3A_850 = tpu.sem_alloc : memref<!tpu.dma_semaphore, #tpu.memory_space<semaphore_mem>>
        %dma_start3A_851 = arith.constant 0 : i32
        %dma_start3A_852 = tpu.memref_slice %arg12[%mul3A_849, %dma_start3A_851] : memref<10000x16xf32, #tpu.memory_space<vmem_shared>> -> memref<80x16xf32, #tpu.memory_space<vmem_shared>>
        %dma_start3A_853 = arith.constant 0 : i32
        %dma_start3A_854 = tpu.memref_slice %arg12[%mul3A_849, %dma_start3A_853] : memref<10000x16xf32, #tpu.memory_space<vmem_shared>> -> memref<80x16xf32, #tpu.memory_space<vmem_shared>>
        tpu.enqueue_dma source(%arg10 : memref<80x16xf32, #tpu.memory_space<vmem>>) target(%dma_start3A_854 : memref<80x16xf32, #tpu.memory_space<vmem_shared>>) target_semaphore(%run_scoped3A_850 : memref<!tpu.dma_semaphore, #tpu.memory_space<semaphore_mem>>)
        %dma_wait3A_855 = arith.constant 0 : i32
        %dma_wait3A_856 = tpu.memref_slice %arg12[%mul3A_849, %dma_wait3A_855] : memref<10000x16xf32, #tpu.memory_space<vmem_shared>> -> memref<80x16xf32, #tpu.memory_space<vmem_shared>>
        %dma_wait3A_857 = arith.constant 0 : i32
        %dma_wait3A_858 = tpu.memref_slice %arg12[%mul3A_849, %dma_wait3A_857] : memref<10000x16xf32, #tpu.memory_space<vmem_shared>> -> memref<80x16xf32, #tpu.memory_space<vmem_shared>>
        tpu.wait_dma2 semaphore(%run_scoped3A_850 : memref<!tpu.dma_semaphore, #tpu.memory_space<semaphore_mem>>) src(%arg10 : memref<80x16xf32, #tpu.memory_space<vmem>>) dst(%dma_wait3A_858 : memref<80x16xf32, #tpu.memory_space<vmem_shared>>)
        tpu.yield
      }) : () -> ()
    } else {
    }
    %add3A_59 = arith.constant 112 : i32
    %add3A_60 = arith.addi %add3A_59, %arg1 : i32
    %lt3A_61 = arith.constant 125 : i32
    %lt3A_62 = arith.cmpi slt, %add3A_60, %lt3A_61 : i32
    %convert_element_type3A_63 = arith.extui %lt3A_62 : i1 to i32
    %cond3A_64 = arith.constant 0 : i32
    %cond3A_65 = arith.cmpi ne, %convert_element_type3A_63, %cond3A_64 : i32
    scf.if %cond3A_65 {
      %mul3A_845 = arith.constant 80 : i32
      %mul3A_846 = arith.muli %add3A_60, %mul3A_845 : i32
      %run_scoped3A_847 = arith.constant 0 : i32
      "tpu.region"() ({
        %run_scoped3A_850 = tpu.sem_alloc : memref<!tpu.dma_semaphore, #tpu.memory_space<semaphore_mem>>
        %dma_start3A_851 = arith.constant 0 : i32
        %dma_start3A_852 = arith.constant 0 : i32
        %dma_start3A_853 = tpu.memref_slice %arg8[%run_scoped3A_847, %dma_start3A_851, %dma_start3A_852] : memref<2x125x128xf32, #tpu.memory_space<vmem>> -> memref<1x80x128xf32, #tpu.memory_space<vmem>>
        %dma_start3A_854 = tpu.memref_squeeze %dma_start3A_853 : memref<1x80x128xf32, #tpu.memory_space<vmem>> -> memref<80x128xf32, #tpu.memory_space<vmem>>
        %dma_start3A_855 = arith.constant 0 : i32
        %dma_start3A_856 = tpu.memref_slice %arg11[%mul3A_846, %dma_start3A_855] : memref<10000x128xf32, #tpu.memory_space<vmem_shared>> -> memref<80x128xf32, #tpu.memory_space<vmem_shared>>
        %dma_start3A_857 = arith.constant 0 : i32
        %dma_start3A_858 = tpu.memref_slice %arg11[%mul3A_846, %dma_start3A_857] : memref<10000x128xf32, #tpu.memory_space<vmem_shared>> -> memref<80x128xf32, #tpu.memory_space<vmem_shared>>
        %dma_start3A_859 = arith.constant 0 : i32
        %dma_start3A_860 = arith.constant 0 : i32
        %dma_start3A_861 = tpu.memref_slice %arg8[%run_scoped3A_847, %dma_start3A_859, %dma_start3A_860] : memref<2x125x128xf32, #tpu.memory_space<vmem>> -> memref<1x80x128xf32, #tpu.memory_space<vmem>>
        %dma_start3A_862 = tpu.memref_squeeze %dma_start3A_861 : memref<1x80x128xf32, #tpu.memory_space<vmem>> -> memref<80x128xf32, #tpu.memory_space<vmem>>
        tpu.enqueue_dma source(%dma_start3A_862 : memref<80x128xf32, #tpu.memory_space<vmem>>) target(%dma_start3A_858 : memref<80x128xf32, #tpu.memory_space<vmem_shared>>) target_semaphore(%run_scoped3A_850 : memref<!tpu.dma_semaphore, #tpu.memory_space<semaphore_mem>>)
        %dma_wait3A_863 = arith.constant 0 : i32
        %dma_wait3A_864 = arith.constant 0 : i32
        %dma_wait3A_865 = tpu.memref_slice %arg8[%run_scoped3A_847, %dma_wait3A_863, %dma_wait3A_864] : memref<2x125x128xf32, #tpu.memory_space<vmem>> -> memref<1x80x128xf32, #tpu.memory_space<vmem>>
        %dma_wait3A_866 = tpu.memref_squeeze %dma_wait3A_865 : memref<1x80x128xf32, #tpu.memory_space<vmem>> -> memref<80x128xf32, #tpu.memory_space<vmem>>
        %dma_wait3A_867 = arith.constant 0 : i32
        %dma_wait3A_868 = tpu.memref_slice %arg11[%mul3A_846, %dma_wait3A_867] : memref<10000x128xf32, #tpu.memory_space<vmem_shared>> -> memref<80x128xf32, #tpu.memory_space<vmem_shared>>
        %dma_wait3A_869 = arith.constant 0 : i32
        %dma_wait3A_870 = tpu.memref_slice %arg11[%mul3A_846, %dma_wait3A_869] : memref<10000x128xf32, #tpu.memory_space<vmem_shared>> -> memref<80x128xf32, #tpu.memory_space<vmem_shared>>
        %dma_wait3A_871 = arith.constant 0 : i32
        %dma_wait3A_872 = arith.constant 0 : i32
        %dma_wait3A_873 = tpu.memref_slice %arg8[%run_scoped3A_847, %dma_wait3A_871, %dma_wait3A_872] : memref<2x125x128xf32, #tpu.memory_space<vmem>> -> memref<1x80x128xf32, #tpu.memory_space<vmem>>
        %dma_wait3A_874 = tpu.memref_squeeze %dma_wait3A_873 : memref<1x80x128xf32, #tpu.memory_space<vmem>> -> memref<80x128xf32, #tpu.memory_space<vmem>>
        tpu.wait_dma2 semaphore(%run_scoped3A_850 : memref<!tpu.dma_semaphore, #tpu.memory_space<semaphore_mem>>) src(%dma_wait3A_874 : memref<80x128xf32, #tpu.memory_space<vmem>>) dst(%dma_wait3A_870 : memref<80x128xf32, #tpu.memory_space<vmem_shared>>)
        tpu.yield
      }) : () -> ()
      %mul3A_848 = arith.constant 80 : i32
      %mul3A_849 = arith.muli %add3A_60, %mul3A_848 : i32
      "tpu.region"() ({
        %run_scoped3A_850 = tpu.sem_alloc : memref<!tpu.dma_semaphore, #tpu.memory_space<semaphore_mem>>
        %dma_start3A_851 = arith.constant 0 : i32
        %dma_start3A_852 = tpu.memref_slice %arg12[%mul3A_849, %dma_start3A_851] : memref<10000x16xf32, #tpu.memory_space<vmem_shared>> -> memref<80x16xf32, #tpu.memory_space<vmem_shared>>
        %dma_start3A_853 = arith.constant 0 : i32
        %dma_start3A_854 = tpu.memref_slice %arg12[%mul3A_849, %dma_start3A_853] : memref<10000x16xf32, #tpu.memory_space<vmem_shared>> -> memref<80x16xf32, #tpu.memory_space<vmem_shared>>
        tpu.enqueue_dma source(%arg10 : memref<80x16xf32, #tpu.memory_space<vmem>>) target(%dma_start3A_854 : memref<80x16xf32, #tpu.memory_space<vmem_shared>>) target_semaphore(%run_scoped3A_850 : memref<!tpu.dma_semaphore, #tpu.memory_space<semaphore_mem>>)
        %dma_wait3A_855 = arith.constant 0 : i32
        %dma_wait3A_856 = tpu.memref_slice %arg12[%mul3A_849, %dma_wait3A_855] : memref<10000x16xf32, #tpu.memory_space<vmem_shared>> -> memref<80x16xf32, #tpu.memory_space<vmem_shared>>
        %dma_wait3A_857 = arith.constant 0 : i32
        %dma_wait3A_858 = tpu.memref_slice %arg12[%mul3A_849, %dma_wait3A_857] : memref<10000x16xf32, #tpu.memory_space<vmem_shared>> -> memref<80x16xf32, #tpu.memory_space<vmem_shared>>
        tpu.wait_dma2 semaphore(%run_scoped3A_850 : memref<!tpu.dma_semaphore, #tpu.memory_space<semaphore_mem>>) src(%arg10 : memref<80x16xf32, #tpu.memory_space<vmem>>) dst(%dma_wait3A_858 : memref<80x16xf32, #tpu.memory_space<vmem_shared>>)
        tpu.yield
      }) : () -> ()
    } else {
    }
    %barrier3A = arith.constant 0 : index
    tpu.barrier barrier_id(%barrier3A)
    %run_scoped3A = arith.constant 0 : i32
    %run_scoped3A_66 = arith.constant 0 : i32
    "tpu.region"() ({
      %run_scoped3A_845 = tpu.sem_alloc : memref<!tpu.dma_semaphore, #tpu.memory_space<semaphore_mem>>
      %dma_start3A_846 = arith.constant 0 : i32
      %dma_start3A_847 = arith.constant 0 : i32
      %dma_start3A_848 = tpu.memref_slice %arg3[%run_scoped3A, %add3A, %run_scoped3A_66, %dma_start3A_846, %dma_start3A_847] : memref<2x32x5x16x125xi32, #tpu.memory_space<hbm>> -> memref<1x1x1x16x125xi32, #tpu.memory_space<hbm>>
      %dma_start3A_849 = tpu.memref_squeeze %dma_start3A_848 : memref<1x1x1x16x125xi32, #tpu.memory_space<hbm>> -> memref<16x125xi32, #tpu.memory_space<hbm>>
      %dma_start3A_850 = arith.constant 0 : i32
      %dma_start3A_851 = arith.constant 0 : i32
      %dma_start3A_852 = tpu.memref_slice %arg3[%run_scoped3A, %add3A, %run_scoped3A_66, %dma_start3A_850, %dma_start3A_851] : memref<2x32x5x16x125xi32, #tpu.memory_space<hbm>> -> memref<1x1x1x16x125xi32, #tpu.memory_space<hbm>>
      %dma_start3A_853 = tpu.memref_squeeze %dma_start3A_852 : memref<1x1x1x16x125xi32, #tpu.memory_space<hbm>> -> memref<16x125xi32, #tpu.memory_space<hbm>>
      tpu.enqueue_dma source(%dma_start3A_853 : memref<16x125xi32, #tpu.memory_space<hbm>>) target(%arg6 : memref<16x125xi32, #tpu.memory_space<vmem>>) target_semaphore(%run_scoped3A_845 : memref<!tpu.dma_semaphore, #tpu.memory_space<semaphore_mem>>)
      %dma_wait3A_854 = arith.constant 0 : i32
      %dma_wait3A_855 = arith.constant 0 : i32
      %dma_wait3A_856 = tpu.memref_slice %arg3[%run_scoped3A, %add3A, %run_scoped3A_66, %dma_wait3A_854, %dma_wait3A_855] : memref<2x32x5x16x125xi32, #tpu.memory_space<hbm>> -> memref<1x1x1x16x125xi32, #tpu.memory_space<hbm>>
      %dma_wait3A_857 = tpu.memref_squeeze %dma_wait3A_856 : memref<1x1x1x16x125xi32, #tpu.memory_space<hbm>> -> memref<16x125xi32, #tpu.memory_space<hbm>>
      %dma_wait3A_858 = arith.constant 0 : i32
      %dma_wait3A_859 = arith.constant 0 : i32
      %dma_wait3A_860 = tpu.memref_slice %arg3[%run_scoped3A, %add3A, %run_scoped3A_66, %dma_wait3A_858, %dma_wait3A_859] : memref<2x32x5x16x125xi32, #tpu.memory_space<hbm>> -> memref<1x1x1x16x125xi32, #tpu.memory_space<hbm>>
      %dma_wait3A_861 = tpu.memref_squeeze %dma_wait3A_860 : memref<1x1x1x16x125xi32, #tpu.memory_space<hbm>> -> memref<16x125xi32, #tpu.memory_space<hbm>>
      tpu.wait_dma2 semaphore(%run_scoped3A_845 : memref<!tpu.dma_semaphore, #tpu.memory_space<semaphore_mem>>) src(%dma_wait3A_861 : memref<16x125xi32, #tpu.memory_space<hbm>>) dst(%arg6 : memref<16x125xi32, #tpu.memory_space<vmem>>)
      tpu.yield
    }) : () -> ()
    %run_scoped3A_67 = arith.constant 1 : i32
    %run_scoped3A_68 = arith.constant 0 : i32
    "tpu.region"() ({
      %run_scoped3A_845 = tpu.sem_alloc : memref<!tpu.dma_semaphore, #tpu.memory_space<semaphore_mem>>
      %dma_start3A_846 = arith.constant 0 : i32
      %dma_start3A_847 = arith.constant 0 : i32
      %dma_start3A_848 = tpu.memref_slice %arg3[%run_scoped3A_67, %add3A, %run_scoped3A_68, %dma_start3A_846, %dma_start3A_847] : memref<2x32x5x16x125xi32, #tpu.memory_space<hbm>> -> memref<1x1x1x16x125xi32, #tpu.memory_space<hbm>>
      %dma_start3A_849 = tpu.memref_squeeze %dma_start3A_848 : memref<1x1x1x16x125xi32, #tpu.memory_space<hbm>> -> memref<16x125xi32, #tpu.memory_space<hbm>>
      %dma_start3A_850 = arith.constant 0 : i32
      %dma_start3A_851 = arith.constant 0 : i32
      %dma_start3A_852 = tpu.memref_slice %arg3[%run_scoped3A_67, %add3A, %run_scoped3A_68, %dma_start3A_850, %dma_start3A_851] : memref<2x32x5x16x125xi32, #tpu.memory_space<hbm>> -> memref<1x1x1x16x125xi32, #tpu.memory_space<hbm>>
      %dma_start3A_853 = tpu.memref_squeeze %dma_start3A_852 : memref<1x1x1x16x125xi32, #tpu.memory_space<hbm>> -> memref<16x125xi32, #tpu.memory_space<hbm>>
      tpu.enqueue_dma source(%dma_start3A_853 : memref<16x125xi32, #tpu.memory_space<hbm>>) target(%arg7 : memref<16x125xi32, #tpu.memory_space<vmem>>) target_semaphore(%run_scoped3A_845 : memref<!tpu.dma_semaphore, #tpu.memory_space<semaphore_mem>>)
      %dma_wait3A_854 = arith.constant 0 : i32
      %dma_wait3A_855 = arith.constant 0 : i32
      %dma_wait3A_856 = tpu.memref_slice %arg3[%run_scoped3A_67, %add3A, %run_scoped3A_68, %dma_wait3A_854, %dma_wait3A_855] : memref<2x32x5x16x125xi32, #tpu.memory_space<hbm>> -> memref<1x1x1x16x125xi32, #tpu.memory_space<hbm>>
      %dma_wait3A_857 = tpu.memref_squeeze %dma_wait3A_856 : memref<1x1x1x16x125xi32, #tpu.memory_space<hbm>> -> memref<16x125xi32, #tpu.memory_space<hbm>>
      %dma_wait3A_858 = arith.constant 0 : i32
      %dma_wait3A_859 = arith.constant 0 : i32
      %dma_wait3A_860 = tpu.memref_slice %arg3[%run_scoped3A_67, %add3A, %run_scoped3A_68, %dma_wait3A_858, %dma_wait3A_859] : memref<2x32x5x16x125xi32, #tpu.memory_space<hbm>> -> memref<1x1x1x16x125xi32, #tpu.memory_space<hbm>>
      %dma_wait3A_861 = tpu.memref_squeeze %dma_wait3A_860 : memref<1x1x1x16x125xi32, #tpu.memory_space<hbm>> -> memref<16x125xi32, #tpu.memory_space<hbm>>
      tpu.wait_dma2 semaphore(%run_scoped3A_845 : memref<!tpu.dma_semaphore, #tpu.memory_space<semaphore_mem>>) src(%dma_wait3A_861 : memref<16x125xi32, #tpu.memory_space<hbm>>) dst(%arg7 : memref<16x125xi32, #tpu.memory_space<vmem>>)
      tpu.yield
    }) : () -> ()
    %dma_start3A = arith.constant 0 : i32
    %dma_start3A_69 = arith.constant 0 : i32
    %dma_start3A_70 = arith.constant 0 : i32
    %dma_start3A_71 = arith.constant 0 : i32
    %dma_start3A_72 = tpu.memref_slice %arg8[%dma_start3A_69, %dma_start3A_70, %dma_start3A_71] : memref<2x125x128xf32, #tpu.memory_space<vmem>> -> memref<1x125x128xf32, #tpu.memory_space<vmem>>
    %dma_start3A_73 = tpu.memref_squeeze %dma_start3A_72 : memref<1x125x128xf32, #tpu.memory_space<vmem>> -> memref<125x128xf32, #tpu.memory_space<vmem>>
    %dma_start3A_74 = arith.constant 0 : i32
    %dma_start3A_75 = tpu.memref_slice %arg6[%dma_start3A, %dma_start3A_74] : memref<16x125xi32, #tpu.memory_space<vmem>> -> memref<1x125xi32, #tpu.memory_space<vmem>>
    %dma_start3A_76 = tpu.memref_squeeze %dma_start3A_75 : memref<1x125xi32, #tpu.memory_space<vmem>> -> memref<125xi32, #tpu.memory_space<vmem>>
    %dma_start3A_77 = arith.constant 0 : i32
    %dma_start3A_78 = arith.constant 0 : i32
    %dma_start3A_79 = tpu.memref_slice %arg2[%dma_start3A_77, %dma_start3A_78] : memref<10000x128xf32, #tpu.memory_space<hbm>> -> memref<10000x128xf32, #tpu.memory_space<hbm>>
    tpu.enqueue_indirect_dma source(%dma_start3A_79 : memref<10000x128xf32, #tpu.memory_space<hbm>>) target(%dma_start3A_73 : memref<125x128xf32, #tpu.memory_space<vmem>>) offsets(%dma_start3A_76 : memref<125xi32, #tpu.memory_space<vmem>>) semaphore(%arg13 : memref<!tpu.dma_semaphore, #tpu.memory_space<semaphore_mem>>)
    %scan3A_80 = arith.constant 0 : i32
    %scan3A_81 = arith.constant 8 : i32
    %scan3A_82 = arith.addi %scan3A_80, %scan3A_81 : i32
    %scan3A_83 = arith.constant 1 : i32
    scf.for %scan3A_845 = %scan3A_80 to %scan3A_82 step %scan3A_83  : i32 {
      %mul3A_846 = arith.constant 1 : i32
      %mul3A_847 = arith.muli %scan3A_845, %mul3A_846 : i32
      %add3A_848 = arith.constant 0 : i32
      %add3A_849 = arith.addi %add3A_848, %mul3A_847 : i32
      %mul3A_850 = arith.constant 2 : i32
      %mul3A_851 = arith.muli %mul3A_850, %add3A_849 : i32
      %dma_wait3A_852 = arith.constant 0 : i32
      %dma_wait3A_853 = arith.constant 0 : i32
      %dma_wait3A_854 = arith.constant 0 : i32
      %dma_wait3A_855 = tpu.memref_slice %arg8[%dma_wait3A_852, %dma_wait3A_853, %dma_wait3A_854] : memref<2x125x128xf32, #tpu.memory_space<vmem>> -> memref<1x125x128xf32, #tpu.memory_space<vmem>>
      %dma_wait3A_856 = tpu.memref_squeeze %dma_wait3A_855 : memref<1x125x128xf32, #tpu.memory_space<vmem>> -> memref<125x128xf32, #tpu.memory_space<vmem>>
      %dma_wait3A_857 = arith.constant 0 : i32
      %dma_wait3A_858 = tpu.memref_slice %arg6[%mul3A_851, %dma_wait3A_857] : memref<16x125xi32, #tpu.memory_space<vmem>> -> memref<1x125xi32, #tpu.memory_space<vmem>>
      %dma_wait3A_859 = tpu.memref_squeeze %dma_wait3A_858 : memref<1x125xi32, #tpu.memory_space<vmem>> -> memref<125xi32, #tpu.memory_space<vmem>>
      %dma_wait3A_860 = arith.constant 0 : i32
      %dma_wait3A_861 = arith.constant 0 : i32
      %dma_wait3A_862 = tpu.memref_slice %arg2[%dma_wait3A_860, %dma_wait3A_861] : memref<10000x128xf32, #tpu.memory_space<hbm>> -> memref<10000x128xf32, #tpu.memory_space<hbm>>
      tpu.wait_indirect_dma semaphore(%arg13 : memref<!tpu.dma_semaphore, #tpu.memory_space<semaphore_mem>>) src(%dma_wait3A_862 : memref<10000x128xf32, #tpu.memory_space<hbm>>) dst(%dma_wait3A_856 : memref<125x128xf32, #tpu.memory_space<vmem>>)
      %dma_start3A_863 = arith.constant 0 : i32
      %dma_start3A_864 = arith.constant 0 : i32
      %dma_start3A_865 = arith.constant 0 : i32
      %dma_start3A_866 = tpu.memref_slice %arg8[%dma_start3A_863, %dma_start3A_864, %dma_start3A_865] : memref<2x125x128xf32, #tpu.memory_space<vmem>> -> memref<1x125x128xf32, #tpu.memory_space<vmem>>
      %dma_start3A_867 = tpu.memref_squeeze %dma_start3A_866 : memref<1x125x128xf32, #tpu.memory_space<vmem>> -> memref<125x128xf32, #tpu.memory_space<vmem>>
      %dma_start3A_868 = arith.constant 0 : i32
      %dma_start3A_869 = tpu.memref_slice %arg7[%mul3A_851, %dma_start3A_868] : memref<16x125xi32, #tpu.memory_space<vmem>> -> memref<1x125xi32, #tpu.memory_space<vmem>>
      %dma_start3A_870 = tpu.memref_squeeze %dma_start3A_869 : memref<1x125xi32, #tpu.memory_space<vmem>> -> memref<125xi32, #tpu.memory_space<vmem>>
      %dma_start3A_871 = arith.constant 0 : i32
      %dma_start3A_872 = arith.constant 0 : i32
      %dma_start3A_873 = tpu.memref_slice %arg11[%dma_start3A_871, %dma_start3A_872] : memref<10000x128xf32, #tpu.memory_space<vmem_shared>> -> memref<10000x128xf32, #tpu.memory_space<vmem_shared>>
      tpu.enqueue_indirect_dma source(%dma_start3A_867 : memref<125x128xf32, #tpu.memory_space<vmem>>) target(%dma_start3A_873 : memref<10000x128xf32, #tpu.memory_space<vmem_shared>>) offsets(%dma_start3A_870 : memref<125xi32, #tpu.memory_space<vmem>>) semaphore(%arg15 : memref<!tpu.dma_semaphore, #tpu.memory_space<semaphore_mem>>) {add = true}
      %dma_start3A_874 = arith.constant 0 : i32
      %dma_start3A_875 = tpu.memref_slice %arg7[%mul3A_851, %dma_start3A_874] : memref<16x125xi32, #tpu.memory_space<vmem>> -> memref<1x125xi32, #tpu.memory_space<vmem>>
      %dma_start3A_876 = tpu.memref_squeeze %dma_start3A_875 : memref<1x125xi32, #tpu.memory_space<vmem>> -> memref<125xi32, #tpu.memory_space<vmem>>
      %dma_start3A_877 = arith.constant 0 : i32
      %dma_start3A_878 = arith.constant 0 : i32
      %dma_start3A_879 = tpu.memref_slice %arg12[%dma_start3A_877, %dma_start3A_878] : memref<10000x16xf32, #tpu.memory_space<vmem_shared>> -> memref<10000x16xf32, #tpu.memory_space<vmem_shared>>
      tpu.enqueue_indirect_dma source(%arg9 : memref<125x16xf32, #tpu.memory_space<vmem>>) target(%dma_start3A_879 : memref<10000x16xf32, #tpu.memory_space<vmem_shared>>) offsets(%dma_start3A_876 : memref<125xi32, #tpu.memory_space<vmem>>) semaphore(%arg14 : memref<!tpu.dma_semaphore, #tpu.memory_space<semaphore_mem>>) {add = true}
      %gt3A = arith.constant 0 : i32
      %gt3A_880 = arith.cmpi sgt, %mul3A_851, %gt3A : i32
      %convert_element_type3A_881 = arith.extui %gt3A_880 : i1 to i32
      %cond3A_882 = arith.constant 0 : i32
      %cond3A_883 = arith.cmpi ne, %convert_element_type3A_881, %cond3A_882 : i32
      scf.if %cond3A_883 {
        %sub3A = arith.constant 1 : i32
        %sub3A_945 = arith.subi %mul3A_851, %sub3A : i32
        %dma_wait3A_946 = arith.constant 1 : i32
        %dma_wait3A_947 = arith.constant 0 : i32
        %dma_wait3A_948 = arith.constant 0 : i32
        %dma_wait3A_949 = tpu.memref_slice %arg8[%dma_wait3A_946, %dma_wait3A_947, %dma_wait3A_948] : memref<2x125x128xf32, #tpu.memory_space<vmem>> -> memref<1x125x128xf32, #tpu.memory_space<vmem>>
        %dma_wait3A_950 = tpu.memref_squeeze %dma_wait3A_949 : memref<1x125x128xf32, #tpu.memory_space<vmem>> -> memref<125x128xf32, #tpu.memory_space<vmem>>
        %dma_wait3A_951 = arith.constant 0 : i32
        %dma_wait3A_952 = tpu.memref_slice %arg7[%sub3A_945, %dma_wait3A_951] : memref<16x125xi32, #tpu.memory_space<vmem>> -> memref<1x125xi32, #tpu.memory_space<vmem>>
        %dma_wait3A_953 = tpu.memref_squeeze %dma_wait3A_952 : memref<1x125xi32, #tpu.memory_space<vmem>> -> memref<125xi32, #tpu.memory_space<vmem>>
        %dma_wait3A_954 = arith.constant 0 : i32
        %dma_wait3A_955 = arith.constant 0 : i32
        %dma_wait3A_956 = tpu.memref_slice %arg11[%dma_wait3A_954, %dma_wait3A_955] : memref<10000x128xf32, #tpu.memory_space<vmem_shared>> -> memref<10000x128xf32, #tpu.memory_space<vmem_shared>>
        tpu.wait_indirect_dma semaphore(%arg16 : memref<!tpu.dma_semaphore, #tpu.memory_space<semaphore_mem>>) src(%dma_wait3A_950 : memref<125x128xf32, #tpu.memory_space<vmem>>) dst(%dma_wait3A_956 : memref<10000x128xf32, #tpu.memory_space<vmem_shared>>)
      } else {
      }
      %add3A_884 = arith.constant 1 : i32
      %add3A_885 = arith.addi %mul3A_851, %add3A_884 : i32
      %dma_start3A_886 = arith.constant 1 : i32
      %dma_start3A_887 = arith.constant 0 : i32
      %dma_start3A_888 = arith.constant 0 : i32
      %dma_start3A_889 = tpu.memref_slice %arg8[%dma_start3A_886, %dma_start3A_887, %dma_start3A_888] : memref<2x125x128xf32, #tpu.memory_space<vmem>> -> memref<1x125x128xf32, #tpu.memory_space<vmem>>
      %dma_start3A_890 = tpu.memref_squeeze %dma_start3A_889 : memref<1x125x128xf32, #tpu.memory_space<vmem>> -> memref<125x128xf32, #tpu.memory_space<vmem>>
      %dma_start3A_891 = arith.constant 0 : i32
      %dma_start3A_892 = tpu.memref_slice %arg6[%add3A_885, %dma_start3A_891] : memref<16x125xi32, #tpu.memory_space<vmem>> -> memref<1x125xi32, #tpu.memory_space<vmem>>
      %dma_start3A_893 = tpu.memref_squeeze %dma_start3A_892 : memref<1x125xi32, #tpu.memory_space<vmem>> -> memref<125xi32, #tpu.memory_space<vmem>>
      %dma_start3A_894 = arith.constant 0 : i32
      %dma_start3A_895 = arith.constant 0 : i32
      %dma_start3A_896 = tpu.memref_slice %arg2[%dma_start3A_894, %dma_start3A_895] : memref<10000x128xf32, #tpu.memory_space<hbm>> -> memref<10000x128xf32, #tpu.memory_space<hbm>>
      tpu.enqueue_indirect_dma source(%dma_start3A_896 : memref<10000x128xf32, #tpu.memory_space<hbm>>) target(%dma_start3A_890 : memref<125x128xf32, #tpu.memory_space<vmem>>) offsets(%dma_start3A_893 : memref<125xi32, #tpu.memory_space<vmem>>) semaphore(%arg13 : memref<!tpu.dma_semaphore, #tpu.memory_space<semaphore_mem>>)
      %add3A_897 = arith.constant 1 : i32
      %add3A_898 = arith.addi %mul3A_851, %add3A_897 : i32
      %dma_wait3A_899 = arith.constant 1 : i32
      %dma_wait3A_900 = arith.constant 0 : i32
      %dma_wait3A_901 = arith.constant 0 : i32
      %dma_wait3A_902 = tpu.memref_slice %arg8[%dma_wait3A_899, %dma_wait3A_900, %dma_wait3A_901] : memref<2x125x128xf32, #tpu.memory_space<vmem>> -> memref<1x125x128xf32, #tpu.memory_space<vmem>>
      %dma_wait3A_903 = tpu.memref_squeeze %dma_wait3A_902 : memref<1x125x128xf32, #tpu.memory_space<vmem>> -> memref<125x128xf32, #tpu.memory_space<vmem>>
      %dma_wait3A_904 = arith.constant 0 : i32
      %dma_wait3A_905 = tpu.memref_slice %arg6[%add3A_898, %dma_wait3A_904] : memref<16x125xi32, #tpu.memory_space<vmem>> -> memref<1x125xi32, #tpu.memory_space<vmem>>
      %dma_wait3A_906 = tpu.memref_squeeze %dma_wait3A_905 : memref<1x125xi32, #tpu.memory_space<vmem>> -> memref<125xi32, #tpu.memory_space<vmem>>
      %dma_wait3A_907 = arith.constant 0 : i32
      %dma_wait3A_908 = arith.constant 0 : i32
      %dma_wait3A_909 = tpu.memref_slice %arg2[%dma_wait3A_907, %dma_wait3A_908] : memref<10000x128xf32, #tpu.memory_space<hbm>> -> memref<10000x128xf32, #tpu.memory_space<hbm>>
      tpu.wait_indirect_dma semaphore(%arg13 : memref<!tpu.dma_semaphore, #tpu.memory_space<semaphore_mem>>) src(%dma_wait3A_909 : memref<10000x128xf32, #tpu.memory_space<hbm>>) dst(%dma_wait3A_903 : memref<125x128xf32, #tpu.memory_space<vmem>>)
      %dma_start3A_910 = arith.constant 1 : i32
      %dma_start3A_911 = arith.constant 0 : i32
      %dma_start3A_912 = arith.constant 0 : i32
      %dma_start3A_913 = tpu.memref_slice %arg8[%dma_start3A_910, %dma_start3A_911, %dma_start3A_912] : memref<2x125x128xf32, #tpu.memory_space<vmem>> -> memref<1x125x128xf32, #tpu.memory_space<vmem>>
      %dma_start3A_914 = tpu.memref_squeeze %dma_start3A_913 : memref<1x125x128xf32, #tpu.memory_space<vmem>> -> memref<125x128xf32, #tpu.memory_space<vmem>>
      %dma_start3A_915 = arith.constant 0 : i32
      %dma_start3A_916 = tpu.memref_slice %arg7[%add3A_898, %dma_start3A_915] : memref<16x125xi32, #tpu.memory_space<vmem>> -> memref<1x125xi32, #tpu.memory_space<vmem>>
      %dma_start3A_917 = tpu.memref_squeeze %dma_start3A_916 : memref<1x125xi32, #tpu.memory_space<vmem>> -> memref<125xi32, #tpu.memory_space<vmem>>
      %dma_start3A_918 = arith.constant 0 : i32
      %dma_start3A_919 = arith.constant 0 : i32
      %dma_start3A_920 = tpu.memref_slice %arg11[%dma_start3A_918, %dma_start3A_919] : memref<10000x128xf32, #tpu.memory_space<vmem_shared>> -> memref<10000x128xf32, #tpu.memory_space<vmem_shared>>
      tpu.enqueue_indirect_dma source(%dma_start3A_914 : memref<125x128xf32, #tpu.memory_space<vmem>>) target(%dma_start3A_920 : memref<10000x128xf32, #tpu.memory_space<vmem_shared>>) offsets(%dma_start3A_917 : memref<125xi32, #tpu.memory_space<vmem>>) semaphore(%arg16 : memref<!tpu.dma_semaphore, #tpu.memory_space<semaphore_mem>>) {add = true}
      %dma_start3A_921 = arith.constant 0 : i32
      %dma_start3A_922 = tpu.memref_slice %arg7[%add3A_898, %dma_start3A_921] : memref<16x125xi32, #tpu.memory_space<vmem>> -> memref<1x125xi32, #tpu.memory_space<vmem>>
      %dma_start3A_923 = tpu.memref_squeeze %dma_start3A_922 : memref<1x125xi32, #tpu.memory_space<vmem>> -> memref<125xi32, #tpu.memory_space<vmem>>
      %dma_start3A_924 = arith.constant 0 : i32
      %dma_start3A_925 = arith.constant 0 : i32
      %dma_start3A_926 = tpu.memref_slice %arg12[%dma_start3A_924, %dma_start3A_925] : memref<10000x16xf32, #tpu.memory_space<vmem_shared>> -> memref<10000x16xf32, #tpu.memory_space<vmem_shared>>
      tpu.enqueue_indirect_dma source(%arg9 : memref<125x16xf32, #tpu.memory_space<vmem>>) target(%dma_start3A_926 : memref<10000x16xf32, #tpu.memory_space<vmem_shared>>) offsets(%dma_start3A_923 : memref<125xi32, #tpu.memory_space<vmem>>) semaphore(%arg14 : memref<!tpu.dma_semaphore, #tpu.memory_space<semaphore_mem>>) {add = true}
      %dma_wait3A_927 = arith.constant 0 : i32
      %dma_wait3A_928 = arith.constant 0 : i32
      %dma_wait3A_929 = arith.constant 0 : i32
      %dma_wait3A_930 = tpu.memref_slice %arg8[%dma_wait3A_927, %dma_wait3A_928, %dma_wait3A_929] : memref<2x125x128xf32, #tpu.memory_space<vmem>> -> memref<1x125x128xf32, #tpu.memory_space<vmem>>
      %dma_wait3A_931 = tpu.memref_squeeze %dma_wait3A_930 : memref<1x125x128xf32, #tpu.memory_space<vmem>> -> memref<125x128xf32, #tpu.memory_space<vmem>>
      %dma_wait3A_932 = arith.constant 0 : i32
      %dma_wait3A_933 = tpu.memref_slice %arg7[%mul3A_851, %dma_wait3A_932] : memref<16x125xi32, #tpu.memory_space<vmem>> -> memref<1x125xi32, #tpu.memory_space<vmem>>
      %dma_wait3A_934 = tpu.memref_squeeze %dma_wait3A_933 : memref<1x125xi32, #tpu.memory_space<vmem>> -> memref<125xi32, #tpu.memory_space<vmem>>
      %dma_wait3A_935 = arith.constant 0 : i32
      %dma_wait3A_936 = arith.constant 0 : i32
      %dma_wait3A_937 = tpu.memref_slice %arg11[%dma_wait3A_935, %dma_wait3A_936] : memref<10000x128xf32, #tpu.memory_space<vmem_shared>> -> memref<10000x128xf32, #tpu.memory_space<vmem_shared>>
      tpu.wait_indirect_dma semaphore(%arg15 : memref<!tpu.dma_semaphore, #tpu.memory_space<semaphore_mem>>) src(%dma_wait3A_931 : memref<125x128xf32, #tpu.memory_space<vmem>>) dst(%dma_wait3A_937 : memref<10000x128xf32, #tpu.memory_space<vmem_shared>>)
      %add3A_938 = arith.constant 1 : i32
      %add3A_939 = arith.addi %add3A_898, %add3A_938 : i32
      %lt3A_940 = arith.constant 16 : i32
      %lt3A_941 = arith.cmpi slt, %add3A_939, %lt3A_940 : i32
      %convert_element_type3A_942 = arith.extui %lt3A_941 : i1 to i32
      %cond3A_943 = arith.constant 0 : i32
      %cond3A_944 = arith.cmpi ne, %convert_element_type3A_942, %cond3A_943 : i32
      scf.if %cond3A_944 {
        %add3A_945 = arith.constant 1 : i32
        %add3A_946 = arith.addi %add3A_898, %add3A_945 : i32
        %dma_start3A_947 = arith.constant 0 : i32
        %dma_start3A_948 = arith.constant 0 : i32
        %dma_start3A_949 = arith.constant 0 : i32
        %dma_start3A_950 = tpu.memref_slice %arg8[%dma_start3A_947, %dma_start3A_948, %dma_start3A_949] : memref<2x125x128xf32, #tpu.memory_space<vmem>> -> memref<1x125x128xf32, #tpu.memory_space<vmem>>
        %dma_start3A_951 = tpu.memref_squeeze %dma_start3A_950 : memref<1x125x128xf32, #tpu.memory_space<vmem>> -> memref<125x128xf32, #tpu.memory_space<vmem>>
        %dma_start3A_952 = arith.constant 0 : i32
        %dma_start3A_953 = tpu.memref_slice %arg6[%add3A_946, %dma_start3A_952] : memref<16x125xi32, #tpu.memory_space<vmem>> -> memref<1x125xi32, #tpu.memory_space<vmem>>
        %dma_start3A_954 = tpu.memref_squeeze %dma_start3A_953 : memref<1x125xi32, #tpu.memory_space<vmem>> -> memref<125xi32, #tpu.memory_space<vmem>>
        %dma_start3A_955 = arith.constant 0 : i32
        %dma_start3A_956 = arith.constant 0 : i32
        %dma_start3A_957 = tpu.memref_slice %arg2[%dma_start3A_955, %dma_start3A_956] : memref<10000x128xf32, #tpu.memory_space<hbm>> -> memref<10000x128xf32, #tpu.memory_space<hbm>>
        tpu.enqueue_indirect_dma source(%dma_start3A_957 : memref<10000x128xf32, #tpu.memory_space<hbm>>) target(%dma_start3A_951 : memref<125x128xf32, #tpu.memory_space<vmem>>) offsets(%dma_start3A_954 : memref<125xi32, #tpu.memory_space<vmem>>) semaphore(%arg13 : memref<!tpu.dma_semaphore, #tpu.memory_space<semaphore_mem>>)
      } else {
      }
    }
    %scan3A_84 = arith.constant 8 : i32
    %dma_wait3A = arith.constant 1 : i32
    %dma_wait3A_85 = arith.constant 15 : i32
    %dma_wait3A_86 = arith.constant 0 : i32
    %dma_wait3A_87 = arith.constant 0 : i32
    %dma_wait3A_88 = tpu.memref_slice %arg8[%dma_wait3A, %dma_wait3A_86, %dma_wait3A_87] : memref<2x125x128xf32, #tpu.memory_space<vmem>> -> memref<1x125x128xf32, #tpu.memory_space<vmem>>
    %dma_wait3A_89 = tpu.memref_squeeze %dma_wait3A_88 : memref<1x125x128xf32, #tpu.memory_space<vmem>> -> memref<125x128xf32, #tpu.memory_space<vmem>>
    %dma_wait3A_90 = arith.constant 0 : i32
    %dma_wait3A_91 = tpu.memref_slice %arg7[%dma_wait3A_85, %dma_wait3A_90] : memref<16x125xi32, #tpu.memory_space<vmem>> -> memref<1x125xi32, #tpu.memory_space<vmem>>
    %dma_wait3A_92 = tpu.memref_squeeze %dma_wait3A_91 : memref<1x125xi32, #tpu.memory_space<vmem>> -> memref<125xi32, #tpu.memory_space<vmem>>
    %dma_wait3A_93 = arith.constant 0 : i32
    %dma_wait3A_94 = arith.constant 0 : i32
    %dma_wait3A_95 = tpu.memref_slice %arg11[%dma_wait3A_93, %dma_wait3A_94] : memref<10000x128xf32, #tpu.memory_space<vmem_shared>> -> memref<10000x128xf32, #tpu.memory_space<vmem_shared>>
    tpu.wait_indirect_dma semaphore(%arg16 : memref<!tpu.dma_semaphore, #tpu.memory_space<semaphore_mem>>) src(%dma_wait3A_89 : memref<125x128xf32, #tpu.memory_space<vmem>>) dst(%dma_wait3A_95 : memref<10000x128xf32, #tpu.memory_space<vmem_shared>>)
    %dma_wait3A_96 = arith.constant 0 : i32
    %dma_wait3A_97 = arith.constant 0 : i32
    %dma_wait3A_98 = tpu.memref_slice %arg7[%dma_wait3A_96, %dma_wait3A_97] : memref<16x125xi32, #tpu.memory_space<vmem>> -> memref<1x125xi32, #tpu.memory_space<vmem>>
    %dma_wait3A_99 = tpu.memref_squeeze %dma_wait3A_98 : memref<1x125xi32, #tpu.memory_space<vmem>> -> memref<125xi32, #tpu.memory_space<vmem>>
    %dma_wait3A_100 = arith.constant 0 : i32
    %dma_wait3A_101 = arith.constant 0 : i32
    %dma_wait3A_102 = tpu.memref_slice %arg12[%dma_wait3A_100, %dma_wait3A_101] : memref<10000x16xf32, #tpu.memory_space<vmem_shared>> -> memref<10000x16xf32, #tpu.memory_space<vmem_shared>>
    tpu.wait_indirect_dma semaphore(%arg14 : memref<!tpu.dma_semaphore, #tpu.memory_space<semaphore_mem>>) src(%arg9 : memref<125x16xf32, #tpu.memory_space<vmem>>) dst(%dma_wait3A_102 : memref<10000x16xf32, #tpu.memory_space<vmem_shared>>)
    %dma_wait3A_103 = arith.constant 0 : i32
    %dma_wait3A_104 = arith.constant 0 : i32
    %dma_wait3A_105 = tpu.memref_slice %arg7[%dma_wait3A_103, %dma_wait3A_104] : memref<16x125xi32, #tpu.memory_space<vmem>> -> memref<1x125xi32, #tpu.memory_space<vmem>>
    %dma_wait3A_106 = tpu.memref_squeeze %dma_wait3A_105 : memref<1x125xi32, #tpu.memory_space<vmem>> -> memref<125xi32, #tpu.memory_space<vmem>>
    %dma_wait3A_107 = arith.constant 0 : i32
    %dma_wait3A_108 = arith.constant 0 : i32
    %dma_wait3A_109 = tpu.memref_slice %arg12[%dma_wait3A_107, %dma_wait3A_108] : memref<10000x16xf32, #tpu.memory_space<vmem_shared>> -> memref<10000x16xf32, #tpu.memory_space<vmem_shared>>
    tpu.wait_indirect_dma semaphore(%arg14 : memref<!tpu.dma_semaphore, #tpu.memory_space<semaphore_mem>>) src(%arg9 : memref<125x16xf32, #tpu.memory_space<vmem>>) dst(%dma_wait3A_109 : memref<10000x16xf32, #tpu.memory_space<vmem_shared>>)
    %dma_wait3A_110 = arith.constant 0 : i32
    %dma_wait3A_111 = arith.constant 0 : i32
    %dma_wait3A_112 = tpu.memref_slice %arg7[%dma_wait3A_110, %dma_wait3A_111] : memref<16x125xi32, #tpu.memory_space<vmem>> -> memref<1x125xi32, #tpu.memory_space<vmem>>
    %dma_wait3A_113 = tpu.memref_squeeze %dma_wait3A_112 : memref<1x125xi32, #tpu.memory_space<vmem>> -> memref<125xi32, #tpu.memory_space<vmem>>
    %dma_wait3A_114 = arith.constant 0 : i32
    %dma_wait3A_115 = arith.constant 0 : i32
    %dma_wait3A_116 = tpu.memref_slice %arg12[%dma_wait3A_114, %dma_wait3A_115] : memref<10000x16xf32, #tpu.memory_space<vmem_shared>> -> memref<10000x16xf32, #tpu.memory_space<vmem_shared>>
    tpu.wait_indirect_dma semaphore(%arg14 : memref<!tpu.dma_semaphore, #tpu.memory_space<semaphore_mem>>) src(%arg9 : memref<125x16xf32, #tpu.memory_space<vmem>>) dst(%dma_wait3A_116 : memref<10000x16xf32, #tpu.memory_space<vmem_shared>>)
    %dma_wait3A_117 = arith.constant 0 : i32
    %dma_wait3A_118 = arith.constant 0 : i32
    %dma_wait3A_119 = tpu.memref_slice %arg7[%dma_wait3A_117, %dma_wait3A_118] : memref<16x125xi32, #tpu.memory_space<vmem>> -> memref<1x125xi32, #tpu.memory_space<vmem>>
    %dma_wait3A_120 = tpu.memref_squeeze %dma_wait3A_119 : memref<1x125xi32, #tpu.memory_space<vmem>> -> memref<125xi32, #tpu.memory_space<vmem>>
    %dma_wait3A_121 = arith.constant 0 : i32
    %dma_wait3A_122 = arith.constant 0 : i32
    %dma_wait3A_123 = tpu.memref_slice %arg12[%dma_wait3A_121, %dma_wait3A_122] : memref<10000x16xf32, #tpu.memory_space<vmem_shared>> -> memref<10000x16xf32, #tpu.memory_space<vmem_shared>>
    tpu.wait_indirect_dma semaphore(%arg14 : memref<!tpu.dma_semaphore, #tpu.memory_space<semaphore_mem>>) src(%arg9 : memref<125x16xf32, #tpu.memory_space<vmem>>) dst(%dma_wait3A_123 : memref<10000x16xf32, #tpu.memory_space<vmem_shared>>)
    %dma_wait3A_124 = arith.constant 0 : i32
    %dma_wait3A_125 = arith.constant 0 : i32
    %dma_wait3A_126 = tpu.memref_slice %arg7[%dma_wait3A_124, %dma_wait3A_125] : memref<16x125xi32, #tpu.memory_space<vmem>> -> memref<1x125xi32, #tpu.memory_space<vmem>>
    %dma_wait3A_127 = tpu.memref_squeeze %dma_wait3A_126 : memref<1x125xi32, #tpu.memory_space<vmem>> -> memref<125xi32, #tpu.memory_space<vmem>>
    %dma_wait3A_128 = arith.constant 0 : i32
    %dma_wait3A_129 = arith.constant 0 : i32
    %dma_wait3A_130 = tpu.memref_slice %arg12[%dma_wait3A_128, %dma_wait3A_129] : memref<10000x16xf32, #tpu.memory_space<vmem_shared>> -> memref<10000x16xf32, #tpu.memory_space<vmem_shared>>
    tpu.wait_indirect_dma semaphore(%arg14 : memref<!tpu.dma_semaphore, #tpu.memory_space<semaphore_mem>>) src(%arg9 : memref<125x16xf32, #tpu.memory_space<vmem>>) dst(%dma_wait3A_130 : memref<10000x16xf32, #tpu.memory_space<vmem_shared>>)
    %dma_wait3A_131 = arith.constant 0 : i32
    %dma_wait3A_132 = arith.constant 0 : i32
    %dma_wait3A_133 = tpu.memref_slice %arg7[%dma_wait3A_131, %dma_wait3A_132] : memref<16x125xi32, #tpu.memory_space<vmem>> -> memref<1x125xi32, #tpu.memory_space<vmem>>
    %dma_wait3A_134 = tpu.memref_squeeze %dma_wait3A_133 : memref<1x125xi32, #tpu.memory_space<vmem>> -> memref<125xi32, #tpu.memory_space<vmem>>
    %dma_wait3A_135 = arith.constant 0 : i32
    %dma_wait3A_136 = arith.constant 0 : i32
    %dma_wait3A_137 = tpu.memref_slice %arg12[%dma_wait3A_135, %dma_wait3A_136] : memref<10000x16xf32, #tpu.memory_space<vmem_shared>> -> memref<10000x16xf32, #tpu.memory_space<vmem_shared>>
    tpu.wait_indirect_dma semaphore(%arg14 : memref<!tpu.dma_semaphore, #tpu.memory_space<semaphore_mem>>) src(%arg9 : memref<125x16xf32, #tpu.memory_space<vmem>>) dst(%dma_wait3A_137 : memref<10000x16xf32, #tpu.memory_space<vmem_shared>>)
    %dma_wait3A_138 = arith.constant 0 : i32
    %dma_wait3A_139 = arith.constant 0 : i32
    %dma_wait3A_140 = tpu.memref_slice %arg7[%dma_wait3A_138, %dma_wait3A_139] : memref<16x125xi32, #tpu.memory_space<vmem>> -> memref<1x125xi32, #tpu.memory_space<vmem>>
    %dma_wait3A_141 = tpu.memref_squeeze %dma_wait3A_140 : memref<1x125xi32, #tpu.memory_space<vmem>> -> memref<125xi32, #tpu.memory_space<vmem>>
    %dma_wait3A_142 = arith.constant 0 : i32
    %dma_wait3A_143 = arith.constant 0 : i32
    %dma_wait3A_144 = tpu.memref_slice %arg12[%dma_wait3A_142, %dma_wait3A_143] : memref<10000x16xf32, #tpu.memory_space<vmem_shared>> -> memref<10000x16xf32, #tpu.memory_space<vmem_shared>>
    tpu.wait_indirect_dma semaphore(%arg14 : memref<!tpu.dma_semaphore, #tpu.memory_space<semaphore_mem>>) src(%arg9 : memref<125x16xf32, #tpu.memory_space<vmem>>) dst(%dma_wait3A_144 : memref<10000x16xf32, #tpu.memory_space<vmem_shared>>)
    %dma_wait3A_145 = arith.constant 0 : i32
    %dma_wait3A_146 = arith.constant 0 : i32
    %dma_wait3A_147 = tpu.memref_slice %arg7[%dma_wait3A_145, %dma_wait3A_146] : memref<16x125xi32, #tpu.memory_space<vmem>> -> memref<1x125xi32, #tpu.memory_space<vmem>>
    %dma_wait3A_148 = tpu.memref_squeeze %dma_wait3A_147 : memref<1x125xi32, #tpu.memory_space<vmem>> -> memref<125xi32, #tpu.memory_space<vmem>>
    %dma_wait3A_149 = arith.constant 0 : i32
    %dma_wait3A_150 = arith.constant 0 : i32
    %dma_wait3A_151 = tpu.memref_slice %arg12[%dma_wait3A_149, %dma_wait3A_150] : memref<10000x16xf32, #tpu.memory_space<vmem_shared>> -> memref<10000x16xf32, #tpu.memory_space<vmem_shared>>
    tpu.wait_indirect_dma semaphore(%arg14 : memref<!tpu.dma_semaphore, #tpu.memory_space<semaphore_mem>>) src(%arg9 : memref<125x16xf32, #tpu.memory_space<vmem>>) dst(%dma_wait3A_151 : memref<10000x16xf32, #tpu.memory_space<vmem_shared>>)
    %dma_wait3A_152 = arith.constant 0 : i32
    %dma_wait3A_153 = arith.constant 0 : i32
    %dma_wait3A_154 = tpu.memref_slice %arg7[%dma_wait3A_152, %dma_wait3A_153] : memref<16x125xi32, #tpu.memory_space<vmem>> -> memref<1x125xi32, #tpu.memory_space<vmem>>
    %dma_wait3A_155 = tpu.memref_squeeze %dma_wait3A_154 : memref<1x125xi32, #tpu.memory_space<vmem>> -> memref<125xi32, #tpu.memory_space<vmem>>
    %dma_wait3A_156 = arith.constant 0 : i32
    %dma_wait3A_157 = arith.constant 0 : i32
    %dma_wait3A_158 = tpu.memref_slice %arg12[%dma_wait3A_156, %dma_wait3A_157] : memref<10000x16xf32, #tpu.memory_space<vmem_shared>> -> memref<10000x16xf32, #tpu.memory_space<vmem_shared>>
    tpu.wait_indirect_dma semaphore(%arg14 : memref<!tpu.dma_semaphore, #tpu.memory_space<semaphore_mem>>) src(%arg9 : memref<125x16xf32, #tpu.memory_space<vmem>>) dst(%dma_wait3A_158 : memref<10000x16xf32, #tpu.memory_space<vmem_shared>>)
    %dma_wait3A_159 = arith.constant 0 : i32
    %dma_wait3A_160 = arith.constant 0 : i32
    %dma_wait3A_161 = tpu.memref_slice %arg7[%dma_wait3A_159, %dma_wait3A_160] : memref<16x125xi32, #tpu.memory_space<vmem>> -> memref<1x125xi32, #tpu.memory_space<vmem>>
    %dma_wait3A_162 = tpu.memref_squeeze %dma_wait3A_161 : memref<1x125xi32, #tpu.memory_space<vmem>> -> memref<125xi32, #tpu.memory_space<vmem>>
    %dma_wait3A_163 = arith.constant 0 : i32
    %dma_wait3A_164 = arith.constant 0 : i32
    %dma_wait3A_165 = tpu.memref_slice %arg12[%dma_wait3A_163, %dma_wait3A_164] : memref<10000x16xf32, #tpu.memory_space<vmem_shared>> -> memref<10000x16xf32, #tpu.memory_space<vmem_shared>>
    tpu.wait_indirect_dma semaphore(%arg14 : memref<!tpu.dma_semaphore, #tpu.memory_space<semaphore_mem>>) src(%arg9 : memref<125x16xf32, #tpu.memory_space<vmem>>) dst(%dma_wait3A_165 : memref<10000x16xf32, #tpu.memory_space<vmem_shared>>)
    %dma_wait3A_166 = arith.constant 0 : i32
    %dma_wait3A_167 = arith.constant 0 : i32
    %dma_wait3A_168 = tpu.memref_slice %arg7[%dma_wait3A_166, %dma_wait3A_167] : memref<16x125xi32, #tpu.memory_space<vmem>> -> memref<1x125xi32, #tpu.memory_space<vmem>>
    %dma_wait3A_169 = tpu.memref_squeeze %dma_wait3A_168 : memref<1x125xi32, #tpu.memory_space<vmem>> -> memref<125xi32, #tpu.memory_space<vmem>>
    %dma_wait3A_170 = arith.constant 0 : i32
    %dma_wait3A_171 = arith.constant 0 : i32
    %dma_wait3A_172 = tpu.memref_slice %arg12[%dma_wait3A_170, %dma_wait3A_171] : memref<10000x16xf32, #tpu.memory_space<vmem_shared>> -> memref<10000x16xf32, #tpu.memory_space<vmem_shared>>
    tpu.wait_indirect_dma semaphore(%arg14 : memref<!tpu.dma_semaphore, #tpu.memory_space<semaphore_mem>>) src(%arg9 : memref<125x16xf32, #tpu.memory_space<vmem>>) dst(%dma_wait3A_172 : memref<10000x16xf32, #tpu.memory_space<vmem_shared>>)
    %dma_wait3A_173 = arith.constant 0 : i32
    %dma_wait3A_174 = arith.constant 0 : i32
    %dma_wait3A_175 = tpu.memref_slice %arg7[%dma_wait3A_173, %dma_wait3A_174] : memref<16x125xi32, #tpu.memory_space<vmem>> -> memref<1x125xi32, #tpu.memory_space<vmem>>
    %dma_wait3A_176 = tpu.memref_squeeze %dma_wait3A_175 : memref<1x125xi32, #tpu.memory_space<vmem>> -> memref<125xi32, #tpu.memory_space<vmem>>
    %dma_wait3A_177 = arith.constant 0 : i32
    %dma_wait3A_178 = arith.constant 0 : i32
    %dma_wait3A_179 = tpu.memref_slice %arg12[%dma_wait3A_177, %dma_wait3A_178] : memref<10000x16xf32, #tpu.memory_space<vmem_shared>> -> memref<10000x16xf32, #tpu.memory_space<vmem_shared>>
    tpu.wait_indirect_dma semaphore(%arg14 : memref<!tpu.dma_semaphore, #tpu.memory_space<semaphore_mem>>) src(%arg9 : memref<125x16xf32, #tpu.memory_space<vmem>>) dst(%dma_wait3A_179 : memref<10000x16xf32, #tpu.memory_space<vmem_shared>>)
    %dma_wait3A_180 = arith.constant 0 : i32
    %dma_wait3A_181 = arith.constant 0 : i32
    %dma_wait3A_182 = tpu.memref_slice %arg7[%dma_wait3A_180, %dma_wait3A_181] : memref<16x125xi32, #tpu.memory_space<vmem>> -> memref<1x125xi32, #tpu.memory_space<vmem>>
    %dma_wait3A_183 = tpu.memref_squeeze %dma_wait3A_182 : memref<1x125xi32, #tpu.memory_space<vmem>> -> memref<125xi32, #tpu.memory_space<vmem>>
    %dma_wait3A_184 = arith.constant 0 : i32
    %dma_wait3A_185 = arith.constant 0 : i32
    %dma_wait3A_186 = tpu.memref_slice %arg12[%dma_wait3A_184, %dma_wait3A_185] : memref<10000x16xf32, #tpu.memory_space<vmem_shared>> -> memref<10000x16xf32, #tpu.memory_space<vmem_shared>>
    tpu.wait_indirect_dma semaphore(%arg14 : memref<!tpu.dma_semaphore, #tpu.memory_space<semaphore_mem>>) src(%arg9 : memref<125x16xf32, #tpu.memory_space<vmem>>) dst(%dma_wait3A_186 : memref<10000x16xf32, #tpu.memory_space<vmem_shared>>)
    %dma_wait3A_187 = arith.constant 0 : i32
    %dma_wait3A_188 = arith.constant 0 : i32
    %dma_wait3A_189 = tpu.memref_slice %arg7[%dma_wait3A_187, %dma_wait3A_188] : memref<16x125xi32, #tpu.memory_space<vmem>> -> memref<1x125xi32, #tpu.memory_space<vmem>>
    %dma_wait3A_190 = tpu.memref_squeeze %dma_wait3A_189 : memref<1x125xi32, #tpu.memory_space<vmem>> -> memref<125xi32, #tpu.memory_space<vmem>>
    %dma_wait3A_191 = arith.constant 0 : i32
    %dma_wait3A_192 = arith.constant 0 : i32
    %dma_wait3A_193 = tpu.memref_slice %arg12[%dma_wait3A_191, %dma_wait3A_192] : memref<10000x16xf32, #tpu.memory_space<vmem_shared>> -> memref<10000x16xf32, #tpu.memory_space<vmem_shared>>
    tpu.wait_indirect_dma semaphore(%arg14 : memref<!tpu.dma_semaphore, #tpu.memory_space<semaphore_mem>>) src(%arg9 : memref<125x16xf32, #tpu.memory_space<vmem>>) dst(%dma_wait3A_193 : memref<10000x16xf32, #tpu.memory_space<vmem_shared>>)
    %dma_wait3A_194 = arith.constant 0 : i32
    %dma_wait3A_195 = arith.constant 0 : i32
    %dma_wait3A_196 = tpu.memref_slice %arg7[%dma_wait3A_194, %dma_wait3A_195] : memref<16x125xi32, #tpu.memory_space<vmem>> -> memref<1x125xi32, #tpu.memory_space<vmem>>
    %dma_wait3A_197 = tpu.memref_squeeze %dma_wait3A_196 : memref<1x125xi32, #tpu.memory_space<vmem>> -> memref<125xi32, #tpu.memory_space<vmem>>
    %dma_wait3A_198 = arith.constant 0 : i32
    %dma_wait3A_199 = arith.constant 0 : i32
    %dma_wait3A_200 = tpu.memref_slice %arg12[%dma_wait3A_198, %dma_wait3A_199] : memref<10000x16xf32, #tpu.memory_space<vmem_shared>> -> memref<10000x16xf32, #tpu.memory_space<vmem_shared>>
    tpu.wait_indirect_dma semaphore(%arg14 : memref<!tpu.dma_semaphore, #tpu.memory_space<semaphore_mem>>) src(%arg9 : memref<125x16xf32, #tpu.memory_space<vmem>>) dst(%dma_wait3A_200 : memref<10000x16xf32, #tpu.memory_space<vmem_shared>>)
    %dma_wait3A_201 = arith.constant 0 : i32
    %dma_wait3A_202 = arith.constant 0 : i32
    %dma_wait3A_203 = tpu.memref_slice %arg7[%dma_wait3A_201, %dma_wait3A_202] : memref<16x125xi32, #tpu.memory_space<vmem>> -> memref<1x125xi32, #tpu.memory_space<vmem>>
    %dma_wait3A_204 = tpu.memref_squeeze %dma_wait3A_203 : memref<1x125xi32, #tpu.memory_space<vmem>> -> memref<125xi32, #tpu.memory_space<vmem>>
    %dma_wait3A_205 = arith.constant 0 : i32
    %dma_wait3A_206 = arith.constant 0 : i32
    %dma_wait3A_207 = tpu.memref_slice %arg12[%dma_wait3A_205, %dma_wait3A_206] : memref<10000x16xf32, #tpu.memory_space<vmem_shared>> -> memref<10000x16xf32, #tpu.memory_space<vmem_shared>>
    tpu.wait_indirect_dma semaphore(%arg14 : memref<!tpu.dma_semaphore, #tpu.memory_space<semaphore_mem>>) src(%arg9 : memref<125x16xf32, #tpu.memory_space<vmem>>) dst(%dma_wait3A_207 : memref<10000x16xf32, #tpu.memory_space<vmem_shared>>)
    %run_scoped3A_208 = arith.constant 0 : i32
    %run_scoped3A_209 = arith.constant 1 : i32
    "tpu.region"() ({
      %run_scoped3A_845 = tpu.sem_alloc : memref<!tpu.dma_semaphore, #tpu.memory_space<semaphore_mem>>
      %dma_start3A_846 = arith.constant 0 : i32
      %dma_start3A_847 = arith.constant 0 : i32
      %dma_start3A_848 = tpu.memref_slice %arg3[%run_scoped3A_208, %add3A, %run_scoped3A_209, %dma_start3A_846, %dma_start3A_847] : memref<2x32x5x16x125xi32, #tpu.memory_space<hbm>> -> memref<1x1x1x16x125xi32, #tpu.memory_space<hbm>>
      %dma_start3A_849 = tpu.memref_squeeze %dma_start3A_848 : memref<1x1x1x16x125xi32, #tpu.memory_space<hbm>> -> memref<16x125xi32, #tpu.memory_space<hbm>>
      %dma_start3A_850 = arith.constant 0 : i32
      %dma_start3A_851 = arith.constant 0 : i32
      %dma_start3A_852 = tpu.memref_slice %arg3[%run_scoped3A_208, %add3A, %run_scoped3A_209, %dma_start3A_850, %dma_start3A_851] : memref<2x32x5x16x125xi32, #tpu.memory_space<hbm>> -> memref<1x1x1x16x125xi32, #tpu.memory_space<hbm>>
      %dma_start3A_853 = tpu.memref_squeeze %dma_start3A_852 : memref<1x1x1x16x125xi32, #tpu.memory_space<hbm>> -> memref<16x125xi32, #tpu.memory_space<hbm>>
      tpu.enqueue_dma source(%dma_start3A_853 : memref<16x125xi32, #tpu.memory_space<hbm>>) target(%arg6 : memref<16x125xi32, #tpu.memory_space<vmem>>) target_semaphore(%run_scoped3A_845 : memref<!tpu.dma_semaphore, #tpu.memory_space<semaphore_mem>>)
      %dma_wait3A_854 = arith.constant 0 : i32
      %dma_wait3A_855 = arith.constant 0 : i32
      %dma_wait3A_856 = tpu.memref_slice %arg3[%run_scoped3A_208, %add3A, %run_scoped3A_209, %dma_wait3A_854, %dma_wait3A_855] : memref<2x32x5x16x125xi32, #tpu.memory_space<hbm>> -> memref<1x1x1x16x125xi32, #tpu.memory_space<hbm>>
      %dma_wait3A_857 = tpu.memref_squeeze %dma_wait3A_856 : memref<1x1x1x16x125xi32, #tpu.memory_space<hbm>> -> memref<16x125xi32, #tpu.memory_space<hbm>>
      %dma_wait3A_858 = arith.constant 0 : i32
      %dma_wait3A_859 = arith.constant 0 : i32
      %dma_wait3A_860 = tpu.memref_slice %arg3[%run_scoped3A_208, %add3A, %run_scoped3A_209, %dma_wait3A_858, %dma_wait3A_859] : memref<2x32x5x16x125xi32, #tpu.memory_space<hbm>> -> memref<1x1x1x16x125xi32, #tpu.memory_space<hbm>>
      %dma_wait3A_861 = tpu.memref_squeeze %dma_wait3A_860 : memref<1x1x1x16x125xi32, #tpu.memory_space<hbm>> -> memref<16x125xi32, #tpu.memory_space<hbm>>
      tpu.wait_dma2 semaphore(%run_scoped3A_845 : memref<!tpu.dma_semaphore, #tpu.memory_space<semaphore_mem>>) src(%dma_wait3A_861 : memref<16x125xi32, #tpu.memory_space<hbm>>) dst(%arg6 : memref<16x125xi32, #tpu.memory_space<vmem>>)
      tpu.yield
    }) : () -> ()
    %run_scoped3A_210 = arith.constant 1 : i32
    %run_scoped3A_211 = arith.constant 1 : i32
    "tpu.region"() ({
      %run_scoped3A_845 = tpu.sem_alloc : memref<!tpu.dma_semaphore, #tpu.memory_space<semaphore_mem>>
      %dma_start3A_846 = arith.constant 0 : i32
      %dma_start3A_847 = arith.constant 0 : i32
      %dma_start3A_848 = tpu.memref_slice %arg3[%run_scoped3A_210, %add3A, %run_scoped3A_211, %dma_start3A_846, %dma_start3A_847] : memref<2x32x5x16x125xi32, #tpu.memory_space<hbm>> -> memref<1x1x1x16x125xi32, #tpu.memory_space<hbm>>
      %dma_start3A_849 = tpu.memref_squeeze %dma_start3A_848 : memref<1x1x1x16x125xi32, #tpu.memory_space<hbm>> -> memref<16x125xi32, #tpu.memory_space<hbm>>
      %dma_start3A_850 = arith.constant 0 : i32
      %dma_start3A_851 = arith.constant 0 : i32
      %dma_start3A_852 = tpu.memref_slice %arg3[%run_scoped3A_210, %add3A, %run_scoped3A_211, %dma_start3A_850, %dma_start3A_851] : memref<2x32x5x16x125xi32, #tpu.memory_space<hbm>> -> memref<1x1x1x16x125xi32, #tpu.memory_space<hbm>>
      %dma_start3A_853 = tpu.memref_squeeze %dma_start3A_852 : memref<1x1x1x16x125xi32, #tpu.memory_space<hbm>> -> memref<16x125xi32, #tpu.memory_space<hbm>>
      tpu.enqueue_dma source(%dma_start3A_853 : memref<16x125xi32, #tpu.memory_space<hbm>>) target(%arg7 : memref<16x125xi32, #tpu.memory_space<vmem>>) target_semaphore(%run_scoped3A_845 : memref<!tpu.dma_semaphore, #tpu.memory_space<semaphore_mem>>)
      %dma_wait3A_854 = arith.constant 0 : i32
      %dma_wait3A_855 = arith.constant 0 : i32
      %dma_wait3A_856 = tpu.memref_slice %arg3[%run_scoped3A_210, %add3A, %run_scoped3A_211, %dma_wait3A_854, %dma_wait3A_855] : memref<2x32x5x16x125xi32, #tpu.memory_space<hbm>> -> memref<1x1x1x16x125xi32, #tpu.memory_space<hbm>>
      %dma_wait3A_857 = tpu.memref_squeeze %dma_wait3A_856 : memref<1x1x1x16x125xi32, #tpu.memory_space<hbm>> -> memref<16x125xi32, #tpu.memory_space<hbm>>
      %dma_wait3A_858 = arith.constant 0 : i32
      %dma_wait3A_859 = arith.constant 0 : i32
      %dma_wait3A_860 = tpu.memref_slice %arg3[%run_scoped3A_210, %add3A, %run_scoped3A_211, %dma_wait3A_858, %dma_wait3A_859] : memref<2x32x5x16x125xi32, #tpu.memory_space<hbm>> -> memref<1x1x1x16x125xi32, #tpu.memory_space<hbm>>
      %dma_wait3A_861 = tpu.memref_squeeze %dma_wait3A_860 : memref<1x1x1x16x125xi32, #tpu.memory_space<hbm>> -> memref<16x125xi32, #tpu.memory_space<hbm>>
      tpu.wait_dma2 semaphore(%run_scoped3A_845 : memref<!tpu.dma_semaphore, #tpu.memory_space<semaphore_mem>>) src(%dma_wait3A_861 : memref<16x125xi32, #tpu.memory_space<hbm>>) dst(%arg7 : memref<16x125xi32, #tpu.memory_space<vmem>>)
      tpu.yield
    }) : () -> ()
    %dma_start3A_212 = arith.constant 0 : i32
    %dma_start3A_213 = arith.constant 0 : i32
    %dma_start3A_214 = arith.constant 0 : i32
    %dma_start3A_215 = arith.constant 0 : i32
    %dma_start3A_216 = tpu.memref_slice %arg8[%dma_start3A_213, %dma_start3A_214, %dma_start3A_215] : memref<2x125x128xf32, #tpu.memory_space<vmem>> -> memref<1x125x128xf32, #tpu.memory_space<vmem>>
    %dma_start3A_217 = tpu.memref_squeeze %dma_start3A_216 : memref<1x125x128xf32, #tpu.memory_space<vmem>> -> memref<125x128xf32, #tpu.memory_space<vmem>>
    %dma_start3A_218 = arith.constant 0 : i32
    %dma_start3A_219 = tpu.memref_slice %arg6[%dma_start3A_212, %dma_start3A_218] : memref<16x125xi32, #tpu.memory_space<vmem>> -> memref<1x125xi32, #tpu.memory_space<vmem>>
    %dma_start3A_220 = tpu.memref_squeeze %dma_start3A_219 : memref<1x125xi32, #tpu.memory_space<vmem>> -> memref<125xi32, #tpu.memory_space<vmem>>
    %dma_start3A_221 = arith.constant 0 : i32
    %dma_start3A_222 = arith.constant 0 : i32
    %dma_start3A_223 = tpu.memref_slice %arg2[%dma_start3A_221, %dma_start3A_222] : memref<10000x128xf32, #tpu.memory_space<hbm>> -> memref<10000x128xf32, #tpu.memory_space<hbm>>
    tpu.enqueue_indirect_dma source(%dma_start3A_223 : memref<10000x128xf32, #tpu.memory_space<hbm>>) target(%dma_start3A_217 : memref<125x128xf32, #tpu.memory_space<vmem>>) offsets(%dma_start3A_220 : memref<125xi32, #tpu.memory_space<vmem>>) semaphore(%arg13 : memref<!tpu.dma_semaphore, #tpu.memory_space<semaphore_mem>>)
    %scan3A_224 = arith.constant 0 : i32
    %scan3A_225 = arith.constant 8 : i32
    %scan3A_226 = arith.addi %scan3A_224, %scan3A_225 : i32
    %scan3A_227 = arith.constant 1 : i32
    scf.for %scan3A_845 = %scan3A_224 to %scan3A_226 step %scan3A_227  : i32 {
      %mul3A_846 = arith.constant 1 : i32
      %mul3A_847 = arith.muli %scan3A_845, %mul3A_846 : i32
      %add3A_848 = arith.constant 0 : i32
      %add3A_849 = arith.addi %add3A_848, %mul3A_847 : i32
      %mul3A_850 = arith.constant 2 : i32
      %mul3A_851 = arith.muli %mul3A_850, %add3A_849 : i32
      %dma_wait3A_852 = arith.constant 0 : i32
      %dma_wait3A_853 = arith.constant 0 : i32
      %dma_wait3A_854 = arith.constant 0 : i32
      %dma_wait3A_855 = tpu.memref_slice %arg8[%dma_wait3A_852, %dma_wait3A_853, %dma_wait3A_854] : memref<2x125x128xf32, #tpu.memory_space<vmem>> -> memref<1x125x128xf32, #tpu.memory_space<vmem>>
      %dma_wait3A_856 = tpu.memref_squeeze %dma_wait3A_855 : memref<1x125x128xf32, #tpu.memory_space<vmem>> -> memref<125x128xf32, #tpu.memory_space<vmem>>
      %dma_wait3A_857 = arith.constant 0 : i32
      %dma_wait3A_858 = tpu.memref_slice %arg6[%mul3A_851, %dma_wait3A_857] : memref<16x125xi32, #tpu.memory_space<vmem>> -> memref<1x125xi32, #tpu.memory_space<vmem>>
      %dma_wait3A_859 = tpu.memref_squeeze %dma_wait3A_858 : memref<1x125xi32, #tpu.memory_space<vmem>> -> memref<125xi32, #tpu.memory_space<vmem>>
      %dma_wait3A_860 = arith.constant 0 : i32
      %dma_wait3A_861 = arith.constant 0 : i32
      %dma_wait3A_862 = tpu.memref_slice %arg2[%dma_wait3A_860, %dma_wait3A_861] : memref<10000x128xf32, #tpu.memory_space<hbm>> -> memref<10000x128xf32, #tpu.memory_space<hbm>>
      tpu.wait_indirect_dma semaphore(%arg13 : memref<!tpu.dma_semaphore, #tpu.memory_space<semaphore_mem>>) src(%dma_wait3A_862 : memref<10000x128xf32, #tpu.memory_space<hbm>>) dst(%dma_wait3A_856 : memref<125x128xf32, #tpu.memory_space<vmem>>)
      %dma_start3A_863 = arith.constant 0 : i32
      %dma_start3A_864 = arith.constant 0 : i32
      %dma_start3A_865 = arith.constant 0 : i32
      %dma_start3A_866 = tpu.memref_slice %arg8[%dma_start3A_863, %dma_start3A_864, %dma_start3A_865] : memref<2x125x128xf32, #tpu.memory_space<vmem>> -> memref<1x125x128xf32, #tpu.memory_space<vmem>>
      %dma_start3A_867 = tpu.memref_squeeze %dma_start3A_866 : memref<1x125x128xf32, #tpu.memory_space<vmem>> -> memref<125x128xf32, #tpu.memory_space<vmem>>
      %dma_start3A_868 = arith.constant 0 : i32
      %dma_start3A_869 = tpu.memref_slice %arg7[%mul3A_851, %dma_start3A_868] : memref<16x125xi32, #tpu.memory_space<vmem>> -> memref<1x125xi32, #tpu.memory_space<vmem>>
      %dma_start3A_870 = tpu.memref_squeeze %dma_start3A_869 : memref<1x125xi32, #tpu.memory_space<vmem>> -> memref<125xi32, #tpu.memory_space<vmem>>
      %dma_start3A_871 = arith.constant 0 : i32
      %dma_start3A_872 = arith.constant 0 : i32
      %dma_start3A_873 = tpu.memref_slice %arg11[%dma_start3A_871, %dma_start3A_872] : memref<10000x128xf32, #tpu.memory_space<vmem_shared>> -> memref<10000x128xf32, #tpu.memory_space<vmem_shared>>
      tpu.enqueue_indirect_dma source(%dma_start3A_867 : memref<125x128xf32, #tpu.memory_space<vmem>>) target(%dma_start3A_873 : memref<10000x128xf32, #tpu.memory_space<vmem_shared>>) offsets(%dma_start3A_870 : memref<125xi32, #tpu.memory_space<vmem>>) semaphore(%arg15 : memref<!tpu.dma_semaphore, #tpu.memory_space<semaphore_mem>>) {add = true}
      %dma_start3A_874 = arith.constant 0 : i32
      %dma_start3A_875 = tpu.memref_slice %arg7[%mul3A_851, %dma_start3A_874] : memref<16x125xi32, #tpu.memory_space<vmem>> -> memref<1x125xi32, #tpu.memory_space<vmem>>
      %dma_start3A_876 = tpu.memref_squeeze %dma_start3A_875 : memref<1x125xi32, #tpu.memory_space<vmem>> -> memref<125xi32, #tpu.memory_space<vmem>>
      %dma_start3A_877 = arith.constant 0 : i32
      %dma_start3A_878 = arith.constant 0 : i32
      %dma_start3A_879 = tpu.memref_slice %arg12[%dma_start3A_877, %dma_start3A_878] : memref<10000x16xf32, #tpu.memory_space<vmem_shared>> -> memref<10000x16xf32, #tpu.memory_space<vmem_shared>>
      tpu.enqueue_indirect_dma source(%arg9 : memref<125x16xf32, #tpu.memory_space<vmem>>) target(%dma_start3A_879 : memref<10000x16xf32, #tpu.memory_space<vmem_shared>>) offsets(%dma_start3A_876 : memref<125xi32, #tpu.memory_space<vmem>>) semaphore(%arg14 : memref<!tpu.dma_semaphore, #tpu.memory_space<semaphore_mem>>) {add = true}
      %gt3A = arith.constant 0 : i32
      %gt3A_880 = arith.cmpi sgt, %mul3A_851, %gt3A : i32
      %convert_element_type3A_881 = arith.extui %gt3A_880 : i1 to i32
      %cond3A_882 = arith.constant 0 : i32
      %cond3A_883 = arith.cmpi ne, %convert_element_type3A_881, %cond3A_882 : i32
      scf.if %cond3A_883 {
        %sub3A = arith.constant 1 : i32
        %sub3A_945 = arith.subi %mul3A_851, %sub3A : i32
        %dma_wait3A_946 = arith.constant 1 : i32
        %dma_wait3A_947 = arith.constant 0 : i32
        %dma_wait3A_948 = arith.constant 0 : i32
        %dma_wait3A_949 = tpu.memref_slice %arg8[%dma_wait3A_946, %dma_wait3A_947, %dma_wait3A_948] : memref<2x125x128xf32, #tpu.memory_space<vmem>> -> memref<1x125x128xf32, #tpu.memory_space<vmem>>
        %dma_wait3A_950 = tpu.memref_squeeze %dma_wait3A_949 : memref<1x125x128xf32, #tpu.memory_space<vmem>> -> memref<125x128xf32, #tpu.memory_space<vmem>>
        %dma_wait3A_951 = arith.constant 0 : i32
        %dma_wait3A_952 = tpu.memref_slice %arg7[%sub3A_945, %dma_wait3A_951] : memref<16x125xi32, #tpu.memory_space<vmem>> -> memref<1x125xi32, #tpu.memory_space<vmem>>
        %dma_wait3A_953 = tpu.memref_squeeze %dma_wait3A_952 : memref<1x125xi32, #tpu.memory_space<vmem>> -> memref<125xi32, #tpu.memory_space<vmem>>
        %dma_wait3A_954 = arith.constant 0 : i32
        %dma_wait3A_955 = arith.constant 0 : i32
        %dma_wait3A_956 = tpu.memref_slice %arg11[%dma_wait3A_954, %dma_wait3A_955] : memref<10000x128xf32, #tpu.memory_space<vmem_shared>> -> memref<10000x128xf32, #tpu.memory_space<vmem_shared>>
        tpu.wait_indirect_dma semaphore(%arg16 : memref<!tpu.dma_semaphore, #tpu.memory_space<semaphore_mem>>) src(%dma_wait3A_950 : memref<125x128xf32, #tpu.memory_space<vmem>>) dst(%dma_wait3A_956 : memref<10000x128xf32, #tpu.memory_space<vmem_shared>>)
      } else {
      }
      %add3A_884 = arith.constant 1 : i32
      %add3A_885 = arith.addi %mul3A_851, %add3A_884 : i32
      %dma_start3A_886 = arith.constant 1 : i32
      %dma_start3A_887 = arith.constant 0 : i32
      %dma_start3A_888 = arith.constant 0 : i32
      %dma_start3A_889 = tpu.memref_slice %arg8[%dma_start3A_886, %dma_start3A_887, %dma_start3A_888] : memref<2x125x128xf32, #tpu.memory_space<vmem>> -> memref<1x125x128xf32, #tpu.memory_space<vmem>>
      %dma_start3A_890 = tpu.memref_squeeze %dma_start3A_889 : memref<1x125x128xf32, #tpu.memory_space<vmem>> -> memref<125x128xf32, #tpu.memory_space<vmem>>
      %dma_start3A_891 = arith.constant 0 : i32
      %dma_start3A_892 = tpu.memref_slice %arg6[%add3A_885, %dma_start3A_891] : memref<16x125xi32, #tpu.memory_space<vmem>> -> memref<1x125xi32, #tpu.memory_space<vmem>>
      %dma_start3A_893 = tpu.memref_squeeze %dma_start3A_892 : memref<1x125xi32, #tpu.memory_space<vmem>> -> memref<125xi32, #tpu.memory_space<vmem>>
      %dma_start3A_894 = arith.constant 0 : i32
      %dma_start3A_895 = arith.constant 0 : i32
      %dma_start3A_896 = tpu.memref_slice %arg2[%dma_start3A_894, %dma_start3A_895] : memref<10000x128xf32, #tpu.memory_space<hbm>> -> memref<10000x128xf32, #tpu.memory_space<hbm>>
      tpu.enqueue_indirect_dma source(%dma_start3A_896 : memref<10000x128xf32, #tpu.memory_space<hbm>>) target(%dma_start3A_890 : memref<125x128xf32, #tpu.memory_space<vmem>>) offsets(%dma_start3A_893 : memref<125xi32, #tpu.memory_space<vmem>>) semaphore(%arg13 : memref<!tpu.dma_semaphore, #tpu.memory_space<semaphore_mem>>)
      %add3A_897 = arith.constant 1 : i32
      %add3A_898 = arith.addi %mul3A_851, %add3A_897 : i32
      %dma_wait3A_899 = arith.constant 1 : i32
      %dma_wait3A_900 = arith.constant 0 : i32
      %dma_wait3A_901 = arith.constant 0 : i32
      %dma_wait3A_902 = tpu.memref_slice %arg8[%dma_wait3A_899, %dma_wait3A_900, %dma_wait3A_901] : memref<2x125x128xf32, #tpu.memory_space<vmem>> -> memref<1x125x128xf32, #tpu.memory_space<vmem>>
      %dma_wait3A_903 = tpu.memref_squeeze %dma_wait3A_902 : memref<1x125x128xf32, #tpu.memory_space<vmem>> -> memref<125x128xf32, #tpu.memory_space<vmem>>
      %dma_wait3A_904 = arith.constant 0 : i32
      %dma_wait3A_905 = tpu.memref_slice %arg6[%add3A_898, %dma_wait3A_904] : memref<16x125xi32, #tpu.memory_space<vmem>> -> memref<1x125xi32, #tpu.memory_space<vmem>>
      %dma_wait3A_906 = tpu.memref_squeeze %dma_wait3A_905 : memref<1x125xi32, #tpu.memory_space<vmem>> -> memref<125xi32, #tpu.memory_space<vmem>>
      %dma_wait3A_907 = arith.constant 0 : i32
      %dma_wait3A_908 = arith.constant 0 : i32
      %dma_wait3A_909 = tpu.memref_slice %arg2[%dma_wait3A_907, %dma_wait3A_908] : memref<10000x128xf32, #tpu.memory_space<hbm>> -> memref<10000x128xf32, #tpu.memory_space<hbm>>
      tpu.wait_indirect_dma semaphore(%arg13 : memref<!tpu.dma_semaphore, #tpu.memory_space<semaphore_mem>>) src(%dma_wait3A_909 : memref<10000x128xf32, #tpu.memory_space<hbm>>) dst(%dma_wait3A_903 : memref<125x128xf32, #tpu.memory_space<vmem>>)
      %dma_start3A_910 = arith.constant 1 : i32
      %dma_start3A_911 = arith.constant 0 : i32
      %dma_start3A_912 = arith.constant 0 : i32
      %dma_start3A_913 = tpu.memref_slice %arg8[%dma_start3A_910, %dma_start3A_911, %dma_start3A_912] : memref<2x125x128xf32, #tpu.memory_space<vmem>> -> memref<1x125x128xf32, #tpu.memory_space<vmem>>
      %dma_start3A_914 = tpu.memref_squeeze %dma_start3A_913 : memref<1x125x128xf32, #tpu.memory_space<vmem>> -> memref<125x128xf32, #tpu.memory_space<vmem>>
      %dma_start3A_915 = arith.constant 0 : i32
      %dma_start3A_916 = tpu.memref_slice %arg7[%add3A_898, %dma_start3A_915] : memref<16x125xi32, #tpu.memory_space<vmem>> -> memref<1x125xi32, #tpu.memory_space<vmem>>
      %dma_start3A_917 = tpu.memref_squeeze %dma_start3A_916 : memref<1x125xi32, #tpu.memory_space<vmem>> -> memref<125xi32, #tpu.memory_space<vmem>>
      %dma_start3A_918 = arith.constant 0 : i32
      %dma_start3A_919 = arith.constant 0 : i32
      %dma_start3A_920 = tpu.memref_slice %arg11[%dma_start3A_918, %dma_start3A_919] : memref<10000x128xf32, #tpu.memory_space<vmem_shared>> -> memref<10000x128xf32, #tpu.memory_space<vmem_shared>>
      tpu.enqueue_indirect_dma source(%dma_start3A_914 : memref<125x128xf32, #tpu.memory_space<vmem>>) target(%dma_start3A_920 : memref<10000x128xf32, #tpu.memory_space<vmem_shared>>) offsets(%dma_start3A_917 : memref<125xi32, #tpu.memory_space<vmem>>) semaphore(%arg16 : memref<!tpu.dma_semaphore, #tpu.memory_space<semaphore_mem>>) {add = true}
      %dma_start3A_921 = arith.constant 0 : i32
      %dma_start3A_922 = tpu.memref_slice %arg7[%add3A_898, %dma_start3A_921] : memref<16x125xi32, #tpu.memory_space<vmem>> -> memref<1x125xi32, #tpu.memory_space<vmem>>
      %dma_start3A_923 = tpu.memref_squeeze %dma_start3A_922 : memref<1x125xi32, #tpu.memory_space<vmem>> -> memref<125xi32, #tpu.memory_space<vmem>>
      %dma_start3A_924 = arith.constant 0 : i32
      %dma_start3A_925 = arith.constant 0 : i32
      %dma_start3A_926 = tpu.memref_slice %arg12[%dma_start3A_924, %dma_start3A_925] : memref<10000x16xf32, #tpu.memory_space<vmem_shared>> -> memref<10000x16xf32, #tpu.memory_space<vmem_shared>>
      tpu.enqueue_indirect_dma source(%arg9 : memref<125x16xf32, #tpu.memory_space<vmem>>) target(%dma_start3A_926 : memref<10000x16xf32, #tpu.memory_space<vmem_shared>>) offsets(%dma_start3A_923 : memref<125xi32, #tpu.memory_space<vmem>>) semaphore(%arg14 : memref<!tpu.dma_semaphore, #tpu.memory_space<semaphore_mem>>) {add = true}
      %dma_wait3A_927 = arith.constant 0 : i32
      %dma_wait3A_928 = arith.constant 0 : i32
      %dma_wait3A_929 = arith.constant 0 : i32
      %dma_wait3A_930 = tpu.memref_slice %arg8[%dma_wait3A_927, %dma_wait3A_928, %dma_wait3A_929] : memref<2x125x128xf32, #tpu.memory_space<vmem>> -> memref<1x125x128xf32, #tpu.memory_space<vmem>>
      %dma_wait3A_931 = tpu.memref_squeeze %dma_wait3A_930 : memref<1x125x128xf32, #tpu.memory_space<vmem>> -> memref<125x128xf32, #tpu.memory_space<vmem>>
      %dma_wait3A_932 = arith.constant 0 : i32
      %dma_wait3A_933 = tpu.memref_slice %arg7[%mul3A_851, %dma_wait3A_932] : memref<16x125xi32, #tpu.memory_space<vmem>> -> memref<1x125xi32, #tpu.memory_space<vmem>>
      %dma_wait3A_934 = tpu.memref_squeeze %dma_wait3A_933 : memref<1x125xi32, #tpu.memory_space<vmem>> -> memref<125xi32, #tpu.memory_space<vmem>>
      %dma_wait3A_935 = arith.constant 0 : i32
      %dma_wait3A_936 = arith.constant 0 : i32
      %dma_wait3A_937 = tpu.memref_slice %arg11[%dma_wait3A_935, %dma_wait3A_936] : memref<10000x128xf32, #tpu.memory_space<vmem_shared>> -> memref<10000x128xf32, #tpu.memory_space<vmem_shared>>
      tpu.wait_indirect_dma semaphore(%arg15 : memref<!tpu.dma_semaphore, #tpu.memory_space<semaphore_mem>>) src(%dma_wait3A_931 : memref<125x128xf32, #tpu.memory_space<vmem>>) dst(%dma_wait3A_937 : memref<10000x128xf32, #tpu.memory_space<vmem_shared>>)
      %add3A_938 = arith.constant 1 : i32
      %add3A_939 = arith.addi %add3A_898, %add3A_938 : i32
      %lt3A_940 = arith.constant 16 : i32
      %lt3A_941 = arith.cmpi slt, %add3A_939, %lt3A_940 : i32
      %convert_element_type3A_942 = arith.extui %lt3A_941 : i1 to i32
      %cond3A_943 = arith.constant 0 : i32
      %cond3A_944 = arith.cmpi ne, %convert_element_type3A_942, %cond3A_943 : i32
      scf.if %cond3A_944 {
        %add3A_945 = arith.constant 1 : i32
        %add3A_946 = arith.addi %add3A_898, %add3A_945 : i32
        %dma_start3A_947 = arith.constant 0 : i32
        %dma_start3A_948 = arith.constant 0 : i32
        %dma_start3A_949 = arith.constant 0 : i32
        %dma_start3A_950 = tpu.memref_slice %arg8[%dma_start3A_947, %dma_start3A_948, %dma_start3A_949] : memref<2x125x128xf32, #tpu.memory_space<vmem>> -> memref<1x125x128xf32, #tpu.memory_space<vmem>>
        %dma_start3A_951 = tpu.memref_squeeze %dma_start3A_950 : memref<1x125x128xf32, #tpu.memory_space<vmem>> -> memref<125x128xf32, #tpu.memory_space<vmem>>
        %dma_start3A_952 = arith.constant 0 : i32
        %dma_start3A_953 = tpu.memref_slice %arg6[%add3A_946, %dma_start3A_952] : memref<16x125xi32, #tpu.memory_space<vmem>> -> memref<1x125xi32, #tpu.memory_space<vmem>>
        %dma_start3A_954 = tpu.memref_squeeze %dma_start3A_953 : memref<1x125xi32, #tpu.memory_space<vmem>> -> memref<125xi32, #tpu.memory_space<vmem>>
        %dma_start3A_955 = arith.constant 0 : i32
        %dma_start3A_956 = arith.constant 0 : i32
        %dma_start3A_957 = tpu.memref_slice %arg2[%dma_start3A_955, %dma_start3A_956] : memref<10000x128xf32, #tpu.memory_space<hbm>> -> memref<10000x128xf32, #tpu.memory_space<hbm>>
        tpu.enqueue_indirect_dma source(%dma_start3A_957 : memref<10000x128xf32, #tpu.memory_space<hbm>>) target(%dma_start3A_951 : memref<125x128xf32, #tpu.memory_space<vmem>>) offsets(%dma_start3A_954 : memref<125xi32, #tpu.memory_space<vmem>>) semaphore(%arg13 : memref<!tpu.dma_semaphore, #tpu.memory_space<semaphore_mem>>)
      } else {
      }
    }
    %scan3A_228 = arith.constant 8 : i32
    %dma_wait3A_229 = arith.constant 1 : i32
    %dma_wait3A_230 = arith.constant 15 : i32
    %dma_wait3A_231 = arith.constant 0 : i32
    %dma_wait3A_232 = arith.constant 0 : i32
    %dma_wait3A_233 = tpu.memref_slice %arg8[%dma_wait3A_229, %dma_wait3A_231, %dma_wait3A_232] : memref<2x125x128xf32, #tpu.memory_space<vmem>> -> memref<1x125x128xf32, #tpu.memory_space<vmem>>
    %dma_wait3A_234 = tpu.memref_squeeze %dma_wait3A_233 : memref<1x125x128xf32, #tpu.memory_space<vmem>> -> memref<125x128xf32, #tpu.memory_space<vmem>>
    %dma_wait3A_235 = arith.constant 0 : i32
    %dma_wait3A_236 = tpu.memref_slice %arg7[%dma_wait3A_230, %dma_wait3A_235] : memref<16x125xi32, #tpu.memory_space<vmem>> -> memref<1x125xi32, #tpu.memory_space<vmem>>
    %dma_wait3A_237 = tpu.memref_squeeze %dma_wait3A_236 : memref<1x125xi32, #tpu.memory_space<vmem>> -> memref<125xi32, #tpu.memory_space<vmem>>
    %dma_wait3A_238 = arith.constant 0 : i32
    %dma_wait3A_239 = arith.constant 0 : i32
    %dma_wait3A_240 = tpu.memref_slice %arg11[%dma_wait3A_238, %dma_wait3A_239] : memref<10000x128xf32, #tpu.memory_space<vmem_shared>> -> memref<10000x128xf32, #tpu.memory_space<vmem_shared>>
    tpu.wait_indirect_dma semaphore(%arg16 : memref<!tpu.dma_semaphore, #tpu.memory_space<semaphore_mem>>) src(%dma_wait3A_234 : memref<125x128xf32, #tpu.memory_space<vmem>>) dst(%dma_wait3A_240 : memref<10000x128xf32, #tpu.memory_space<vmem_shared>>)
    %dma_wait3A_241 = arith.constant 0 : i32
    %dma_wait3A_242 = arith.constant 0 : i32
    %dma_wait3A_243 = tpu.memref_slice %arg7[%dma_wait3A_241, %dma_wait3A_242] : memref<16x125xi32, #tpu.memory_space<vmem>> -> memref<1x125xi32, #tpu.memory_space<vmem>>
    %dma_wait3A_244 = tpu.memref_squeeze %dma_wait3A_243 : memref<1x125xi32, #tpu.memory_space<vmem>> -> memref<125xi32, #tpu.memory_space<vmem>>
    %dma_wait3A_245 = arith.constant 0 : i32
    %dma_wait3A_246 = arith.constant 0 : i32
    %dma_wait3A_247 = tpu.memref_slice %arg12[%dma_wait3A_245, %dma_wait3A_246] : memref<10000x16xf32, #tpu.memory_space<vmem_shared>> -> memref<10000x16xf32, #tpu.memory_space<vmem_shared>>
    tpu.wait_indirect_dma semaphore(%arg14 : memref<!tpu.dma_semaphore, #tpu.memory_space<semaphore_mem>>) src(%arg9 : memref<125x16xf32, #tpu.memory_space<vmem>>) dst(%dma_wait3A_247 : memref<10000x16xf32, #tpu.memory_space<vmem_shared>>)
    %dma_wait3A_248 = arith.constant 0 : i32
    %dma_wait3A_249 = arith.constant 0 : i32
    %dma_wait3A_250 = tpu.memref_slice %arg7[%dma_wait3A_248, %dma_wait3A_249] : memref<16x125xi32, #tpu.memory_space<vmem>> -> memref<1x125xi32, #tpu.memory_space<vmem>>
    %dma_wait3A_251 = tpu.memref_squeeze %dma_wait3A_250 : memref<1x125xi32, #tpu.memory_space<vmem>> -> memref<125xi32, #tpu.memory_space<vmem>>
    %dma_wait3A_252 = arith.constant 0 : i32
    %dma_wait3A_253 = arith.constant 0 : i32
    %dma_wait3A_254 = tpu.memref_slice %arg12[%dma_wait3A_252, %dma_wait3A_253] : memref<10000x16xf32, #tpu.memory_space<vmem_shared>> -> memref<10000x16xf32, #tpu.memory_space<vmem_shared>>
    tpu.wait_indirect_dma semaphore(%arg14 : memref<!tpu.dma_semaphore, #tpu.memory_space<semaphore_mem>>) src(%arg9 : memref<125x16xf32, #tpu.memory_space<vmem>>) dst(%dma_wait3A_254 : memref<10000x16xf32, #tpu.memory_space<vmem_shared>>)
    %dma_wait3A_255 = arith.constant 0 : i32
    %dma_wait3A_256 = arith.constant 0 : i32
    %dma_wait3A_257 = tpu.memref_slice %arg7[%dma_wait3A_255, %dma_wait3A_256] : memref<16x125xi32, #tpu.memory_space<vmem>> -> memref<1x125xi32, #tpu.memory_space<vmem>>
    %dma_wait3A_258 = tpu.memref_squeeze %dma_wait3A_257 : memref<1x125xi32, #tpu.memory_space<vmem>> -> memref<125xi32, #tpu.memory_space<vmem>>
    %dma_wait3A_259 = arith.constant 0 : i32
    %dma_wait3A_260 = arith.constant 0 : i32
    %dma_wait3A_261 = tpu.memref_slice %arg12[%dma_wait3A_259, %dma_wait3A_260] : memref<10000x16xf32, #tpu.memory_space<vmem_shared>> -> memref<10000x16xf32, #tpu.memory_space<vmem_shared>>
    tpu.wait_indirect_dma semaphore(%arg14 : memref<!tpu.dma_semaphore, #tpu.memory_space<semaphore_mem>>) src(%arg9 : memref<125x16xf32, #tpu.memory_space<vmem>>) dst(%dma_wait3A_261 : memref<10000x16xf32, #tpu.memory_space<vmem_shared>>)
    %dma_wait3A_262 = arith.constant 0 : i32
    %dma_wait3A_263 = arith.constant 0 : i32
    %dma_wait3A_264 = tpu.memref_slice %arg7[%dma_wait3A_262, %dma_wait3A_263] : memref<16x125xi32, #tpu.memory_space<vmem>> -> memref<1x125xi32, #tpu.memory_space<vmem>>
    %dma_wait3A_265 = tpu.memref_squeeze %dma_wait3A_264 : memref<1x125xi32, #tpu.memory_space<vmem>> -> memref<125xi32, #tpu.memory_space<vmem>>
    %dma_wait3A_266 = arith.constant 0 : i32
    %dma_wait3A_267 = arith.constant 0 : i32
    %dma_wait3A_268 = tpu.memref_slice %arg12[%dma_wait3A_266, %dma_wait3A_267] : memref<10000x16xf32, #tpu.memory_space<vmem_shared>> -> memref<10000x16xf32, #tpu.memory_space<vmem_shared>>
    tpu.wait_indirect_dma semaphore(%arg14 : memref<!tpu.dma_semaphore, #tpu.memory_space<semaphore_mem>>) src(%arg9 : memref<125x16xf32, #tpu.memory_space<vmem>>) dst(%dma_wait3A_268 : memref<10000x16xf32, #tpu.memory_space<vmem_shared>>)
    %dma_wait3A_269 = arith.constant 0 : i32
    %dma_wait3A_270 = arith.constant 0 : i32
    %dma_wait3A_271 = tpu.memref_slice %arg7[%dma_wait3A_269, %dma_wait3A_270] : memref<16x125xi32, #tpu.memory_space<vmem>> -> memref<1x125xi32, #tpu.memory_space<vmem>>
    %dma_wait3A_272 = tpu.memref_squeeze %dma_wait3A_271 : memref<1x125xi32, #tpu.memory_space<vmem>> -> memref<125xi32, #tpu.memory_space<vmem>>
    %dma_wait3A_273 = arith.constant 0 : i32
    %dma_wait3A_274 = arith.constant 0 : i32
    %dma_wait3A_275 = tpu.memref_slice %arg12[%dma_wait3A_273, %dma_wait3A_274] : memref<10000x16xf32, #tpu.memory_space<vmem_shared>> -> memref<10000x16xf32, #tpu.memory_space<vmem_shared>>
    tpu.wait_indirect_dma semaphore(%arg14 : memref<!tpu.dma_semaphore, #tpu.memory_space<semaphore_mem>>) src(%arg9 : memref<125x16xf32, #tpu.memory_space<vmem>>) dst(%dma_wait3A_275 : memref<10000x16xf32, #tpu.memory_space<vmem_shared>>)
    %dma_wait3A_276 = arith.constant 0 : i32
    %dma_wait3A_277 = arith.constant 0 : i32
    %dma_wait3A_278 = tpu.memref_slice %arg7[%dma_wait3A_276, %dma_wait3A_277] : memref<16x125xi32, #tpu.memory_space<vmem>> -> memref<1x125xi32, #tpu.memory_space<vmem>>
    %dma_wait3A_279 = tpu.memref_squeeze %dma_wait3A_278 : memref<1x125xi32, #tpu.memory_space<vmem>> -> memref<125xi32, #tpu.memory_space<vmem>>
    %dma_wait3A_280 = arith.constant 0 : i32
    %dma_wait3A_281 = arith.constant 0 : i32
    %dma_wait3A_282 = tpu.memref_slice %arg12[%dma_wait3A_280, %dma_wait3A_281] : memref<10000x16xf32, #tpu.memory_space<vmem_shared>> -> memref<10000x16xf32, #tpu.memory_space<vmem_shared>>
    tpu.wait_indirect_dma semaphore(%arg14 : memref<!tpu.dma_semaphore, #tpu.memory_space<semaphore_mem>>) src(%arg9 : memref<125x16xf32, #tpu.memory_space<vmem>>) dst(%dma_wait3A_282 : memref<10000x16xf32, #tpu.memory_space<vmem_shared>>)
    %dma_wait3A_283 = arith.constant 0 : i32
    %dma_wait3A_284 = arith.constant 0 : i32
    %dma_wait3A_285 = tpu.memref_slice %arg7[%dma_wait3A_283, %dma_wait3A_284] : memref<16x125xi32, #tpu.memory_space<vmem>> -> memref<1x125xi32, #tpu.memory_space<vmem>>
    %dma_wait3A_286 = tpu.memref_squeeze %dma_wait3A_285 : memref<1x125xi32, #tpu.memory_space<vmem>> -> memref<125xi32, #tpu.memory_space<vmem>>
    %dma_wait3A_287 = arith.constant 0 : i32
    %dma_wait3A_288 = arith.constant 0 : i32
    %dma_wait3A_289 = tpu.memref_slice %arg12[%dma_wait3A_287, %dma_wait3A_288] : memref<10000x16xf32, #tpu.memory_space<vmem_shared>> -> memref<10000x16xf32, #tpu.memory_space<vmem_shared>>
    tpu.wait_indirect_dma semaphore(%arg14 : memref<!tpu.dma_semaphore, #tpu.memory_space<semaphore_mem>>) src(%arg9 : memref<125x16xf32, #tpu.memory_space<vmem>>) dst(%dma_wait3A_289 : memref<10000x16xf32, #tpu.memory_space<vmem_shared>>)
    %dma_wait3A_290 = arith.constant 0 : i32
    %dma_wait3A_291 = arith.constant 0 : i32
    %dma_wait3A_292 = tpu.memref_slice %arg7[%dma_wait3A_290, %dma_wait3A_291] : memref<16x125xi32, #tpu.memory_space<vmem>> -> memref<1x125xi32, #tpu.memory_space<vmem>>
    %dma_wait3A_293 = tpu.memref_squeeze %dma_wait3A_292 : memref<1x125xi32, #tpu.memory_space<vmem>> -> memref<125xi32, #tpu.memory_space<vmem>>
    %dma_wait3A_294 = arith.constant 0 : i32
    %dma_wait3A_295 = arith.constant 0 : i32
    %dma_wait3A_296 = tpu.memref_slice %arg12[%dma_wait3A_294, %dma_wait3A_295] : memref<10000x16xf32, #tpu.memory_space<vmem_shared>> -> memref<10000x16xf32, #tpu.memory_space<vmem_shared>>
    tpu.wait_indirect_dma semaphore(%arg14 : memref<!tpu.dma_semaphore, #tpu.memory_space<semaphore_mem>>) src(%arg9 : memref<125x16xf32, #tpu.memory_space<vmem>>) dst(%dma_wait3A_296 : memref<10000x16xf32, #tpu.memory_space<vmem_shared>>)
    %dma_wait3A_297 = arith.constant 0 : i32
    %dma_wait3A_298 = arith.constant 0 : i32
    %dma_wait3A_299 = tpu.memref_slice %arg7[%dma_wait3A_297, %dma_wait3A_298] : memref<16x125xi32, #tpu.memory_space<vmem>> -> memref<1x125xi32, #tpu.memory_space<vmem>>
    %dma_wait3A_300 = tpu.memref_squeeze %dma_wait3A_299 : memref<1x125xi32, #tpu.memory_space<vmem>> -> memref<125xi32, #tpu.memory_space<vmem>>
    %dma_wait3A_301 = arith.constant 0 : i32
    %dma_wait3A_302 = arith.constant 0 : i32
    %dma_wait3A_303 = tpu.memref_slice %arg12[%dma_wait3A_301, %dma_wait3A_302] : memref<10000x16xf32, #tpu.memory_space<vmem_shared>> -> memref<10000x16xf32, #tpu.memory_space<vmem_shared>>
    tpu.wait_indirect_dma semaphore(%arg14 : memref<!tpu.dma_semaphore, #tpu.memory_space<semaphore_mem>>) src(%arg9 : memref<125x16xf32, #tpu.memory_space<vmem>>) dst(%dma_wait3A_303 : memref<10000x16xf32, #tpu.memory_space<vmem_shared>>)
    %dma_wait3A_304 = arith.constant 0 : i32
    %dma_wait3A_305 = arith.constant 0 : i32
    %dma_wait3A_306 = tpu.memref_slice %arg7[%dma_wait3A_304, %dma_wait3A_305] : memref<16x125xi32, #tpu.memory_space<vmem>> -> memref<1x125xi32, #tpu.memory_space<vmem>>
    %dma_wait3A_307 = tpu.memref_squeeze %dma_wait3A_306 : memref<1x125xi32, #tpu.memory_space<vmem>> -> memref<125xi32, #tpu.memory_space<vmem>>
    %dma_wait3A_308 = arith.constant 0 : i32
    %dma_wait3A_309 = arith.constant 0 : i32
    %dma_wait3A_310 = tpu.memref_slice %arg12[%dma_wait3A_308, %dma_wait3A_309] : memref<10000x16xf32, #tpu.memory_space<vmem_shared>> -> memref<10000x16xf32, #tpu.memory_space<vmem_shared>>
    tpu.wait_indirect_dma semaphore(%arg14 : memref<!tpu.dma_semaphore, #tpu.memory_space<semaphore_mem>>) src(%arg9 : memref<125x16xf32, #tpu.memory_space<vmem>>) dst(%dma_wait3A_310 : memref<10000x16xf32, #tpu.memory_space<vmem_shared>>)
    %dma_wait3A_311 = arith.constant 0 : i32
    %dma_wait3A_312 = arith.constant 0 : i32
    %dma_wait3A_313 = tpu.memref_slice %arg7[%dma_wait3A_311, %dma_wait3A_312] : memref<16x125xi32, #tpu.memory_space<vmem>> -> memref<1x125xi32, #tpu.memory_space<vmem>>
    %dma_wait3A_314 = tpu.memref_squeeze %dma_wait3A_313 : memref<1x125xi32, #tpu.memory_space<vmem>> -> memref<125xi32, #tpu.memory_space<vmem>>
    %dma_wait3A_315 = arith.constant 0 : i32
    %dma_wait3A_316 = arith.constant 0 : i32
    %dma_wait3A_317 = tpu.memref_slice %arg12[%dma_wait3A_315, %dma_wait3A_316] : memref<10000x16xf32, #tpu.memory_space<vmem_shared>> -> memref<10000x16xf32, #tpu.memory_space<vmem_shared>>
    tpu.wait_indirect_dma semaphore(%arg14 : memref<!tpu.dma_semaphore, #tpu.memory_space<semaphore_mem>>) src(%arg9 : memref<125x16xf32, #tpu.memory_space<vmem>>) dst(%dma_wait3A_317 : memref<10000x16xf32, #tpu.memory_space<vmem_shared>>)
    %dma_wait3A_318 = arith.constant 0 : i32
    %dma_wait3A_319 = arith.constant 0 : i32
    %dma_wait3A_320 = tpu.memref_slice %arg7[%dma_wait3A_318, %dma_wait3A_319] : memref<16x125xi32, #tpu.memory_space<vmem>> -> memref<1x125xi32, #tpu.memory_space<vmem>>
    %dma_wait3A_321 = tpu.memref_squeeze %dma_wait3A_320 : memref<1x125xi32, #tpu.memory_space<vmem>> -> memref<125xi32, #tpu.memory_space<vmem>>
    %dma_wait3A_322 = arith.constant 0 : i32
    %dma_wait3A_323 = arith.constant 0 : i32
    %dma_wait3A_324 = tpu.memref_slice %arg12[%dma_wait3A_322, %dma_wait3A_323] : memref<10000x16xf32, #tpu.memory_space<vmem_shared>> -> memref<10000x16xf32, #tpu.memory_space<vmem_shared>>
    tpu.wait_indirect_dma semaphore(%arg14 : memref<!tpu.dma_semaphore, #tpu.memory_space<semaphore_mem>>) src(%arg9 : memref<125x16xf32, #tpu.memory_space<vmem>>) dst(%dma_wait3A_324 : memref<10000x16xf32, #tpu.memory_space<vmem_shared>>)
    %dma_wait3A_325 = arith.constant 0 : i32
    %dma_wait3A_326 = arith.constant 0 : i32
    %dma_wait3A_327 = tpu.memref_slice %arg7[%dma_wait3A_325, %dma_wait3A_326] : memref<16x125xi32, #tpu.memory_space<vmem>> -> memref<1x125xi32, #tpu.memory_space<vmem>>
    %dma_wait3A_328 = tpu.memref_squeeze %dma_wait3A_327 : memref<1x125xi32, #tpu.memory_space<vmem>> -> memref<125xi32, #tpu.memory_space<vmem>>
    %dma_wait3A_329 = arith.constant 0 : i32
    %dma_wait3A_330 = arith.constant 0 : i32
    %dma_wait3A_331 = tpu.memref_slice %arg12[%dma_wait3A_329, %dma_wait3A_330] : memref<10000x16xf32, #tpu.memory_space<vmem_shared>> -> memref<10000x16xf32, #tpu.memory_space<vmem_shared>>
    tpu.wait_indirect_dma semaphore(%arg14 : memref<!tpu.dma_semaphore, #tpu.memory_space<semaphore_mem>>) src(%arg9 : memref<125x16xf32, #tpu.memory_space<vmem>>) dst(%dma_wait3A_331 : memref<10000x16xf32, #tpu.memory_space<vmem_shared>>)
    %dma_wait3A_332 = arith.constant 0 : i32
    %dma_wait3A_333 = arith.constant 0 : i32
    %dma_wait3A_334 = tpu.memref_slice %arg7[%dma_wait3A_332, %dma_wait3A_333] : memref<16x125xi32, #tpu.memory_space<vmem>> -> memref<1x125xi32, #tpu.memory_space<vmem>>
    %dma_wait3A_335 = tpu.memref_squeeze %dma_wait3A_334 : memref<1x125xi32, #tpu.memory_space<vmem>> -> memref<125xi32, #tpu.memory_space<vmem>>
    %dma_wait3A_336 = arith.constant 0 : i32
    %dma_wait3A_337 = arith.constant 0 : i32
    %dma_wait3A_338 = tpu.memref_slice %arg12[%dma_wait3A_336, %dma_wait3A_337] : memref<10000x16xf32, #tpu.memory_space<vmem_shared>> -> memref<10000x16xf32, #tpu.memory_space<vmem_shared>>
    tpu.wait_indirect_dma semaphore(%arg14 : memref<!tpu.dma_semaphore, #tpu.memory_space<semaphore_mem>>) src(%arg9 : memref<125x16xf32, #tpu.memory_space<vmem>>) dst(%dma_wait3A_338 : memref<10000x16xf32, #tpu.memory_space<vmem_shared>>)
    %dma_wait3A_339 = arith.constant 0 : i32
    %dma_wait3A_340 = arith.constant 0 : i32
    %dma_wait3A_341 = tpu.memref_slice %arg7[%dma_wait3A_339, %dma_wait3A_340] : memref<16x125xi32, #tpu.memory_space<vmem>> -> memref<1x125xi32, #tpu.memory_space<vmem>>
    %dma_wait3A_342 = tpu.memref_squeeze %dma_wait3A_341 : memref<1x125xi32, #tpu.memory_space<vmem>> -> memref<125xi32, #tpu.memory_space<vmem>>
    %dma_wait3A_343 = arith.constant 0 : i32
    %dma_wait3A_344 = arith.constant 0 : i32
    %dma_wait3A_345 = tpu.memref_slice %arg12[%dma_wait3A_343, %dma_wait3A_344] : memref<10000x16xf32, #tpu.memory_space<vmem_shared>> -> memref<10000x16xf32, #tpu.memory_space<vmem_shared>>
    tpu.wait_indirect_dma semaphore(%arg14 : memref<!tpu.dma_semaphore, #tpu.memory_space<semaphore_mem>>) src(%arg9 : memref<125x16xf32, #tpu.memory_space<vmem>>) dst(%dma_wait3A_345 : memref<10000x16xf32, #tpu.memory_space<vmem_shared>>)
    %dma_wait3A_346 = arith.constant 0 : i32
    %dma_wait3A_347 = arith.constant 0 : i32
    %dma_wait3A_348 = tpu.memref_slice %arg7[%dma_wait3A_346, %dma_wait3A_347] : memref<16x125xi32, #tpu.memory_space<vmem>> -> memref<1x125xi32, #tpu.memory_space<vmem>>
    %dma_wait3A_349 = tpu.memref_squeeze %dma_wait3A_348 : memref<1x125xi32, #tpu.memory_space<vmem>> -> memref<125xi32, #tpu.memory_space<vmem>>
    %dma_wait3A_350 = arith.constant 0 : i32
    %dma_wait3A_351 = arith.constant 0 : i32
    %dma_wait3A_352 = tpu.memref_slice %arg12[%dma_wait3A_350, %dma_wait3A_351] : memref<10000x16xf32, #tpu.memory_space<vmem_shared>> -> memref<10000x16xf32, #tpu.memory_space<vmem_shared>>
    tpu.wait_indirect_dma semaphore(%arg14 : memref<!tpu.dma_semaphore, #tpu.memory_space<semaphore_mem>>) src(%arg9 : memref<125x16xf32, #tpu.memory_space<vmem>>) dst(%dma_wait3A_352 : memref<10000x16xf32, #tpu.memory_space<vmem_shared>>)
    %run_scoped3A_353 = arith.constant 0 : i32
    %run_scoped3A_354 = arith.constant 2 : i32
    "tpu.region"() ({
      %run_scoped3A_845 = tpu.sem_alloc : memref<!tpu.dma_semaphore, #tpu.memory_space<semaphore_mem>>
      %dma_start3A_846 = arith.constant 0 : i32
      %dma_start3A_847 = arith.constant 0 : i32
      %dma_start3A_848 = tpu.memref_slice %arg3[%run_scoped3A_353, %add3A, %run_scoped3A_354, %dma_start3A_846, %dma_start3A_847] : memref<2x32x5x16x125xi32, #tpu.memory_space<hbm>> -> memref<1x1x1x16x125xi32, #tpu.memory_space<hbm>>
      %dma_start3A_849 = tpu.memref_squeeze %dma_start3A_848 : memref<1x1x1x16x125xi32, #tpu.memory_space<hbm>> -> memref<16x125xi32, #tpu.memory_space<hbm>>
      %dma_start3A_850 = arith.constant 0 : i32
      %dma_start3A_851 = arith.constant 0 : i32
      %dma_start3A_852 = tpu.memref_slice %arg3[%run_scoped3A_353, %add3A, %run_scoped3A_354, %dma_start3A_850, %dma_start3A_851] : memref<2x32x5x16x125xi32, #tpu.memory_space<hbm>> -> memref<1x1x1x16x125xi32, #tpu.memory_space<hbm>>
      %dma_start3A_853 = tpu.memref_squeeze %dma_start3A_852 : memref<1x1x1x16x125xi32, #tpu.memory_space<hbm>> -> memref<16x125xi32, #tpu.memory_space<hbm>>
      tpu.enqueue_dma source(%dma_start3A_853 : memref<16x125xi32, #tpu.memory_space<hbm>>) target(%arg6 : memref<16x125xi32, #tpu.memory_space<vmem>>) target_semaphore(%run_scoped3A_845 : memref<!tpu.dma_semaphore, #tpu.memory_space<semaphore_mem>>)
      %dma_wait3A_854 = arith.constant 0 : i32
      %dma_wait3A_855 = arith.constant 0 : i32
      %dma_wait3A_856 = tpu.memref_slice %arg3[%run_scoped3A_353, %add3A, %run_scoped3A_354, %dma_wait3A_854, %dma_wait3A_855] : memref<2x32x5x16x125xi32, #tpu.memory_space<hbm>> -> memref<1x1x1x16x125xi32, #tpu.memory_space<hbm>>
      %dma_wait3A_857 = tpu.memref_squeeze %dma_wait3A_856 : memref<1x1x1x16x125xi32, #tpu.memory_space<hbm>> -> memref<16x125xi32, #tpu.memory_space<hbm>>
      %dma_wait3A_858 = arith.constant 0 : i32
      %dma_wait3A_859 = arith.constant 0 : i32
      %dma_wait3A_860 = tpu.memref_slice %arg3[%run_scoped3A_353, %add3A, %run_scoped3A_354, %dma_wait3A_858, %dma_wait3A_859] : memref<2x32x5x16x125xi32, #tpu.memory_space<hbm>> -> memref<1x1x1x16x125xi32, #tpu.memory_space<hbm>>
      %dma_wait3A_861 = tpu.memref_squeeze %dma_wait3A_860 : memref<1x1x1x16x125xi32, #tpu.memory_space<hbm>> -> memref<16x125xi32, #tpu.memory_space<hbm>>
      tpu.wait_dma2 semaphore(%run_scoped3A_845 : memref<!tpu.dma_semaphore, #tpu.memory_space<semaphore_mem>>) src(%dma_wait3A_861 : memref<16x125xi32, #tpu.memory_space<hbm>>) dst(%arg6 : memref<16x125xi32, #tpu.memory_space<vmem>>)
      tpu.yield
    }) : () -> ()
    %run_scoped3A_355 = arith.constant 1 : i32
    %run_scoped3A_356 = arith.constant 2 : i32
    "tpu.region"() ({
      %run_scoped3A_845 = tpu.sem_alloc : memref<!tpu.dma_semaphore, #tpu.memory_space<semaphore_mem>>
      %dma_start3A_846 = arith.constant 0 : i32
      %dma_start3A_847 = arith.constant 0 : i32
      %dma_start3A_848 = tpu.memref_slice %arg3[%run_scoped3A_355, %add3A, %run_scoped3A_356, %dma_start3A_846, %dma_start3A_847] : memref<2x32x5x16x125xi32, #tpu.memory_space<hbm>> -> memref<1x1x1x16x125xi32, #tpu.memory_space<hbm>>
      %dma_start3A_849 = tpu.memref_squeeze %dma_start3A_848 : memref<1x1x1x16x125xi32, #tpu.memory_space<hbm>> -> memref<16x125xi32, #tpu.memory_space<hbm>>
      %dma_start3A_850 = arith.constant 0 : i32
      %dma_start3A_851 = arith.constant 0 : i32
      %dma_start3A_852 = tpu.memref_slice %arg3[%run_scoped3A_355, %add3A, %run_scoped3A_356, %dma_start3A_850, %dma_start3A_851] : memref<2x32x5x16x125xi32, #tpu.memory_space<hbm>> -> memref<1x1x1x16x125xi32, #tpu.memory_space<hbm>>
      %dma_start3A_853 = tpu.memref_squeeze %dma_start3A_852 : memref<1x1x1x16x125xi32, #tpu.memory_space<hbm>> -> memref<16x125xi32, #tpu.memory_space<hbm>>
      tpu.enqueue_dma source(%dma_start3A_853 : memref<16x125xi32, #tpu.memory_space<hbm>>) target(%arg7 : memref<16x125xi32, #tpu.memory_space<vmem>>) target_semaphore(%run_scoped3A_845 : memref<!tpu.dma_semaphore, #tpu.memory_space<semaphore_mem>>)
      %dma_wait3A_854 = arith.constant 0 : i32
      %dma_wait3A_855 = arith.constant 0 : i32
      %dma_wait3A_856 = tpu.memref_slice %arg3[%run_scoped3A_355, %add3A, %run_scoped3A_356, %dma_wait3A_854, %dma_wait3A_855] : memref<2x32x5x16x125xi32, #tpu.memory_space<hbm>> -> memref<1x1x1x16x125xi32, #tpu.memory_space<hbm>>
      %dma_wait3A_857 = tpu.memref_squeeze %dma_wait3A_856 : memref<1x1x1x16x125xi32, #tpu.memory_space<hbm>> -> memref<16x125xi32, #tpu.memory_space<hbm>>
      %dma_wait3A_858 = arith.constant 0 : i32
      %dma_wait3A_859 = arith.constant 0 : i32
      %dma_wait3A_860 = tpu.memref_slice %arg3[%run_scoped3A_355, %add3A, %run_scoped3A_356, %dma_wait3A_858, %dma_wait3A_859] : memref<2x32x5x16x125xi32, #tpu.memory_space<hbm>> -> memref<1x1x1x16x125xi32, #tpu.memory_space<hbm>>
      %dma_wait3A_861 = tpu.memref_squeeze %dma_wait3A_860 : memref<1x1x1x16x125xi32, #tpu.memory_space<hbm>> -> memref<16x125xi32, #tpu.memory_space<hbm>>
      tpu.wait_dma2 semaphore(%run_scoped3A_845 : memref<!tpu.dma_semaphore, #tpu.memory_space<semaphore_mem>>) src(%dma_wait3A_861 : memref<16x125xi32, #tpu.memory_space<hbm>>) dst(%arg7 : memref<16x125xi32, #tpu.memory_space<vmem>>)
      tpu.yield
    }) : () -> ()
    %dma_start3A_357 = arith.constant 0 : i32
    %dma_start3A_358 = arith.constant 0 : i32
    %dma_start3A_359 = arith.constant 0 : i32
    %dma_start3A_360 = arith.constant 0 : i32
    %dma_start3A_361 = tpu.memref_slice %arg8[%dma_start3A_358, %dma_start3A_359, %dma_start3A_360] : memref<2x125x128xf32, #tpu.memory_space<vmem>> -> memref<1x125x128xf32, #tpu.memory_space<vmem>>
    %dma_start3A_362 = tpu.memref_squeeze %dma_start3A_361 : memref<1x125x128xf32, #tpu.memory_space<vmem>> -> memref<125x128xf32, #tpu.memory_space<vmem>>
    %dma_start3A_363 = arith.constant 0 : i32
    %dma_start3A_364 = tpu.memref_slice %arg6[%dma_start3A_357, %dma_start3A_363] : memref<16x125xi32, #tpu.memory_space<vmem>> -> memref<1x125xi32, #tpu.memory_space<vmem>>
    %dma_start3A_365 = tpu.memref_squeeze %dma_start3A_364 : memref<1x125xi32, #tpu.memory_space<vmem>> -> memref<125xi32, #tpu.memory_space<vmem>>
    %dma_start3A_366 = arith.constant 0 : i32
    %dma_start3A_367 = arith.constant 0 : i32
    %dma_start3A_368 = tpu.memref_slice %arg2[%dma_start3A_366, %dma_start3A_367] : memref<10000x128xf32, #tpu.memory_space<hbm>> -> memref<10000x128xf32, #tpu.memory_space<hbm>>
    tpu.enqueue_indirect_dma source(%dma_start3A_368 : memref<10000x128xf32, #tpu.memory_space<hbm>>) target(%dma_start3A_362 : memref<125x128xf32, #tpu.memory_space<vmem>>) offsets(%dma_start3A_365 : memref<125xi32, #tpu.memory_space<vmem>>) semaphore(%arg13 : memref<!tpu.dma_semaphore, #tpu.memory_space<semaphore_mem>>)
    %scan3A_369 = arith.constant 0 : i32
    %scan3A_370 = arith.constant 8 : i32
    %scan3A_371 = arith.addi %scan3A_369, %scan3A_370 : i32
    %scan3A_372 = arith.constant 1 : i32
    scf.for %scan3A_845 = %scan3A_369 to %scan3A_371 step %scan3A_372  : i32 {
      %mul3A_846 = arith.constant 1 : i32
      %mul3A_847 = arith.muli %scan3A_845, %mul3A_846 : i32
      %add3A_848 = arith.constant 0 : i32
      %add3A_849 = arith.addi %add3A_848, %mul3A_847 : i32
      %mul3A_850 = arith.constant 2 : i32
      %mul3A_851 = arith.muli %mul3A_850, %add3A_849 : i32
      %dma_wait3A_852 = arith.constant 0 : i32
      %dma_wait3A_853 = arith.constant 0 : i32
      %dma_wait3A_854 = arith.constant 0 : i32
      %dma_wait3A_855 = tpu.memref_slice %arg8[%dma_wait3A_852, %dma_wait3A_853, %dma_wait3A_854] : memref<2x125x128xf32, #tpu.memory_space<vmem>> -> memref<1x125x128xf32, #tpu.memory_space<vmem>>
      %dma_wait3A_856 = tpu.memref_squeeze %dma_wait3A_855 : memref<1x125x128xf32, #tpu.memory_space<vmem>> -> memref<125x128xf32, #tpu.memory_space<vmem>>
      %dma_wait3A_857 = arith.constant 0 : i32
      %dma_wait3A_858 = tpu.memref_slice %arg6[%mul3A_851, %dma_wait3A_857] : memref<16x125xi32, #tpu.memory_space<vmem>> -> memref<1x125xi32, #tpu.memory_space<vmem>>
      %dma_wait3A_859 = tpu.memref_squeeze %dma_wait3A_858 : memref<1x125xi32, #tpu.memory_space<vmem>> -> memref<125xi32, #tpu.memory_space<vmem>>
      %dma_wait3A_860 = arith.constant 0 : i32
      %dma_wait3A_861 = arith.constant 0 : i32
      %dma_wait3A_862 = tpu.memref_slice %arg2[%dma_wait3A_860, %dma_wait3A_861] : memref<10000x128xf32, #tpu.memory_space<hbm>> -> memref<10000x128xf32, #tpu.memory_space<hbm>>
      tpu.wait_indirect_dma semaphore(%arg13 : memref<!tpu.dma_semaphore, #tpu.memory_space<semaphore_mem>>) src(%dma_wait3A_862 : memref<10000x128xf32, #tpu.memory_space<hbm>>) dst(%dma_wait3A_856 : memref<125x128xf32, #tpu.memory_space<vmem>>)
      %dma_start3A_863 = arith.constant 0 : i32
      %dma_start3A_864 = arith.constant 0 : i32
      %dma_start3A_865 = arith.constant 0 : i32
      %dma_start3A_866 = tpu.memref_slice %arg8[%dma_start3A_863, %dma_start3A_864, %dma_start3A_865] : memref<2x125x128xf32, #tpu.memory_space<vmem>> -> memref<1x125x128xf32, #tpu.memory_space<vmem>>
      %dma_start3A_867 = tpu.memref_squeeze %dma_start3A_866 : memref<1x125x128xf32, #tpu.memory_space<vmem>> -> memref<125x128xf32, #tpu.memory_space<vmem>>
      %dma_start3A_868 = arith.constant 0 : i32
      %dma_start3A_869 = tpu.memref_slice %arg7[%mul3A_851, %dma_start3A_868] : memref<16x125xi32, #tpu.memory_space<vmem>> -> memref<1x125xi32, #tpu.memory_space<vmem>>
      %dma_start3A_870 = tpu.memref_squeeze %dma_start3A_869 : memref<1x125xi32, #tpu.memory_space<vmem>> -> memref<125xi32, #tpu.memory_space<vmem>>
      %dma_start3A_871 = arith.constant 0 : i32
      %dma_start3A_872 = arith.constant 0 : i32
      %dma_start3A_873 = tpu.memref_slice %arg11[%dma_start3A_871, %dma_start3A_872] : memref<10000x128xf32, #tpu.memory_space<vmem_shared>> -> memref<10000x128xf32, #tpu.memory_space<vmem_shared>>
      tpu.enqueue_indirect_dma source(%dma_start3A_867 : memref<125x128xf32, #tpu.memory_space<vmem>>) target(%dma_start3A_873 : memref<10000x128xf32, #tpu.memory_space<vmem_shared>>) offsets(%dma_start3A_870 : memref<125xi32, #tpu.memory_space<vmem>>) semaphore(%arg15 : memref<!tpu.dma_semaphore, #tpu.memory_space<semaphore_mem>>) {add = true}
      %dma_start3A_874 = arith.constant 0 : i32
      %dma_start3A_875 = tpu.memref_slice %arg7[%mul3A_851, %dma_start3A_874] : memref<16x125xi32, #tpu.memory_space<vmem>> -> memref<1x125xi32, #tpu.memory_space<vmem>>
      %dma_start3A_876 = tpu.memref_squeeze %dma_start3A_875 : memref<1x125xi32, #tpu.memory_space<vmem>> -> memref<125xi32, #tpu.memory_space<vmem>>
      %dma_start3A_877 = arith.constant 0 : i32
      %dma_start3A_878 = arith.constant 0 : i32
      %dma_start3A_879 = tpu.memref_slice %arg12[%dma_start3A_877, %dma_start3A_878] : memref<10000x16xf32, #tpu.memory_space<vmem_shared>> -> memref<10000x16xf32, #tpu.memory_space<vmem_shared>>
      tpu.enqueue_indirect_dma source(%arg9 : memref<125x16xf32, #tpu.memory_space<vmem>>) target(%dma_start3A_879 : memref<10000x16xf32, #tpu.memory_space<vmem_shared>>) offsets(%dma_start3A_876 : memref<125xi32, #tpu.memory_space<vmem>>) semaphore(%arg14 : memref<!tpu.dma_semaphore, #tpu.memory_space<semaphore_mem>>) {add = true}
      %gt3A = arith.constant 0 : i32
      %gt3A_880 = arith.cmpi sgt, %mul3A_851, %gt3A : i32
      %convert_element_type3A_881 = arith.extui %gt3A_880 : i1 to i32
      %cond3A_882 = arith.constant 0 : i32
      %cond3A_883 = arith.cmpi ne, %convert_element_type3A_881, %cond3A_882 : i32
      scf.if %cond3A_883 {
        %sub3A = arith.constant 1 : i32
        %sub3A_945 = arith.subi %mul3A_851, %sub3A : i32
        %dma_wait3A_946 = arith.constant 1 : i32
        %dma_wait3A_947 = arith.constant 0 : i32
        %dma_wait3A_948 = arith.constant 0 : i32
        %dma_wait3A_949 = tpu.memref_slice %arg8[%dma_wait3A_946, %dma_wait3A_947, %dma_wait3A_948] : memref<2x125x128xf32, #tpu.memory_space<vmem>> -> memref<1x125x128xf32, #tpu.memory_space<vmem>>
        %dma_wait3A_950 = tpu.memref_squeeze %dma_wait3A_949 : memref<1x125x128xf32, #tpu.memory_space<vmem>> -> memref<125x128xf32, #tpu.memory_space<vmem>>
        %dma_wait3A_951 = arith.constant 0 : i32
        %dma_wait3A_952 = tpu.memref_slice %arg7[%sub3A_945, %dma_wait3A_951] : memref<16x125xi32, #tpu.memory_space<vmem>> -> memref<1x125xi32, #tpu.memory_space<vmem>>
        %dma_wait3A_953 = tpu.memref_squeeze %dma_wait3A_952 : memref<1x125xi32, #tpu.memory_space<vmem>> -> memref<125xi32, #tpu.memory_space<vmem>>
        %dma_wait3A_954 = arith.constant 0 : i32
        %dma_wait3A_955 = arith.constant 0 : i32
        %dma_wait3A_956 = tpu.memref_slice %arg11[%dma_wait3A_954, %dma_wait3A_955] : memref<10000x128xf32, #tpu.memory_space<vmem_shared>> -> memref<10000x128xf32, #tpu.memory_space<vmem_shared>>
        tpu.wait_indirect_dma semaphore(%arg16 : memref<!tpu.dma_semaphore, #tpu.memory_space<semaphore_mem>>) src(%dma_wait3A_950 : memref<125x128xf32, #tpu.memory_space<vmem>>) dst(%dma_wait3A_956 : memref<10000x128xf32, #tpu.memory_space<vmem_shared>>)
      } else {
      }
      %add3A_884 = arith.constant 1 : i32
      %add3A_885 = arith.addi %mul3A_851, %add3A_884 : i32
      %dma_start3A_886 = arith.constant 1 : i32
      %dma_start3A_887 = arith.constant 0 : i32
      %dma_start3A_888 = arith.constant 0 : i32
      %dma_start3A_889 = tpu.memref_slice %arg8[%dma_start3A_886, %dma_start3A_887, %dma_start3A_888] : memref<2x125x128xf32, #tpu.memory_space<vmem>> -> memref<1x125x128xf32, #tpu.memory_space<vmem>>
      %dma_start3A_890 = tpu.memref_squeeze %dma_start3A_889 : memref<1x125x128xf32, #tpu.memory_space<vmem>> -> memref<125x128xf32, #tpu.memory_space<vmem>>
      %dma_start3A_891 = arith.constant 0 : i32
      %dma_start3A_892 = tpu.memref_slice %arg6[%add3A_885, %dma_start3A_891] : memref<16x125xi32, #tpu.memory_space<vmem>> -> memref<1x125xi32, #tpu.memory_space<vmem>>
      %dma_start3A_893 = tpu.memref_squeeze %dma_start3A_892 : memref<1x125xi32, #tpu.memory_space<vmem>> -> memref<125xi32, #tpu.memory_space<vmem>>
      %dma_start3A_894 = arith.constant 0 : i32
      %dma_start3A_895 = arith.constant 0 : i32
      %dma_start3A_896 = tpu.memref_slice %arg2[%dma_start3A_894, %dma_start3A_895] : memref<10000x128xf32, #tpu.memory_space<hbm>> -> memref<10000x128xf32, #tpu.memory_space<hbm>>
      tpu.enqueue_indirect_dma source(%dma_start3A_896 : memref<10000x128xf32, #tpu.memory_space<hbm>>) target(%dma_start3A_890 : memref<125x128xf32, #tpu.memory_space<vmem>>) offsets(%dma_start3A_893 : memref<125xi32, #tpu.memory_space<vmem>>) semaphore(%arg13 : memref<!tpu.dma_semaphore, #tpu.memory_space<semaphore_mem>>)
      %add3A_897 = arith.constant 1 : i32
      %add3A_898 = arith.addi %mul3A_851, %add3A_897 : i32
      %dma_wait3A_899 = arith.constant 1 : i32
      %dma_wait3A_900 = arith.constant 0 : i32
      %dma_wait3A_901 = arith.constant 0 : i32
      %dma_wait3A_902 = tpu.memref_slice %arg8[%dma_wait3A_899, %dma_wait3A_900, %dma_wait3A_901] : memref<2x125x128xf32, #tpu.memory_space<vmem>> -> memref<1x125x128xf32, #tpu.memory_space<vmem>>
      %dma_wait3A_903 = tpu.memref_squeeze %dma_wait3A_902 : memref<1x125x128xf32, #tpu.memory_space<vmem>> -> memref<125x128xf32, #tpu.memory_space<vmem>>
      %dma_wait3A_904 = arith.constant 0 : i32
      %dma_wait3A_905 = tpu.memref_slice %arg6[%add3A_898, %dma_wait3A_904] : memref<16x125xi32, #tpu.memory_space<vmem>> -> memref<1x125xi32, #tpu.memory_space<vmem>>
      %dma_wait3A_906 = tpu.memref_squeeze %dma_wait3A_905 : memref<1x125xi32, #tpu.memory_space<vmem>> -> memref<125xi32, #tpu.memory_space<vmem>>
      %dma_wait3A_907 = arith.constant 0 : i32
      %dma_wait3A_908 = arith.constant 0 : i32
      %dma_wait3A_909 = tpu.memref_slice %arg2[%dma_wait3A_907, %dma_wait3A_908] : memref<10000x128xf32, #tpu.memory_space<hbm>> -> memref<10000x128xf32, #tpu.memory_space<hbm>>
      tpu.wait_indirect_dma semaphore(%arg13 : memref<!tpu.dma_semaphore, #tpu.memory_space<semaphore_mem>>) src(%dma_wait3A_909 : memref<10000x128xf32, #tpu.memory_space<hbm>>) dst(%dma_wait3A_903 : memref<125x128xf32, #tpu.memory_space<vmem>>)
      %dma_start3A_910 = arith.constant 1 : i32
      %dma_start3A_911 = arith.constant 0 : i32
      %dma_start3A_912 = arith.constant 0 : i32
      %dma_start3A_913 = tpu.memref_slice %arg8[%dma_start3A_910, %dma_start3A_911, %dma_start3A_912] : memref<2x125x128xf32, #tpu.memory_space<vmem>> -> memref<1x125x128xf32, #tpu.memory_space<vmem>>
      %dma_start3A_914 = tpu.memref_squeeze %dma_start3A_913 : memref<1x125x128xf32, #tpu.memory_space<vmem>> -> memref<125x128xf32, #tpu.memory_space<vmem>>
      %dma_start3A_915 = arith.constant 0 : i32
      %dma_start3A_916 = tpu.memref_slice %arg7[%add3A_898, %dma_start3A_915] : memref<16x125xi32, #tpu.memory_space<vmem>> -> memref<1x125xi32, #tpu.memory_space<vmem>>
      %dma_start3A_917 = tpu.memref_squeeze %dma_start3A_916 : memref<1x125xi32, #tpu.memory_space<vmem>> -> memref<125xi32, #tpu.memory_space<vmem>>
      %dma_start3A_918 = arith.constant 0 : i32
      %dma_start3A_919 = arith.constant 0 : i32
      %dma_start3A_920 = tpu.memref_slice %arg11[%dma_start3A_918, %dma_start3A_919] : memref<10000x128xf32, #tpu.memory_space<vmem_shared>> -> memref<10000x128xf32, #tpu.memory_space<vmem_shared>>
      tpu.enqueue_indirect_dma source(%dma_start3A_914 : memref<125x128xf32, #tpu.memory_space<vmem>>) target(%dma_start3A_920 : memref<10000x128xf32, #tpu.memory_space<vmem_shared>>) offsets(%dma_start3A_917 : memref<125xi32, #tpu.memory_space<vmem>>) semaphore(%arg16 : memref<!tpu.dma_semaphore, #tpu.memory_space<semaphore_mem>>) {add = true}
      %dma_start3A_921 = arith.constant 0 : i32
      %dma_start3A_922 = tpu.memref_slice %arg7[%add3A_898, %dma_start3A_921] : memref<16x125xi32, #tpu.memory_space<vmem>> -> memref<1x125xi32, #tpu.memory_space<vmem>>
      %dma_start3A_923 = tpu.memref_squeeze %dma_start3A_922 : memref<1x125xi32, #tpu.memory_space<vmem>> -> memref<125xi32, #tpu.memory_space<vmem>>
      %dma_start3A_924 = arith.constant 0 : i32
      %dma_start3A_925 = arith.constant 0 : i32
      %dma_start3A_926 = tpu.memref_slice %arg12[%dma_start3A_924, %dma_start3A_925] : memref<10000x16xf32, #tpu.memory_space<vmem_shared>> -> memref<10000x16xf32, #tpu.memory_space<vmem_shared>>
      tpu.enqueue_indirect_dma source(%arg9 : memref<125x16xf32, #tpu.memory_space<vmem>>) target(%dma_start3A_926 : memref<10000x16xf32, #tpu.memory_space<vmem_shared>>) offsets(%dma_start3A_923 : memref<125xi32, #tpu.memory_space<vmem>>) semaphore(%arg14 : memref<!tpu.dma_semaphore, #tpu.memory_space<semaphore_mem>>) {add = true}
      %dma_wait3A_927 = arith.constant 0 : i32
      %dma_wait3A_928 = arith.constant 0 : i32
      %dma_wait3A_929 = arith.constant 0 : i32
      %dma_wait3A_930 = tpu.memref_slice %arg8[%dma_wait3A_927, %dma_wait3A_928, %dma_wait3A_929] : memref<2x125x128xf32, #tpu.memory_space<vmem>> -> memref<1x125x128xf32, #tpu.memory_space<vmem>>
      %dma_wait3A_931 = tpu.memref_squeeze %dma_wait3A_930 : memref<1x125x128xf32, #tpu.memory_space<vmem>> -> memref<125x128xf32, #tpu.memory_space<vmem>>
      %dma_wait3A_932 = arith.constant 0 : i32
      %dma_wait3A_933 = tpu.memref_slice %arg7[%mul3A_851, %dma_wait3A_932] : memref<16x125xi32, #tpu.memory_space<vmem>> -> memref<1x125xi32, #tpu.memory_space<vmem>>
      %dma_wait3A_934 = tpu.memref_squeeze %dma_wait3A_933 : memref<1x125xi32, #tpu.memory_space<vmem>> -> memref<125xi32, #tpu.memory_space<vmem>>
      %dma_wait3A_935 = arith.constant 0 : i32
      %dma_wait3A_936 = arith.constant 0 : i32
      %dma_wait3A_937 = tpu.memref_slice %arg11[%dma_wait3A_935, %dma_wait3A_936] : memref<10000x128xf32, #tpu.memory_space<vmem_shared>> -> memref<10000x128xf32, #tpu.memory_space<vmem_shared>>
      tpu.wait_indirect_dma semaphore(%arg15 : memref<!tpu.dma_semaphore, #tpu.memory_space<semaphore_mem>>) src(%dma_wait3A_931 : memref<125x128xf32, #tpu.memory_space<vmem>>) dst(%dma_wait3A_937 : memref<10000x128xf32, #tpu.memory_space<vmem_shared>>)
      %add3A_938 = arith.constant 1 : i32
      %add3A_939 = arith.addi %add3A_898, %add3A_938 : i32
      %lt3A_940 = arith.constant 16 : i32
      %lt3A_941 = arith.cmpi slt, %add3A_939, %lt3A_940 : i32
      %convert_element_type3A_942 = arith.extui %lt3A_941 : i1 to i32
      %cond3A_943 = arith.constant 0 : i32
      %cond3A_944 = arith.cmpi ne, %convert_element_type3A_942, %cond3A_943 : i32
      scf.if %cond3A_944 {
        %add3A_945 = arith.constant 1 : i32
        %add3A_946 = arith.addi %add3A_898, %add3A_945 : i32
        %dma_start3A_947 = arith.constant 0 : i32
        %dma_start3A_948 = arith.constant 0 : i32
        %dma_start3A_949 = arith.constant 0 : i32
        %dma_start3A_950 = tpu.memref_slice %arg8[%dma_start3A_947, %dma_start3A_948, %dma_start3A_949] : memref<2x125x128xf32, #tpu.memory_space<vmem>> -> memref<1x125x128xf32, #tpu.memory_space<vmem>>
        %dma_start3A_951 = tpu.memref_squeeze %dma_start3A_950 : memref<1x125x128xf32, #tpu.memory_space<vmem>> -> memref<125x128xf32, #tpu.memory_space<vmem>>
        %dma_start3A_952 = arith.constant 0 : i32
        %dma_start3A_953 = tpu.memref_slice %arg6[%add3A_946, %dma_start3A_952] : memref<16x125xi32, #tpu.memory_space<vmem>> -> memref<1x125xi32, #tpu.memory_space<vmem>>
        %dma_start3A_954 = tpu.memref_squeeze %dma_start3A_953 : memref<1x125xi32, #tpu.memory_space<vmem>> -> memref<125xi32, #tpu.memory_space<vmem>>
        %dma_start3A_955 = arith.constant 0 : i32
        %dma_start3A_956 = arith.constant 0 : i32
        %dma_start3A_957 = tpu.memref_slice %arg2[%dma_start3A_955, %dma_start3A_956] : memref<10000x128xf32, #tpu.memory_space<hbm>> -> memref<10000x128xf32, #tpu.memory_space<hbm>>
        tpu.enqueue_indirect_dma source(%dma_start3A_957 : memref<10000x128xf32, #tpu.memory_space<hbm>>) target(%dma_start3A_951 : memref<125x128xf32, #tpu.memory_space<vmem>>) offsets(%dma_start3A_954 : memref<125xi32, #tpu.memory_space<vmem>>) semaphore(%arg13 : memref<!tpu.dma_semaphore, #tpu.memory_space<semaphore_mem>>)
      } else {
      }
    }
    %scan3A_373 = arith.constant 8 : i32
    %dma_wait3A_374 = arith.constant 1 : i32
    %dma_wait3A_375 = arith.constant 15 : i32
    %dma_wait3A_376 = arith.constant 0 : i32
    %dma_wait3A_377 = arith.constant 0 : i32
    %dma_wait3A_378 = tpu.memref_slice %arg8[%dma_wait3A_374, %dma_wait3A_376, %dma_wait3A_377] : memref<2x125x128xf32, #tpu.memory_space<vmem>> -> memref<1x125x128xf32, #tpu.memory_space<vmem>>
    %dma_wait3A_379 = tpu.memref_squeeze %dma_wait3A_378 : memref<1x125x128xf32, #tpu.memory_space<vmem>> -> memref<125x128xf32, #tpu.memory_space<vmem>>
    %dma_wait3A_380 = arith.constant 0 : i32
    %dma_wait3A_381 = tpu.memref_slice %arg7[%dma_wait3A_375, %dma_wait3A_380] : memref<16x125xi32, #tpu.memory_space<vmem>> -> memref<1x125xi32, #tpu.memory_space<vmem>>
    %dma_wait3A_382 = tpu.memref_squeeze %dma_wait3A_381 : memref<1x125xi32, #tpu.memory_space<vmem>> -> memref<125xi32, #tpu.memory_space<vmem>>
    %dma_wait3A_383 = arith.constant 0 : i32
    %dma_wait3A_384 = arith.constant 0 : i32
    %dma_wait3A_385 = tpu.memref_slice %arg11[%dma_wait3A_383, %dma_wait3A_384] : memref<10000x128xf32, #tpu.memory_space<vmem_shared>> -> memref<10000x128xf32, #tpu.memory_space<vmem_shared>>
    tpu.wait_indirect_dma semaphore(%arg16 : memref<!tpu.dma_semaphore, #tpu.memory_space<semaphore_mem>>) src(%dma_wait3A_379 : memref<125x128xf32, #tpu.memory_space<vmem>>) dst(%dma_wait3A_385 : memref<10000x128xf32, #tpu.memory_space<vmem_shared>>)
    %dma_wait3A_386 = arith.constant 0 : i32
    %dma_wait3A_387 = arith.constant 0 : i32
    %dma_wait3A_388 = tpu.memref_slice %arg7[%dma_wait3A_386, %dma_wait3A_387] : memref<16x125xi32, #tpu.memory_space<vmem>> -> memref<1x125xi32, #tpu.memory_space<vmem>>
    %dma_wait3A_389 = tpu.memref_squeeze %dma_wait3A_388 : memref<1x125xi32, #tpu.memory_space<vmem>> -> memref<125xi32, #tpu.memory_space<vmem>>
    %dma_wait3A_390 = arith.constant 0 : i32
    %dma_wait3A_391 = arith.constant 0 : i32
    %dma_wait3A_392 = tpu.memref_slice %arg12[%dma_wait3A_390, %dma_wait3A_391] : memref<10000x16xf32, #tpu.memory_space<vmem_shared>> -> memref<10000x16xf32, #tpu.memory_space<vmem_shared>>
    tpu.wait_indirect_dma semaphore(%arg14 : memref<!tpu.dma_semaphore, #tpu.memory_space<semaphore_mem>>) src(%arg9 : memref<125x16xf32, #tpu.memory_space<vmem>>) dst(%dma_wait3A_392 : memref<10000x16xf32, #tpu.memory_space<vmem_shared>>)
    %dma_wait3A_393 = arith.constant 0 : i32
    %dma_wait3A_394 = arith.constant 0 : i32
    %dma_wait3A_395 = tpu.memref_slice %arg7[%dma_wait3A_393, %dma_wait3A_394] : memref<16x125xi32, #tpu.memory_space<vmem>> -> memref<1x125xi32, #tpu.memory_space<vmem>>
    %dma_wait3A_396 = tpu.memref_squeeze %dma_wait3A_395 : memref<1x125xi32, #tpu.memory_space<vmem>> -> memref<125xi32, #tpu.memory_space<vmem>>
    %dma_wait3A_397 = arith.constant 0 : i32
    %dma_wait3A_398 = arith.constant 0 : i32
    %dma_wait3A_399 = tpu.memref_slice %arg12[%dma_wait3A_397, %dma_wait3A_398] : memref<10000x16xf32, #tpu.memory_space<vmem_shared>> -> memref<10000x16xf32, #tpu.memory_space<vmem_shared>>
    tpu.wait_indirect_dma semaphore(%arg14 : memref<!tpu.dma_semaphore, #tpu.memory_space<semaphore_mem>>) src(%arg9 : memref<125x16xf32, #tpu.memory_space<vmem>>) dst(%dma_wait3A_399 : memref<10000x16xf32, #tpu.memory_space<vmem_shared>>)
    %dma_wait3A_400 = arith.constant 0 : i32
    %dma_wait3A_401 = arith.constant 0 : i32
    %dma_wait3A_402 = tpu.memref_slice %arg7[%dma_wait3A_400, %dma_wait3A_401] : memref<16x125xi32, #tpu.memory_space<vmem>> -> memref<1x125xi32, #tpu.memory_space<vmem>>
    %dma_wait3A_403 = tpu.memref_squeeze %dma_wait3A_402 : memref<1x125xi32, #tpu.memory_space<vmem>> -> memref<125xi32, #tpu.memory_space<vmem>>
    %dma_wait3A_404 = arith.constant 0 : i32
    %dma_wait3A_405 = arith.constant 0 : i32
    %dma_wait3A_406 = tpu.memref_slice %arg12[%dma_wait3A_404, %dma_wait3A_405] : memref<10000x16xf32, #tpu.memory_space<vmem_shared>> -> memref<10000x16xf32, #tpu.memory_space<vmem_shared>>
    tpu.wait_indirect_dma semaphore(%arg14 : memref<!tpu.dma_semaphore, #tpu.memory_space<semaphore_mem>>) src(%arg9 : memref<125x16xf32, #tpu.memory_space<vmem>>) dst(%dma_wait3A_406 : memref<10000x16xf32, #tpu.memory_space<vmem_shared>>)
    %dma_wait3A_407 = arith.constant 0 : i32
    %dma_wait3A_408 = arith.constant 0 : i32
    %dma_wait3A_409 = tpu.memref_slice %arg7[%dma_wait3A_407, %dma_wait3A_408] : memref<16x125xi32, #tpu.memory_space<vmem>> -> memref<1x125xi32, #tpu.memory_space<vmem>>
    %dma_wait3A_410 = tpu.memref_squeeze %dma_wait3A_409 : memref<1x125xi32, #tpu.memory_space<vmem>> -> memref<125xi32, #tpu.memory_space<vmem>>
    %dma_wait3A_411 = arith.constant 0 : i32
    %dma_wait3A_412 = arith.constant 0 : i32
    %dma_wait3A_413 = tpu.memref_slice %arg12[%dma_wait3A_411, %dma_wait3A_412] : memref<10000x16xf32, #tpu.memory_space<vmem_shared>> -> memref<10000x16xf32, #tpu.memory_space<vmem_shared>>
    tpu.wait_indirect_dma semaphore(%arg14 : memref<!tpu.dma_semaphore, #tpu.memory_space<semaphore_mem>>) src(%arg9 : memref<125x16xf32, #tpu.memory_space<vmem>>) dst(%dma_wait3A_413 : memref<10000x16xf32, #tpu.memory_space<vmem_shared>>)
    %dma_wait3A_414 = arith.constant 0 : i32
    %dma_wait3A_415 = arith.constant 0 : i32
    %dma_wait3A_416 = tpu.memref_slice %arg7[%dma_wait3A_414, %dma_wait3A_415] : memref<16x125xi32, #tpu.memory_space<vmem>> -> memref<1x125xi32, #tpu.memory_space<vmem>>
    %dma_wait3A_417 = tpu.memref_squeeze %dma_wait3A_416 : memref<1x125xi32, #tpu.memory_space<vmem>> -> memref<125xi32, #tpu.memory_space<vmem>>
    %dma_wait3A_418 = arith.constant 0 : i32
    %dma_wait3A_419 = arith.constant 0 : i32
    %dma_wait3A_420 = tpu.memref_slice %arg12[%dma_wait3A_418, %dma_wait3A_419] : memref<10000x16xf32, #tpu.memory_space<vmem_shared>> -> memref<10000x16xf32, #tpu.memory_space<vmem_shared>>
    tpu.wait_indirect_dma semaphore(%arg14 : memref<!tpu.dma_semaphore, #tpu.memory_space<semaphore_mem>>) src(%arg9 : memref<125x16xf32, #tpu.memory_space<vmem>>) dst(%dma_wait3A_420 : memref<10000x16xf32, #tpu.memory_space<vmem_shared>>)
    %dma_wait3A_421 = arith.constant 0 : i32
    %dma_wait3A_422 = arith.constant 0 : i32
    %dma_wait3A_423 = tpu.memref_slice %arg7[%dma_wait3A_421, %dma_wait3A_422] : memref<16x125xi32, #tpu.memory_space<vmem>> -> memref<1x125xi32, #tpu.memory_space<vmem>>
    %dma_wait3A_424 = tpu.memref_squeeze %dma_wait3A_423 : memref<1x125xi32, #tpu.memory_space<vmem>> -> memref<125xi32, #tpu.memory_space<vmem>>
    %dma_wait3A_425 = arith.constant 0 : i32
    %dma_wait3A_426 = arith.constant 0 : i32
    %dma_wait3A_427 = tpu.memref_slice %arg12[%dma_wait3A_425, %dma_wait3A_426] : memref<10000x16xf32, #tpu.memory_space<vmem_shared>> -> memref<10000x16xf32, #tpu.memory_space<vmem_shared>>
    tpu.wait_indirect_dma semaphore(%arg14 : memref<!tpu.dma_semaphore, #tpu.memory_space<semaphore_mem>>) src(%arg9 : memref<125x16xf32, #tpu.memory_space<vmem>>) dst(%dma_wait3A_427 : memref<10000x16xf32, #tpu.memory_space<vmem_shared>>)
    %dma_wait3A_428 = arith.constant 0 : i32
    %dma_wait3A_429 = arith.constant 0 : i32
    %dma_wait3A_430 = tpu.memref_slice %arg7[%dma_wait3A_428, %dma_wait3A_429] : memref<16x125xi32, #tpu.memory_space<vmem>> -> memref<1x125xi32, #tpu.memory_space<vmem>>
    %dma_wait3A_431 = tpu.memref_squeeze %dma_wait3A_430 : memref<1x125xi32, #tpu.memory_space<vmem>> -> memref<125xi32, #tpu.memory_space<vmem>>
    %dma_wait3A_432 = arith.constant 0 : i32
    %dma_wait3A_433 = arith.constant 0 : i32
    %dma_wait3A_434 = tpu.memref_slice %arg12[%dma_wait3A_432, %dma_wait3A_433] : memref<10000x16xf32, #tpu.memory_space<vmem_shared>> -> memref<10000x16xf32, #tpu.memory_space<vmem_shared>>
    tpu.wait_indirect_dma semaphore(%arg14 : memref<!tpu.dma_semaphore, #tpu.memory_space<semaphore_mem>>) src(%arg9 : memref<125x16xf32, #tpu.memory_space<vmem>>) dst(%dma_wait3A_434 : memref<10000x16xf32, #tpu.memory_space<vmem_shared>>)
    %dma_wait3A_435 = arith.constant 0 : i32
    %dma_wait3A_436 = arith.constant 0 : i32
    %dma_wait3A_437 = tpu.memref_slice %arg7[%dma_wait3A_435, %dma_wait3A_436] : memref<16x125xi32, #tpu.memory_space<vmem>> -> memref<1x125xi32, #tpu.memory_space<vmem>>
    %dma_wait3A_438 = tpu.memref_squeeze %dma_wait3A_437 : memref<1x125xi32, #tpu.memory_space<vmem>> -> memref<125xi32, #tpu.memory_space<vmem>>
    %dma_wait3A_439 = arith.constant 0 : i32
    %dma_wait3A_440 = arith.constant 0 : i32
    %dma_wait3A_441 = tpu.memref_slice %arg12[%dma_wait3A_439, %dma_wait3A_440] : memref<10000x16xf32, #tpu.memory_space<vmem_shared>> -> memref<10000x16xf32, #tpu.memory_space<vmem_shared>>
    tpu.wait_indirect_dma semaphore(%arg14 : memref<!tpu.dma_semaphore, #tpu.memory_space<semaphore_mem>>) src(%arg9 : memref<125x16xf32, #tpu.memory_space<vmem>>) dst(%dma_wait3A_441 : memref<10000x16xf32, #tpu.memory_space<vmem_shared>>)
    %dma_wait3A_442 = arith.constant 0 : i32
    %dma_wait3A_443 = arith.constant 0 : i32
    %dma_wait3A_444 = tpu.memref_slice %arg7[%dma_wait3A_442, %dma_wait3A_443] : memref<16x125xi32, #tpu.memory_space<vmem>> -> memref<1x125xi32, #tpu.memory_space<vmem>>
    %dma_wait3A_445 = tpu.memref_squeeze %dma_wait3A_444 : memref<1x125xi32, #tpu.memory_space<vmem>> -> memref<125xi32, #tpu.memory_space<vmem>>
    %dma_wait3A_446 = arith.constant 0 : i32
    %dma_wait3A_447 = arith.constant 0 : i32
    %dma_wait3A_448 = tpu.memref_slice %arg12[%dma_wait3A_446, %dma_wait3A_447] : memref<10000x16xf32, #tpu.memory_space<vmem_shared>> -> memref<10000x16xf32, #tpu.memory_space<vmem_shared>>
    tpu.wait_indirect_dma semaphore(%arg14 : memref<!tpu.dma_semaphore, #tpu.memory_space<semaphore_mem>>) src(%arg9 : memref<125x16xf32, #tpu.memory_space<vmem>>) dst(%dma_wait3A_448 : memref<10000x16xf32, #tpu.memory_space<vmem_shared>>)
    %dma_wait3A_449 = arith.constant 0 : i32
    %dma_wait3A_450 = arith.constant 0 : i32
    %dma_wait3A_451 = tpu.memref_slice %arg7[%dma_wait3A_449, %dma_wait3A_450] : memref<16x125xi32, #tpu.memory_space<vmem>> -> memref<1x125xi32, #tpu.memory_space<vmem>>
    %dma_wait3A_452 = tpu.memref_squeeze %dma_wait3A_451 : memref<1x125xi32, #tpu.memory_space<vmem>> -> memref<125xi32, #tpu.memory_space<vmem>>
    %dma_wait3A_453 = arith.constant 0 : i32
    %dma_wait3A_454 = arith.constant 0 : i32
    %dma_wait3A_455 = tpu.memref_slice %arg12[%dma_wait3A_453, %dma_wait3A_454] : memref<10000x16xf32, #tpu.memory_space<vmem_shared>> -> memref<10000x16xf32, #tpu.memory_space<vmem_shared>>
    tpu.wait_indirect_dma semaphore(%arg14 : memref<!tpu.dma_semaphore, #tpu.memory_space<semaphore_mem>>) src(%arg9 : memref<125x16xf32, #tpu.memory_space<vmem>>) dst(%dma_wait3A_455 : memref<10000x16xf32, #tpu.memory_space<vmem_shared>>)
    %dma_wait3A_456 = arith.constant 0 : i32
    %dma_wait3A_457 = arith.constant 0 : i32
    %dma_wait3A_458 = tpu.memref_slice %arg7[%dma_wait3A_456, %dma_wait3A_457] : memref<16x125xi32, #tpu.memory_space<vmem>> -> memref<1x125xi32, #tpu.memory_space<vmem>>
    %dma_wait3A_459 = tpu.memref_squeeze %dma_wait3A_458 : memref<1x125xi32, #tpu.memory_space<vmem>> -> memref<125xi32, #tpu.memory_space<vmem>>
    %dma_wait3A_460 = arith.constant 0 : i32
    %dma_wait3A_461 = arith.constant 0 : i32
    %dma_wait3A_462 = tpu.memref_slice %arg12[%dma_wait3A_460, %dma_wait3A_461] : memref<10000x16xf32, #tpu.memory_space<vmem_shared>> -> memref<10000x16xf32, #tpu.memory_space<vmem_shared>>
    tpu.wait_indirect_dma semaphore(%arg14 : memref<!tpu.dma_semaphore, #tpu.memory_space<semaphore_mem>>) src(%arg9 : memref<125x16xf32, #tpu.memory_space<vmem>>) dst(%dma_wait3A_462 : memref<10000x16xf32, #tpu.memory_space<vmem_shared>>)
    %dma_wait3A_463 = arith.constant 0 : i32
    %dma_wait3A_464 = arith.constant 0 : i32
    %dma_wait3A_465 = tpu.memref_slice %arg7[%dma_wait3A_463, %dma_wait3A_464] : memref<16x125xi32, #tpu.memory_space<vmem>> -> memref<1x125xi32, #tpu.memory_space<vmem>>
    %dma_wait3A_466 = tpu.memref_squeeze %dma_wait3A_465 : memref<1x125xi32, #tpu.memory_space<vmem>> -> memref<125xi32, #tpu.memory_space<vmem>>
    %dma_wait3A_467 = arith.constant 0 : i32
    %dma_wait3A_468 = arith.constant 0 : i32
    %dma_wait3A_469 = tpu.memref_slice %arg12[%dma_wait3A_467, %dma_wait3A_468] : memref<10000x16xf32, #tpu.memory_space<vmem_shared>> -> memref<10000x16xf32, #tpu.memory_space<vmem_shared>>
    tpu.wait_indirect_dma semaphore(%arg14 : memref<!tpu.dma_semaphore, #tpu.memory_space<semaphore_mem>>) src(%arg9 : memref<125x16xf32, #tpu.memory_space<vmem>>) dst(%dma_wait3A_469 : memref<10000x16xf32, #tpu.memory_space<vmem_shared>>)
    %dma_wait3A_470 = arith.constant 0 : i32
    %dma_wait3A_471 = arith.constant 0 : i32
    %dma_wait3A_472 = tpu.memref_slice %arg7[%dma_wait3A_470, %dma_wait3A_471] : memref<16x125xi32, #tpu.memory_space<vmem>> -> memref<1x125xi32, #tpu.memory_space<vmem>>
    %dma_wait3A_473 = tpu.memref_squeeze %dma_wait3A_472 : memref<1x125xi32, #tpu.memory_space<vmem>> -> memref<125xi32, #tpu.memory_space<vmem>>
    %dma_wait3A_474 = arith.constant 0 : i32
    %dma_wait3A_475 = arith.constant 0 : i32
    %dma_wait3A_476 = tpu.memref_slice %arg12[%dma_wait3A_474, %dma_wait3A_475] : memref<10000x16xf32, #tpu.memory_space<vmem_shared>> -> memref<10000x16xf32, #tpu.memory_space<vmem_shared>>
    tpu.wait_indirect_dma semaphore(%arg14 : memref<!tpu.dma_semaphore, #tpu.memory_space<semaphore_mem>>) src(%arg9 : memref<125x16xf32, #tpu.memory_space<vmem>>) dst(%dma_wait3A_476 : memref<10000x16xf32, #tpu.memory_space<vmem_shared>>)
    %dma_wait3A_477 = arith.constant 0 : i32
    %dma_wait3A_478 = arith.constant 0 : i32
    %dma_wait3A_479 = tpu.memref_slice %arg7[%dma_wait3A_477, %dma_wait3A_478] : memref<16x125xi32, #tpu.memory_space<vmem>> -> memref<1x125xi32, #tpu.memory_space<vmem>>
    %dma_wait3A_480 = tpu.memref_squeeze %dma_wait3A_479 : memref<1x125xi32, #tpu.memory_space<vmem>> -> memref<125xi32, #tpu.memory_space<vmem>>
    %dma_wait3A_481 = arith.constant 0 : i32
    %dma_wait3A_482 = arith.constant 0 : i32
    %dma_wait3A_483 = tpu.memref_slice %arg12[%dma_wait3A_481, %dma_wait3A_482] : memref<10000x16xf32, #tpu.memory_space<vmem_shared>> -> memref<10000x16xf32, #tpu.memory_space<vmem_shared>>
    tpu.wait_indirect_dma semaphore(%arg14 : memref<!tpu.dma_semaphore, #tpu.memory_space<semaphore_mem>>) src(%arg9 : memref<125x16xf32, #tpu.memory_space<vmem>>) dst(%dma_wait3A_483 : memref<10000x16xf32, #tpu.memory_space<vmem_shared>>)
    %dma_wait3A_484 = arith.constant 0 : i32
    %dma_wait3A_485 = arith.constant 0 : i32
    %dma_wait3A_486 = tpu.memref_slice %arg7[%dma_wait3A_484, %dma_wait3A_485] : memref<16x125xi32, #tpu.memory_space<vmem>> -> memref<1x125xi32, #tpu.memory_space<vmem>>
    %dma_wait3A_487 = tpu.memref_squeeze %dma_wait3A_486 : memref<1x125xi32, #tpu.memory_space<vmem>> -> memref<125xi32, #tpu.memory_space<vmem>>
    %dma_wait3A_488 = arith.constant 0 : i32
    %dma_wait3A_489 = arith.constant 0 : i32
    %dma_wait3A_490 = tpu.memref_slice %arg12[%dma_wait3A_488, %dma_wait3A_489] : memref<10000x16xf32, #tpu.memory_space<vmem_shared>> -> memref<10000x16xf32, #tpu.memory_space<vmem_shared>>
    tpu.wait_indirect_dma semaphore(%arg14 : memref<!tpu.dma_semaphore, #tpu.memory_space<semaphore_mem>>) src(%arg9 : memref<125x16xf32, #tpu.memory_space<vmem>>) dst(%dma_wait3A_490 : memref<10000x16xf32, #tpu.memory_space<vmem_shared>>)
    %dma_wait3A_491 = arith.constant 0 : i32
    %dma_wait3A_492 = arith.constant 0 : i32
    %dma_wait3A_493 = tpu.memref_slice %arg7[%dma_wait3A_491, %dma_wait3A_492] : memref<16x125xi32, #tpu.memory_space<vmem>> -> memref<1x125xi32, #tpu.memory_space<vmem>>
    %dma_wait3A_494 = tpu.memref_squeeze %dma_wait3A_493 : memref<1x125xi32, #tpu.memory_space<vmem>> -> memref<125xi32, #tpu.memory_space<vmem>>
    %dma_wait3A_495 = arith.constant 0 : i32
    %dma_wait3A_496 = arith.constant 0 : i32
    %dma_wait3A_497 = tpu.memref_slice %arg12[%dma_wait3A_495, %dma_wait3A_496] : memref<10000x16xf32, #tpu.memory_space<vmem_shared>> -> memref<10000x16xf32, #tpu.memory_space<vmem_shared>>
    tpu.wait_indirect_dma semaphore(%arg14 : memref<!tpu.dma_semaphore, #tpu.memory_space<semaphore_mem>>) src(%arg9 : memref<125x16xf32, #tpu.memory_space<vmem>>) dst(%dma_wait3A_497 : memref<10000x16xf32, #tpu.memory_space<vmem_shared>>)
    %run_scoped3A_498 = arith.constant 0 : i32
    %run_scoped3A_499 = arith.constant 3 : i32
    "tpu.region"() ({
      %run_scoped3A_845 = tpu.sem_alloc : memref<!tpu.dma_semaphore, #tpu.memory_space<semaphore_mem>>
      %dma_start3A_846 = arith.constant 0 : i32
      %dma_start3A_847 = arith.constant 0 : i32
      %dma_start3A_848 = tpu.memref_slice %arg3[%run_scoped3A_498, %add3A, %run_scoped3A_499, %dma_start3A_846, %dma_start3A_847] : memref<2x32x5x16x125xi32, #tpu.memory_space<hbm>> -> memref<1x1x1x16x125xi32, #tpu.memory_space<hbm>>
      %dma_start3A_849 = tpu.memref_squeeze %dma_start3A_848 : memref<1x1x1x16x125xi32, #tpu.memory_space<hbm>> -> memref<16x125xi32, #tpu.memory_space<hbm>>
      %dma_start3A_850 = arith.constant 0 : i32
      %dma_start3A_851 = arith.constant 0 : i32
      %dma_start3A_852 = tpu.memref_slice %arg3[%run_scoped3A_498, %add3A, %run_scoped3A_499, %dma_start3A_850, %dma_start3A_851] : memref<2x32x5x16x125xi32, #tpu.memory_space<hbm>> -> memref<1x1x1x16x125xi32, #tpu.memory_space<hbm>>
      %dma_start3A_853 = tpu.memref_squeeze %dma_start3A_852 : memref<1x1x1x16x125xi32, #tpu.memory_space<hbm>> -> memref<16x125xi32, #tpu.memory_space<hbm>>
      tpu.enqueue_dma source(%dma_start3A_853 : memref<16x125xi32, #tpu.memory_space<hbm>>) target(%arg6 : memref<16x125xi32, #tpu.memory_space<vmem>>) target_semaphore(%run_scoped3A_845 : memref<!tpu.dma_semaphore, #tpu.memory_space<semaphore_mem>>)
      %dma_wait3A_854 = arith.constant 0 : i32
      %dma_wait3A_855 = arith.constant 0 : i32
      %dma_wait3A_856 = tpu.memref_slice %arg3[%run_scoped3A_498, %add3A, %run_scoped3A_499, %dma_wait3A_854, %dma_wait3A_855] : memref<2x32x5x16x125xi32, #tpu.memory_space<hbm>> -> memref<1x1x1x16x125xi32, #tpu.memory_space<hbm>>
      %dma_wait3A_857 = tpu.memref_squeeze %dma_wait3A_856 : memref<1x1x1x16x125xi32, #tpu.memory_space<hbm>> -> memref<16x125xi32, #tpu.memory_space<hbm>>
      %dma_wait3A_858 = arith.constant 0 : i32
      %dma_wait3A_859 = arith.constant 0 : i32
      %dma_wait3A_860 = tpu.memref_slice %arg3[%run_scoped3A_498, %add3A, %run_scoped3A_499, %dma_wait3A_858, %dma_wait3A_859] : memref<2x32x5x16x125xi32, #tpu.memory_space<hbm>> -> memref<1x1x1x16x125xi32, #tpu.memory_space<hbm>>
      %dma_wait3A_861 = tpu.memref_squeeze %dma_wait3A_860 : memref<1x1x1x16x125xi32, #tpu.memory_space<hbm>> -> memref<16x125xi32, #tpu.memory_space<hbm>>
      tpu.wait_dma2 semaphore(%run_scoped3A_845 : memref<!tpu.dma_semaphore, #tpu.memory_space<semaphore_mem>>) src(%dma_wait3A_861 : memref<16x125xi32, #tpu.memory_space<hbm>>) dst(%arg6 : memref<16x125xi32, #tpu.memory_space<vmem>>)
      tpu.yield
    }) : () -> ()
    %run_scoped3A_500 = arith.constant 1 : i32
    %run_scoped3A_501 = arith.constant 3 : i32
    "tpu.region"() ({
      %run_scoped3A_845 = tpu.sem_alloc : memref<!tpu.dma_semaphore, #tpu.memory_space<semaphore_mem>>
      %dma_start3A_846 = arith.constant 0 : i32
      %dma_start3A_847 = arith.constant 0 : i32
      %dma_start3A_848 = tpu.memref_slice %arg3[%run_scoped3A_500, %add3A, %run_scoped3A_501, %dma_start3A_846, %dma_start3A_847] : memref<2x32x5x16x125xi32, #tpu.memory_space<hbm>> -> memref<1x1x1x16x125xi32, #tpu.memory_space<hbm>>
      %dma_start3A_849 = tpu.memref_squeeze %dma_start3A_848 : memref<1x1x1x16x125xi32, #tpu.memory_space<hbm>> -> memref<16x125xi32, #tpu.memory_space<hbm>>
      %dma_start3A_850 = arith.constant 0 : i32
      %dma_start3A_851 = arith.constant 0 : i32
      %dma_start3A_852 = tpu.memref_slice %arg3[%run_scoped3A_500, %add3A, %run_scoped3A_501, %dma_start3A_850, %dma_start3A_851] : memref<2x32x5x16x125xi32, #tpu.memory_space<hbm>> -> memref<1x1x1x16x125xi32, #tpu.memory_space<hbm>>
      %dma_start3A_853 = tpu.memref_squeeze %dma_start3A_852 : memref<1x1x1x16x125xi32, #tpu.memory_space<hbm>> -> memref<16x125xi32, #tpu.memory_space<hbm>>
      tpu.enqueue_dma source(%dma_start3A_853 : memref<16x125xi32, #tpu.memory_space<hbm>>) target(%arg7 : memref<16x125xi32, #tpu.memory_space<vmem>>) target_semaphore(%run_scoped3A_845 : memref<!tpu.dma_semaphore, #tpu.memory_space<semaphore_mem>>)
      %dma_wait3A_854 = arith.constant 0 : i32
      %dma_wait3A_855 = arith.constant 0 : i32
      %dma_wait3A_856 = tpu.memref_slice %arg3[%run_scoped3A_500, %add3A, %run_scoped3A_501, %dma_wait3A_854, %dma_wait3A_855] : memref<2x32x5x16x125xi32, #tpu.memory_space<hbm>> -> memref<1x1x1x16x125xi32, #tpu.memory_space<hbm>>
      %dma_wait3A_857 = tpu.memref_squeeze %dma_wait3A_856 : memref<1x1x1x16x125xi32, #tpu.memory_space<hbm>> -> memref<16x125xi32, #tpu.memory_space<hbm>>
      %dma_wait3A_858 = arith.constant 0 : i32
      %dma_wait3A_859 = arith.constant 0 : i32
      %dma_wait3A_860 = tpu.memref_slice %arg3[%run_scoped3A_500, %add3A, %run_scoped3A_501, %dma_wait3A_858, %dma_wait3A_859] : memref<2x32x5x16x125xi32, #tpu.memory_space<hbm>> -> memref<1x1x1x16x125xi32, #tpu.memory_space<hbm>>
      %dma_wait3A_861 = tpu.memref_squeeze %dma_wait3A_860 : memref<1x1x1x16x125xi32, #tpu.memory_space<hbm>> -> memref<16x125xi32, #tpu.memory_space<hbm>>
      tpu.wait_dma2 semaphore(%run_scoped3A_845 : memref<!tpu.dma_semaphore, #tpu.memory_space<semaphore_mem>>) src(%dma_wait3A_861 : memref<16x125xi32, #tpu.memory_space<hbm>>) dst(%arg7 : memref<16x125xi32, #tpu.memory_space<vmem>>)
      tpu.yield
    }) : () -> ()
    %dma_start3A_502 = arith.constant 0 : i32
    %dma_start3A_503 = arith.constant 0 : i32
    %dma_start3A_504 = arith.constant 0 : i32
    %dma_start3A_505 = arith.constant 0 : i32
    %dma_start3A_506 = tpu.memref_slice %arg8[%dma_start3A_503, %dma_start3A_504, %dma_start3A_505] : memref<2x125x128xf32, #tpu.memory_space<vmem>> -> memref<1x125x128xf32, #tpu.memory_space<vmem>>
    %dma_start3A_507 = tpu.memref_squeeze %dma_start3A_506 : memref<1x125x128xf32, #tpu.memory_space<vmem>> -> memref<125x128xf32, #tpu.memory_space<vmem>>
    %dma_start3A_508 = arith.constant 0 : i32
    %dma_start3A_509 = tpu.memref_slice %arg6[%dma_start3A_502, %dma_start3A_508] : memref<16x125xi32, #tpu.memory_space<vmem>> -> memref<1x125xi32, #tpu.memory_space<vmem>>
    %dma_start3A_510 = tpu.memref_squeeze %dma_start3A_509 : memref<1x125xi32, #tpu.memory_space<vmem>> -> memref<125xi32, #tpu.memory_space<vmem>>
    %dma_start3A_511 = arith.constant 0 : i32
    %dma_start3A_512 = arith.constant 0 : i32
    %dma_start3A_513 = tpu.memref_slice %arg2[%dma_start3A_511, %dma_start3A_512] : memref<10000x128xf32, #tpu.memory_space<hbm>> -> memref<10000x128xf32, #tpu.memory_space<hbm>>
    tpu.enqueue_indirect_dma source(%dma_start3A_513 : memref<10000x128xf32, #tpu.memory_space<hbm>>) target(%dma_start3A_507 : memref<125x128xf32, #tpu.memory_space<vmem>>) offsets(%dma_start3A_510 : memref<125xi32, #tpu.memory_space<vmem>>) semaphore(%arg13 : memref<!tpu.dma_semaphore, #tpu.memory_space<semaphore_mem>>)
    %scan3A_514 = arith.constant 0 : i32
    %scan3A_515 = arith.constant 8 : i32
    %scan3A_516 = arith.addi %scan3A_514, %scan3A_515 : i32
    %scan3A_517 = arith.constant 1 : i32
    scf.for %scan3A_845 = %scan3A_514 to %scan3A_516 step %scan3A_517  : i32 {
      %mul3A_846 = arith.constant 1 : i32
      %mul3A_847 = arith.muli %scan3A_845, %mul3A_846 : i32
      %add3A_848 = arith.constant 0 : i32
      %add3A_849 = arith.addi %add3A_848, %mul3A_847 : i32
      %mul3A_850 = arith.constant 2 : i32
      %mul3A_851 = arith.muli %mul3A_850, %add3A_849 : i32
      %dma_wait3A_852 = arith.constant 0 : i32
      %dma_wait3A_853 = arith.constant 0 : i32
      %dma_wait3A_854 = arith.constant 0 : i32
      %dma_wait3A_855 = tpu.memref_slice %arg8[%dma_wait3A_852, %dma_wait3A_853, %dma_wait3A_854] : memref<2x125x128xf32, #tpu.memory_space<vmem>> -> memref<1x125x128xf32, #tpu.memory_space<vmem>>
      %dma_wait3A_856 = tpu.memref_squeeze %dma_wait3A_855 : memref<1x125x128xf32, #tpu.memory_space<vmem>> -> memref<125x128xf32, #tpu.memory_space<vmem>>
      %dma_wait3A_857 = arith.constant 0 : i32
      %dma_wait3A_858 = tpu.memref_slice %arg6[%mul3A_851, %dma_wait3A_857] : memref<16x125xi32, #tpu.memory_space<vmem>> -> memref<1x125xi32, #tpu.memory_space<vmem>>
      %dma_wait3A_859 = tpu.memref_squeeze %dma_wait3A_858 : memref<1x125xi32, #tpu.memory_space<vmem>> -> memref<125xi32, #tpu.memory_space<vmem>>
      %dma_wait3A_860 = arith.constant 0 : i32
      %dma_wait3A_861 = arith.constant 0 : i32
      %dma_wait3A_862 = tpu.memref_slice %arg2[%dma_wait3A_860, %dma_wait3A_861] : memref<10000x128xf32, #tpu.memory_space<hbm>> -> memref<10000x128xf32, #tpu.memory_space<hbm>>
      tpu.wait_indirect_dma semaphore(%arg13 : memref<!tpu.dma_semaphore, #tpu.memory_space<semaphore_mem>>) src(%dma_wait3A_862 : memref<10000x128xf32, #tpu.memory_space<hbm>>) dst(%dma_wait3A_856 : memref<125x128xf32, #tpu.memory_space<vmem>>)
      %dma_start3A_863 = arith.constant 0 : i32
      %dma_start3A_864 = arith.constant 0 : i32
      %dma_start3A_865 = arith.constant 0 : i32
      %dma_start3A_866 = tpu.memref_slice %arg8[%dma_start3A_863, %dma_start3A_864, %dma_start3A_865] : memref<2x125x128xf32, #tpu.memory_space<vmem>> -> memref<1x125x128xf32, #tpu.memory_space<vmem>>
      %dma_start3A_867 = tpu.memref_squeeze %dma_start3A_866 : memref<1x125x128xf32, #tpu.memory_space<vmem>> -> memref<125x128xf32, #tpu.memory_space<vmem>>
      %dma_start3A_868 = arith.constant 0 : i32
      %dma_start3A_869 = tpu.memref_slice %arg7[%mul3A_851, %dma_start3A_868] : memref<16x125xi32, #tpu.memory_space<vmem>> -> memref<1x125xi32, #tpu.memory_space<vmem>>
      %dma_start3A_870 = tpu.memref_squeeze %dma_start3A_869 : memref<1x125xi32, #tpu.memory_space<vmem>> -> memref<125xi32, #tpu.memory_space<vmem>>
      %dma_start3A_871 = arith.constant 0 : i32
      %dma_start3A_872 = arith.constant 0 : i32
      %dma_start3A_873 = tpu.memref_slice %arg11[%dma_start3A_871, %dma_start3A_872] : memref<10000x128xf32, #tpu.memory_space<vmem_shared>> -> memref<10000x128xf32, #tpu.memory_space<vmem_shared>>
      tpu.enqueue_indirect_dma source(%dma_start3A_867 : memref<125x128xf32, #tpu.memory_space<vmem>>) target(%dma_start3A_873 : memref<10000x128xf32, #tpu.memory_space<vmem_shared>>) offsets(%dma_start3A_870 : memref<125xi32, #tpu.memory_space<vmem>>) semaphore(%arg15 : memref<!tpu.dma_semaphore, #tpu.memory_space<semaphore_mem>>) {add = true}
      %dma_start3A_874 = arith.constant 0 : i32
      %dma_start3A_875 = tpu.memref_slice %arg7[%mul3A_851, %dma_start3A_874] : memref<16x125xi32, #tpu.memory_space<vmem>> -> memref<1x125xi32, #tpu.memory_space<vmem>>
      %dma_start3A_876 = tpu.memref_squeeze %dma_start3A_875 : memref<1x125xi32, #tpu.memory_space<vmem>> -> memref<125xi32, #tpu.memory_space<vmem>>
      %dma_start3A_877 = arith.constant 0 : i32
      %dma_start3A_878 = arith.constant 0 : i32
      %dma_start3A_879 = tpu.memref_slice %arg12[%dma_start3A_877, %dma_start3A_878] : memref<10000x16xf32, #tpu.memory_space<vmem_shared>> -> memref<10000x16xf32, #tpu.memory_space<vmem_shared>>
      tpu.enqueue_indirect_dma source(%arg9 : memref<125x16xf32, #tpu.memory_space<vmem>>) target(%dma_start3A_879 : memref<10000x16xf32, #tpu.memory_space<vmem_shared>>) offsets(%dma_start3A_876 : memref<125xi32, #tpu.memory_space<vmem>>) semaphore(%arg14 : memref<!tpu.dma_semaphore, #tpu.memory_space<semaphore_mem>>) {add = true}
      %gt3A = arith.constant 0 : i32
      %gt3A_880 = arith.cmpi sgt, %mul3A_851, %gt3A : i32
      %convert_element_type3A_881 = arith.extui %gt3A_880 : i1 to i32
      %cond3A_882 = arith.constant 0 : i32
      %cond3A_883 = arith.cmpi ne, %convert_element_type3A_881, %cond3A_882 : i32
      scf.if %cond3A_883 {
        %sub3A = arith.constant 1 : i32
        %sub3A_945 = arith.subi %mul3A_851, %sub3A : i32
        %dma_wait3A_946 = arith.constant 1 : i32
        %dma_wait3A_947 = arith.constant 0 : i32
        %dma_wait3A_948 = arith.constant 0 : i32
        %dma_wait3A_949 = tpu.memref_slice %arg8[%dma_wait3A_946, %dma_wait3A_947, %dma_wait3A_948] : memref<2x125x128xf32, #tpu.memory_space<vmem>> -> memref<1x125x128xf32, #tpu.memory_space<vmem>>
        %dma_wait3A_950 = tpu.memref_squeeze %dma_wait3A_949 : memref<1x125x128xf32, #tpu.memory_space<vmem>> -> memref<125x128xf32, #tpu.memory_space<vmem>>
        %dma_wait3A_951 = arith.constant 0 : i32
        %dma_wait3A_952 = tpu.memref_slice %arg7[%sub3A_945, %dma_wait3A_951] : memref<16x125xi32, #tpu.memory_space<vmem>> -> memref<1x125xi32, #tpu.memory_space<vmem>>
        %dma_wait3A_953 = tpu.memref_squeeze %dma_wait3A_952 : memref<1x125xi32, #tpu.memory_space<vmem>> -> memref<125xi32, #tpu.memory_space<vmem>>
        %dma_wait3A_954 = arith.constant 0 : i32
        %dma_wait3A_955 = arith.constant 0 : i32
        %dma_wait3A_956 = tpu.memref_slice %arg11[%dma_wait3A_954, %dma_wait3A_955] : memref<10000x128xf32, #tpu.memory_space<vmem_shared>> -> memref<10000x128xf32, #tpu.memory_space<vmem_shared>>
        tpu.wait_indirect_dma semaphore(%arg16 : memref<!tpu.dma_semaphore, #tpu.memory_space<semaphore_mem>>) src(%dma_wait3A_950 : memref<125x128xf32, #tpu.memory_space<vmem>>) dst(%dma_wait3A_956 : memref<10000x128xf32, #tpu.memory_space<vmem_shared>>)
      } else {
      }
      %add3A_884 = arith.constant 1 : i32
      %add3A_885 = arith.addi %mul3A_851, %add3A_884 : i32
      %dma_start3A_886 = arith.constant 1 : i32
      %dma_start3A_887 = arith.constant 0 : i32
      %dma_start3A_888 = arith.constant 0 : i32
      %dma_start3A_889 = tpu.memref_slice %arg8[%dma_start3A_886, %dma_start3A_887, %dma_start3A_888] : memref<2x125x128xf32, #tpu.memory_space<vmem>> -> memref<1x125x128xf32, #tpu.memory_space<vmem>>
      %dma_start3A_890 = tpu.memref_squeeze %dma_start3A_889 : memref<1x125x128xf32, #tpu.memory_space<vmem>> -> memref<125x128xf32, #tpu.memory_space<vmem>>
      %dma_start3A_891 = arith.constant 0 : i32
      %dma_start3A_892 = tpu.memref_slice %arg6[%add3A_885, %dma_start3A_891] : memref<16x125xi32, #tpu.memory_space<vmem>> -> memref<1x125xi32, #tpu.memory_space<vmem>>
      %dma_start3A_893 = tpu.memref_squeeze %dma_start3A_892 : memref<1x125xi32, #tpu.memory_space<vmem>> -> memref<125xi32, #tpu.memory_space<vmem>>
      %dma_start3A_894 = arith.constant 0 : i32
      %dma_start3A_895 = arith.constant 0 : i32
      %dma_start3A_896 = tpu.memref_slice %arg2[%dma_start3A_894, %dma_start3A_895] : memref<10000x128xf32, #tpu.memory_space<hbm>> -> memref<10000x128xf32, #tpu.memory_space<hbm>>
      tpu.enqueue_indirect_dma source(%dma_start3A_896 : memref<10000x128xf32, #tpu.memory_space<hbm>>) target(%dma_start3A_890 : memref<125x128xf32, #tpu.memory_space<vmem>>) offsets(%dma_start3A_893 : memref<125xi32, #tpu.memory_space<vmem>>) semaphore(%arg13 : memref<!tpu.dma_semaphore, #tpu.memory_space<semaphore_mem>>)
      %add3A_897 = arith.constant 1 : i32
      %add3A_898 = arith.addi %mul3A_851, %add3A_897 : i32
      %dma_wait3A_899 = arith.constant 1 : i32
      %dma_wait3A_900 = arith.constant 0 : i32
      %dma_wait3A_901 = arith.constant 0 : i32
      %dma_wait3A_902 = tpu.memref_slice %arg8[%dma_wait3A_899, %dma_wait3A_900, %dma_wait3A_901] : memref<2x125x128xf32, #tpu.memory_space<vmem>> -> memref<1x125x128xf32, #tpu.memory_space<vmem>>
      %dma_wait3A_903 = tpu.memref_squeeze %dma_wait3A_902 : memref<1x125x128xf32, #tpu.memory_space<vmem>> -> memref<125x128xf32, #tpu.memory_space<vmem>>
      %dma_wait3A_904 = arith.constant 0 : i32
      %dma_wait3A_905 = tpu.memref_slice %arg6[%add3A_898, %dma_wait3A_904] : memref<16x125xi32, #tpu.memory_space<vmem>> -> memref<1x125xi32, #tpu.memory_space<vmem>>
      %dma_wait3A_906 = tpu.memref_squeeze %dma_wait3A_905 : memref<1x125xi32, #tpu.memory_space<vmem>> -> memref<125xi32, #tpu.memory_space<vmem>>
      %dma_wait3A_907 = arith.constant 0 : i32
      %dma_wait3A_908 = arith.constant 0 : i32
      %dma_wait3A_909 = tpu.memref_slice %arg2[%dma_wait3A_907, %dma_wait3A_908] : memref<10000x128xf32, #tpu.memory_space<hbm>> -> memref<10000x128xf32, #tpu.memory_space<hbm>>
      tpu.wait_indirect_dma semaphore(%arg13 : memref<!tpu.dma_semaphore, #tpu.memory_space<semaphore_mem>>) src(%dma_wait3A_909 : memref<10000x128xf32, #tpu.memory_space<hbm>>) dst(%dma_wait3A_903 : memref<125x128xf32, #tpu.memory_space<vmem>>)
      %dma_start3A_910 = arith.constant 1 : i32
      %dma_start3A_911 = arith.constant 0 : i32
      %dma_start3A_912 = arith.constant 0 : i32
      %dma_start3A_913 = tpu.memref_slice %arg8[%dma_start3A_910, %dma_start3A_911, %dma_start3A_912] : memref<2x125x128xf32, #tpu.memory_space<vmem>> -> memref<1x125x128xf32, #tpu.memory_space<vmem>>
      %dma_start3A_914 = tpu.memref_squeeze %dma_start3A_913 : memref<1x125x128xf32, #tpu.memory_space<vmem>> -> memref<125x128xf32, #tpu.memory_space<vmem>>
      %dma_start3A_915 = arith.constant 0 : i32
      %dma_start3A_916 = tpu.memref_slice %arg7[%add3A_898, %dma_start3A_915] : memref<16x125xi32, #tpu.memory_space<vmem>> -> memref<1x125xi32, #tpu.memory_space<vmem>>
      %dma_start3A_917 = tpu.memref_squeeze %dma_start3A_916 : memref<1x125xi32, #tpu.memory_space<vmem>> -> memref<125xi32, #tpu.memory_space<vmem>>
      %dma_start3A_918 = arith.constant 0 : i32
      %dma_start3A_919 = arith.constant 0 : i32
      %dma_start3A_920 = tpu.memref_slice %arg11[%dma_start3A_918, %dma_start3A_919] : memref<10000x128xf32, #tpu.memory_space<vmem_shared>> -> memref<10000x128xf32, #tpu.memory_space<vmem_shared>>
      tpu.enqueue_indirect_dma source(%dma_start3A_914 : memref<125x128xf32, #tpu.memory_space<vmem>>) target(%dma_start3A_920 : memref<10000x128xf32, #tpu.memory_space<vmem_shared>>) offsets(%dma_start3A_917 : memref<125xi32, #tpu.memory_space<vmem>>) semaphore(%arg16 : memref<!tpu.dma_semaphore, #tpu.memory_space<semaphore_mem>>) {add = true}
      %dma_start3A_921 = arith.constant 0 : i32
      %dma_start3A_922 = tpu.memref_slice %arg7[%add3A_898, %dma_start3A_921] : memref<16x125xi32, #tpu.memory_space<vmem>> -> memref<1x125xi32, #tpu.memory_space<vmem>>
      %dma_start3A_923 = tpu.memref_squeeze %dma_start3A_922 : memref<1x125xi32, #tpu.memory_space<vmem>> -> memref<125xi32, #tpu.memory_space<vmem>>
      %dma_start3A_924 = arith.constant 0 : i32
      %dma_start3A_925 = arith.constant 0 : i32
      %dma_start3A_926 = tpu.memref_slice %arg12[%dma_start3A_924, %dma_start3A_925] : memref<10000x16xf32, #tpu.memory_space<vmem_shared>> -> memref<10000x16xf32, #tpu.memory_space<vmem_shared>>
      tpu.enqueue_indirect_dma source(%arg9 : memref<125x16xf32, #tpu.memory_space<vmem>>) target(%dma_start3A_926 : memref<10000x16xf32, #tpu.memory_space<vmem_shared>>) offsets(%dma_start3A_923 : memref<125xi32, #tpu.memory_space<vmem>>) semaphore(%arg14 : memref<!tpu.dma_semaphore, #tpu.memory_space<semaphore_mem>>) {add = true}
      %dma_wait3A_927 = arith.constant 0 : i32
      %dma_wait3A_928 = arith.constant 0 : i32
      %dma_wait3A_929 = arith.constant 0 : i32
      %dma_wait3A_930 = tpu.memref_slice %arg8[%dma_wait3A_927, %dma_wait3A_928, %dma_wait3A_929] : memref<2x125x128xf32, #tpu.memory_space<vmem>> -> memref<1x125x128xf32, #tpu.memory_space<vmem>>
      %dma_wait3A_931 = tpu.memref_squeeze %dma_wait3A_930 : memref<1x125x128xf32, #tpu.memory_space<vmem>> -> memref<125x128xf32, #tpu.memory_space<vmem>>
      %dma_wait3A_932 = arith.constant 0 : i32
      %dma_wait3A_933 = tpu.memref_slice %arg7[%mul3A_851, %dma_wait3A_932] : memref<16x125xi32, #tpu.memory_space<vmem>> -> memref<1x125xi32, #tpu.memory_space<vmem>>
      %dma_wait3A_934 = tpu.memref_squeeze %dma_wait3A_933 : memref<1x125xi32, #tpu.memory_space<vmem>> -> memref<125xi32, #tpu.memory_space<vmem>>
      %dma_wait3A_935 = arith.constant 0 : i32
      %dma_wait3A_936 = arith.constant 0 : i32
      %dma_wait3A_937 = tpu.memref_slice %arg11[%dma_wait3A_935, %dma_wait3A_936] : memref<10000x128xf32, #tpu.memory_space<vmem_shared>> -> memref<10000x128xf32, #tpu.memory_space<vmem_shared>>
      tpu.wait_indirect_dma semaphore(%arg15 : memref<!tpu.dma_semaphore, #tpu.memory_space<semaphore_mem>>) src(%dma_wait3A_931 : memref<125x128xf32, #tpu.memory_space<vmem>>) dst(%dma_wait3A_937 : memref<10000x128xf32, #tpu.memory_space<vmem_shared>>)
      %add3A_938 = arith.constant 1 : i32
      %add3A_939 = arith.addi %add3A_898, %add3A_938 : i32
      %lt3A_940 = arith.constant 16 : i32
      %lt3A_941 = arith.cmpi slt, %add3A_939, %lt3A_940 : i32
      %convert_element_type3A_942 = arith.extui %lt3A_941 : i1 to i32
      %cond3A_943 = arith.constant 0 : i32
      %cond3A_944 = arith.cmpi ne, %convert_element_type3A_942, %cond3A_943 : i32
      scf.if %cond3A_944 {
        %add3A_945 = arith.constant 1 : i32
        %add3A_946 = arith.addi %add3A_898, %add3A_945 : i32
        %dma_start3A_947 = arith.constant 0 : i32
        %dma_start3A_948 = arith.constant 0 : i32
        %dma_start3A_949 = arith.constant 0 : i32
        %dma_start3A_950 = tpu.memref_slice %arg8[%dma_start3A_947, %dma_start3A_948, %dma_start3A_949] : memref<2x125x128xf32, #tpu.memory_space<vmem>> -> memref<1x125x128xf32, #tpu.memory_space<vmem>>
        %dma_start3A_951 = tpu.memref_squeeze %dma_start3A_950 : memref<1x125x128xf32, #tpu.memory_space<vmem>> -> memref<125x128xf32, #tpu.memory_space<vmem>>
        %dma_start3A_952 = arith.constant 0 : i32
        %dma_start3A_953 = tpu.memref_slice %arg6[%add3A_946, %dma_start3A_952] : memref<16x125xi32, #tpu.memory_space<vmem>> -> memref<1x125xi32, #tpu.memory_space<vmem>>
        %dma_start3A_954 = tpu.memref_squeeze %dma_start3A_953 : memref<1x125xi32, #tpu.memory_space<vmem>> -> memref<125xi32, #tpu.memory_space<vmem>>
        %dma_start3A_955 = arith.constant 0 : i32
        %dma_start3A_956 = arith.constant 0 : i32
        %dma_start3A_957 = tpu.memref_slice %arg2[%dma_start3A_955, %dma_start3A_956] : memref<10000x128xf32, #tpu.memory_space<hbm>> -> memref<10000x128xf32, #tpu.memory_space<hbm>>
        tpu.enqueue_indirect_dma source(%dma_start3A_957 : memref<10000x128xf32, #tpu.memory_space<hbm>>) target(%dma_start3A_951 : memref<125x128xf32, #tpu.memory_space<vmem>>) offsets(%dma_start3A_954 : memref<125xi32, #tpu.memory_space<vmem>>) semaphore(%arg13 : memref<!tpu.dma_semaphore, #tpu.memory_space<semaphore_mem>>)
      } else {
      }
    }
    %scan3A_518 = arith.constant 8 : i32
    %dma_wait3A_519 = arith.constant 1 : i32
    %dma_wait3A_520 = arith.constant 15 : i32
    %dma_wait3A_521 = arith.constant 0 : i32
    %dma_wait3A_522 = arith.constant 0 : i32
    %dma_wait3A_523 = tpu.memref_slice %arg8[%dma_wait3A_519, %dma_wait3A_521, %dma_wait3A_522] : memref<2x125x128xf32, #tpu.memory_space<vmem>> -> memref<1x125x128xf32, #tpu.memory_space<vmem>>
    %dma_wait3A_524 = tpu.memref_squeeze %dma_wait3A_523 : memref<1x125x128xf32, #tpu.memory_space<vmem>> -> memref<125x128xf32, #tpu.memory_space<vmem>>
    %dma_wait3A_525 = arith.constant 0 : i32
    %dma_wait3A_526 = tpu.memref_slice %arg7[%dma_wait3A_520, %dma_wait3A_525] : memref<16x125xi32, #tpu.memory_space<vmem>> -> memref<1x125xi32, #tpu.memory_space<vmem>>
    %dma_wait3A_527 = tpu.memref_squeeze %dma_wait3A_526 : memref<1x125xi32, #tpu.memory_space<vmem>> -> memref<125xi32, #tpu.memory_space<vmem>>
    %dma_wait3A_528 = arith.constant 0 : i32
    %dma_wait3A_529 = arith.constant 0 : i32
    %dma_wait3A_530 = tpu.memref_slice %arg11[%dma_wait3A_528, %dma_wait3A_529] : memref<10000x128xf32, #tpu.memory_space<vmem_shared>> -> memref<10000x128xf32, #tpu.memory_space<vmem_shared>>
    tpu.wait_indirect_dma semaphore(%arg16 : memref<!tpu.dma_semaphore, #tpu.memory_space<semaphore_mem>>) src(%dma_wait3A_524 : memref<125x128xf32, #tpu.memory_space<vmem>>) dst(%dma_wait3A_530 : memref<10000x128xf32, #tpu.memory_space<vmem_shared>>)
    %dma_wait3A_531 = arith.constant 0 : i32
    %dma_wait3A_532 = arith.constant 0 : i32
    %dma_wait3A_533 = tpu.memref_slice %arg7[%dma_wait3A_531, %dma_wait3A_532] : memref<16x125xi32, #tpu.memory_space<vmem>> -> memref<1x125xi32, #tpu.memory_space<vmem>>
    %dma_wait3A_534 = tpu.memref_squeeze %dma_wait3A_533 : memref<1x125xi32, #tpu.memory_space<vmem>> -> memref<125xi32, #tpu.memory_space<vmem>>
    %dma_wait3A_535 = arith.constant 0 : i32
    %dma_wait3A_536 = arith.constant 0 : i32
    %dma_wait3A_537 = tpu.memref_slice %arg12[%dma_wait3A_535, %dma_wait3A_536] : memref<10000x16xf32, #tpu.memory_space<vmem_shared>> -> memref<10000x16xf32, #tpu.memory_space<vmem_shared>>
    tpu.wait_indirect_dma semaphore(%arg14 : memref<!tpu.dma_semaphore, #tpu.memory_space<semaphore_mem>>) src(%arg9 : memref<125x16xf32, #tpu.memory_space<vmem>>) dst(%dma_wait3A_537 : memref<10000x16xf32, #tpu.memory_space<vmem_shared>>)
    %dma_wait3A_538 = arith.constant 0 : i32
    %dma_wait3A_539 = arith.constant 0 : i32
    %dma_wait3A_540 = tpu.memref_slice %arg7[%dma_wait3A_538, %dma_wait3A_539] : memref<16x125xi32, #tpu.memory_space<vmem>> -> memref<1x125xi32, #tpu.memory_space<vmem>>
    %dma_wait3A_541 = tpu.memref_squeeze %dma_wait3A_540 : memref<1x125xi32, #tpu.memory_space<vmem>> -> memref<125xi32, #tpu.memory_space<vmem>>
    %dma_wait3A_542 = arith.constant 0 : i32
    %dma_wait3A_543 = arith.constant 0 : i32
    %dma_wait3A_544 = tpu.memref_slice %arg12[%dma_wait3A_542, %dma_wait3A_543] : memref<10000x16xf32, #tpu.memory_space<vmem_shared>> -> memref<10000x16xf32, #tpu.memory_space<vmem_shared>>
    tpu.wait_indirect_dma semaphore(%arg14 : memref<!tpu.dma_semaphore, #tpu.memory_space<semaphore_mem>>) src(%arg9 : memref<125x16xf32, #tpu.memory_space<vmem>>) dst(%dma_wait3A_544 : memref<10000x16xf32, #tpu.memory_space<vmem_shared>>)
    %dma_wait3A_545 = arith.constant 0 : i32
    %dma_wait3A_546 = arith.constant 0 : i32
    %dma_wait3A_547 = tpu.memref_slice %arg7[%dma_wait3A_545, %dma_wait3A_546] : memref<16x125xi32, #tpu.memory_space<vmem>> -> memref<1x125xi32, #tpu.memory_space<vmem>>
    %dma_wait3A_548 = tpu.memref_squeeze %dma_wait3A_547 : memref<1x125xi32, #tpu.memory_space<vmem>> -> memref<125xi32, #tpu.memory_space<vmem>>
    %dma_wait3A_549 = arith.constant 0 : i32
    %dma_wait3A_550 = arith.constant 0 : i32
    %dma_wait3A_551 = tpu.memref_slice %arg12[%dma_wait3A_549, %dma_wait3A_550] : memref<10000x16xf32, #tpu.memory_space<vmem_shared>> -> memref<10000x16xf32, #tpu.memory_space<vmem_shared>>
    tpu.wait_indirect_dma semaphore(%arg14 : memref<!tpu.dma_semaphore, #tpu.memory_space<semaphore_mem>>) src(%arg9 : memref<125x16xf32, #tpu.memory_space<vmem>>) dst(%dma_wait3A_551 : memref<10000x16xf32, #tpu.memory_space<vmem_shared>>)
    %dma_wait3A_552 = arith.constant 0 : i32
    %dma_wait3A_553 = arith.constant 0 : i32
    %dma_wait3A_554 = tpu.memref_slice %arg7[%dma_wait3A_552, %dma_wait3A_553] : memref<16x125xi32, #tpu.memory_space<vmem>> -> memref<1x125xi32, #tpu.memory_space<vmem>>
    %dma_wait3A_555 = tpu.memref_squeeze %dma_wait3A_554 : memref<1x125xi32, #tpu.memory_space<vmem>> -> memref<125xi32, #tpu.memory_space<vmem>>
    %dma_wait3A_556 = arith.constant 0 : i32
    %dma_wait3A_557 = arith.constant 0 : i32
    %dma_wait3A_558 = tpu.memref_slice %arg12[%dma_wait3A_556, %dma_wait3A_557] : memref<10000x16xf32, #tpu.memory_space<vmem_shared>> -> memref<10000x16xf32, #tpu.memory_space<vmem_shared>>
    tpu.wait_indirect_dma semaphore(%arg14 : memref<!tpu.dma_semaphore, #tpu.memory_space<semaphore_mem>>) src(%arg9 : memref<125x16xf32, #tpu.memory_space<vmem>>) dst(%dma_wait3A_558 : memref<10000x16xf32, #tpu.memory_space<vmem_shared>>)
    %dma_wait3A_559 = arith.constant 0 : i32
    %dma_wait3A_560 = arith.constant 0 : i32
    %dma_wait3A_561 = tpu.memref_slice %arg7[%dma_wait3A_559, %dma_wait3A_560] : memref<16x125xi32, #tpu.memory_space<vmem>> -> memref<1x125xi32, #tpu.memory_space<vmem>>
    %dma_wait3A_562 = tpu.memref_squeeze %dma_wait3A_561 : memref<1x125xi32, #tpu.memory_space<vmem>> -> memref<125xi32, #tpu.memory_space<vmem>>
    %dma_wait3A_563 = arith.constant 0 : i32
    %dma_wait3A_564 = arith.constant 0 : i32
    %dma_wait3A_565 = tpu.memref_slice %arg12[%dma_wait3A_563, %dma_wait3A_564] : memref<10000x16xf32, #tpu.memory_space<vmem_shared>> -> memref<10000x16xf32, #tpu.memory_space<vmem_shared>>
    tpu.wait_indirect_dma semaphore(%arg14 : memref<!tpu.dma_semaphore, #tpu.memory_space<semaphore_mem>>) src(%arg9 : memref<125x16xf32, #tpu.memory_space<vmem>>) dst(%dma_wait3A_565 : memref<10000x16xf32, #tpu.memory_space<vmem_shared>>)
    %dma_wait3A_566 = arith.constant 0 : i32
    %dma_wait3A_567 = arith.constant 0 : i32
    %dma_wait3A_568 = tpu.memref_slice %arg7[%dma_wait3A_566, %dma_wait3A_567] : memref<16x125xi32, #tpu.memory_space<vmem>> -> memref<1x125xi32, #tpu.memory_space<vmem>>
    %dma_wait3A_569 = tpu.memref_squeeze %dma_wait3A_568 : memref<1x125xi32, #tpu.memory_space<vmem>> -> memref<125xi32, #tpu.memory_space<vmem>>
    %dma_wait3A_570 = arith.constant 0 : i32
    %dma_wait3A_571 = arith.constant 0 : i32
    %dma_wait3A_572 = tpu.memref_slice %arg12[%dma_wait3A_570, %dma_wait3A_571] : memref<10000x16xf32, #tpu.memory_space<vmem_shared>> -> memref<10000x16xf32, #tpu.memory_space<vmem_shared>>
    tpu.wait_indirect_dma semaphore(%arg14 : memref<!tpu.dma_semaphore, #tpu.memory_space<semaphore_mem>>) src(%arg9 : memref<125x16xf32, #tpu.memory_space<vmem>>) dst(%dma_wait3A_572 : memref<10000x16xf32, #tpu.memory_space<vmem_shared>>)
    %dma_wait3A_573 = arith.constant 0 : i32
    %dma_wait3A_574 = arith.constant 0 : i32
    %dma_wait3A_575 = tpu.memref_slice %arg7[%dma_wait3A_573, %dma_wait3A_574] : memref<16x125xi32, #tpu.memory_space<vmem>> -> memref<1x125xi32, #tpu.memory_space<vmem>>
    %dma_wait3A_576 = tpu.memref_squeeze %dma_wait3A_575 : memref<1x125xi32, #tpu.memory_space<vmem>> -> memref<125xi32, #tpu.memory_space<vmem>>
    %dma_wait3A_577 = arith.constant 0 : i32
    %dma_wait3A_578 = arith.constant 0 : i32
    %dma_wait3A_579 = tpu.memref_slice %arg12[%dma_wait3A_577, %dma_wait3A_578] : memref<10000x16xf32, #tpu.memory_space<vmem_shared>> -> memref<10000x16xf32, #tpu.memory_space<vmem_shared>>
    tpu.wait_indirect_dma semaphore(%arg14 : memref<!tpu.dma_semaphore, #tpu.memory_space<semaphore_mem>>) src(%arg9 : memref<125x16xf32, #tpu.memory_space<vmem>>) dst(%dma_wait3A_579 : memref<10000x16xf32, #tpu.memory_space<vmem_shared>>)
    %dma_wait3A_580 = arith.constant 0 : i32
    %dma_wait3A_581 = arith.constant 0 : i32
    %dma_wait3A_582 = tpu.memref_slice %arg7[%dma_wait3A_580, %dma_wait3A_581] : memref<16x125xi32, #tpu.memory_space<vmem>> -> memref<1x125xi32, #tpu.memory_space<vmem>>
    %dma_wait3A_583 = tpu.memref_squeeze %dma_wait3A_582 : memref<1x125xi32, #tpu.memory_space<vmem>> -> memref<125xi32, #tpu.memory_space<vmem>>
    %dma_wait3A_584 = arith.constant 0 : i32
    %dma_wait3A_585 = arith.constant 0 : i32
    %dma_wait3A_586 = tpu.memref_slice %arg12[%dma_wait3A_584, %dma_wait3A_585] : memref<10000x16xf32, #tpu.memory_space<vmem_shared>> -> memref<10000x16xf32, #tpu.memory_space<vmem_shared>>
    tpu.wait_indirect_dma semaphore(%arg14 : memref<!tpu.dma_semaphore, #tpu.memory_space<semaphore_mem>>) src(%arg9 : memref<125x16xf32, #tpu.memory_space<vmem>>) dst(%dma_wait3A_586 : memref<10000x16xf32, #tpu.memory_space<vmem_shared>>)
    %dma_wait3A_587 = arith.constant 0 : i32
    %dma_wait3A_588 = arith.constant 0 : i32
    %dma_wait3A_589 = tpu.memref_slice %arg7[%dma_wait3A_587, %dma_wait3A_588] : memref<16x125xi32, #tpu.memory_space<vmem>> -> memref<1x125xi32, #tpu.memory_space<vmem>>
    %dma_wait3A_590 = tpu.memref_squeeze %dma_wait3A_589 : memref<1x125xi32, #tpu.memory_space<vmem>> -> memref<125xi32, #tpu.memory_space<vmem>>
    %dma_wait3A_591 = arith.constant 0 : i32
    %dma_wait3A_592 = arith.constant 0 : i32
    %dma_wait3A_593 = tpu.memref_slice %arg12[%dma_wait3A_591, %dma_wait3A_592] : memref<10000x16xf32, #tpu.memory_space<vmem_shared>> -> memref<10000x16xf32, #tpu.memory_space<vmem_shared>>
    tpu.wait_indirect_dma semaphore(%arg14 : memref<!tpu.dma_semaphore, #tpu.memory_space<semaphore_mem>>) src(%arg9 : memref<125x16xf32, #tpu.memory_space<vmem>>) dst(%dma_wait3A_593 : memref<10000x16xf32, #tpu.memory_space<vmem_shared>>)
    %dma_wait3A_594 = arith.constant 0 : i32
    %dma_wait3A_595 = arith.constant 0 : i32
    %dma_wait3A_596 = tpu.memref_slice %arg7[%dma_wait3A_594, %dma_wait3A_595] : memref<16x125xi32, #tpu.memory_space<vmem>> -> memref<1x125xi32, #tpu.memory_space<vmem>>
    %dma_wait3A_597 = tpu.memref_squeeze %dma_wait3A_596 : memref<1x125xi32, #tpu.memory_space<vmem>> -> memref<125xi32, #tpu.memory_space<vmem>>
    %dma_wait3A_598 = arith.constant 0 : i32
    %dma_wait3A_599 = arith.constant 0 : i32
    %dma_wait3A_600 = tpu.memref_slice %arg12[%dma_wait3A_598, %dma_wait3A_599] : memref<10000x16xf32, #tpu.memory_space<vmem_shared>> -> memref<10000x16xf32, #tpu.memory_space<vmem_shared>>
    tpu.wait_indirect_dma semaphore(%arg14 : memref<!tpu.dma_semaphore, #tpu.memory_space<semaphore_mem>>) src(%arg9 : memref<125x16xf32, #tpu.memory_space<vmem>>) dst(%dma_wait3A_600 : memref<10000x16xf32, #tpu.memory_space<vmem_shared>>)
    %dma_wait3A_601 = arith.constant 0 : i32
    %dma_wait3A_602 = arith.constant 0 : i32
    %dma_wait3A_603 = tpu.memref_slice %arg7[%dma_wait3A_601, %dma_wait3A_602] : memref<16x125xi32, #tpu.memory_space<vmem>> -> memref<1x125xi32, #tpu.memory_space<vmem>>
    %dma_wait3A_604 = tpu.memref_squeeze %dma_wait3A_603 : memref<1x125xi32, #tpu.memory_space<vmem>> -> memref<125xi32, #tpu.memory_space<vmem>>
    %dma_wait3A_605 = arith.constant 0 : i32
    %dma_wait3A_606 = arith.constant 0 : i32
    %dma_wait3A_607 = tpu.memref_slice %arg12[%dma_wait3A_605, %dma_wait3A_606] : memref<10000x16xf32, #tpu.memory_space<vmem_shared>> -> memref<10000x16xf32, #tpu.memory_space<vmem_shared>>
    tpu.wait_indirect_dma semaphore(%arg14 : memref<!tpu.dma_semaphore, #tpu.memory_space<semaphore_mem>>) src(%arg9 : memref<125x16xf32, #tpu.memory_space<vmem>>) dst(%dma_wait3A_607 : memref<10000x16xf32, #tpu.memory_space<vmem_shared>>)
    %dma_wait3A_608 = arith.constant 0 : i32
    %dma_wait3A_609 = arith.constant 0 : i32
    %dma_wait3A_610 = tpu.memref_slice %arg7[%dma_wait3A_608, %dma_wait3A_609] : memref<16x125xi32, #tpu.memory_space<vmem>> -> memref<1x125xi32, #tpu.memory_space<vmem>>
    %dma_wait3A_611 = tpu.memref_squeeze %dma_wait3A_610 : memref<1x125xi32, #tpu.memory_space<vmem>> -> memref<125xi32, #tpu.memory_space<vmem>>
    %dma_wait3A_612 = arith.constant 0 : i32
    %dma_wait3A_613 = arith.constant 0 : i32
    %dma_wait3A_614 = tpu.memref_slice %arg12[%dma_wait3A_612, %dma_wait3A_613] : memref<10000x16xf32, #tpu.memory_space<vmem_shared>> -> memref<10000x16xf32, #tpu.memory_space<vmem_shared>>
    tpu.wait_indirect_dma semaphore(%arg14 : memref<!tpu.dma_semaphore, #tpu.memory_space<semaphore_mem>>) src(%arg9 : memref<125x16xf32, #tpu.memory_space<vmem>>) dst(%dma_wait3A_614 : memref<10000x16xf32, #tpu.memory_space<vmem_shared>>)
    %dma_wait3A_615 = arith.constant 0 : i32
    %dma_wait3A_616 = arith.constant 0 : i32
    %dma_wait3A_617 = tpu.memref_slice %arg7[%dma_wait3A_615, %dma_wait3A_616] : memref<16x125xi32, #tpu.memory_space<vmem>> -> memref<1x125xi32, #tpu.memory_space<vmem>>
    %dma_wait3A_618 = tpu.memref_squeeze %dma_wait3A_617 : memref<1x125xi32, #tpu.memory_space<vmem>> -> memref<125xi32, #tpu.memory_space<vmem>>
    %dma_wait3A_619 = arith.constant 0 : i32
    %dma_wait3A_620 = arith.constant 0 : i32
    %dma_wait3A_621 = tpu.memref_slice %arg12[%dma_wait3A_619, %dma_wait3A_620] : memref<10000x16xf32, #tpu.memory_space<vmem_shared>> -> memref<10000x16xf32, #tpu.memory_space<vmem_shared>>
    tpu.wait_indirect_dma semaphore(%arg14 : memref<!tpu.dma_semaphore, #tpu.memory_space<semaphore_mem>>) src(%arg9 : memref<125x16xf32, #tpu.memory_space<vmem>>) dst(%dma_wait3A_621 : memref<10000x16xf32, #tpu.memory_space<vmem_shared>>)
    %dma_wait3A_622 = arith.constant 0 : i32
    %dma_wait3A_623 = arith.constant 0 : i32
    %dma_wait3A_624 = tpu.memref_slice %arg7[%dma_wait3A_622, %dma_wait3A_623] : memref<16x125xi32, #tpu.memory_space<vmem>> -> memref<1x125xi32, #tpu.memory_space<vmem>>
    %dma_wait3A_625 = tpu.memref_squeeze %dma_wait3A_624 : memref<1x125xi32, #tpu.memory_space<vmem>> -> memref<125xi32, #tpu.memory_space<vmem>>
    %dma_wait3A_626 = arith.constant 0 : i32
    %dma_wait3A_627 = arith.constant 0 : i32
    %dma_wait3A_628 = tpu.memref_slice %arg12[%dma_wait3A_626, %dma_wait3A_627] : memref<10000x16xf32, #tpu.memory_space<vmem_shared>> -> memref<10000x16xf32, #tpu.memory_space<vmem_shared>>
    tpu.wait_indirect_dma semaphore(%arg14 : memref<!tpu.dma_semaphore, #tpu.memory_space<semaphore_mem>>) src(%arg9 : memref<125x16xf32, #tpu.memory_space<vmem>>) dst(%dma_wait3A_628 : memref<10000x16xf32, #tpu.memory_space<vmem_shared>>)
    %dma_wait3A_629 = arith.constant 0 : i32
    %dma_wait3A_630 = arith.constant 0 : i32
    %dma_wait3A_631 = tpu.memref_slice %arg7[%dma_wait3A_629, %dma_wait3A_630] : memref<16x125xi32, #tpu.memory_space<vmem>> -> memref<1x125xi32, #tpu.memory_space<vmem>>
    %dma_wait3A_632 = tpu.memref_squeeze %dma_wait3A_631 : memref<1x125xi32, #tpu.memory_space<vmem>> -> memref<125xi32, #tpu.memory_space<vmem>>
    %dma_wait3A_633 = arith.constant 0 : i32
    %dma_wait3A_634 = arith.constant 0 : i32
    %dma_wait3A_635 = tpu.memref_slice %arg12[%dma_wait3A_633, %dma_wait3A_634] : memref<10000x16xf32, #tpu.memory_space<vmem_shared>> -> memref<10000x16xf32, #tpu.memory_space<vmem_shared>>
    tpu.wait_indirect_dma semaphore(%arg14 : memref<!tpu.dma_semaphore, #tpu.memory_space<semaphore_mem>>) src(%arg9 : memref<125x16xf32, #tpu.memory_space<vmem>>) dst(%dma_wait3A_635 : memref<10000x16xf32, #tpu.memory_space<vmem_shared>>)
    %dma_wait3A_636 = arith.constant 0 : i32
    %dma_wait3A_637 = arith.constant 0 : i32
    %dma_wait3A_638 = tpu.memref_slice %arg7[%dma_wait3A_636, %dma_wait3A_637] : memref<16x125xi32, #tpu.memory_space<vmem>> -> memref<1x125xi32, #tpu.memory_space<vmem>>
    %dma_wait3A_639 = tpu.memref_squeeze %dma_wait3A_638 : memref<1x125xi32, #tpu.memory_space<vmem>> -> memref<125xi32, #tpu.memory_space<vmem>>
    %dma_wait3A_640 = arith.constant 0 : i32
    %dma_wait3A_641 = arith.constant 0 : i32
    %dma_wait3A_642 = tpu.memref_slice %arg12[%dma_wait3A_640, %dma_wait3A_641] : memref<10000x16xf32, #tpu.memory_space<vmem_shared>> -> memref<10000x16xf32, #tpu.memory_space<vmem_shared>>
    tpu.wait_indirect_dma semaphore(%arg14 : memref<!tpu.dma_semaphore, #tpu.memory_space<semaphore_mem>>) src(%arg9 : memref<125x16xf32, #tpu.memory_space<vmem>>) dst(%dma_wait3A_642 : memref<10000x16xf32, #tpu.memory_space<vmem_shared>>)
    %run_scoped3A_643 = arith.constant 0 : i32
    %run_scoped3A_644 = arith.constant 4 : i32
    "tpu.region"() ({
      %run_scoped3A_845 = tpu.sem_alloc : memref<!tpu.dma_semaphore, #tpu.memory_space<semaphore_mem>>
      %dma_start3A_846 = arith.constant 0 : i32
      %dma_start3A_847 = arith.constant 0 : i32
      %dma_start3A_848 = tpu.memref_slice %arg3[%run_scoped3A_643, %add3A, %run_scoped3A_644, %dma_start3A_846, %dma_start3A_847] : memref<2x32x5x16x125xi32, #tpu.memory_space<hbm>> -> memref<1x1x1x16x125xi32, #tpu.memory_space<hbm>>
      %dma_start3A_849 = tpu.memref_squeeze %dma_start3A_848 : memref<1x1x1x16x125xi32, #tpu.memory_space<hbm>> -> memref<16x125xi32, #tpu.memory_space<hbm>>
      %dma_start3A_850 = arith.constant 0 : i32
      %dma_start3A_851 = arith.constant 0 : i32
      %dma_start3A_852 = tpu.memref_slice %arg3[%run_scoped3A_643, %add3A, %run_scoped3A_644, %dma_start3A_850, %dma_start3A_851] : memref<2x32x5x16x125xi32, #tpu.memory_space<hbm>> -> memref<1x1x1x16x125xi32, #tpu.memory_space<hbm>>
      %dma_start3A_853 = tpu.memref_squeeze %dma_start3A_852 : memref<1x1x1x16x125xi32, #tpu.memory_space<hbm>> -> memref<16x125xi32, #tpu.memory_space<hbm>>
      tpu.enqueue_dma source(%dma_start3A_853 : memref<16x125xi32, #tpu.memory_space<hbm>>) target(%arg6 : memref<16x125xi32, #tpu.memory_space<vmem>>) target_semaphore(%run_scoped3A_845 : memref<!tpu.dma_semaphore, #tpu.memory_space<semaphore_mem>>)
      %dma_wait3A_854 = arith.constant 0 : i32
      %dma_wait3A_855 = arith.constant 0 : i32
      %dma_wait3A_856 = tpu.memref_slice %arg3[%run_scoped3A_643, %add3A, %run_scoped3A_644, %dma_wait3A_854, %dma_wait3A_855] : memref<2x32x5x16x125xi32, #tpu.memory_space<hbm>> -> memref<1x1x1x16x125xi32, #tpu.memory_space<hbm>>
      %dma_wait3A_857 = tpu.memref_squeeze %dma_wait3A_856 : memref<1x1x1x16x125xi32, #tpu.memory_space<hbm>> -> memref<16x125xi32, #tpu.memory_space<hbm>>
      %dma_wait3A_858 = arith.constant 0 : i32
      %dma_wait3A_859 = arith.constant 0 : i32
      %dma_wait3A_860 = tpu.memref_slice %arg3[%run_scoped3A_643, %add3A, %run_scoped3A_644, %dma_wait3A_858, %dma_wait3A_859] : memref<2x32x5x16x125xi32, #tpu.memory_space<hbm>> -> memref<1x1x1x16x125xi32, #tpu.memory_space<hbm>>
      %dma_wait3A_861 = tpu.memref_squeeze %dma_wait3A_860 : memref<1x1x1x16x125xi32, #tpu.memory_space<hbm>> -> memref<16x125xi32, #tpu.memory_space<hbm>>
      tpu.wait_dma2 semaphore(%run_scoped3A_845 : memref<!tpu.dma_semaphore, #tpu.memory_space<semaphore_mem>>) src(%dma_wait3A_861 : memref<16x125xi32, #tpu.memory_space<hbm>>) dst(%arg6 : memref<16x125xi32, #tpu.memory_space<vmem>>)
      tpu.yield
    }) : () -> ()
    %run_scoped3A_645 = arith.constant 1 : i32
    %run_scoped3A_646 = arith.constant 4 : i32
    "tpu.region"() ({
      %run_scoped3A_845 = tpu.sem_alloc : memref<!tpu.dma_semaphore, #tpu.memory_space<semaphore_mem>>
      %dma_start3A_846 = arith.constant 0 : i32
      %dma_start3A_847 = arith.constant 0 : i32
      %dma_start3A_848 = tpu.memref_slice %arg3[%run_scoped3A_645, %add3A, %run_scoped3A_646, %dma_start3A_846, %dma_start3A_847] : memref<2x32x5x16x125xi32, #tpu.memory_space<hbm>> -> memref<1x1x1x16x125xi32, #tpu.memory_space<hbm>>
      %dma_start3A_849 = tpu.memref_squeeze %dma_start3A_848 : memref<1x1x1x16x125xi32, #tpu.memory_space<hbm>> -> memref<16x125xi32, #tpu.memory_space<hbm>>
      %dma_start3A_850 = arith.constant 0 : i32
      %dma_start3A_851 = arith.constant 0 : i32
      %dma_start3A_852 = tpu.memref_slice %arg3[%run_scoped3A_645, %add3A, %run_scoped3A_646, %dma_start3A_850, %dma_start3A_851] : memref<2x32x5x16x125xi32, #tpu.memory_space<hbm>> -> memref<1x1x1x16x125xi32, #tpu.memory_space<hbm>>
      %dma_start3A_853 = tpu.memref_squeeze %dma_start3A_852 : memref<1x1x1x16x125xi32, #tpu.memory_space<hbm>> -> memref<16x125xi32, #tpu.memory_space<hbm>>
      tpu.enqueue_dma source(%dma_start3A_853 : memref<16x125xi32, #tpu.memory_space<hbm>>) target(%arg7 : memref<16x125xi32, #tpu.memory_space<vmem>>) target_semaphore(%run_scoped3A_845 : memref<!tpu.dma_semaphore, #tpu.memory_space<semaphore_mem>>)
      %dma_wait3A_854 = arith.constant 0 : i32
      %dma_wait3A_855 = arith.constant 0 : i32
      %dma_wait3A_856 = tpu.memref_slice %arg3[%run_scoped3A_645, %add3A, %run_scoped3A_646, %dma_wait3A_854, %dma_wait3A_855] : memref<2x32x5x16x125xi32, #tpu.memory_space<hbm>> -> memref<1x1x1x16x125xi32, #tpu.memory_space<hbm>>
      %dma_wait3A_857 = tpu.memref_squeeze %dma_wait3A_856 : memref<1x1x1x16x125xi32, #tpu.memory_space<hbm>> -> memref<16x125xi32, #tpu.memory_space<hbm>>
      %dma_wait3A_858 = arith.constant 0 : i32
      %dma_wait3A_859 = arith.constant 0 : i32
      %dma_wait3A_860 = tpu.memref_slice %arg3[%run_scoped3A_645, %add3A, %run_scoped3A_646, %dma_wait3A_858, %dma_wait3A_859] : memref<2x32x5x16x125xi32, #tpu.memory_space<hbm>> -> memref<1x1x1x16x125xi32, #tpu.memory_space<hbm>>
      %dma_wait3A_861 = tpu.memref_squeeze %dma_wait3A_860 : memref<1x1x1x16x125xi32, #tpu.memory_space<hbm>> -> memref<16x125xi32, #tpu.memory_space<hbm>>
      tpu.wait_dma2 semaphore(%run_scoped3A_845 : memref<!tpu.dma_semaphore, #tpu.memory_space<semaphore_mem>>) src(%dma_wait3A_861 : memref<16x125xi32, #tpu.memory_space<hbm>>) dst(%arg7 : memref<16x125xi32, #tpu.memory_space<vmem>>)
      tpu.yield
    }) : () -> ()
    %dma_start3A_647 = arith.constant 0 : i32
    %dma_start3A_648 = arith.constant 0 : i32
    %dma_start3A_649 = arith.constant 0 : i32
    %dma_start3A_650 = arith.constant 0 : i32
    %dma_start3A_651 = tpu.memref_slice %arg8[%dma_start3A_648, %dma_start3A_649, %dma_start3A_650] : memref<2x125x128xf32, #tpu.memory_space<vmem>> -> memref<1x125x128xf32, #tpu.memory_space<vmem>>
    %dma_start3A_652 = tpu.memref_squeeze %dma_start3A_651 : memref<1x125x128xf32, #tpu.memory_space<vmem>> -> memref<125x128xf32, #tpu.memory_space<vmem>>
    %dma_start3A_653 = arith.constant 0 : i32
    %dma_start3A_654 = tpu.memref_slice %arg6[%dma_start3A_647, %dma_start3A_653] : memref<16x125xi32, #tpu.memory_space<vmem>> -> memref<1x125xi32, #tpu.memory_space<vmem>>
    %dma_start3A_655 = tpu.memref_squeeze %dma_start3A_654 : memref<1x125xi32, #tpu.memory_space<vmem>> -> memref<125xi32, #tpu.memory_space<vmem>>
    %dma_start3A_656 = arith.constant 0 : i32
    %dma_start3A_657 = arith.constant 0 : i32
    %dma_start3A_658 = tpu.memref_slice %arg2[%dma_start3A_656, %dma_start3A_657] : memref<10000x128xf32, #tpu.memory_space<hbm>> -> memref<10000x128xf32, #tpu.memory_space<hbm>>
    tpu.enqueue_indirect_dma source(%dma_start3A_658 : memref<10000x128xf32, #tpu.memory_space<hbm>>) target(%dma_start3A_652 : memref<125x128xf32, #tpu.memory_space<vmem>>) offsets(%dma_start3A_655 : memref<125xi32, #tpu.memory_space<vmem>>) semaphore(%arg13 : memref<!tpu.dma_semaphore, #tpu.memory_space<semaphore_mem>>)
    %scan3A_659 = arith.constant 0 : i32
    %scan3A_660 = arith.constant 8 : i32
    %scan3A_661 = arith.addi %scan3A_659, %scan3A_660 : i32
    %scan3A_662 = arith.constant 1 : i32
    scf.for %scan3A_845 = %scan3A_659 to %scan3A_661 step %scan3A_662  : i32 {
      %mul3A_846 = arith.constant 1 : i32
      %mul3A_847 = arith.muli %scan3A_845, %mul3A_846 : i32
      %add3A_848 = arith.constant 0 : i32
      %add3A_849 = arith.addi %add3A_848, %mul3A_847 : i32
      %mul3A_850 = arith.constant 2 : i32
      %mul3A_851 = arith.muli %mul3A_850, %add3A_849 : i32
      %dma_wait3A_852 = arith.constant 0 : i32
      %dma_wait3A_853 = arith.constant 0 : i32
      %dma_wait3A_854 = arith.constant 0 : i32
      %dma_wait3A_855 = tpu.memref_slice %arg8[%dma_wait3A_852, %dma_wait3A_853, %dma_wait3A_854] : memref<2x125x128xf32, #tpu.memory_space<vmem>> -> memref<1x125x128xf32, #tpu.memory_space<vmem>>
      %dma_wait3A_856 = tpu.memref_squeeze %dma_wait3A_855 : memref<1x125x128xf32, #tpu.memory_space<vmem>> -> memref<125x128xf32, #tpu.memory_space<vmem>>
      %dma_wait3A_857 = arith.constant 0 : i32
      %dma_wait3A_858 = tpu.memref_slice %arg6[%mul3A_851, %dma_wait3A_857] : memref<16x125xi32, #tpu.memory_space<vmem>> -> memref<1x125xi32, #tpu.memory_space<vmem>>
      %dma_wait3A_859 = tpu.memref_squeeze %dma_wait3A_858 : memref<1x125xi32, #tpu.memory_space<vmem>> -> memref<125xi32, #tpu.memory_space<vmem>>
      %dma_wait3A_860 = arith.constant 0 : i32
      %dma_wait3A_861 = arith.constant 0 : i32
      %dma_wait3A_862 = tpu.memref_slice %arg2[%dma_wait3A_860, %dma_wait3A_861] : memref<10000x128xf32, #tpu.memory_space<hbm>> -> memref<10000x128xf32, #tpu.memory_space<hbm>>
      tpu.wait_indirect_dma semaphore(%arg13 : memref<!tpu.dma_semaphore, #tpu.memory_space<semaphore_mem>>) src(%dma_wait3A_862 : memref<10000x128xf32, #tpu.memory_space<hbm>>) dst(%dma_wait3A_856 : memref<125x128xf32, #tpu.memory_space<vmem>>)
      %dma_start3A_863 = arith.constant 0 : i32
      %dma_start3A_864 = arith.constant 0 : i32
      %dma_start3A_865 = arith.constant 0 : i32
      %dma_start3A_866 = tpu.memref_slice %arg8[%dma_start3A_863, %dma_start3A_864, %dma_start3A_865] : memref<2x125x128xf32, #tpu.memory_space<vmem>> -> memref<1x125x128xf32, #tpu.memory_space<vmem>>
      %dma_start3A_867 = tpu.memref_squeeze %dma_start3A_866 : memref<1x125x128xf32, #tpu.memory_space<vmem>> -> memref<125x128xf32, #tpu.memory_space<vmem>>
      %dma_start3A_868 = arith.constant 0 : i32
      %dma_start3A_869 = tpu.memref_slice %arg7[%mul3A_851, %dma_start3A_868] : memref<16x125xi32, #tpu.memory_space<vmem>> -> memref<1x125xi32, #tpu.memory_space<vmem>>
      %dma_start3A_870 = tpu.memref_squeeze %dma_start3A_869 : memref<1x125xi32, #tpu.memory_space<vmem>> -> memref<125xi32, #tpu.memory_space<vmem>>
      %dma_start3A_871 = arith.constant 0 : i32
      %dma_start3A_872 = arith.constant 0 : i32
      %dma_start3A_873 = tpu.memref_slice %arg11[%dma_start3A_871, %dma_start3A_872] : memref<10000x128xf32, #tpu.memory_space<vmem_shared>> -> memref<10000x128xf32, #tpu.memory_space<vmem_shared>>
      tpu.enqueue_indirect_dma source(%dma_start3A_867 : memref<125x128xf32, #tpu.memory_space<vmem>>) target(%dma_start3A_873 : memref<10000x128xf32, #tpu.memory_space<vmem_shared>>) offsets(%dma_start3A_870 : memref<125xi32, #tpu.memory_space<vmem>>) semaphore(%arg15 : memref<!tpu.dma_semaphore, #tpu.memory_space<semaphore_mem>>) {add = true}
      %dma_start3A_874 = arith.constant 0 : i32
      %dma_start3A_875 = tpu.memref_slice %arg7[%mul3A_851, %dma_start3A_874] : memref<16x125xi32, #tpu.memory_space<vmem>> -> memref<1x125xi32, #tpu.memory_space<vmem>>
      %dma_start3A_876 = tpu.memref_squeeze %dma_start3A_875 : memref<1x125xi32, #tpu.memory_space<vmem>> -> memref<125xi32, #tpu.memory_space<vmem>>
      %dma_start3A_877 = arith.constant 0 : i32
      %dma_start3A_878 = arith.constant 0 : i32
      %dma_start3A_879 = tpu.memref_slice %arg12[%dma_start3A_877, %dma_start3A_878] : memref<10000x16xf32, #tpu.memory_space<vmem_shared>> -> memref<10000x16xf32, #tpu.memory_space<vmem_shared>>
      tpu.enqueue_indirect_dma source(%arg9 : memref<125x16xf32, #tpu.memory_space<vmem>>) target(%dma_start3A_879 : memref<10000x16xf32, #tpu.memory_space<vmem_shared>>) offsets(%dma_start3A_876 : memref<125xi32, #tpu.memory_space<vmem>>) semaphore(%arg14 : memref<!tpu.dma_semaphore, #tpu.memory_space<semaphore_mem>>) {add = true}
      %gt3A = arith.constant 0 : i32
      %gt3A_880 = arith.cmpi sgt, %mul3A_851, %gt3A : i32
      %convert_element_type3A_881 = arith.extui %gt3A_880 : i1 to i32
      %cond3A_882 = arith.constant 0 : i32
      %cond3A_883 = arith.cmpi ne, %convert_element_type3A_881, %cond3A_882 : i32
      scf.if %cond3A_883 {
        %sub3A = arith.constant 1 : i32
        %sub3A_945 = arith.subi %mul3A_851, %sub3A : i32
        %dma_wait3A_946 = arith.constant 1 : i32
        %dma_wait3A_947 = arith.constant 0 : i32
        %dma_wait3A_948 = arith.constant 0 : i32
        %dma_wait3A_949 = tpu.memref_slice %arg8[%dma_wait3A_946, %dma_wait3A_947, %dma_wait3A_948] : memref<2x125x128xf32, #tpu.memory_space<vmem>> -> memref<1x125x128xf32, #tpu.memory_space<vmem>>
        %dma_wait3A_950 = tpu.memref_squeeze %dma_wait3A_949 : memref<1x125x128xf32, #tpu.memory_space<vmem>> -> memref<125x128xf32, #tpu.memory_space<vmem>>
        %dma_wait3A_951 = arith.constant 0 : i32
        %dma_wait3A_952 = tpu.memref_slice %arg7[%sub3A_945, %dma_wait3A_951] : memref<16x125xi32, #tpu.memory_space<vmem>> -> memref<1x125xi32, #tpu.memory_space<vmem>>
        %dma_wait3A_953 = tpu.memref_squeeze %dma_wait3A_952 : memref<1x125xi32, #tpu.memory_space<vmem>> -> memref<125xi32, #tpu.memory_space<vmem>>
        %dma_wait3A_954 = arith.constant 0 : i32
        %dma_wait3A_955 = arith.constant 0 : i32
        %dma_wait3A_956 = tpu.memref_slice %arg11[%dma_wait3A_954, %dma_wait3A_955] : memref<10000x128xf32, #tpu.memory_space<vmem_shared>> -> memref<10000x128xf32, #tpu.memory_space<vmem_shared>>
        tpu.wait_indirect_dma semaphore(%arg16 : memref<!tpu.dma_semaphore, #tpu.memory_space<semaphore_mem>>) src(%dma_wait3A_950 : memref<125x128xf32, #tpu.memory_space<vmem>>) dst(%dma_wait3A_956 : memref<10000x128xf32, #tpu.memory_space<vmem_shared>>)
      } else {
      }
      %add3A_884 = arith.constant 1 : i32
      %add3A_885 = arith.addi %mul3A_851, %add3A_884 : i32
      %dma_start3A_886 = arith.constant 1 : i32
      %dma_start3A_887 = arith.constant 0 : i32
      %dma_start3A_888 = arith.constant 0 : i32
      %dma_start3A_889 = tpu.memref_slice %arg8[%dma_start3A_886, %dma_start3A_887, %dma_start3A_888] : memref<2x125x128xf32, #tpu.memory_space<vmem>> -> memref<1x125x128xf32, #tpu.memory_space<vmem>>
      %dma_start3A_890 = tpu.memref_squeeze %dma_start3A_889 : memref<1x125x128xf32, #tpu.memory_space<vmem>> -> memref<125x128xf32, #tpu.memory_space<vmem>>
      %dma_start3A_891 = arith.constant 0 : i32
      %dma_start3A_892 = tpu.memref_slice %arg6[%add3A_885, %dma_start3A_891] : memref<16x125xi32, #tpu.memory_space<vmem>> -> memref<1x125xi32, #tpu.memory_space<vmem>>
      %dma_start3A_893 = tpu.memref_squeeze %dma_start3A_892 : memref<1x125xi32, #tpu.memory_space<vmem>> -> memref<125xi32, #tpu.memory_space<vmem>>
      %dma_start3A_894 = arith.constant 0 : i32
      %dma_start3A_895 = arith.constant 0 : i32
      %dma_start3A_896 = tpu.memref_slice %arg2[%dma_start3A_894, %dma_start3A_895] : memref<10000x128xf32, #tpu.memory_space<hbm>> -> memref<10000x128xf32, #tpu.memory_space<hbm>>
      tpu.enqueue_indirect_dma source(%dma_start3A_896 : memref<10000x128xf32, #tpu.memory_space<hbm>>) target(%dma_start3A_890 : memref<125x128xf32, #tpu.memory_space<vmem>>) offsets(%dma_start3A_893 : memref<125xi32, #tpu.memory_space<vmem>>) semaphore(%arg13 : memref<!tpu.dma_semaphore, #tpu.memory_space<semaphore_mem>>)
      %add3A_897 = arith.constant 1 : i32
      %add3A_898 = arith.addi %mul3A_851, %add3A_897 : i32
      %dma_wait3A_899 = arith.constant 1 : i32
      %dma_wait3A_900 = arith.constant 0 : i32
      %dma_wait3A_901 = arith.constant 0 : i32
      %dma_wait3A_902 = tpu.memref_slice %arg8[%dma_wait3A_899, %dma_wait3A_900, %dma_wait3A_901] : memref<2x125x128xf32, #tpu.memory_space<vmem>> -> memref<1x125x128xf32, #tpu.memory_space<vmem>>
      %dma_wait3A_903 = tpu.memref_squeeze %dma_wait3A_902 : memref<1x125x128xf32, #tpu.memory_space<vmem>> -> memref<125x128xf32, #tpu.memory_space<vmem>>
      %dma_wait3A_904 = arith.constant 0 : i32
      %dma_wait3A_905 = tpu.memref_slice %arg6[%add3A_898, %dma_wait3A_904] : memref<16x125xi32, #tpu.memory_space<vmem>> -> memref<1x125xi32, #tpu.memory_space<vmem>>
      %dma_wait3A_906 = tpu.memref_squeeze %dma_wait3A_905 : memref<1x125xi32, #tpu.memory_space<vmem>> -> memref<125xi32, #tpu.memory_space<vmem>>
      %dma_wait3A_907 = arith.constant 0 : i32
      %dma_wait3A_908 = arith.constant 0 : i32
      %dma_wait3A_909 = tpu.memref_slice %arg2[%dma_wait3A_907, %dma_wait3A_908] : memref<10000x128xf32, #tpu.memory_space<hbm>> -> memref<10000x128xf32, #tpu.memory_space<hbm>>
      tpu.wait_indirect_dma semaphore(%arg13 : memref<!tpu.dma_semaphore, #tpu.memory_space<semaphore_mem>>) src(%dma_wait3A_909 : memref<10000x128xf32, #tpu.memory_space<hbm>>) dst(%dma_wait3A_903 : memref<125x128xf32, #tpu.memory_space<vmem>>)
      %dma_start3A_910 = arith.constant 1 : i32
      %dma_start3A_911 = arith.constant 0 : i32
      %dma_start3A_912 = arith.constant 0 : i32
      %dma_start3A_913 = tpu.memref_slice %arg8[%dma_start3A_910, %dma_start3A_911, %dma_start3A_912] : memref<2x125x128xf32, #tpu.memory_space<vmem>> -> memref<1x125x128xf32, #tpu.memory_space<vmem>>
      %dma_start3A_914 = tpu.memref_squeeze %dma_start3A_913 : memref<1x125x128xf32, #tpu.memory_space<vmem>> -> memref<125x128xf32, #tpu.memory_space<vmem>>
      %dma_start3A_915 = arith.constant 0 : i32
      %dma_start3A_916 = tpu.memref_slice %arg7[%add3A_898, %dma_start3A_915] : memref<16x125xi32, #tpu.memory_space<vmem>> -> memref<1x125xi32, #tpu.memory_space<vmem>>
      %dma_start3A_917 = tpu.memref_squeeze %dma_start3A_916 : memref<1x125xi32, #tpu.memory_space<vmem>> -> memref<125xi32, #tpu.memory_space<vmem>>
      %dma_start3A_918 = arith.constant 0 : i32
      %dma_start3A_919 = arith.constant 0 : i32
      %dma_start3A_920 = tpu.memref_slice %arg11[%dma_start3A_918, %dma_start3A_919] : memref<10000x128xf32, #tpu.memory_space<vmem_shared>> -> memref<10000x128xf32, #tpu.memory_space<vmem_shared>>
      tpu.enqueue_indirect_dma source(%dma_start3A_914 : memref<125x128xf32, #tpu.memory_space<vmem>>) target(%dma_start3A_920 : memref<10000x128xf32, #tpu.memory_space<vmem_shared>>) offsets(%dma_start3A_917 : memref<125xi32, #tpu.memory_space<vmem>>) semaphore(%arg16 : memref<!tpu.dma_semaphore, #tpu.memory_space<semaphore_mem>>) {add = true}
      %dma_start3A_921 = arith.constant 0 : i32
      %dma_start3A_922 = tpu.memref_slice %arg7[%add3A_898, %dma_start3A_921] : memref<16x125xi32, #tpu.memory_space<vmem>> -> memref<1x125xi32, #tpu.memory_space<vmem>>
      %dma_start3A_923 = tpu.memref_squeeze %dma_start3A_922 : memref<1x125xi32, #tpu.memory_space<vmem>> -> memref<125xi32, #tpu.memory_space<vmem>>
      %dma_start3A_924 = arith.constant 0 : i32
      %dma_start3A_925 = arith.constant 0 : i32
      %dma_start3A_926 = tpu.memref_slice %arg12[%dma_start3A_924, %dma_start3A_925] : memref<10000x16xf32, #tpu.memory_space<vmem_shared>> -> memref<10000x16xf32, #tpu.memory_space<vmem_shared>>
      tpu.enqueue_indirect_dma source(%arg9 : memref<125x16xf32, #tpu.memory_space<vmem>>) target(%dma_start3A_926 : memref<10000x16xf32, #tpu.memory_space<vmem_shared>>) offsets(%dma_start3A_923 : memref<125xi32, #tpu.memory_space<vmem>>) semaphore(%arg14 : memref<!tpu.dma_semaphore, #tpu.memory_space<semaphore_mem>>) {add = true}
      %dma_wait3A_927 = arith.constant 0 : i32
      %dma_wait3A_928 = arith.constant 0 : i32
      %dma_wait3A_929 = arith.constant 0 : i32
      %dma_wait3A_930 = tpu.memref_slice %arg8[%dma_wait3A_927, %dma_wait3A_928, %dma_wait3A_929] : memref<2x125x128xf32, #tpu.memory_space<vmem>> -> memref<1x125x128xf32, #tpu.memory_space<vmem>>
      %dma_wait3A_931 = tpu.memref_squeeze %dma_wait3A_930 : memref<1x125x128xf32, #tpu.memory_space<vmem>> -> memref<125x128xf32, #tpu.memory_space<vmem>>
      %dma_wait3A_932 = arith.constant 0 : i32
      %dma_wait3A_933 = tpu.memref_slice %arg7[%mul3A_851, %dma_wait3A_932] : memref<16x125xi32, #tpu.memory_space<vmem>> -> memref<1x125xi32, #tpu.memory_space<vmem>>
      %dma_wait3A_934 = tpu.memref_squeeze %dma_wait3A_933 : memref<1x125xi32, #tpu.memory_space<vmem>> -> memref<125xi32, #tpu.memory_space<vmem>>
      %dma_wait3A_935 = arith.constant 0 : i32
      %dma_wait3A_936 = arith.constant 0 : i32
      %dma_wait3A_937 = tpu.memref_slice %arg11[%dma_wait3A_935, %dma_wait3A_936] : memref<10000x128xf32, #tpu.memory_space<vmem_shared>> -> memref<10000x128xf32, #tpu.memory_space<vmem_shared>>
      tpu.wait_indirect_dma semaphore(%arg15 : memref<!tpu.dma_semaphore, #tpu.memory_space<semaphore_mem>>) src(%dma_wait3A_931 : memref<125x128xf32, #tpu.memory_space<vmem>>) dst(%dma_wait3A_937 : memref<10000x128xf32, #tpu.memory_space<vmem_shared>>)
      %add3A_938 = arith.constant 1 : i32
      %add3A_939 = arith.addi %add3A_898, %add3A_938 : i32
      %lt3A_940 = arith.constant 16 : i32
      %lt3A_941 = arith.cmpi slt, %add3A_939, %lt3A_940 : i32
      %convert_element_type3A_942 = arith.extui %lt3A_941 : i1 to i32
      %cond3A_943 = arith.constant 0 : i32
      %cond3A_944 = arith.cmpi ne, %convert_element_type3A_942, %cond3A_943 : i32
      scf.if %cond3A_944 {
        %add3A_945 = arith.constant 1 : i32
        %add3A_946 = arith.addi %add3A_898, %add3A_945 : i32
        %dma_start3A_947 = arith.constant 0 : i32
        %dma_start3A_948 = arith.constant 0 : i32
        %dma_start3A_949 = arith.constant 0 : i32
        %dma_start3A_950 = tpu.memref_slice %arg8[%dma_start3A_947, %dma_start3A_948, %dma_start3A_949] : memref<2x125x128xf32, #tpu.memory_space<vmem>> -> memref<1x125x128xf32, #tpu.memory_space<vmem>>
        %dma_start3A_951 = tpu.memref_squeeze %dma_start3A_950 : memref<1x125x128xf32, #tpu.memory_space<vmem>> -> memref<125x128xf32, #tpu.memory_space<vmem>>
        %dma_start3A_952 = arith.constant 0 : i32
        %dma_start3A_953 = tpu.memref_slice %arg6[%add3A_946, %dma_start3A_952] : memref<16x125xi32, #tpu.memory_space<vmem>> -> memref<1x125xi32, #tpu.memory_space<vmem>>
        %dma_start3A_954 = tpu.memref_squeeze %dma_start3A_953 : memref<1x125xi32, #tpu.memory_space<vmem>> -> memref<125xi32, #tpu.memory_space<vmem>>
        %dma_start3A_955 = arith.constant 0 : i32
        %dma_start3A_956 = arith.constant 0 : i32
        %dma_start3A_957 = tpu.memref_slice %arg2[%dma_start3A_955, %dma_start3A_956] : memref<10000x128xf32, #tpu.memory_space<hbm>> -> memref<10000x128xf32, #tpu.memory_space<hbm>>
        tpu.enqueue_indirect_dma source(%dma_start3A_957 : memref<10000x128xf32, #tpu.memory_space<hbm>>) target(%dma_start3A_951 : memref<125x128xf32, #tpu.memory_space<vmem>>) offsets(%dma_start3A_954 : memref<125xi32, #tpu.memory_space<vmem>>) semaphore(%arg13 : memref<!tpu.dma_semaphore, #tpu.memory_space<semaphore_mem>>)
      } else {
      }
    }
    %scan3A_663 = arith.constant 8 : i32
    %dma_wait3A_664 = arith.constant 1 : i32
    %dma_wait3A_665 = arith.constant 15 : i32
    %dma_wait3A_666 = arith.constant 0 : i32
    %dma_wait3A_667 = arith.constant 0 : i32
    %dma_wait3A_668 = tpu.memref_slice %arg8[%dma_wait3A_664, %dma_wait3A_666, %dma_wait3A_667] : memref<2x125x128xf32, #tpu.memory_space<vmem>> -> memref<1x125x128xf32, #tpu.memory_space<vmem>>
    %dma_wait3A_669 = tpu.memref_squeeze %dma_wait3A_668 : memref<1x125x128xf32, #tpu.memory_space<vmem>> -> memref<125x128xf32, #tpu.memory_space<vmem>>
    %dma_wait3A_670 = arith.constant 0 : i32
    %dma_wait3A_671 = tpu.memref_slice %arg7[%dma_wait3A_665, %dma_wait3A_670] : memref<16x125xi32, #tpu.memory_space<vmem>> -> memref<1x125xi32, #tpu.memory_space<vmem>>
    %dma_wait3A_672 = tpu.memref_squeeze %dma_wait3A_671 : memref<1x125xi32, #tpu.memory_space<vmem>> -> memref<125xi32, #tpu.memory_space<vmem>>
    %dma_wait3A_673 = arith.constant 0 : i32
    %dma_wait3A_674 = arith.constant 0 : i32
    %dma_wait3A_675 = tpu.memref_slice %arg11[%dma_wait3A_673, %dma_wait3A_674] : memref<10000x128xf32, #tpu.memory_space<vmem_shared>> -> memref<10000x128xf32, #tpu.memory_space<vmem_shared>>
    tpu.wait_indirect_dma semaphore(%arg16 : memref<!tpu.dma_semaphore, #tpu.memory_space<semaphore_mem>>) src(%dma_wait3A_669 : memref<125x128xf32, #tpu.memory_space<vmem>>) dst(%dma_wait3A_675 : memref<10000x128xf32, #tpu.memory_space<vmem_shared>>)
    %dma_wait3A_676 = arith.constant 0 : i32
    %dma_wait3A_677 = arith.constant 0 : i32
    %dma_wait3A_678 = tpu.memref_slice %arg7[%dma_wait3A_676, %dma_wait3A_677] : memref<16x125xi32, #tpu.memory_space<vmem>> -> memref<1x125xi32, #tpu.memory_space<vmem>>
    %dma_wait3A_679 = tpu.memref_squeeze %dma_wait3A_678 : memref<1x125xi32, #tpu.memory_space<vmem>> -> memref<125xi32, #tpu.memory_space<vmem>>
    %dma_wait3A_680 = arith.constant 0 : i32
    %dma_wait3A_681 = arith.constant 0 : i32
    %dma_wait3A_682 = tpu.memref_slice %arg12[%dma_wait3A_680, %dma_wait3A_681] : memref<10000x16xf32, #tpu.memory_space<vmem_shared>> -> memref<10000x16xf32, #tpu.memory_space<vmem_shared>>
    tpu.wait_indirect_dma semaphore(%arg14 : memref<!tpu.dma_semaphore, #tpu.memory_space<semaphore_mem>>) src(%arg9 : memref<125x16xf32, #tpu.memory_space<vmem>>) dst(%dma_wait3A_682 : memref<10000x16xf32, #tpu.memory_space<vmem_shared>>)
    %dma_wait3A_683 = arith.constant 0 : i32
    %dma_wait3A_684 = arith.constant 0 : i32
    %dma_wait3A_685 = tpu.memref_slice %arg7[%dma_wait3A_683, %dma_wait3A_684] : memref<16x125xi32, #tpu.memory_space<vmem>> -> memref<1x125xi32, #tpu.memory_space<vmem>>
    %dma_wait3A_686 = tpu.memref_squeeze %dma_wait3A_685 : memref<1x125xi32, #tpu.memory_space<vmem>> -> memref<125xi32, #tpu.memory_space<vmem>>
    %dma_wait3A_687 = arith.constant 0 : i32
    %dma_wait3A_688 = arith.constant 0 : i32
    %dma_wait3A_689 = tpu.memref_slice %arg12[%dma_wait3A_687, %dma_wait3A_688] : memref<10000x16xf32, #tpu.memory_space<vmem_shared>> -> memref<10000x16xf32, #tpu.memory_space<vmem_shared>>
    tpu.wait_indirect_dma semaphore(%arg14 : memref<!tpu.dma_semaphore, #tpu.memory_space<semaphore_mem>>) src(%arg9 : memref<125x16xf32, #tpu.memory_space<vmem>>) dst(%dma_wait3A_689 : memref<10000x16xf32, #tpu.memory_space<vmem_shared>>)
    %dma_wait3A_690 = arith.constant 0 : i32
    %dma_wait3A_691 = arith.constant 0 : i32
    %dma_wait3A_692 = tpu.memref_slice %arg7[%dma_wait3A_690, %dma_wait3A_691] : memref<16x125xi32, #tpu.memory_space<vmem>> -> memref<1x125xi32, #tpu.memory_space<vmem>>
    %dma_wait3A_693 = tpu.memref_squeeze %dma_wait3A_692 : memref<1x125xi32, #tpu.memory_space<vmem>> -> memref<125xi32, #tpu.memory_space<vmem>>
    %dma_wait3A_694 = arith.constant 0 : i32
    %dma_wait3A_695 = arith.constant 0 : i32
    %dma_wait3A_696 = tpu.memref_slice %arg12[%dma_wait3A_694, %dma_wait3A_695] : memref<10000x16xf32, #tpu.memory_space<vmem_shared>> -> memref<10000x16xf32, #tpu.memory_space<vmem_shared>>
    tpu.wait_indirect_dma semaphore(%arg14 : memref<!tpu.dma_semaphore, #tpu.memory_space<semaphore_mem>>) src(%arg9 : memref<125x16xf32, #tpu.memory_space<vmem>>) dst(%dma_wait3A_696 : memref<10000x16xf32, #tpu.memory_space<vmem_shared>>)
    %dma_wait3A_697 = arith.constant 0 : i32
    %dma_wait3A_698 = arith.constant 0 : i32
    %dma_wait3A_699 = tpu.memref_slice %arg7[%dma_wait3A_697, %dma_wait3A_698] : memref<16x125xi32, #tpu.memory_space<vmem>> -> memref<1x125xi32, #tpu.memory_space<vmem>>
    %dma_wait3A_700 = tpu.memref_squeeze %dma_wait3A_699 : memref<1x125xi32, #tpu.memory_space<vmem>> -> memref<125xi32, #tpu.memory_space<vmem>>
    %dma_wait3A_701 = arith.constant 0 : i32
    %dma_wait3A_702 = arith.constant 0 : i32
    %dma_wait3A_703 = tpu.memref_slice %arg12[%dma_wait3A_701, %dma_wait3A_702] : memref<10000x16xf32, #tpu.memory_space<vmem_shared>> -> memref<10000x16xf32, #tpu.memory_space<vmem_shared>>
    tpu.wait_indirect_dma semaphore(%arg14 : memref<!tpu.dma_semaphore, #tpu.memory_space<semaphore_mem>>) src(%arg9 : memref<125x16xf32, #tpu.memory_space<vmem>>) dst(%dma_wait3A_703 : memref<10000x16xf32, #tpu.memory_space<vmem_shared>>)
    %dma_wait3A_704 = arith.constant 0 : i32
    %dma_wait3A_705 = arith.constant 0 : i32
    %dma_wait3A_706 = tpu.memref_slice %arg7[%dma_wait3A_704, %dma_wait3A_705] : memref<16x125xi32, #tpu.memory_space<vmem>> -> memref<1x125xi32, #tpu.memory_space<vmem>>
    %dma_wait3A_707 = tpu.memref_squeeze %dma_wait3A_706 : memref<1x125xi32, #tpu.memory_space<vmem>> -> memref<125xi32, #tpu.memory_space<vmem>>
    %dma_wait3A_708 = arith.constant 0 : i32
    %dma_wait3A_709 = arith.constant 0 : i32
    %dma_wait3A_710 = tpu.memref_slice %arg12[%dma_wait3A_708, %dma_wait3A_709] : memref<10000x16xf32, #tpu.memory_space<vmem_shared>> -> memref<10000x16xf32, #tpu.memory_space<vmem_shared>>
    tpu.wait_indirect_dma semaphore(%arg14 : memref<!tpu.dma_semaphore, #tpu.memory_space<semaphore_mem>>) src(%arg9 : memref<125x16xf32, #tpu.memory_space<vmem>>) dst(%dma_wait3A_710 : memref<10000x16xf32, #tpu.memory_space<vmem_shared>>)
    %dma_wait3A_711 = arith.constant 0 : i32
    %dma_wait3A_712 = arith.constant 0 : i32
    %dma_wait3A_713 = tpu.memref_slice %arg7[%dma_wait3A_711, %dma_wait3A_712] : memref<16x125xi32, #tpu.memory_space<vmem>> -> memref<1x125xi32, #tpu.memory_space<vmem>>
    %dma_wait3A_714 = tpu.memref_squeeze %dma_wait3A_713 : memref<1x125xi32, #tpu.memory_space<vmem>> -> memref<125xi32, #tpu.memory_space<vmem>>
    %dma_wait3A_715 = arith.constant 0 : i32
    %dma_wait3A_716 = arith.constant 0 : i32
    %dma_wait3A_717 = tpu.memref_slice %arg12[%dma_wait3A_715, %dma_wait3A_716] : memref<10000x16xf32, #tpu.memory_space<vmem_shared>> -> memref<10000x16xf32, #tpu.memory_space<vmem_shared>>
    tpu.wait_indirect_dma semaphore(%arg14 : memref<!tpu.dma_semaphore, #tpu.memory_space<semaphore_mem>>) src(%arg9 : memref<125x16xf32, #tpu.memory_space<vmem>>) dst(%dma_wait3A_717 : memref<10000x16xf32, #tpu.memory_space<vmem_shared>>)
    %dma_wait3A_718 = arith.constant 0 : i32
    %dma_wait3A_719 = arith.constant 0 : i32
    %dma_wait3A_720 = tpu.memref_slice %arg7[%dma_wait3A_718, %dma_wait3A_719] : memref<16x125xi32, #tpu.memory_space<vmem>> -> memref<1x125xi32, #tpu.memory_space<vmem>>
    %dma_wait3A_721 = tpu.memref_squeeze %dma_wait3A_720 : memref<1x125xi32, #tpu.memory_space<vmem>> -> memref<125xi32, #tpu.memory_space<vmem>>
    %dma_wait3A_722 = arith.constant 0 : i32
    %dma_wait3A_723 = arith.constant 0 : i32
    %dma_wait3A_724 = tpu.memref_slice %arg12[%dma_wait3A_722, %dma_wait3A_723] : memref<10000x16xf32, #tpu.memory_space<vmem_shared>> -> memref<10000x16xf32, #tpu.memory_space<vmem_shared>>
    tpu.wait_indirect_dma semaphore(%arg14 : memref<!tpu.dma_semaphore, #tpu.memory_space<semaphore_mem>>) src(%arg9 : memref<125x16xf32, #tpu.memory_space<vmem>>) dst(%dma_wait3A_724 : memref<10000x16xf32, #tpu.memory_space<vmem_shared>>)
    %dma_wait3A_725 = arith.constant 0 : i32
    %dma_wait3A_726 = arith.constant 0 : i32
    %dma_wait3A_727 = tpu.memref_slice %arg7[%dma_wait3A_725, %dma_wait3A_726] : memref<16x125xi32, #tpu.memory_space<vmem>> -> memref<1x125xi32, #tpu.memory_space<vmem>>
    %dma_wait3A_728 = tpu.memref_squeeze %dma_wait3A_727 : memref<1x125xi32, #tpu.memory_space<vmem>> -> memref<125xi32, #tpu.memory_space<vmem>>
    %dma_wait3A_729 = arith.constant 0 : i32
    %dma_wait3A_730 = arith.constant 0 : i32
    %dma_wait3A_731 = tpu.memref_slice %arg12[%dma_wait3A_729, %dma_wait3A_730] : memref<10000x16xf32, #tpu.memory_space<vmem_shared>> -> memref<10000x16xf32, #tpu.memory_space<vmem_shared>>
    tpu.wait_indirect_dma semaphore(%arg14 : memref<!tpu.dma_semaphore, #tpu.memory_space<semaphore_mem>>) src(%arg9 : memref<125x16xf32, #tpu.memory_space<vmem>>) dst(%dma_wait3A_731 : memref<10000x16xf32, #tpu.memory_space<vmem_shared>>)
    %dma_wait3A_732 = arith.constant 0 : i32
    %dma_wait3A_733 = arith.constant 0 : i32
    %dma_wait3A_734 = tpu.memref_slice %arg7[%dma_wait3A_732, %dma_wait3A_733] : memref<16x125xi32, #tpu.memory_space<vmem>> -> memref<1x125xi32, #tpu.memory_space<vmem>>
    %dma_wait3A_735 = tpu.memref_squeeze %dma_wait3A_734 : memref<1x125xi32, #tpu.memory_space<vmem>> -> memref<125xi32, #tpu.memory_space<vmem>>
    %dma_wait3A_736 = arith.constant 0 : i32
    %dma_wait3A_737 = arith.constant 0 : i32
    %dma_wait3A_738 = tpu.memref_slice %arg12[%dma_wait3A_736, %dma_wait3A_737] : memref<10000x16xf32, #tpu.memory_space<vmem_shared>> -> memref<10000x16xf32, #tpu.memory_space<vmem_shared>>
    tpu.wait_indirect_dma semaphore(%arg14 : memref<!tpu.dma_semaphore, #tpu.memory_space<semaphore_mem>>) src(%arg9 : memref<125x16xf32, #tpu.memory_space<vmem>>) dst(%dma_wait3A_738 : memref<10000x16xf32, #tpu.memory_space<vmem_shared>>)
    %dma_wait3A_739 = arith.constant 0 : i32
    %dma_wait3A_740 = arith.constant 0 : i32
    %dma_wait3A_741 = tpu.memref_slice %arg7[%dma_wait3A_739, %dma_wait3A_740] : memref<16x125xi32, #tpu.memory_space<vmem>> -> memref<1x125xi32, #tpu.memory_space<vmem>>
    %dma_wait3A_742 = tpu.memref_squeeze %dma_wait3A_741 : memref<1x125xi32, #tpu.memory_space<vmem>> -> memref<125xi32, #tpu.memory_space<vmem>>
    %dma_wait3A_743 = arith.constant 0 : i32
    %dma_wait3A_744 = arith.constant 0 : i32
    %dma_wait3A_745 = tpu.memref_slice %arg12[%dma_wait3A_743, %dma_wait3A_744] : memref<10000x16xf32, #tpu.memory_space<vmem_shared>> -> memref<10000x16xf32, #tpu.memory_space<vmem_shared>>
    tpu.wait_indirect_dma semaphore(%arg14 : memref<!tpu.dma_semaphore, #tpu.memory_space<semaphore_mem>>) src(%arg9 : memref<125x16xf32, #tpu.memory_space<vmem>>) dst(%dma_wait3A_745 : memref<10000x16xf32, #tpu.memory_space<vmem_shared>>)
    %dma_wait3A_746 = arith.constant 0 : i32
    %dma_wait3A_747 = arith.constant 0 : i32
    %dma_wait3A_748 = tpu.memref_slice %arg7[%dma_wait3A_746, %dma_wait3A_747] : memref<16x125xi32, #tpu.memory_space<vmem>> -> memref<1x125xi32, #tpu.memory_space<vmem>>
    %dma_wait3A_749 = tpu.memref_squeeze %dma_wait3A_748 : memref<1x125xi32, #tpu.memory_space<vmem>> -> memref<125xi32, #tpu.memory_space<vmem>>
    %dma_wait3A_750 = arith.constant 0 : i32
    %dma_wait3A_751 = arith.constant 0 : i32
    %dma_wait3A_752 = tpu.memref_slice %arg12[%dma_wait3A_750, %dma_wait3A_751] : memref<10000x16xf32, #tpu.memory_space<vmem_shared>> -> memref<10000x16xf32, #tpu.memory_space<vmem_shared>>
    tpu.wait_indirect_dma semaphore(%arg14 : memref<!tpu.dma_semaphore, #tpu.memory_space<semaphore_mem>>) src(%arg9 : memref<125x16xf32, #tpu.memory_space<vmem>>) dst(%dma_wait3A_752 : memref<10000x16xf32, #tpu.memory_space<vmem_shared>>)
    %dma_wait3A_753 = arith.constant 0 : i32
    %dma_wait3A_754 = arith.constant 0 : i32
    %dma_wait3A_755 = tpu.memref_slice %arg7[%dma_wait3A_753, %dma_wait3A_754] : memref<16x125xi32, #tpu.memory_space<vmem>> -> memref<1x125xi32, #tpu.memory_space<vmem>>
    %dma_wait3A_756 = tpu.memref_squeeze %dma_wait3A_755 : memref<1x125xi32, #tpu.memory_space<vmem>> -> memref<125xi32, #tpu.memory_space<vmem>>
    %dma_wait3A_757 = arith.constant 0 : i32
    %dma_wait3A_758 = arith.constant 0 : i32
    %dma_wait3A_759 = tpu.memref_slice %arg12[%dma_wait3A_757, %dma_wait3A_758] : memref<10000x16xf32, #tpu.memory_space<vmem_shared>> -> memref<10000x16xf32, #tpu.memory_space<vmem_shared>>
    tpu.wait_indirect_dma semaphore(%arg14 : memref<!tpu.dma_semaphore, #tpu.memory_space<semaphore_mem>>) src(%arg9 : memref<125x16xf32, #tpu.memory_space<vmem>>) dst(%dma_wait3A_759 : memref<10000x16xf32, #tpu.memory_space<vmem_shared>>)
    %dma_wait3A_760 = arith.constant 0 : i32
    %dma_wait3A_761 = arith.constant 0 : i32
    %dma_wait3A_762 = tpu.memref_slice %arg7[%dma_wait3A_760, %dma_wait3A_761] : memref<16x125xi32, #tpu.memory_space<vmem>> -> memref<1x125xi32, #tpu.memory_space<vmem>>
    %dma_wait3A_763 = tpu.memref_squeeze %dma_wait3A_762 : memref<1x125xi32, #tpu.memory_space<vmem>> -> memref<125xi32, #tpu.memory_space<vmem>>
    %dma_wait3A_764 = arith.constant 0 : i32
    %dma_wait3A_765 = arith.constant 0 : i32
    %dma_wait3A_766 = tpu.memref_slice %arg12[%dma_wait3A_764, %dma_wait3A_765] : memref<10000x16xf32, #tpu.memory_space<vmem_shared>> -> memref<10000x16xf32, #tpu.memory_space<vmem_shared>>
    tpu.wait_indirect_dma semaphore(%arg14 : memref<!tpu.dma_semaphore, #tpu.memory_space<semaphore_mem>>) src(%arg9 : memref<125x16xf32, #tpu.memory_space<vmem>>) dst(%dma_wait3A_766 : memref<10000x16xf32, #tpu.memory_space<vmem_shared>>)
    %dma_wait3A_767 = arith.constant 0 : i32
    %dma_wait3A_768 = arith.constant 0 : i32
    %dma_wait3A_769 = tpu.memref_slice %arg7[%dma_wait3A_767, %dma_wait3A_768] : memref<16x125xi32, #tpu.memory_space<vmem>> -> memref<1x125xi32, #tpu.memory_space<vmem>>
    %dma_wait3A_770 = tpu.memref_squeeze %dma_wait3A_769 : memref<1x125xi32, #tpu.memory_space<vmem>> -> memref<125xi32, #tpu.memory_space<vmem>>
    %dma_wait3A_771 = arith.constant 0 : i32
    %dma_wait3A_772 = arith.constant 0 : i32
    %dma_wait3A_773 = tpu.memref_slice %arg12[%dma_wait3A_771, %dma_wait3A_772] : memref<10000x16xf32, #tpu.memory_space<vmem_shared>> -> memref<10000x16xf32, #tpu.memory_space<vmem_shared>>
    tpu.wait_indirect_dma semaphore(%arg14 : memref<!tpu.dma_semaphore, #tpu.memory_space<semaphore_mem>>) src(%arg9 : memref<125x16xf32, #tpu.memory_space<vmem>>) dst(%dma_wait3A_773 : memref<10000x16xf32, #tpu.memory_space<vmem_shared>>)
    %dma_wait3A_774 = arith.constant 0 : i32
    %dma_wait3A_775 = arith.constant 0 : i32
    %dma_wait3A_776 = tpu.memref_slice %arg7[%dma_wait3A_774, %dma_wait3A_775] : memref<16x125xi32, #tpu.memory_space<vmem>> -> memref<1x125xi32, #tpu.memory_space<vmem>>
    %dma_wait3A_777 = tpu.memref_squeeze %dma_wait3A_776 : memref<1x125xi32, #tpu.memory_space<vmem>> -> memref<125xi32, #tpu.memory_space<vmem>>
    %dma_wait3A_778 = arith.constant 0 : i32
    %dma_wait3A_779 = arith.constant 0 : i32
    %dma_wait3A_780 = tpu.memref_slice %arg12[%dma_wait3A_778, %dma_wait3A_779] : memref<10000x16xf32, #tpu.memory_space<vmem_shared>> -> memref<10000x16xf32, #tpu.memory_space<vmem_shared>>
    tpu.wait_indirect_dma semaphore(%arg14 : memref<!tpu.dma_semaphore, #tpu.memory_space<semaphore_mem>>) src(%arg9 : memref<125x16xf32, #tpu.memory_space<vmem>>) dst(%dma_wait3A_780 : memref<10000x16xf32, #tpu.memory_space<vmem_shared>>)
    %dma_wait3A_781 = arith.constant 0 : i32
    %dma_wait3A_782 = arith.constant 0 : i32
    %dma_wait3A_783 = tpu.memref_slice %arg7[%dma_wait3A_781, %dma_wait3A_782] : memref<16x125xi32, #tpu.memory_space<vmem>> -> memref<1x125xi32, #tpu.memory_space<vmem>>
    %dma_wait3A_784 = tpu.memref_squeeze %dma_wait3A_783 : memref<1x125xi32, #tpu.memory_space<vmem>> -> memref<125xi32, #tpu.memory_space<vmem>>
    %dma_wait3A_785 = arith.constant 0 : i32
    %dma_wait3A_786 = arith.constant 0 : i32
    %dma_wait3A_787 = tpu.memref_slice %arg12[%dma_wait3A_785, %dma_wait3A_786] : memref<10000x16xf32, #tpu.memory_space<vmem_shared>> -> memref<10000x16xf32, #tpu.memory_space<vmem_shared>>
    tpu.wait_indirect_dma semaphore(%arg14 : memref<!tpu.dma_semaphore, #tpu.memory_space<semaphore_mem>>) src(%arg9 : memref<125x16xf32, #tpu.memory_space<vmem>>) dst(%dma_wait3A_787 : memref<10000x16xf32, #tpu.memory_space<vmem_shared>>)
    %barrier3A_788 = arith.constant 0 : index
    tpu.barrier barrier_id(%barrier3A_788)
    %add3A_789 = arith.constant 0 : i32
    %add3A_790 = arith.addi %add3A_789, %arg1 : i32
    %lt3A_791 = arith.constant 125 : i32
    %lt3A_792 = arith.cmpi slt, %add3A_790, %lt3A_791 : i32
    %convert_element_type3A_793 = arith.extui %lt3A_792 : i1 to i32
    %cond3A_794 = arith.constant 0 : i32
    %cond3A_795 = arith.cmpi ne, %convert_element_type3A_793, %cond3A_794 : i32
    scf.if %cond3A_795 {
      %mul3A_845 = arith.constant 80 : i32
      %mul3A_846 = arith.muli %add3A_790, %mul3A_845 : i32
      %run_scoped3A_847 = arith.constant 0 : i32
      "tpu.region"() ({
        %run_scoped3A_849 = tpu.sem_alloc : memref<!tpu.dma_semaphore, #tpu.memory_space<semaphore_mem>>
        %dma_start3A_850 = arith.constant 0 : i32
        %dma_start3A_851 = arith.constant 0 : i32
        %dma_start3A_852 = tpu.memref_slice %arg8[%run_scoped3A_847, %dma_start3A_850, %dma_start3A_851] : memref<2x125x128xf32, #tpu.memory_space<vmem>> -> memref<1x80x128xf32, #tpu.memory_space<vmem>>
        %dma_start3A_853 = tpu.memref_squeeze %dma_start3A_852 : memref<1x80x128xf32, #tpu.memory_space<vmem>> -> memref<80x128xf32, #tpu.memory_space<vmem>>
        %dma_start3A_854 = arith.constant 0 : i32
        %dma_start3A_855 = tpu.memref_slice %arg11[%mul3A_846, %dma_start3A_854] : memref<10000x128xf32, #tpu.memory_space<vmem_shared>> -> memref<80x128xf32, #tpu.memory_space<vmem_shared>>
        %dma_start3A_856 = arith.constant 0 : i32
        %dma_start3A_857 = arith.constant 0 : i32
        %dma_start3A_858 = tpu.memref_slice %arg8[%run_scoped3A_847, %dma_start3A_856, %dma_start3A_857] : memref<2x125x128xf32, #tpu.memory_space<vmem>> -> memref<1x80x128xf32, #tpu.memory_space<vmem>>
        %dma_start3A_859 = tpu.memref_squeeze %dma_start3A_858 : memref<1x80x128xf32, #tpu.memory_space<vmem>> -> memref<80x128xf32, #tpu.memory_space<vmem>>
        %dma_start3A_860 = arith.constant 0 : i32
        %dma_start3A_861 = tpu.memref_slice %arg11[%mul3A_846, %dma_start3A_860] : memref<10000x128xf32, #tpu.memory_space<vmem_shared>> -> memref<80x128xf32, #tpu.memory_space<vmem_shared>>
        tpu.enqueue_dma source(%dma_start3A_861 : memref<80x128xf32, #tpu.memory_space<vmem_shared>>) target(%dma_start3A_859 : memref<80x128xf32, #tpu.memory_space<vmem>>) target_semaphore(%run_scoped3A_849 : memref<!tpu.dma_semaphore, #tpu.memory_space<semaphore_mem>>)
        %dma_wait3A_862 = arith.constant 0 : i32
        %dma_wait3A_863 = arith.constant 0 : i32
        %dma_wait3A_864 = tpu.memref_slice %arg8[%run_scoped3A_847, %dma_wait3A_862, %dma_wait3A_863] : memref<2x125x128xf32, #tpu.memory_space<vmem>> -> memref<1x80x128xf32, #tpu.memory_space<vmem>>
        %dma_wait3A_865 = tpu.memref_squeeze %dma_wait3A_864 : memref<1x80x128xf32, #tpu.memory_space<vmem>> -> memref<80x128xf32, #tpu.memory_space<vmem>>
        %dma_wait3A_866 = arith.constant 0 : i32
        %dma_wait3A_867 = tpu.memref_slice %arg11[%mul3A_846, %dma_wait3A_866] : memref<10000x128xf32, #tpu.memory_space<vmem_shared>> -> memref<80x128xf32, #tpu.memory_space<vmem_shared>>
        %dma_wait3A_868 = arith.constant 0 : i32
        %dma_wait3A_869 = arith.constant 0 : i32
        %dma_wait3A_870 = tpu.memref_slice %arg8[%run_scoped3A_847, %dma_wait3A_868, %dma_wait3A_869] : memref<2x125x128xf32, #tpu.memory_space<vmem>> -> memref<1x80x128xf32, #tpu.memory_space<vmem>>
        %dma_wait3A_871 = tpu.memref_squeeze %dma_wait3A_870 : memref<1x80x128xf32, #tpu.memory_space<vmem>> -> memref<80x128xf32, #tpu.memory_space<vmem>>
        %dma_wait3A_872 = arith.constant 0 : i32
        %dma_wait3A_873 = tpu.memref_slice %arg11[%mul3A_846, %dma_wait3A_872] : memref<10000x128xf32, #tpu.memory_space<vmem_shared>> -> memref<80x128xf32, #tpu.memory_space<vmem_shared>>
        tpu.wait_dma2 semaphore(%run_scoped3A_849 : memref<!tpu.dma_semaphore, #tpu.memory_space<semaphore_mem>>) src(%dma_wait3A_873 : memref<80x128xf32, #tpu.memory_space<vmem_shared>>) dst(%dma_wait3A_871 : memref<80x128xf32, #tpu.memory_space<vmem>>)
        tpu.yield
      }) : () -> ()
      %run_scoped3A_848 = arith.constant 0 : i32
      "tpu.region"() ({
        %run_scoped3A_849 = tpu.sem_alloc : memref<!tpu.dma_semaphore, #tpu.memory_space<semaphore_mem>>
        %dma_start3A_850 = arith.constant 0 : i32
        %dma_start3A_851 = arith.constant 0 : i32
        %dma_start3A_852 = tpu.memref_slice %arg8[%run_scoped3A_848, %dma_start3A_850, %dma_start3A_851] : memref<2x125x128xf32, #tpu.memory_space<vmem>> -> memref<1x80x128xf32, #tpu.memory_space<vmem>>
        %dma_start3A_853 = tpu.memref_squeeze %dma_start3A_852 : memref<1x80x128xf32, #tpu.memory_space<vmem>> -> memref<80x128xf32, #tpu.memory_space<vmem>>
        %dma_start3A_854 = arith.constant 0 : i32
        %dma_start3A_855 = tpu.memref_slice %arg4[%arg0, %mul3A_846, %dma_start3A_854] : memref<2x10000x128xf32, #tpu.memory_space<hbm>> -> memref<1x80x128xf32, #tpu.memory_space<hbm>>
        %dma_start3A_856 = tpu.memref_squeeze %dma_start3A_855 : memref<1x80x128xf32, #tpu.memory_space<hbm>> -> memref<80x128xf32, #tpu.memory_space<hbm>>
        %dma_start3A_857 = arith.constant 0 : i32
        %dma_start3A_858 = tpu.memref_slice %arg4[%arg0, %mul3A_846, %dma_start3A_857] : memref<2x10000x128xf32, #tpu.memory_space<hbm>> -> memref<1x80x128xf32, #tpu.memory_space<hbm>>
        %dma_start3A_859 = tpu.memref_squeeze %dma_start3A_858 : memref<1x80x128xf32, #tpu.memory_space<hbm>> -> memref<80x128xf32, #tpu.memory_space<hbm>>
        %dma_start3A_860 = arith.constant 0 : i32
        %dma_start3A_861 = arith.constant 0 : i32
        %dma_start3A_862 = tpu.memref_slice %arg8[%run_scoped3A_848, %dma_start3A_860, %dma_start3A_861] : memref<2x125x128xf32, #tpu.memory_space<vmem>> -> memref<1x80x128xf32, #tpu.memory_space<vmem>>
        %dma_start3A_863 = tpu.memref_squeeze %dma_start3A_862 : memref<1x80x128xf32, #tpu.memory_space<vmem>> -> memref<80x128xf32, #tpu.memory_space<vmem>>
        tpu.enqueue_dma source(%dma_start3A_863 : memref<80x128xf32, #tpu.memory_space<vmem>>) target(%dma_start3A_859 : memref<80x128xf32, #tpu.memory_space<hbm>>) target_semaphore(%run_scoped3A_849 : memref<!tpu.dma_semaphore, #tpu.memory_space<semaphore_mem>>)
        %dma_wait3A_864 = arith.constant 0 : i32
        %dma_wait3A_865 = arith.constant 0 : i32
        %dma_wait3A_866 = tpu.memref_slice %arg8[%run_scoped3A_848, %dma_wait3A_864, %dma_wait3A_865] : memref<2x125x128xf32, #tpu.memory_space<vmem>> -> memref<1x80x128xf32, #tpu.memory_space<vmem>>
        %dma_wait3A_867 = tpu.memref_squeeze %dma_wait3A_866 : memref<1x80x128xf32, #tpu.memory_space<vmem>> -> memref<80x128xf32, #tpu.memory_space<vmem>>
        %dma_wait3A_868 = arith.constant 0 : i32
        %dma_wait3A_869 = tpu.memref_slice %arg4[%arg0, %mul3A_846, %dma_wait3A_868] : memref<2x10000x128xf32, #tpu.memory_space<hbm>> -> memref<1x80x128xf32, #tpu.memory_space<hbm>>
        %dma_wait3A_870 = tpu.memref_squeeze %dma_wait3A_869 : memref<1x80x128xf32, #tpu.memory_space<hbm>> -> memref<80x128xf32, #tpu.memory_space<hbm>>
        %dma_wait3A_871 = arith.constant 0 : i32
        %dma_wait3A_872 = tpu.memref_slice %arg4[%arg0, %mul3A_846, %dma_wait3A_871] : memref<2x10000x128xf32, #tpu.memory_space<hbm>> -> memref<1x80x128xf32, #tpu.memory_space<hbm>>
        %dma_wait3A_873 = tpu.memref_squeeze %dma_wait3A_872 : memref<1x80x128xf32, #tpu.memory_space<hbm>> -> memref<80x128xf32, #tpu.memory_space<hbm>>
        %dma_wait3A_874 = arith.constant 0 : i32
        %dma_wait3A_875 = arith.constant 0 : i32
        %dma_wait3A_876 = tpu.memref_slice %arg8[%run_scoped3A_848, %dma_wait3A_874, %dma_wait3A_875] : memref<2x125x128xf32, #tpu.memory_space<vmem>> -> memref<1x80x128xf32, #tpu.memory_space<vmem>>
        %dma_wait3A_877 = tpu.memref_squeeze %dma_wait3A_876 : memref<1x80x128xf32, #tpu.memory_space<vmem>> -> memref<80x128xf32, #tpu.memory_space<vmem>>
        tpu.wait_dma2 semaphore(%run_scoped3A_849 : memref<!tpu.dma_semaphore, #tpu.memory_space<semaphore_mem>>) src(%dma_wait3A_877 : memref<80x128xf32, #tpu.memory_space<vmem>>) dst(%dma_wait3A_873 : memref<80x128xf32, #tpu.memory_space<hbm>>)
        tpu.yield
      }) : () -> ()
      "tpu.region"() ({
        %run_scoped3A_849 = tpu.sem_alloc : memref<!tpu.dma_semaphore, #tpu.memory_space<semaphore_mem>>
        %dma_start3A_850 = arith.constant 0 : i32
        %dma_start3A_851 = tpu.memref_slice %arg12[%mul3A_846, %dma_start3A_850] : memref<10000x16xf32, #tpu.memory_space<vmem_shared>> -> memref<80x16xf32, #tpu.memory_space<vmem_shared>>
        %dma_start3A_852 = arith.constant 0 : i32
        %dma_start3A_853 = tpu.memref_slice %arg12[%mul3A_846, %dma_start3A_852] : memref<10000x16xf32, #tpu.memory_space<vmem_shared>> -> memref<80x16xf32, #tpu.memory_space<vmem_shared>>
        tpu.enqueue_dma source(%dma_start3A_853 : memref<80x16xf32, #tpu.memory_space<vmem_shared>>) target(%arg10 : memref<80x16xf32, #tpu.memory_space<vmem>>) target_semaphore(%run_scoped3A_849 : memref<!tpu.dma_semaphore, #tpu.memory_space<semaphore_mem>>)
        %dma_wait3A_854 = arith.constant 0 : i32
        %dma_wait3A_855 = tpu.memref_slice %arg12[%mul3A_846, %dma_wait3A_854] : memref<10000x16xf32, #tpu.memory_space<vmem_shared>> -> memref<80x16xf32, #tpu.memory_space<vmem_shared>>
        %dma_wait3A_856 = arith.constant 0 : i32
        %dma_wait3A_857 = tpu.memref_slice %arg12[%mul3A_846, %dma_wait3A_856] : memref<10000x16xf32, #tpu.memory_space<vmem_shared>> -> memref<80x16xf32, #tpu.memory_space<vmem_shared>>
        tpu.wait_dma2 semaphore(%run_scoped3A_849 : memref<!tpu.dma_semaphore, #tpu.memory_space<semaphore_mem>>) src(%dma_wait3A_857 : memref<80x16xf32, #tpu.memory_space<vmem_shared>>) dst(%arg10 : memref<80x16xf32, #tpu.memory_space<vmem>>)
        tpu.yield
      }) : () -> ()
      "tpu.region"() ({
        %run_scoped3A_849 = tpu.sem_alloc : memref<!tpu.dma_semaphore, #tpu.memory_space<semaphore_mem>>
        %dma_start3A_850 = arith.constant 0 : i32
        %dma_start3A_851 = tpu.memref_slice %arg5[%arg0, %mul3A_846, %dma_start3A_850] : memref<2x10000x16xf32, #tpu.memory_space<hbm>> -> memref<1x80x16xf32, #tpu.memory_space<hbm>>
        %dma_start3A_852 = tpu.memref_squeeze %dma_start3A_851 : memref<1x80x16xf32, #tpu.memory_space<hbm>> -> memref<80x16xf32, #tpu.memory_space<hbm>>
        %dma_start3A_853 = arith.constant 0 : i32
        %dma_start3A_854 = tpu.memref_slice %arg5[%arg0, %mul3A_846, %dma_start3A_853] : memref<2x10000x16xf32, #tpu.memory_space<hbm>> -> memref<1x80x16xf32, #tpu.memory_space<hbm>>
        %dma_start3A_855 = tpu.memref_squeeze %dma_start3A_854 : memref<1x80x16xf32, #tpu.memory_space<hbm>> -> memref<80x16xf32, #tpu.memory_space<hbm>>
        tpu.enqueue_dma source(%arg10 : memref<80x16xf32, #tpu.memory_space<vmem>>) target(%dma_start3A_855 : memref<80x16xf32, #tpu.memory_space<hbm>>) target_semaphore(%run_scoped3A_849 : memref<!tpu.dma_semaphore, #tpu.memory_space<semaphore_mem>>)
        %dma_wait3A_856 = arith.constant 0 : i32
        %dma_wait3A_857 = tpu.memref_slice %arg5[%arg0, %mul3A_846, %dma_wait3A_856] : memref<2x10000x16xf32, #tpu.memory_space<hbm>> -> memref<1x80x16xf32, #tpu.memory_space<hbm>>
        %dma_wait3A_858 = tpu.memref_squeeze %dma_wait3A_857 : memref<1x80x16xf32, #tpu.memory_space<hbm>> -> memref<80x16xf32, #tpu.memory_space<hbm>>
        %dma_wait3A_859 = arith.constant 0 : i32
        %dma_wait3A_860 = tpu.memref_slice %arg5[%arg0, %mul3A_846, %dma_wait3A_859] : memref<2x10000x16xf32, #tpu.memory_space<hbm>> -> memref<1x80x16xf32, #tpu.memory_space<hbm>>
        %dma_wait3A_861 = tpu.memref_squeeze %dma_wait3A_860 : memref<1x80x16xf32, #tpu.memory_space<hbm>> -> memref<80x16xf32, #tpu.memory_space<hbm>>
        tpu.wait_dma2 semaphore(%run_scoped3A_849 : memref<!tpu.dma_semaphore, #tpu.memory_space<semaphore_mem>>) src(%arg10 : memref<80x16xf32, #tpu.memory_space<vmem>>) dst(%dma_wait3A_861 : memref<80x16xf32, #tpu.memory_space<hbm>>)
        tpu.yield
      }) : () -> ()
    } else {
    }
    %add3A_796 = arith.constant 16 : i32
    %add3A_797 = arith.addi %add3A_796, %arg1 : i32
    %lt3A_798 = arith.constant 125 : i32
    %lt3A_799 = arith.cmpi slt, %add3A_797, %lt3A_798 : i32
    %convert_element_type3A_800 = arith.extui %lt3A_799 : i1 to i32
    %cond3A_801 = arith.constant 0 : i32
    %cond3A_802 = arith.cmpi ne, %convert_element_type3A_800, %cond3A_801 : i32
    scf.if %cond3A_802 {
      %mul3A_845 = arith.constant 80 : i32
      %mul3A_846 = arith.muli %add3A_797, %mul3A_845 : i32
      %run_scoped3A_847 = arith.constant 0 : i32
      "tpu.region"() ({
        %run_scoped3A_849 = tpu.sem_alloc : memref<!tpu.dma_semaphore, #tpu.memory_space<semaphore_mem>>
        %dma_start3A_850 = arith.constant 0 : i32
        %dma_start3A_851 = arith.constant 0 : i32
        %dma_start3A_852 = tpu.memref_slice %arg8[%run_scoped3A_847, %dma_start3A_850, %dma_start3A_851] : memref<2x125x128xf32, #tpu.memory_space<vmem>> -> memref<1x80x128xf32, #tpu.memory_space<vmem>>
        %dma_start3A_853 = tpu.memref_squeeze %dma_start3A_852 : memref<1x80x128xf32, #tpu.memory_space<vmem>> -> memref<80x128xf32, #tpu.memory_space<vmem>>
        %dma_start3A_854 = arith.constant 0 : i32
        %dma_start3A_855 = tpu.memref_slice %arg11[%mul3A_846, %dma_start3A_854] : memref<10000x128xf32, #tpu.memory_space<vmem_shared>> -> memref<80x128xf32, #tpu.memory_space<vmem_shared>>
        %dma_start3A_856 = arith.constant 0 : i32
        %dma_start3A_857 = arith.constant 0 : i32
        %dma_start3A_858 = tpu.memref_slice %arg8[%run_scoped3A_847, %dma_start3A_856, %dma_start3A_857] : memref<2x125x128xf32, #tpu.memory_space<vmem>> -> memref<1x80x128xf32, #tpu.memory_space<vmem>>
        %dma_start3A_859 = tpu.memref_squeeze %dma_start3A_858 : memref<1x80x128xf32, #tpu.memory_space<vmem>> -> memref<80x128xf32, #tpu.memory_space<vmem>>
        %dma_start3A_860 = arith.constant 0 : i32
        %dma_start3A_861 = tpu.memref_slice %arg11[%mul3A_846, %dma_start3A_860] : memref<10000x128xf32, #tpu.memory_space<vmem_shared>> -> memref<80x128xf32, #tpu.memory_space<vmem_shared>>
        tpu.enqueue_dma source(%dma_start3A_861 : memref<80x128xf32, #tpu.memory_space<vmem_shared>>) target(%dma_start3A_859 : memref<80x128xf32, #tpu.memory_space<vmem>>) target_semaphore(%run_scoped3A_849 : memref<!tpu.dma_semaphore, #tpu.memory_space<semaphore_mem>>)
        %dma_wait3A_862 = arith.constant 0 : i32
        %dma_wait3A_863 = arith.constant 0 : i32
        %dma_wait3A_864 = tpu.memref_slice %arg8[%run_scoped3A_847, %dma_wait3A_862, %dma_wait3A_863] : memref<2x125x128xf32, #tpu.memory_space<vmem>> -> memref<1x80x128xf32, #tpu.memory_space<vmem>>
        %dma_wait3A_865 = tpu.memref_squeeze %dma_wait3A_864 : memref<1x80x128xf32, #tpu.memory_space<vmem>> -> memref<80x128xf32, #tpu.memory_space<vmem>>
        %dma_wait3A_866 = arith.constant 0 : i32
        %dma_wait3A_867 = tpu.memref_slice %arg11[%mul3A_846, %dma_wait3A_866] : memref<10000x128xf32, #tpu.memory_space<vmem_shared>> -> memref<80x128xf32, #tpu.memory_space<vmem_shared>>
        %dma_wait3A_868 = arith.constant 0 : i32
        %dma_wait3A_869 = arith.constant 0 : i32
        %dma_wait3A_870 = tpu.memref_slice %arg8[%run_scoped3A_847, %dma_wait3A_868, %dma_wait3A_869] : memref<2x125x128xf32, #tpu.memory_space<vmem>> -> memref<1x80x128xf32, #tpu.memory_space<vmem>>
        %dma_wait3A_871 = tpu.memref_squeeze %dma_wait3A_870 : memref<1x80x128xf32, #tpu.memory_space<vmem>> -> memref<80x128xf32, #tpu.memory_space<vmem>>
        %dma_wait3A_872 = arith.constant 0 : i32
        %dma_wait3A_873 = tpu.memref_slice %arg11[%mul3A_846, %dma_wait3A_872] : memref<10000x128xf32, #tpu.memory_space<vmem_shared>> -> memref<80x128xf32, #tpu.memory_space<vmem_shared>>
        tpu.wait_dma2 semaphore(%run_scoped3A_849 : memref<!tpu.dma_semaphore, #tpu.memory_space<semaphore_mem>>) src(%dma_wait3A_873 : memref<80x128xf32, #tpu.memory_space<vmem_shared>>) dst(%dma_wait3A_871 : memref<80x128xf32, #tpu.memory_space<vmem>>)
        tpu.yield
      }) : () -> ()
      %run_scoped3A_848 = arith.constant 0 : i32
      "tpu.region"() ({
        %run_scoped3A_849 = tpu.sem_alloc : memref<!tpu.dma_semaphore, #tpu.memory_space<semaphore_mem>>
        %dma_start3A_850 = arith.constant 0 : i32
        %dma_start3A_851 = arith.constant 0 : i32
        %dma_start3A_852 = tpu.memref_slice %arg8[%run_scoped3A_848, %dma_start3A_850, %dma_start3A_851] : memref<2x125x128xf32, #tpu.memory_space<vmem>> -> memref<1x80x128xf32, #tpu.memory_space<vmem>>
        %dma_start3A_853 = tpu.memref_squeeze %dma_start3A_852 : memref<1x80x128xf32, #tpu.memory_space<vmem>> -> memref<80x128xf32, #tpu.memory_space<vmem>>
        %dma_start3A_854 = arith.constant 0 : i32
        %dma_start3A_855 = tpu.memref_slice %arg4[%arg0, %mul3A_846, %dma_start3A_854] : memref<2x10000x128xf32, #tpu.memory_space<hbm>> -> memref<1x80x128xf32, #tpu.memory_space<hbm>>
        %dma_start3A_856 = tpu.memref_squeeze %dma_start3A_855 : memref<1x80x128xf32, #tpu.memory_space<hbm>> -> memref<80x128xf32, #tpu.memory_space<hbm>>
        %dma_start3A_857 = arith.constant 0 : i32
        %dma_start3A_858 = tpu.memref_slice %arg4[%arg0, %mul3A_846, %dma_start3A_857] : memref<2x10000x128xf32, #tpu.memory_space<hbm>> -> memref<1x80x128xf32, #tpu.memory_space<hbm>>
        %dma_start3A_859 = tpu.memref_squeeze %dma_start3A_858 : memref<1x80x128xf32, #tpu.memory_space<hbm>> -> memref<80x128xf32, #tpu.memory_space<hbm>>
        %dma_start3A_860 = arith.constant 0 : i32
        %dma_start3A_861 = arith.constant 0 : i32
        %dma_start3A_862 = tpu.memref_slice %arg8[%run_scoped3A_848, %dma_start3A_860, %dma_start3A_861] : memref<2x125x128xf32, #tpu.memory_space<vmem>> -> memref<1x80x128xf32, #tpu.memory_space<vmem>>
        %dma_start3A_863 = tpu.memref_squeeze %dma_start3A_862 : memref<1x80x128xf32, #tpu.memory_space<vmem>> -> memref<80x128xf32, #tpu.memory_space<vmem>>
        tpu.enqueue_dma source(%dma_start3A_863 : memref<80x128xf32, #tpu.memory_space<vmem>>) target(%dma_start3A_859 : memref<80x128xf32, #tpu.memory_space<hbm>>) target_semaphore(%run_scoped3A_849 : memref<!tpu.dma_semaphore, #tpu.memory_space<semaphore_mem>>)
        %dma_wait3A_864 = arith.constant 0 : i32
        %dma_wait3A_865 = arith.constant 0 : i32
        %dma_wait3A_866 = tpu.memref_slice %arg8[%run_scoped3A_848, %dma_wait3A_864, %dma_wait3A_865] : memref<2x125x128xf32, #tpu.memory_space<vmem>> -> memref<1x80x128xf32, #tpu.memory_space<vmem>>
        %dma_wait3A_867 = tpu.memref_squeeze %dma_wait3A_866 : memref<1x80x128xf32, #tpu.memory_space<vmem>> -> memref<80x128xf32, #tpu.memory_space<vmem>>
        %dma_wait3A_868 = arith.constant 0 : i32
        %dma_wait3A_869 = tpu.memref_slice %arg4[%arg0, %mul3A_846, %dma_wait3A_868] : memref<2x10000x128xf32, #tpu.memory_space<hbm>> -> memref<1x80x128xf32, #tpu.memory_space<hbm>>
        %dma_wait3A_870 = tpu.memref_squeeze %dma_wait3A_869 : memref<1x80x128xf32, #tpu.memory_space<hbm>> -> memref<80x128xf32, #tpu.memory_space<hbm>>
        %dma_wait3A_871 = arith.constant 0 : i32
        %dma_wait3A_872 = tpu.memref_slice %arg4[%arg0, %mul3A_846, %dma_wait3A_871] : memref<2x10000x128xf32, #tpu.memory_space<hbm>> -> memref<1x80x128xf32, #tpu.memory_space<hbm>>
        %dma_wait3A_873 = tpu.memref_squeeze %dma_wait3A_872 : memref<1x80x128xf32, #tpu.memory_space<hbm>> -> memref<80x128xf32, #tpu.memory_space<hbm>>
        %dma_wait3A_874 = arith.constant 0 : i32
        %dma_wait3A_875 = arith.constant 0 : i32
        %dma_wait3A_876 = tpu.memref_slice %arg8[%run_scoped3A_848, %dma_wait3A_874, %dma_wait3A_875] : memref<2x125x128xf32, #tpu.memory_space<vmem>> -> memref<1x80x128xf32, #tpu.memory_space<vmem>>
        %dma_wait3A_877 = tpu.memref_squeeze %dma_wait3A_876 : memref<1x80x128xf32, #tpu.memory_space<vmem>> -> memref<80x128xf32, #tpu.memory_space<vmem>>
        tpu.wait_dma2 semaphore(%run_scoped3A_849 : memref<!tpu.dma_semaphore, #tpu.memory_space<semaphore_mem>>) src(%dma_wait3A_877 : memref<80x128xf32, #tpu.memory_space<vmem>>) dst(%dma_wait3A_873 : memref<80x128xf32, #tpu.memory_space<hbm>>)
        tpu.yield
      }) : () -> ()
      "tpu.region"() ({
        %run_scoped3A_849 = tpu.sem_alloc : memref<!tpu.dma_semaphore, #tpu.memory_space<semaphore_mem>>
        %dma_start3A_850 = arith.constant 0 : i32
        %dma_start3A_851 = tpu.memref_slice %arg12[%mul3A_846, %dma_start3A_850] : memref<10000x16xf32, #tpu.memory_space<vmem_shared>> -> memref<80x16xf32, #tpu.memory_space<vmem_shared>>
        %dma_start3A_852 = arith.constant 0 : i32
        %dma_start3A_853 = tpu.memref_slice %arg12[%mul3A_846, %dma_start3A_852] : memref<10000x16xf32, #tpu.memory_space<vmem_shared>> -> memref<80x16xf32, #tpu.memory_space<vmem_shared>>
        tpu.enqueue_dma source(%dma_start3A_853 : memref<80x16xf32, #tpu.memory_space<vmem_shared>>) target(%arg10 : memref<80x16xf32, #tpu.memory_space<vmem>>) target_semaphore(%run_scoped3A_849 : memref<!tpu.dma_semaphore, #tpu.memory_space<semaphore_mem>>)
        %dma_wait3A_854 = arith.constant 0 : i32
        %dma_wait3A_855 = tpu.memref_slice %arg12[%mul3A_846, %dma_wait3A_854] : memref<10000x16xf32, #tpu.memory_space<vmem_shared>> -> memref<80x16xf32, #tpu.memory_space<vmem_shared>>
        %dma_wait3A_856 = arith.constant 0 : i32
        %dma_wait3A_857 = tpu.memref_slice %arg12[%mul3A_846, %dma_wait3A_856] : memref<10000x16xf32, #tpu.memory_space<vmem_shared>> -> memref<80x16xf32, #tpu.memory_space<vmem_shared>>
        tpu.wait_dma2 semaphore(%run_scoped3A_849 : memref<!tpu.dma_semaphore, #tpu.memory_space<semaphore_mem>>) src(%dma_wait3A_857 : memref<80x16xf32, #tpu.memory_space<vmem_shared>>) dst(%arg10 : memref<80x16xf32, #tpu.memory_space<vmem>>)
        tpu.yield
      }) : () -> ()
      "tpu.region"() ({
        %run_scoped3A_849 = tpu.sem_alloc : memref<!tpu.dma_semaphore, #tpu.memory_space<semaphore_mem>>
        %dma_start3A_850 = arith.constant 0 : i32
        %dma_start3A_851 = tpu.memref_slice %arg5[%arg0, %mul3A_846, %dma_start3A_850] : memref<2x10000x16xf32, #tpu.memory_space<hbm>> -> memref<1x80x16xf32, #tpu.memory_space<hbm>>
        %dma_start3A_852 = tpu.memref_squeeze %dma_start3A_851 : memref<1x80x16xf32, #tpu.memory_space<hbm>> -> memref<80x16xf32, #tpu.memory_space<hbm>>
        %dma_start3A_853 = arith.constant 0 : i32
        %dma_start3A_854 = tpu.memref_slice %arg5[%arg0, %mul3A_846, %dma_start3A_853] : memref<2x10000x16xf32, #tpu.memory_space<hbm>> -> memref<1x80x16xf32, #tpu.memory_space<hbm>>
        %dma_start3A_855 = tpu.memref_squeeze %dma_start3A_854 : memref<1x80x16xf32, #tpu.memory_space<hbm>> -> memref<80x16xf32, #tpu.memory_space<hbm>>
        tpu.enqueue_dma source(%arg10 : memref<80x16xf32, #tpu.memory_space<vmem>>) target(%dma_start3A_855 : memref<80x16xf32, #tpu.memory_space<hbm>>) target_semaphore(%run_scoped3A_849 : memref<!tpu.dma_semaphore, #tpu.memory_space<semaphore_mem>>)
        %dma_wait3A_856 = arith.constant 0 : i32
        %dma_wait3A_857 = tpu.memref_slice %arg5[%arg0, %mul3A_846, %dma_wait3A_856] : memref<2x10000x16xf32, #tpu.memory_space<hbm>> -> memref<1x80x16xf32, #tpu.memory_space<hbm>>
        %dma_wait3A_858 = tpu.memref_squeeze %dma_wait3A_857 : memref<1x80x16xf32, #tpu.memory_space<hbm>> -> memref<80x16xf32, #tpu.memory_space<hbm>>
        %dma_wait3A_859 = arith.constant 0 : i32
        %dma_wait3A_860 = tpu.memref_slice %arg5[%arg0, %mul3A_846, %dma_wait3A_859] : memref<2x10000x16xf32, #tpu.memory_space<hbm>> -> memref<1x80x16xf32, #tpu.memory_space<hbm>>
        %dma_wait3A_861 = tpu.memref_squeeze %dma_wait3A_860 : memref<1x80x16xf32, #tpu.memory_space<hbm>> -> memref<80x16xf32, #tpu.memory_space<hbm>>
        tpu.wait_dma2 semaphore(%run_scoped3A_849 : memref<!tpu.dma_semaphore, #tpu.memory_space<semaphore_mem>>) src(%arg10 : memref<80x16xf32, #tpu.memory_space<vmem>>) dst(%dma_wait3A_861 : memref<80x16xf32, #tpu.memory_space<hbm>>)
        tpu.yield
      }) : () -> ()
    } else {
    }
    %add3A_803 = arith.constant 32 : i32
    %add3A_804 = arith.addi %add3A_803, %arg1 : i32
    %lt3A_805 = arith.constant 125 : i32
    %lt3A_806 = arith.cmpi slt, %add3A_804, %lt3A_805 : i32
    %convert_element_type3A_807 = arith.extui %lt3A_806 : i1 to i32
    %cond3A_808 = arith.constant 0 : i32
    %cond3A_809 = arith.cmpi ne, %convert_element_type3A_807, %cond3A_808 : i32
    scf.if %cond3A_809 {
      %mul3A_845 = arith.constant 80 : i32
      %mul3A_846 = arith.muli %add3A_804, %mul3A_845 : i32
      %run_scoped3A_847 = arith.constant 0 : i32
      "tpu.region"() ({
        %run_scoped3A_849 = tpu.sem_alloc : memref<!tpu.dma_semaphore, #tpu.memory_space<semaphore_mem>>
        %dma_start3A_850 = arith.constant 0 : i32
        %dma_start3A_851 = arith.constant 0 : i32
        %dma_start3A_852 = tpu.memref_slice %arg8[%run_scoped3A_847, %dma_start3A_850, %dma_start3A_851] : memref<2x125x128xf32, #tpu.memory_space<vmem>> -> memref<1x80x128xf32, #tpu.memory_space<vmem>>
        %dma_start3A_853 = tpu.memref_squeeze %dma_start3A_852 : memref<1x80x128xf32, #tpu.memory_space<vmem>> -> memref<80x128xf32, #tpu.memory_space<vmem>>
        %dma_start3A_854 = arith.constant 0 : i32
        %dma_start3A_855 = tpu.memref_slice %arg11[%mul3A_846, %dma_start3A_854] : memref<10000x128xf32, #tpu.memory_space<vmem_shared>> -> memref<80x128xf32, #tpu.memory_space<vmem_shared>>
        %dma_start3A_856 = arith.constant 0 : i32
        %dma_start3A_857 = arith.constant 0 : i32
        %dma_start3A_858 = tpu.memref_slice %arg8[%run_scoped3A_847, %dma_start3A_856, %dma_start3A_857] : memref<2x125x128xf32, #tpu.memory_space<vmem>> -> memref<1x80x128xf32, #tpu.memory_space<vmem>>
        %dma_start3A_859 = tpu.memref_squeeze %dma_start3A_858 : memref<1x80x128xf32, #tpu.memory_space<vmem>> -> memref<80x128xf32, #tpu.memory_space<vmem>>
        %dma_start3A_860 = arith.constant 0 : i32
        %dma_start3A_861 = tpu.memref_slice %arg11[%mul3A_846, %dma_start3A_860] : memref<10000x128xf32, #tpu.memory_space<vmem_shared>> -> memref<80x128xf32, #tpu.memory_space<vmem_shared>>
        tpu.enqueue_dma source(%dma_start3A_861 : memref<80x128xf32, #tpu.memory_space<vmem_shared>>) target(%dma_start3A_859 : memref<80x128xf32, #tpu.memory_space<vmem>>) target_semaphore(%run_scoped3A_849 : memref<!tpu.dma_semaphore, #tpu.memory_space<semaphore_mem>>)
        %dma_wait3A_862 = arith.constant 0 : i32
        %dma_wait3A_863 = arith.constant 0 : i32
        %dma_wait3A_864 = tpu.memref_slice %arg8[%run_scoped3A_847, %dma_wait3A_862, %dma_wait3A_863] : memref<2x125x128xf32, #tpu.memory_space<vmem>> -> memref<1x80x128xf32, #tpu.memory_space<vmem>>
        %dma_wait3A_865 = tpu.memref_squeeze %dma_wait3A_864 : memref<1x80x128xf32, #tpu.memory_space<vmem>> -> memref<80x128xf32, #tpu.memory_space<vmem>>
        %dma_wait3A_866 = arith.constant 0 : i32
        %dma_wait3A_867 = tpu.memref_slice %arg11[%mul3A_846, %dma_wait3A_866] : memref<10000x128xf32, #tpu.memory_space<vmem_shared>> -> memref<80x128xf32, #tpu.memory_space<vmem_shared>>
        %dma_wait3A_868 = arith.constant 0 : i32
        %dma_wait3A_869 = arith.constant 0 : i32
        %dma_wait3A_870 = tpu.memref_slice %arg8[%run_scoped3A_847, %dma_wait3A_868, %dma_wait3A_869] : memref<2x125x128xf32, #tpu.memory_space<vmem>> -> memref<1x80x128xf32, #tpu.memory_space<vmem>>
        %dma_wait3A_871 = tpu.memref_squeeze %dma_wait3A_870 : memref<1x80x128xf32, #tpu.memory_space<vmem>> -> memref<80x128xf32, #tpu.memory_space<vmem>>
        %dma_wait3A_872 = arith.constant 0 : i32
        %dma_wait3A_873 = tpu.memref_slice %arg11[%mul3A_846, %dma_wait3A_872] : memref<10000x128xf32, #tpu.memory_space<vmem_shared>> -> memref<80x128xf32, #tpu.memory_space<vmem_shared>>
        tpu.wait_dma2 semaphore(%run_scoped3A_849 : memref<!tpu.dma_semaphore, #tpu.memory_space<semaphore_mem>>) src(%dma_wait3A_873 : memref<80x128xf32, #tpu.memory_space<vmem_shared>>) dst(%dma_wait3A_871 : memref<80x128xf32, #tpu.memory_space<vmem>>)
        tpu.yield
      }) : () -> ()
      %run_scoped3A_848 = arith.constant 0 : i32
      "tpu.region"() ({
        %run_scoped3A_849 = tpu.sem_alloc : memref<!tpu.dma_semaphore, #tpu.memory_space<semaphore_mem>>
        %dma_start3A_850 = arith.constant 0 : i32
        %dma_start3A_851 = arith.constant 0 : i32
        %dma_start3A_852 = tpu.memref_slice %arg8[%run_scoped3A_848, %dma_start3A_850, %dma_start3A_851] : memref<2x125x128xf32, #tpu.memory_space<vmem>> -> memref<1x80x128xf32, #tpu.memory_space<vmem>>
        %dma_start3A_853 = tpu.memref_squeeze %dma_start3A_852 : memref<1x80x128xf32, #tpu.memory_space<vmem>> -> memref<80x128xf32, #tpu.memory_space<vmem>>
        %dma_start3A_854 = arith.constant 0 : i32
        %dma_start3A_855 = tpu.memref_slice %arg4[%arg0, %mul3A_846, %dma_start3A_854] : memref<2x10000x128xf32, #tpu.memory_space<hbm>> -> memref<1x80x128xf32, #tpu.memory_space<hbm>>
        %dma_start3A_856 = tpu.memref_squeeze %dma_start3A_855 : memref<1x80x128xf32, #tpu.memory_space<hbm>> -> memref<80x128xf32, #tpu.memory_space<hbm>>
        %dma_start3A_857 = arith.constant 0 : i32
        %dma_start3A_858 = tpu.memref_slice %arg4[%arg0, %mul3A_846, %dma_start3A_857] : memref<2x10000x128xf32, #tpu.memory_space<hbm>> -> memref<1x80x128xf32, #tpu.memory_space<hbm>>
        %dma_start3A_859 = tpu.memref_squeeze %dma_start3A_858 : memref<1x80x128xf32, #tpu.memory_space<hbm>> -> memref<80x128xf32, #tpu.memory_space<hbm>>
        %dma_start3A_860 = arith.constant 0 : i32
        %dma_start3A_861 = arith.constant 0 : i32
        %dma_start3A_862 = tpu.memref_slice %arg8[%run_scoped3A_848, %dma_start3A_860, %dma_start3A_861] : memref<2x125x128xf32, #tpu.memory_space<vmem>> -> memref<1x80x128xf32, #tpu.memory_space<vmem>>
        %dma_start3A_863 = tpu.memref_squeeze %dma_start3A_862 : memref<1x80x128xf32, #tpu.memory_space<vmem>> -> memref<80x128xf32, #tpu.memory_space<vmem>>
        tpu.enqueue_dma source(%dma_start3A_863 : memref<80x128xf32, #tpu.memory_space<vmem>>) target(%dma_start3A_859 : memref<80x128xf32, #tpu.memory_space<hbm>>) target_semaphore(%run_scoped3A_849 : memref<!tpu.dma_semaphore, #tpu.memory_space<semaphore_mem>>)
        %dma_wait3A_864 = arith.constant 0 : i32
        %dma_wait3A_865 = arith.constant 0 : i32
        %dma_wait3A_866 = tpu.memref_slice %arg8[%run_scoped3A_848, %dma_wait3A_864, %dma_wait3A_865] : memref<2x125x128xf32, #tpu.memory_space<vmem>> -> memref<1x80x128xf32, #tpu.memory_space<vmem>>
        %dma_wait3A_867 = tpu.memref_squeeze %dma_wait3A_866 : memref<1x80x128xf32, #tpu.memory_space<vmem>> -> memref<80x128xf32, #tpu.memory_space<vmem>>
        %dma_wait3A_868 = arith.constant 0 : i32
        %dma_wait3A_869 = tpu.memref_slice %arg4[%arg0, %mul3A_846, %dma_wait3A_868] : memref<2x10000x128xf32, #tpu.memory_space<hbm>> -> memref<1x80x128xf32, #tpu.memory_space<hbm>>
        %dma_wait3A_870 = tpu.memref_squeeze %dma_wait3A_869 : memref<1x80x128xf32, #tpu.memory_space<hbm>> -> memref<80x128xf32, #tpu.memory_space<hbm>>
        %dma_wait3A_871 = arith.constant 0 : i32
        %dma_wait3A_872 = tpu.memref_slice %arg4[%arg0, %mul3A_846, %dma_wait3A_871] : memref<2x10000x128xf32, #tpu.memory_space<hbm>> -> memref<1x80x128xf32, #tpu.memory_space<hbm>>
        %dma_wait3A_873 = tpu.memref_squeeze %dma_wait3A_872 : memref<1x80x128xf32, #tpu.memory_space<hbm>> -> memref<80x128xf32, #tpu.memory_space<hbm>>
        %dma_wait3A_874 = arith.constant 0 : i32
        %dma_wait3A_875 = arith.constant 0 : i32
        %dma_wait3A_876 = tpu.memref_slice %arg8[%run_scoped3A_848, %dma_wait3A_874, %dma_wait3A_875] : memref<2x125x128xf32, #tpu.memory_space<vmem>> -> memref<1x80x128xf32, #tpu.memory_space<vmem>>
        %dma_wait3A_877 = tpu.memref_squeeze %dma_wait3A_876 : memref<1x80x128xf32, #tpu.memory_space<vmem>> -> memref<80x128xf32, #tpu.memory_space<vmem>>
        tpu.wait_dma2 semaphore(%run_scoped3A_849 : memref<!tpu.dma_semaphore, #tpu.memory_space<semaphore_mem>>) src(%dma_wait3A_877 : memref<80x128xf32, #tpu.memory_space<vmem>>) dst(%dma_wait3A_873 : memref<80x128xf32, #tpu.memory_space<hbm>>)
        tpu.yield
      }) : () -> ()
      "tpu.region"() ({
        %run_scoped3A_849 = tpu.sem_alloc : memref<!tpu.dma_semaphore, #tpu.memory_space<semaphore_mem>>
        %dma_start3A_850 = arith.constant 0 : i32
        %dma_start3A_851 = tpu.memref_slice %arg12[%mul3A_846, %dma_start3A_850] : memref<10000x16xf32, #tpu.memory_space<vmem_shared>> -> memref<80x16xf32, #tpu.memory_space<vmem_shared>>
        %dma_start3A_852 = arith.constant 0 : i32
        %dma_start3A_853 = tpu.memref_slice %arg12[%mul3A_846, %dma_start3A_852] : memref<10000x16xf32, #tpu.memory_space<vmem_shared>> -> memref<80x16xf32, #tpu.memory_space<vmem_shared>>
        tpu.enqueue_dma source(%dma_start3A_853 : memref<80x16xf32, #tpu.memory_space<vmem_shared>>) target(%arg10 : memref<80x16xf32, #tpu.memory_space<vmem>>) target_semaphore(%run_scoped3A_849 : memref<!tpu.dma_semaphore, #tpu.memory_space<semaphore_mem>>)
        %dma_wait3A_854 = arith.constant 0 : i32
        %dma_wait3A_855 = tpu.memref_slice %arg12[%mul3A_846, %dma_wait3A_854] : memref<10000x16xf32, #tpu.memory_space<vmem_shared>> -> memref<80x16xf32, #tpu.memory_space<vmem_shared>>
        %dma_wait3A_856 = arith.constant 0 : i32
        %dma_wait3A_857 = tpu.memref_slice %arg12[%mul3A_846, %dma_wait3A_856] : memref<10000x16xf32, #tpu.memory_space<vmem_shared>> -> memref<80x16xf32, #tpu.memory_space<vmem_shared>>
        tpu.wait_dma2 semaphore(%run_scoped3A_849 : memref<!tpu.dma_semaphore, #tpu.memory_space<semaphore_mem>>) src(%dma_wait3A_857 : memref<80x16xf32, #tpu.memory_space<vmem_shared>>) dst(%arg10 : memref<80x16xf32, #tpu.memory_space<vmem>>)
        tpu.yield
      }) : () -> ()
      "tpu.region"() ({
        %run_scoped3A_849 = tpu.sem_alloc : memref<!tpu.dma_semaphore, #tpu.memory_space<semaphore_mem>>
        %dma_start3A_850 = arith.constant 0 : i32
        %dma_start3A_851 = tpu.memref_slice %arg5[%arg0, %mul3A_846, %dma_start3A_850] : memref<2x10000x16xf32, #tpu.memory_space<hbm>> -> memref<1x80x16xf32, #tpu.memory_space<hbm>>
        %dma_start3A_852 = tpu.memref_squeeze %dma_start3A_851 : memref<1x80x16xf32, #tpu.memory_space<hbm>> -> memref<80x16xf32, #tpu.memory_space<hbm>>
        %dma_start3A_853 = arith.constant 0 : i32
        %dma_start3A_854 = tpu.memref_slice %arg5[%arg0, %mul3A_846, %dma_start3A_853] : memref<2x10000x16xf32, #tpu.memory_space<hbm>> -> memref<1x80x16xf32, #tpu.memory_space<hbm>>
        %dma_start3A_855 = tpu.memref_squeeze %dma_start3A_854 : memref<1x80x16xf32, #tpu.memory_space<hbm>> -> memref<80x16xf32, #tpu.memory_space<hbm>>
        tpu.enqueue_dma source(%arg10 : memref<80x16xf32, #tpu.memory_space<vmem>>) target(%dma_start3A_855 : memref<80x16xf32, #tpu.memory_space<hbm>>) target_semaphore(%run_scoped3A_849 : memref<!tpu.dma_semaphore, #tpu.memory_space<semaphore_mem>>)
        %dma_wait3A_856 = arith.constant 0 : i32
        %dma_wait3A_857 = tpu.memref_slice %arg5[%arg0, %mul3A_846, %dma_wait3A_856] : memref<2x10000x16xf32, #tpu.memory_space<hbm>> -> memref<1x80x16xf32, #tpu.memory_space<hbm>>
        %dma_wait3A_858 = tpu.memref_squeeze %dma_wait3A_857 : memref<1x80x16xf32, #tpu.memory_space<hbm>> -> memref<80x16xf32, #tpu.memory_space<hbm>>
        %dma_wait3A_859 = arith.constant 0 : i32
        %dma_wait3A_860 = tpu.memref_slice %arg5[%arg0, %mul3A_846, %dma_wait3A_859] : memref<2x10000x16xf32, #tpu.memory_space<hbm>> -> memref<1x80x16xf32, #tpu.memory_space<hbm>>
        %dma_wait3A_861 = tpu.memref_squeeze %dma_wait3A_860 : memref<1x80x16xf32, #tpu.memory_space<hbm>> -> memref<80x16xf32, #tpu.memory_space<hbm>>
        tpu.wait_dma2 semaphore(%run_scoped3A_849 : memref<!tpu.dma_semaphore, #tpu.memory_space<semaphore_mem>>) src(%arg10 : memref<80x16xf32, #tpu.memory_space<vmem>>) dst(%dma_wait3A_861 : memref<80x16xf32, #tpu.memory_space<hbm>>)
        tpu.yield
      }) : () -> ()
    } else {
    }
    %add3A_810 = arith.constant 48 : i32
    %add3A_811 = arith.addi %add3A_810, %arg1 : i32
    %lt3A_812 = arith.constant 125 : i32
    %lt3A_813 = arith.cmpi slt, %add3A_811, %lt3A_812 : i32
    %convert_element_type3A_814 = arith.extui %lt3A_813 : i1 to i32
    %cond3A_815 = arith.constant 0 : i32
    %cond3A_816 = arith.cmpi ne, %convert_element_type3A_814, %cond3A_815 : i32
    scf.if %cond3A_816 {
      %mul3A_845 = arith.constant 80 : i32
      %mul3A_846 = arith.muli %add3A_811, %mul3A_845 : i32
      %run_scoped3A_847 = arith.constant 0 : i32
      "tpu.region"() ({
        %run_scoped3A_849 = tpu.sem_alloc : memref<!tpu.dma_semaphore, #tpu.memory_space<semaphore_mem>>
        %dma_start3A_850 = arith.constant 0 : i32
        %dma_start3A_851 = arith.constant 0 : i32
        %dma_start3A_852 = tpu.memref_slice %arg8[%run_scoped3A_847, %dma_start3A_850, %dma_start3A_851] : memref<2x125x128xf32, #tpu.memory_space<vmem>> -> memref<1x80x128xf32, #tpu.memory_space<vmem>>
        %dma_start3A_853 = tpu.memref_squeeze %dma_start3A_852 : memref<1x80x128xf32, #tpu.memory_space<vmem>> -> memref<80x128xf32, #tpu.memory_space<vmem>>
        %dma_start3A_854 = arith.constant 0 : i32
        %dma_start3A_855 = tpu.memref_slice %arg11[%mul3A_846, %dma_start3A_854] : memref<10000x128xf32, #tpu.memory_space<vmem_shared>> -> memref<80x128xf32, #tpu.memory_space<vmem_shared>>
        %dma_start3A_856 = arith.constant 0 : i32
        %dma_start3A_857 = arith.constant 0 : i32
        %dma_start3A_858 = tpu.memref_slice %arg8[%run_scoped3A_847, %dma_start3A_856, %dma_start3A_857] : memref<2x125x128xf32, #tpu.memory_space<vmem>> -> memref<1x80x128xf32, #tpu.memory_space<vmem>>
        %dma_start3A_859 = tpu.memref_squeeze %dma_start3A_858 : memref<1x80x128xf32, #tpu.memory_space<vmem>> -> memref<80x128xf32, #tpu.memory_space<vmem>>
        %dma_start3A_860 = arith.constant 0 : i32
        %dma_start3A_861 = tpu.memref_slice %arg11[%mul3A_846, %dma_start3A_860] : memref<10000x128xf32, #tpu.memory_space<vmem_shared>> -> memref<80x128xf32, #tpu.memory_space<vmem_shared>>
        tpu.enqueue_dma source(%dma_start3A_861 : memref<80x128xf32, #tpu.memory_space<vmem_shared>>) target(%dma_start3A_859 : memref<80x128xf32, #tpu.memory_space<vmem>>) target_semaphore(%run_scoped3A_849 : memref<!tpu.dma_semaphore, #tpu.memory_space<semaphore_mem>>)
        %dma_wait3A_862 = arith.constant 0 : i32
        %dma_wait3A_863 = arith.constant 0 : i32
        %dma_wait3A_864 = tpu.memref_slice %arg8[%run_scoped3A_847, %dma_wait3A_862, %dma_wait3A_863] : memref<2x125x128xf32, #tpu.memory_space<vmem>> -> memref<1x80x128xf32, #tpu.memory_space<vmem>>
        %dma_wait3A_865 = tpu.memref_squeeze %dma_wait3A_864 : memref<1x80x128xf32, #tpu.memory_space<vmem>> -> memref<80x128xf32, #tpu.memory_space<vmem>>
        %dma_wait3A_866 = arith.constant 0 : i32
        %dma_wait3A_867 = tpu.memref_slice %arg11[%mul3A_846, %dma_wait3A_866] : memref<10000x128xf32, #tpu.memory_space<vmem_shared>> -> memref<80x128xf32, #tpu.memory_space<vmem_shared>>
        %dma_wait3A_868 = arith.constant 0 : i32
        %dma_wait3A_869 = arith.constant 0 : i32
        %dma_wait3A_870 = tpu.memref_slice %arg8[%run_scoped3A_847, %dma_wait3A_868, %dma_wait3A_869] : memref<2x125x128xf32, #tpu.memory_space<vmem>> -> memref<1x80x128xf32, #tpu.memory_space<vmem>>
        %dma_wait3A_871 = tpu.memref_squeeze %dma_wait3A_870 : memref<1x80x128xf32, #tpu.memory_space<vmem>> -> memref<80x128xf32, #tpu.memory_space<vmem>>
        %dma_wait3A_872 = arith.constant 0 : i32
        %dma_wait3A_873 = tpu.memref_slice %arg11[%mul3A_846, %dma_wait3A_872] : memref<10000x128xf32, #tpu.memory_space<vmem_shared>> -> memref<80x128xf32, #tpu.memory_space<vmem_shared>>
        tpu.wait_dma2 semaphore(%run_scoped3A_849 : memref<!tpu.dma_semaphore, #tpu.memory_space<semaphore_mem>>) src(%dma_wait3A_873 : memref<80x128xf32, #tpu.memory_space<vmem_shared>>) dst(%dma_wait3A_871 : memref<80x128xf32, #tpu.memory_space<vmem>>)
        tpu.yield
      }) : () -> ()
      %run_scoped3A_848 = arith.constant 0 : i32
      "tpu.region"() ({
        %run_scoped3A_849 = tpu.sem_alloc : memref<!tpu.dma_semaphore, #tpu.memory_space<semaphore_mem>>
        %dma_start3A_850 = arith.constant 0 : i32
        %dma_start3A_851 = arith.constant 0 : i32
        %dma_start3A_852 = tpu.memref_slice %arg8[%run_scoped3A_848, %dma_start3A_850, %dma_start3A_851] : memref<2x125x128xf32, #tpu.memory_space<vmem>> -> memref<1x80x128xf32, #tpu.memory_space<vmem>>
        %dma_start3A_853 = tpu.memref_squeeze %dma_start3A_852 : memref<1x80x128xf32, #tpu.memory_space<vmem>> -> memref<80x128xf32, #tpu.memory_space<vmem>>
        %dma_start3A_854 = arith.constant 0 : i32
        %dma_start3A_855 = tpu.memref_slice %arg4[%arg0, %mul3A_846, %dma_start3A_854] : memref<2x10000x128xf32, #tpu.memory_space<hbm>> -> memref<1x80x128xf32, #tpu.memory_space<hbm>>
        %dma_start3A_856 = tpu.memref_squeeze %dma_start3A_855 : memref<1x80x128xf32, #tpu.memory_space<hbm>> -> memref<80x128xf32, #tpu.memory_space<hbm>>
        %dma_start3A_857 = arith.constant 0 : i32
        %dma_start3A_858 = tpu.memref_slice %arg4[%arg0, %mul3A_846, %dma_start3A_857] : memref<2x10000x128xf32, #tpu.memory_space<hbm>> -> memref<1x80x128xf32, #tpu.memory_space<hbm>>
        %dma_start3A_859 = tpu.memref_squeeze %dma_start3A_858 : memref<1x80x128xf32, #tpu.memory_space<hbm>> -> memref<80x128xf32, #tpu.memory_space<hbm>>
        %dma_start3A_860 = arith.constant 0 : i32
        %dma_start3A_861 = arith.constant 0 : i32
        %dma_start3A_862 = tpu.memref_slice %arg8[%run_scoped3A_848, %dma_start3A_860, %dma_start3A_861] : memref<2x125x128xf32, #tpu.memory_space<vmem>> -> memref<1x80x128xf32, #tpu.memory_space<vmem>>
        %dma_start3A_863 = tpu.memref_squeeze %dma_start3A_862 : memref<1x80x128xf32, #tpu.memory_space<vmem>> -> memref<80x128xf32, #tpu.memory_space<vmem>>
        tpu.enqueue_dma source(%dma_start3A_863 : memref<80x128xf32, #tpu.memory_space<vmem>>) target(%dma_start3A_859 : memref<80x128xf32, #tpu.memory_space<hbm>>) target_semaphore(%run_scoped3A_849 : memref<!tpu.dma_semaphore, #tpu.memory_space<semaphore_mem>>)
        %dma_wait3A_864 = arith.constant 0 : i32
        %dma_wait3A_865 = arith.constant 0 : i32
        %dma_wait3A_866 = tpu.memref_slice %arg8[%run_scoped3A_848, %dma_wait3A_864, %dma_wait3A_865] : memref<2x125x128xf32, #tpu.memory_space<vmem>> -> memref<1x80x128xf32, #tpu.memory_space<vmem>>
        %dma_wait3A_867 = tpu.memref_squeeze %dma_wait3A_866 : memref<1x80x128xf32, #tpu.memory_space<vmem>> -> memref<80x128xf32, #tpu.memory_space<vmem>>
        %dma_wait3A_868 = arith.constant 0 : i32
        %dma_wait3A_869 = tpu.memref_slice %arg4[%arg0, %mul3A_846, %dma_wait3A_868] : memref<2x10000x128xf32, #tpu.memory_space<hbm>> -> memref<1x80x128xf32, #tpu.memory_space<hbm>>
        %dma_wait3A_870 = tpu.memref_squeeze %dma_wait3A_869 : memref<1x80x128xf32, #tpu.memory_space<hbm>> -> memref<80x128xf32, #tpu.memory_space<hbm>>
        %dma_wait3A_871 = arith.constant 0 : i32
        %dma_wait3A_872 = tpu.memref_slice %arg4[%arg0, %mul3A_846, %dma_wait3A_871] : memref<2x10000x128xf32, #tpu.memory_space<hbm>> -> memref<1x80x128xf32, #tpu.memory_space<hbm>>
        %dma_wait3A_873 = tpu.memref_squeeze %dma_wait3A_872 : memref<1x80x128xf32, #tpu.memory_space<hbm>> -> memref<80x128xf32, #tpu.memory_space<hbm>>
        %dma_wait3A_874 = arith.constant 0 : i32
        %dma_wait3A_875 = arith.constant 0 : i32
        %dma_wait3A_876 = tpu.memref_slice %arg8[%run_scoped3A_848, %dma_wait3A_874, %dma_wait3A_875] : memref<2x125x128xf32, #tpu.memory_space<vmem>> -> memref<1x80x128xf32, #tpu.memory_space<vmem>>
        %dma_wait3A_877 = tpu.memref_squeeze %dma_wait3A_876 : memref<1x80x128xf32, #tpu.memory_space<vmem>> -> memref<80x128xf32, #tpu.memory_space<vmem>>
        tpu.wait_dma2 semaphore(%run_scoped3A_849 : memref<!tpu.dma_semaphore, #tpu.memory_space<semaphore_mem>>) src(%dma_wait3A_877 : memref<80x128xf32, #tpu.memory_space<vmem>>) dst(%dma_wait3A_873 : memref<80x128xf32, #tpu.memory_space<hbm>>)
        tpu.yield
      }) : () -> ()
      "tpu.region"() ({
        %run_scoped3A_849 = tpu.sem_alloc : memref<!tpu.dma_semaphore, #tpu.memory_space<semaphore_mem>>
        %dma_start3A_850 = arith.constant 0 : i32
        %dma_start3A_851 = tpu.memref_slice %arg12[%mul3A_846, %dma_start3A_850] : memref<10000x16xf32, #tpu.memory_space<vmem_shared>> -> memref<80x16xf32, #tpu.memory_space<vmem_shared>>
        %dma_start3A_852 = arith.constant 0 : i32
        %dma_start3A_853 = tpu.memref_slice %arg12[%mul3A_846, %dma_start3A_852] : memref<10000x16xf32, #tpu.memory_space<vmem_shared>> -> memref<80x16xf32, #tpu.memory_space<vmem_shared>>
        tpu.enqueue_dma source(%dma_start3A_853 : memref<80x16xf32, #tpu.memory_space<vmem_shared>>) target(%arg10 : memref<80x16xf32, #tpu.memory_space<vmem>>) target_semaphore(%run_scoped3A_849 : memref<!tpu.dma_semaphore, #tpu.memory_space<semaphore_mem>>)
        %dma_wait3A_854 = arith.constant 0 : i32
        %dma_wait3A_855 = tpu.memref_slice %arg12[%mul3A_846, %dma_wait3A_854] : memref<10000x16xf32, #tpu.memory_space<vmem_shared>> -> memref<80x16xf32, #tpu.memory_space<vmem_shared>>
        %dma_wait3A_856 = arith.constant 0 : i32
        %dma_wait3A_857 = tpu.memref_slice %arg12[%mul3A_846, %dma_wait3A_856] : memref<10000x16xf32, #tpu.memory_space<vmem_shared>> -> memref<80x16xf32, #tpu.memory_space<vmem_shared>>
        tpu.wait_dma2 semaphore(%run_scoped3A_849 : memref<!tpu.dma_semaphore, #tpu.memory_space<semaphore_mem>>) src(%dma_wait3A_857 : memref<80x16xf32, #tpu.memory_space<vmem_shared>>) dst(%arg10 : memref<80x16xf32, #tpu.memory_space<vmem>>)
        tpu.yield
      }) : () -> ()
      "tpu.region"() ({
        %run_scoped3A_849 = tpu.sem_alloc : memref<!tpu.dma_semaphore, #tpu.memory_space<semaphore_mem>>
        %dma_start3A_850 = arith.constant 0 : i32
        %dma_start3A_851 = tpu.memref_slice %arg5[%arg0, %mul3A_846, %dma_start3A_850] : memref<2x10000x16xf32, #tpu.memory_space<hbm>> -> memref<1x80x16xf32, #tpu.memory_space<hbm>>
        %dma_start3A_852 = tpu.memref_squeeze %dma_start3A_851 : memref<1x80x16xf32, #tpu.memory_space<hbm>> -> memref<80x16xf32, #tpu.memory_space<hbm>>
        %dma_start3A_853 = arith.constant 0 : i32
        %dma_start3A_854 = tpu.memref_slice %arg5[%arg0, %mul3A_846, %dma_start3A_853] : memref<2x10000x16xf32, #tpu.memory_space<hbm>> -> memref<1x80x16xf32, #tpu.memory_space<hbm>>
        %dma_start3A_855 = tpu.memref_squeeze %dma_start3A_854 : memref<1x80x16xf32, #tpu.memory_space<hbm>> -> memref<80x16xf32, #tpu.memory_space<hbm>>
        tpu.enqueue_dma source(%arg10 : memref<80x16xf32, #tpu.memory_space<vmem>>) target(%dma_start3A_855 : memref<80x16xf32, #tpu.memory_space<hbm>>) target_semaphore(%run_scoped3A_849 : memref<!tpu.dma_semaphore, #tpu.memory_space<semaphore_mem>>)
        %dma_wait3A_856 = arith.constant 0 : i32
        %dma_wait3A_857 = tpu.memref_slice %arg5[%arg0, %mul3A_846, %dma_wait3A_856] : memref<2x10000x16xf32, #tpu.memory_space<hbm>> -> memref<1x80x16xf32, #tpu.memory_space<hbm>>
        %dma_wait3A_858 = tpu.memref_squeeze %dma_wait3A_857 : memref<1x80x16xf32, #tpu.memory_space<hbm>> -> memref<80x16xf32, #tpu.memory_space<hbm>>
        %dma_wait3A_859 = arith.constant 0 : i32
        %dma_wait3A_860 = tpu.memref_slice %arg5[%arg0, %mul3A_846, %dma_wait3A_859] : memref<2x10000x16xf32, #tpu.memory_space<hbm>> -> memref<1x80x16xf32, #tpu.memory_space<hbm>>
        %dma_wait3A_861 = tpu.memref_squeeze %dma_wait3A_860 : memref<1x80x16xf32, #tpu.memory_space<hbm>> -> memref<80x16xf32, #tpu.memory_space<hbm>>
        tpu.wait_dma2 semaphore(%run_scoped3A_849 : memref<!tpu.dma_semaphore, #tpu.memory_space<semaphore_mem>>) src(%arg10 : memref<80x16xf32, #tpu.memory_space<vmem>>) dst(%dma_wait3A_861 : memref<80x16xf32, #tpu.memory_space<hbm>>)
        tpu.yield
      }) : () -> ()
    } else {
    }
    %add3A_817 = arith.constant 64 : i32
    %add3A_818 = arith.addi %add3A_817, %arg1 : i32
    %lt3A_819 = arith.constant 125 : i32
    %lt3A_820 = arith.cmpi slt, %add3A_818, %lt3A_819 : i32
    %convert_element_type3A_821 = arith.extui %lt3A_820 : i1 to i32
    %cond3A_822 = arith.constant 0 : i32
    %cond3A_823 = arith.cmpi ne, %convert_element_type3A_821, %cond3A_822 : i32
    scf.if %cond3A_823 {
      %mul3A_845 = arith.constant 80 : i32
      %mul3A_846 = arith.muli %add3A_818, %mul3A_845 : i32
      %run_scoped3A_847 = arith.constant 0 : i32
      "tpu.region"() ({
        %run_scoped3A_849 = tpu.sem_alloc : memref<!tpu.dma_semaphore, #tpu.memory_space<semaphore_mem>>
        %dma_start3A_850 = arith.constant 0 : i32
        %dma_start3A_851 = arith.constant 0 : i32
        %dma_start3A_852 = tpu.memref_slice %arg8[%run_scoped3A_847, %dma_start3A_850, %dma_start3A_851] : memref<2x125x128xf32, #tpu.memory_space<vmem>> -> memref<1x80x128xf32, #tpu.memory_space<vmem>>
        %dma_start3A_853 = tpu.memref_squeeze %dma_start3A_852 : memref<1x80x128xf32, #tpu.memory_space<vmem>> -> memref<80x128xf32, #tpu.memory_space<vmem>>
        %dma_start3A_854 = arith.constant 0 : i32
        %dma_start3A_855 = tpu.memref_slice %arg11[%mul3A_846, %dma_start3A_854] : memref<10000x128xf32, #tpu.memory_space<vmem_shared>> -> memref<80x128xf32, #tpu.memory_space<vmem_shared>>
        %dma_start3A_856 = arith.constant 0 : i32
        %dma_start3A_857 = arith.constant 0 : i32
        %dma_start3A_858 = tpu.memref_slice %arg8[%run_scoped3A_847, %dma_start3A_856, %dma_start3A_857] : memref<2x125x128xf32, #tpu.memory_space<vmem>> -> memref<1x80x128xf32, #tpu.memory_space<vmem>>
        %dma_start3A_859 = tpu.memref_squeeze %dma_start3A_858 : memref<1x80x128xf32, #tpu.memory_space<vmem>> -> memref<80x128xf32, #tpu.memory_space<vmem>>
        %dma_start3A_860 = arith.constant 0 : i32
        %dma_start3A_861 = tpu.memref_slice %arg11[%mul3A_846, %dma_start3A_860] : memref<10000x128xf32, #tpu.memory_space<vmem_shared>> -> memref<80x128xf32, #tpu.memory_space<vmem_shared>>
        tpu.enqueue_dma source(%dma_start3A_861 : memref<80x128xf32, #tpu.memory_space<vmem_shared>>) target(%dma_start3A_859 : memref<80x128xf32, #tpu.memory_space<vmem>>) target_semaphore(%run_scoped3A_849 : memref<!tpu.dma_semaphore, #tpu.memory_space<semaphore_mem>>)
        %dma_wait3A_862 = arith.constant 0 : i32
        %dma_wait3A_863 = arith.constant 0 : i32
        %dma_wait3A_864 = tpu.memref_slice %arg8[%run_scoped3A_847, %dma_wait3A_862, %dma_wait3A_863] : memref<2x125x128xf32, #tpu.memory_space<vmem>> -> memref<1x80x128xf32, #tpu.memory_space<vmem>>
        %dma_wait3A_865 = tpu.memref_squeeze %dma_wait3A_864 : memref<1x80x128xf32, #tpu.memory_space<vmem>> -> memref<80x128xf32, #tpu.memory_space<vmem>>
        %dma_wait3A_866 = arith.constant 0 : i32
        %dma_wait3A_867 = tpu.memref_slice %arg11[%mul3A_846, %dma_wait3A_866] : memref<10000x128xf32, #tpu.memory_space<vmem_shared>> -> memref<80x128xf32, #tpu.memory_space<vmem_shared>>
        %dma_wait3A_868 = arith.constant 0 : i32
        %dma_wait3A_869 = arith.constant 0 : i32
        %dma_wait3A_870 = tpu.memref_slice %arg8[%run_scoped3A_847, %dma_wait3A_868, %dma_wait3A_869] : memref<2x125x128xf32, #tpu.memory_space<vmem>> -> memref<1x80x128xf32, #tpu.memory_space<vmem>>
        %dma_wait3A_871 = tpu.memref_squeeze %dma_wait3A_870 : memref<1x80x128xf32, #tpu.memory_space<vmem>> -> memref<80x128xf32, #tpu.memory_space<vmem>>
        %dma_wait3A_872 = arith.constant 0 : i32
        %dma_wait3A_873 = tpu.memref_slice %arg11[%mul3A_846, %dma_wait3A_872] : memref<10000x128xf32, #tpu.memory_space<vmem_shared>> -> memref<80x128xf32, #tpu.memory_space<vmem_shared>>
        tpu.wait_dma2 semaphore(%run_scoped3A_849 : memref<!tpu.dma_semaphore, #tpu.memory_space<semaphore_mem>>) src(%dma_wait3A_873 : memref<80x128xf32, #tpu.memory_space<vmem_shared>>) dst(%dma_wait3A_871 : memref<80x128xf32, #tpu.memory_space<vmem>>)
        tpu.yield
      }) : () -> ()
      %run_scoped3A_848 = arith.constant 0 : i32
      "tpu.region"() ({
        %run_scoped3A_849 = tpu.sem_alloc : memref<!tpu.dma_semaphore, #tpu.memory_space<semaphore_mem>>
        %dma_start3A_850 = arith.constant 0 : i32
        %dma_start3A_851 = arith.constant 0 : i32
        %dma_start3A_852 = tpu.memref_slice %arg8[%run_scoped3A_848, %dma_start3A_850, %dma_start3A_851] : memref<2x125x128xf32, #tpu.memory_space<vmem>> -> memref<1x80x128xf32, #tpu.memory_space<vmem>>
        %dma_start3A_853 = tpu.memref_squeeze %dma_start3A_852 : memref<1x80x128xf32, #tpu.memory_space<vmem>> -> memref<80x128xf32, #tpu.memory_space<vmem>>
        %dma_start3A_854 = arith.constant 0 : i32
        %dma_start3A_855 = tpu.memref_slice %arg4[%arg0, %mul3A_846, %dma_start3A_854] : memref<2x10000x128xf32, #tpu.memory_space<hbm>> -> memref<1x80x128xf32, #tpu.memory_space<hbm>>
        %dma_start3A_856 = tpu.memref_squeeze %dma_start3A_855 : memref<1x80x128xf32, #tpu.memory_space<hbm>> -> memref<80x128xf32, #tpu.memory_space<hbm>>
        %dma_start3A_857 = arith.constant 0 : i32
        %dma_start3A_858 = tpu.memref_slice %arg4[%arg0, %mul3A_846, %dma_start3A_857] : memref<2x10000x128xf32, #tpu.memory_space<hbm>> -> memref<1x80x128xf32, #tpu.memory_space<hbm>>
        %dma_start3A_859 = tpu.memref_squeeze %dma_start3A_858 : memref<1x80x128xf32, #tpu.memory_space<hbm>> -> memref<80x128xf32, #tpu.memory_space<hbm>>
        %dma_start3A_860 = arith.constant 0 : i32
        %dma_start3A_861 = arith.constant 0 : i32
        %dma_start3A_862 = tpu.memref_slice %arg8[%run_scoped3A_848, %dma_start3A_860, %dma_start3A_861] : memref<2x125x128xf32, #tpu.memory_space<vmem>> -> memref<1x80x128xf32, #tpu.memory_space<vmem>>
        %dma_start3A_863 = tpu.memref_squeeze %dma_start3A_862 : memref<1x80x128xf32, #tpu.memory_space<vmem>> -> memref<80x128xf32, #tpu.memory_space<vmem>>
        tpu.enqueue_dma source(%dma_start3A_863 : memref<80x128xf32, #tpu.memory_space<vmem>>) target(%dma_start3A_859 : memref<80x128xf32, #tpu.memory_space<hbm>>) target_semaphore(%run_scoped3A_849 : memref<!tpu.dma_semaphore, #tpu.memory_space<semaphore_mem>>)
        %dma_wait3A_864 = arith.constant 0 : i32
        %dma_wait3A_865 = arith.constant 0 : i32
        %dma_wait3A_866 = tpu.memref_slice %arg8[%run_scoped3A_848, %dma_wait3A_864, %dma_wait3A_865] : memref<2x125x128xf32, #tpu.memory_space<vmem>> -> memref<1x80x128xf32, #tpu.memory_space<vmem>>
        %dma_wait3A_867 = tpu.memref_squeeze %dma_wait3A_866 : memref<1x80x128xf32, #tpu.memory_space<vmem>> -> memref<80x128xf32, #tpu.memory_space<vmem>>
        %dma_wait3A_868 = arith.constant 0 : i32
        %dma_wait3A_869 = tpu.memref_slice %arg4[%arg0, %mul3A_846, %dma_wait3A_868] : memref<2x10000x128xf32, #tpu.memory_space<hbm>> -> memref<1x80x128xf32, #tpu.memory_space<hbm>>
        %dma_wait3A_870 = tpu.memref_squeeze %dma_wait3A_869 : memref<1x80x128xf32, #tpu.memory_space<hbm>> -> memref<80x128xf32, #tpu.memory_space<hbm>>
        %dma_wait3A_871 = arith.constant 0 : i32
        %dma_wait3A_872 = tpu.memref_slice %arg4[%arg0, %mul3A_846, %dma_wait3A_871] : memref<2x10000x128xf32, #tpu.memory_space<hbm>> -> memref<1x80x128xf32, #tpu.memory_space<hbm>>
        %dma_wait3A_873 = tpu.memref_squeeze %dma_wait3A_872 : memref<1x80x128xf32, #tpu.memory_space<hbm>> -> memref<80x128xf32, #tpu.memory_space<hbm>>
        %dma_wait3A_874 = arith.constant 0 : i32
        %dma_wait3A_875 = arith.constant 0 : i32
        %dma_wait3A_876 = tpu.memref_slice %arg8[%run_scoped3A_848, %dma_wait3A_874, %dma_wait3A_875] : memref<2x125x128xf32, #tpu.memory_space<vmem>> -> memref<1x80x128xf32, #tpu.memory_space<vmem>>
        %dma_wait3A_877 = tpu.memref_squeeze %dma_wait3A_876 : memref<1x80x128xf32, #tpu.memory_space<vmem>> -> memref<80x128xf32, #tpu.memory_space<vmem>>
        tpu.wait_dma2 semaphore(%run_scoped3A_849 : memref<!tpu.dma_semaphore, #tpu.memory_space<semaphore_mem>>) src(%dma_wait3A_877 : memref<80x128xf32, #tpu.memory_space<vmem>>) dst(%dma_wait3A_873 : memref<80x128xf32, #tpu.memory_space<hbm>>)
        tpu.yield
      }) : () -> ()
      "tpu.region"() ({
        %run_scoped3A_849 = tpu.sem_alloc : memref<!tpu.dma_semaphore, #tpu.memory_space<semaphore_mem>>
        %dma_start3A_850 = arith.constant 0 : i32
        %dma_start3A_851 = tpu.memref_slice %arg12[%mul3A_846, %dma_start3A_850] : memref<10000x16xf32, #tpu.memory_space<vmem_shared>> -> memref<80x16xf32, #tpu.memory_space<vmem_shared>>
        %dma_start3A_852 = arith.constant 0 : i32
        %dma_start3A_853 = tpu.memref_slice %arg12[%mul3A_846, %dma_start3A_852] : memref<10000x16xf32, #tpu.memory_space<vmem_shared>> -> memref<80x16xf32, #tpu.memory_space<vmem_shared>>
        tpu.enqueue_dma source(%dma_start3A_853 : memref<80x16xf32, #tpu.memory_space<vmem_shared>>) target(%arg10 : memref<80x16xf32, #tpu.memory_space<vmem>>) target_semaphore(%run_scoped3A_849 : memref<!tpu.dma_semaphore, #tpu.memory_space<semaphore_mem>>)
        %dma_wait3A_854 = arith.constant 0 : i32
        %dma_wait3A_855 = tpu.memref_slice %arg12[%mul3A_846, %dma_wait3A_854] : memref<10000x16xf32, #tpu.memory_space<vmem_shared>> -> memref<80x16xf32, #tpu.memory_space<vmem_shared>>
        %dma_wait3A_856 = arith.constant 0 : i32
        %dma_wait3A_857 = tpu.memref_slice %arg12[%mul3A_846, %dma_wait3A_856] : memref<10000x16xf32, #tpu.memory_space<vmem_shared>> -> memref<80x16xf32, #tpu.memory_space<vmem_shared>>
        tpu.wait_dma2 semaphore(%run_scoped3A_849 : memref<!tpu.dma_semaphore, #tpu.memory_space<semaphore_mem>>) src(%dma_wait3A_857 : memref<80x16xf32, #tpu.memory_space<vmem_shared>>) dst(%arg10 : memref<80x16xf32, #tpu.memory_space<vmem>>)
        tpu.yield
      }) : () -> ()
      "tpu.region"() ({
        %run_scoped3A_849 = tpu.sem_alloc : memref<!tpu.dma_semaphore, #tpu.memory_space<semaphore_mem>>
        %dma_start3A_850 = arith.constant 0 : i32
        %dma_start3A_851 = tpu.memref_slice %arg5[%arg0, %mul3A_846, %dma_start3A_850] : memref<2x10000x16xf32, #tpu.memory_space<hbm>> -> memref<1x80x16xf32, #tpu.memory_space<hbm>>
        %dma_start3A_852 = tpu.memref_squeeze %dma_start3A_851 : memref<1x80x16xf32, #tpu.memory_space<hbm>> -> memref<80x16xf32, #tpu.memory_space<hbm>>
        %dma_start3A_853 = arith.constant 0 : i32
        %dma_start3A_854 = tpu.memref_slice %arg5[%arg0, %mul3A_846, %dma_start3A_853] : memref<2x10000x16xf32, #tpu.memory_space<hbm>> -> memref<1x80x16xf32, #tpu.memory_space<hbm>>
        %dma_start3A_855 = tpu.memref_squeeze %dma_start3A_854 : memref<1x80x16xf32, #tpu.memory_space<hbm>> -> memref<80x16xf32, #tpu.memory_space<hbm>>
        tpu.enqueue_dma source(%arg10 : memref<80x16xf32, #tpu.memory_space<vmem>>) target(%dma_start3A_855 : memref<80x16xf32, #tpu.memory_space<hbm>>) target_semaphore(%run_scoped3A_849 : memref<!tpu.dma_semaphore, #tpu.memory_space<semaphore_mem>>)
        %dma_wait3A_856 = arith.constant 0 : i32
        %dma_wait3A_857 = tpu.memref_slice %arg5[%arg0, %mul3A_846, %dma_wait3A_856] : memref<2x10000x16xf32, #tpu.memory_space<hbm>> -> memref<1x80x16xf32, #tpu.memory_space<hbm>>
        %dma_wait3A_858 = tpu.memref_squeeze %dma_wait3A_857 : memref<1x80x16xf32, #tpu.memory_space<hbm>> -> memref<80x16xf32, #tpu.memory_space<hbm>>
        %dma_wait3A_859 = arith.constant 0 : i32
        %dma_wait3A_860 = tpu.memref_slice %arg5[%arg0, %mul3A_846, %dma_wait3A_859] : memref<2x10000x16xf32, #tpu.memory_space<hbm>> -> memref<1x80x16xf32, #tpu.memory_space<hbm>>
        %dma_wait3A_861 = tpu.memref_squeeze %dma_wait3A_860 : memref<1x80x16xf32, #tpu.memory_space<hbm>> -> memref<80x16xf32, #tpu.memory_space<hbm>>
        tpu.wait_dma2 semaphore(%run_scoped3A_849 : memref<!tpu.dma_semaphore, #tpu.memory_space<semaphore_mem>>) src(%arg10 : memref<80x16xf32, #tpu.memory_space<vmem>>) dst(%dma_wait3A_861 : memref<80x16xf32, #tpu.memory_space<hbm>>)
        tpu.yield
      }) : () -> ()
    } else {
    }
    %add3A_824 = arith.constant 80 : i32
    %add3A_825 = arith.addi %add3A_824, %arg1 : i32
    %lt3A_826 = arith.constant 125 : i32
    %lt3A_827 = arith.cmpi slt, %add3A_825, %lt3A_826 : i32
    %convert_element_type3A_828 = arith.extui %lt3A_827 : i1 to i32
    %cond3A_829 = arith.constant 0 : i32
    %cond3A_830 = arith.cmpi ne, %convert_element_type3A_828, %cond3A_829 : i32
    scf.if %cond3A_830 {
      %mul3A_845 = arith.constant 80 : i32
      %mul3A_846 = arith.muli %add3A_825, %mul3A_845 : i32
      %run_scoped3A_847 = arith.constant 0 : i32
      "tpu.region"() ({
        %run_scoped3A_849 = tpu.sem_alloc : memref<!tpu.dma_semaphore, #tpu.memory_space<semaphore_mem>>
        %dma_start3A_850 = arith.constant 0 : i32
        %dma_start3A_851 = arith.constant 0 : i32
        %dma_start3A_852 = tpu.memref_slice %arg8[%run_scoped3A_847, %dma_start3A_850, %dma_start3A_851] : memref<2x125x128xf32, #tpu.memory_space<vmem>> -> memref<1x80x128xf32, #tpu.memory_space<vmem>>
        %dma_start3A_853 = tpu.memref_squeeze %dma_start3A_852 : memref<1x80x128xf32, #tpu.memory_space<vmem>> -> memref<80x128xf32, #tpu.memory_space<vmem>>
        %dma_start3A_854 = arith.constant 0 : i32
        %dma_start3A_855 = tpu.memref_slice %arg11[%mul3A_846, %dma_start3A_854] : memref<10000x128xf32, #tpu.memory_space<vmem_shared>> -> memref<80x128xf32, #tpu.memory_space<vmem_shared>>
        %dma_start3A_856 = arith.constant 0 : i32
        %dma_start3A_857 = arith.constant 0 : i32
        %dma_start3A_858 = tpu.memref_slice %arg8[%run_scoped3A_847, %dma_start3A_856, %dma_start3A_857] : memref<2x125x128xf32, #tpu.memory_space<vmem>> -> memref<1x80x128xf32, #tpu.memory_space<vmem>>
        %dma_start3A_859 = tpu.memref_squeeze %dma_start3A_858 : memref<1x80x128xf32, #tpu.memory_space<vmem>> -> memref<80x128xf32, #tpu.memory_space<vmem>>
        %dma_start3A_860 = arith.constant 0 : i32
        %dma_start3A_861 = tpu.memref_slice %arg11[%mul3A_846, %dma_start3A_860] : memref<10000x128xf32, #tpu.memory_space<vmem_shared>> -> memref<80x128xf32, #tpu.memory_space<vmem_shared>>
        tpu.enqueue_dma source(%dma_start3A_861 : memref<80x128xf32, #tpu.memory_space<vmem_shared>>) target(%dma_start3A_859 : memref<80x128xf32, #tpu.memory_space<vmem>>) target_semaphore(%run_scoped3A_849 : memref<!tpu.dma_semaphore, #tpu.memory_space<semaphore_mem>>)
        %dma_wait3A_862 = arith.constant 0 : i32
        %dma_wait3A_863 = arith.constant 0 : i32
        %dma_wait3A_864 = tpu.memref_slice %arg8[%run_scoped3A_847, %dma_wait3A_862, %dma_wait3A_863] : memref<2x125x128xf32, #tpu.memory_space<vmem>> -> memref<1x80x128xf32, #tpu.memory_space<vmem>>
        %dma_wait3A_865 = tpu.memref_squeeze %dma_wait3A_864 : memref<1x80x128xf32, #tpu.memory_space<vmem>> -> memref<80x128xf32, #tpu.memory_space<vmem>>
        %dma_wait3A_866 = arith.constant 0 : i32
        %dma_wait3A_867 = tpu.memref_slice %arg11[%mul3A_846, %dma_wait3A_866] : memref<10000x128xf32, #tpu.memory_space<vmem_shared>> -> memref<80x128xf32, #tpu.memory_space<vmem_shared>>
        %dma_wait3A_868 = arith.constant 0 : i32
        %dma_wait3A_869 = arith.constant 0 : i32
        %dma_wait3A_870 = tpu.memref_slice %arg8[%run_scoped3A_847, %dma_wait3A_868, %dma_wait3A_869] : memref<2x125x128xf32, #tpu.memory_space<vmem>> -> memref<1x80x128xf32, #tpu.memory_space<vmem>>
        %dma_wait3A_871 = tpu.memref_squeeze %dma_wait3A_870 : memref<1x80x128xf32, #tpu.memory_space<vmem>> -> memref<80x128xf32, #tpu.memory_space<vmem>>
        %dma_wait3A_872 = arith.constant 0 : i32
        %dma_wait3A_873 = tpu.memref_slice %arg11[%mul3A_846, %dma_wait3A_872] : memref<10000x128xf32, #tpu.memory_space<vmem_shared>> -> memref<80x128xf32, #tpu.memory_space<vmem_shared>>
        tpu.wait_dma2 semaphore(%run_scoped3A_849 : memref<!tpu.dma_semaphore, #tpu.memory_space<semaphore_mem>>) src(%dma_wait3A_873 : memref<80x128xf32, #tpu.memory_space<vmem_shared>>) dst(%dma_wait3A_871 : memref<80x128xf32, #tpu.memory_space<vmem>>)
        tpu.yield
      }) : () -> ()
      %run_scoped3A_848 = arith.constant 0 : i32
      "tpu.region"() ({
        %run_scoped3A_849 = tpu.sem_alloc : memref<!tpu.dma_semaphore, #tpu.memory_space<semaphore_mem>>
        %dma_start3A_850 = arith.constant 0 : i32
        %dma_start3A_851 = arith.constant 0 : i32
        %dma_start3A_852 = tpu.memref_slice %arg8[%run_scoped3A_848, %dma_start3A_850, %dma_start3A_851] : memref<2x125x128xf32, #tpu.memory_space<vmem>> -> memref<1x80x128xf32, #tpu.memory_space<vmem>>
        %dma_start3A_853 = tpu.memref_squeeze %dma_start3A_852 : memref<1x80x128xf32, #tpu.memory_space<vmem>> -> memref<80x128xf32, #tpu.memory_space<vmem>>
        %dma_start3A_854 = arith.constant 0 : i32
        %dma_start3A_855 = tpu.memref_slice %arg4[%arg0, %mul3A_846, %dma_start3A_854] : memref<2x10000x128xf32, #tpu.memory_space<hbm>> -> memref<1x80x128xf32, #tpu.memory_space<hbm>>
        %dma_start3A_856 = tpu.memref_squeeze %dma_start3A_855 : memref<1x80x128xf32, #tpu.memory_space<hbm>> -> memref<80x128xf32, #tpu.memory_space<hbm>>
        %dma_start3A_857 = arith.constant 0 : i32
        %dma_start3A_858 = tpu.memref_slice %arg4[%arg0, %mul3A_846, %dma_start3A_857] : memref<2x10000x128xf32, #tpu.memory_space<hbm>> -> memref<1x80x128xf32, #tpu.memory_space<hbm>>
        %dma_start3A_859 = tpu.memref_squeeze %dma_start3A_858 : memref<1x80x128xf32, #tpu.memory_space<hbm>> -> memref<80x128xf32, #tpu.memory_space<hbm>>
        %dma_start3A_860 = arith.constant 0 : i32
        %dma_start3A_861 = arith.constant 0 : i32
        %dma_start3A_862 = tpu.memref_slice %arg8[%run_scoped3A_848, %dma_start3A_860, %dma_start3A_861] : memref<2x125x128xf32, #tpu.memory_space<vmem>> -> memref<1x80x128xf32, #tpu.memory_space<vmem>>
        %dma_start3A_863 = tpu.memref_squeeze %dma_start3A_862 : memref<1x80x128xf32, #tpu.memory_space<vmem>> -> memref<80x128xf32, #tpu.memory_space<vmem>>
        tpu.enqueue_dma source(%dma_start3A_863 : memref<80x128xf32, #tpu.memory_space<vmem>>) target(%dma_start3A_859 : memref<80x128xf32, #tpu.memory_space<hbm>>) target_semaphore(%run_scoped3A_849 : memref<!tpu.dma_semaphore, #tpu.memory_space<semaphore_mem>>)
        %dma_wait3A_864 = arith.constant 0 : i32
        %dma_wait3A_865 = arith.constant 0 : i32
        %dma_wait3A_866 = tpu.memref_slice %arg8[%run_scoped3A_848, %dma_wait3A_864, %dma_wait3A_865] : memref<2x125x128xf32, #tpu.memory_space<vmem>> -> memref<1x80x128xf32, #tpu.memory_space<vmem>>
        %dma_wait3A_867 = tpu.memref_squeeze %dma_wait3A_866 : memref<1x80x128xf32, #tpu.memory_space<vmem>> -> memref<80x128xf32, #tpu.memory_space<vmem>>
        %dma_wait3A_868 = arith.constant 0 : i32
        %dma_wait3A_869 = tpu.memref_slice %arg4[%arg0, %mul3A_846, %dma_wait3A_868] : memref<2x10000x128xf32, #tpu.memory_space<hbm>> -> memref<1x80x128xf32, #tpu.memory_space<hbm>>
        %dma_wait3A_870 = tpu.memref_squeeze %dma_wait3A_869 : memref<1x80x128xf32, #tpu.memory_space<hbm>> -> memref<80x128xf32, #tpu.memory_space<hbm>>
        %dma_wait3A_871 = arith.constant 0 : i32
        %dma_wait3A_872 = tpu.memref_slice %arg4[%arg0, %mul3A_846, %dma_wait3A_871] : memref<2x10000x128xf32, #tpu.memory_space<hbm>> -> memref<1x80x128xf32, #tpu.memory_space<hbm>>
        %dma_wait3A_873 = tpu.memref_squeeze %dma_wait3A_872 : memref<1x80x128xf32, #tpu.memory_space<hbm>> -> memref<80x128xf32, #tpu.memory_space<hbm>>
        %dma_wait3A_874 = arith.constant 0 : i32
        %dma_wait3A_875 = arith.constant 0 : i32
        %dma_wait3A_876 = tpu.memref_slice %arg8[%run_scoped3A_848, %dma_wait3A_874, %dma_wait3A_875] : memref<2x125x128xf32, #tpu.memory_space<vmem>> -> memref<1x80x128xf32, #tpu.memory_space<vmem>>
        %dma_wait3A_877 = tpu.memref_squeeze %dma_wait3A_876 : memref<1x80x128xf32, #tpu.memory_space<vmem>> -> memref<80x128xf32, #tpu.memory_space<vmem>>
        tpu.wait_dma2 semaphore(%run_scoped3A_849 : memref<!tpu.dma_semaphore, #tpu.memory_space<semaphore_mem>>) src(%dma_wait3A_877 : memref<80x128xf32, #tpu.memory_space<vmem>>) dst(%dma_wait3A_873 : memref<80x128xf32, #tpu.memory_space<hbm>>)
        tpu.yield
      }) : () -> ()
      "tpu.region"() ({
        %run_scoped3A_849 = tpu.sem_alloc : memref<!tpu.dma_semaphore, #tpu.memory_space<semaphore_mem>>
        %dma_start3A_850 = arith.constant 0 : i32
        %dma_start3A_851 = tpu.memref_slice %arg12[%mul3A_846, %dma_start3A_850] : memref<10000x16xf32, #tpu.memory_space<vmem_shared>> -> memref<80x16xf32, #tpu.memory_space<vmem_shared>>
        %dma_start3A_852 = arith.constant 0 : i32
        %dma_start3A_853 = tpu.memref_slice %arg12[%mul3A_846, %dma_start3A_852] : memref<10000x16xf32, #tpu.memory_space<vmem_shared>> -> memref<80x16xf32, #tpu.memory_space<vmem_shared>>
        tpu.enqueue_dma source(%dma_start3A_853 : memref<80x16xf32, #tpu.memory_space<vmem_shared>>) target(%arg10 : memref<80x16xf32, #tpu.memory_space<vmem>>) target_semaphore(%run_scoped3A_849 : memref<!tpu.dma_semaphore, #tpu.memory_space<semaphore_mem>>)
        %dma_wait3A_854 = arith.constant 0 : i32
        %dma_wait3A_855 = tpu.memref_slice %arg12[%mul3A_846, %dma_wait3A_854] : memref<10000x16xf32, #tpu.memory_space<vmem_shared>> -> memref<80x16xf32, #tpu.memory_space<vmem_shared>>
        %dma_wait3A_856 = arith.constant 0 : i32
        %dma_wait3A_857 = tpu.memref_slice %arg12[%mul3A_846, %dma_wait3A_856] : memref<10000x16xf32, #tpu.memory_space<vmem_shared>> -> memref<80x16xf32, #tpu.memory_space<vmem_shared>>
        tpu.wait_dma2 semaphore(%run_scoped3A_849 : memref<!tpu.dma_semaphore, #tpu.memory_space<semaphore_mem>>) src(%dma_wait3A_857 : memref<80x16xf32, #tpu.memory_space<vmem_shared>>) dst(%arg10 : memref<80x16xf32, #tpu.memory_space<vmem>>)
        tpu.yield
      }) : () -> ()
      "tpu.region"() ({
        %run_scoped3A_849 = tpu.sem_alloc : memref<!tpu.dma_semaphore, #tpu.memory_space<semaphore_mem>>
        %dma_start3A_850 = arith.constant 0 : i32
        %dma_start3A_851 = tpu.memref_slice %arg5[%arg0, %mul3A_846, %dma_start3A_850] : memref<2x10000x16xf32, #tpu.memory_space<hbm>> -> memref<1x80x16xf32, #tpu.memory_space<hbm>>
        %dma_start3A_852 = tpu.memref_squeeze %dma_start3A_851 : memref<1x80x16xf32, #tpu.memory_space<hbm>> -> memref<80x16xf32, #tpu.memory_space<hbm>>
        %dma_start3A_853 = arith.constant 0 : i32
        %dma_start3A_854 = tpu.memref_slice %arg5[%arg0, %mul3A_846, %dma_start3A_853] : memref<2x10000x16xf32, #tpu.memory_space<hbm>> -> memref<1x80x16xf32, #tpu.memory_space<hbm>>
        %dma_start3A_855 = tpu.memref_squeeze %dma_start3A_854 : memref<1x80x16xf32, #tpu.memory_space<hbm>> -> memref<80x16xf32, #tpu.memory_space<hbm>>
        tpu.enqueue_dma source(%arg10 : memref<80x16xf32, #tpu.memory_space<vmem>>) target(%dma_start3A_855 : memref<80x16xf32, #tpu.memory_space<hbm>>) target_semaphore(%run_scoped3A_849 : memref<!tpu.dma_semaphore, #tpu.memory_space<semaphore_mem>>)
        %dma_wait3A_856 = arith.constant 0 : i32
        %dma_wait3A_857 = tpu.memref_slice %arg5[%arg0, %mul3A_846, %dma_wait3A_856] : memref<2x10000x16xf32, #tpu.memory_space<hbm>> -> memref<1x80x16xf32, #tpu.memory_space<hbm>>
        %dma_wait3A_858 = tpu.memref_squeeze %dma_wait3A_857 : memref<1x80x16xf32, #tpu.memory_space<hbm>> -> memref<80x16xf32, #tpu.memory_space<hbm>>
        %dma_wait3A_859 = arith.constant 0 : i32
        %dma_wait3A_860 = tpu.memref_slice %arg5[%arg0, %mul3A_846, %dma_wait3A_859] : memref<2x10000x16xf32, #tpu.memory_space<hbm>> -> memref<1x80x16xf32, #tpu.memory_space<hbm>>
        %dma_wait3A_861 = tpu.memref_squeeze %dma_wait3A_860 : memref<1x80x16xf32, #tpu.memory_space<hbm>> -> memref<80x16xf32, #tpu.memory_space<hbm>>
        tpu.wait_dma2 semaphore(%run_scoped3A_849 : memref<!tpu.dma_semaphore, #tpu.memory_space<semaphore_mem>>) src(%arg10 : memref<80x16xf32, #tpu.memory_space<vmem>>) dst(%dma_wait3A_861 : memref<80x16xf32, #tpu.memory_space<hbm>>)
        tpu.yield
      }) : () -> ()
    } else {
    }
    %add3A_831 = arith.constant 96 : i32
    %add3A_832 = arith.addi %add3A_831, %arg1 : i32
    %lt3A_833 = arith.constant 125 : i32
    %lt3A_834 = arith.cmpi slt, %add3A_832, %lt3A_833 : i32
    %convert_element_type3A_835 = arith.extui %lt3A_834 : i1 to i32
    %cond3A_836 = arith.constant 0 : i32
    %cond3A_837 = arith.cmpi ne, %convert_element_type3A_835, %cond3A_836 : i32
    scf.if %cond3A_837 {
      %mul3A_845 = arith.constant 80 : i32
      %mul3A_846 = arith.muli %add3A_832, %mul3A_845 : i32
      %run_scoped3A_847 = arith.constant 0 : i32
      "tpu.region"() ({
        %run_scoped3A_849 = tpu.sem_alloc : memref<!tpu.dma_semaphore, #tpu.memory_space<semaphore_mem>>
        %dma_start3A_850 = arith.constant 0 : i32
        %dma_start3A_851 = arith.constant 0 : i32
        %dma_start3A_852 = tpu.memref_slice %arg8[%run_scoped3A_847, %dma_start3A_850, %dma_start3A_851] : memref<2x125x128xf32, #tpu.memory_space<vmem>> -> memref<1x80x128xf32, #tpu.memory_space<vmem>>
        %dma_start3A_853 = tpu.memref_squeeze %dma_start3A_852 : memref<1x80x128xf32, #tpu.memory_space<vmem>> -> memref<80x128xf32, #tpu.memory_space<vmem>>
        %dma_start3A_854 = arith.constant 0 : i32
        %dma_start3A_855 = tpu.memref_slice %arg11[%mul3A_846, %dma_start3A_854] : memref<10000x128xf32, #tpu.memory_space<vmem_shared>> -> memref<80x128xf32, #tpu.memory_space<vmem_shared>>
        %dma_start3A_856 = arith.constant 0 : i32
        %dma_start3A_857 = arith.constant 0 : i32
        %dma_start3A_858 = tpu.memref_slice %arg8[%run_scoped3A_847, %dma_start3A_856, %dma_start3A_857] : memref<2x125x128xf32, #tpu.memory_space<vmem>> -> memref<1x80x128xf32, #tpu.memory_space<vmem>>
        %dma_start3A_859 = tpu.memref_squeeze %dma_start3A_858 : memref<1x80x128xf32, #tpu.memory_space<vmem>> -> memref<80x128xf32, #tpu.memory_space<vmem>>
        %dma_start3A_860 = arith.constant 0 : i32
        %dma_start3A_861 = tpu.memref_slice %arg11[%mul3A_846, %dma_start3A_860] : memref<10000x128xf32, #tpu.memory_space<vmem_shared>> -> memref<80x128xf32, #tpu.memory_space<vmem_shared>>
        tpu.enqueue_dma source(%dma_start3A_861 : memref<80x128xf32, #tpu.memory_space<vmem_shared>>) target(%dma_start3A_859 : memref<80x128xf32, #tpu.memory_space<vmem>>) target_semaphore(%run_scoped3A_849 : memref<!tpu.dma_semaphore, #tpu.memory_space<semaphore_mem>>)
        %dma_wait3A_862 = arith.constant 0 : i32
        %dma_wait3A_863 = arith.constant 0 : i32
        %dma_wait3A_864 = tpu.memref_slice %arg8[%run_scoped3A_847, %dma_wait3A_862, %dma_wait3A_863] : memref<2x125x128xf32, #tpu.memory_space<vmem>> -> memref<1x80x128xf32, #tpu.memory_space<vmem>>
        %dma_wait3A_865 = tpu.memref_squeeze %dma_wait3A_864 : memref<1x80x128xf32, #tpu.memory_space<vmem>> -> memref<80x128xf32, #tpu.memory_space<vmem>>
        %dma_wait3A_866 = arith.constant 0 : i32
        %dma_wait3A_867 = tpu.memref_slice %arg11[%mul3A_846, %dma_wait3A_866] : memref<10000x128xf32, #tpu.memory_space<vmem_shared>> -> memref<80x128xf32, #tpu.memory_space<vmem_shared>>
        %dma_wait3A_868 = arith.constant 0 : i32
        %dma_wait3A_869 = arith.constant 0 : i32
        %dma_wait3A_870 = tpu.memref_slice %arg8[%run_scoped3A_847, %dma_wait3A_868, %dma_wait3A_869] : memref<2x125x128xf32, #tpu.memory_space<vmem>> -> memref<1x80x128xf32, #tpu.memory_space<vmem>>
        %dma_wait3A_871 = tpu.memref_squeeze %dma_wait3A_870 : memref<1x80x128xf32, #tpu.memory_space<vmem>> -> memref<80x128xf32, #tpu.memory_space<vmem>>
        %dma_wait3A_872 = arith.constant 0 : i32
        %dma_wait3A_873 = tpu.memref_slice %arg11[%mul3A_846, %dma_wait3A_872] : memref<10000x128xf32, #tpu.memory_space<vmem_shared>> -> memref<80x128xf32, #tpu.memory_space<vmem_shared>>
        tpu.wait_dma2 semaphore(%run_scoped3A_849 : memref<!tpu.dma_semaphore, #tpu.memory_space<semaphore_mem>>) src(%dma_wait3A_873 : memref<80x128xf32, #tpu.memory_space<vmem_shared>>) dst(%dma_wait3A_871 : memref<80x128xf32, #tpu.memory_space<vmem>>)
        tpu.yield
      }) : () -> ()
      %run_scoped3A_848 = arith.constant 0 : i32
      "tpu.region"() ({
        %run_scoped3A_849 = tpu.sem_alloc : memref<!tpu.dma_semaphore, #tpu.memory_space<semaphore_mem>>
        %dma_start3A_850 = arith.constant 0 : i32
        %dma_start3A_851 = arith.constant 0 : i32
        %dma_start3A_852 = tpu.memref_slice %arg8[%run_scoped3A_848, %dma_start3A_850, %dma_start3A_851] : memref<2x125x128xf32, #tpu.memory_space<vmem>> -> memref<1x80x128xf32, #tpu.memory_space<vmem>>
        %dma_start3A_853 = tpu.memref_squeeze %dma_start3A_852 : memref<1x80x128xf32, #tpu.memory_space<vmem>> -> memref<80x128xf32, #tpu.memory_space<vmem>>
        %dma_start3A_854 = arith.constant 0 : i32
        %dma_start3A_855 = tpu.memref_slice %arg4[%arg0, %mul3A_846, %dma_start3A_854] : memref<2x10000x128xf32, #tpu.memory_space<hbm>> -> memref<1x80x128xf32, #tpu.memory_space<hbm>>
        %dma_start3A_856 = tpu.memref_squeeze %dma_start3A_855 : memref<1x80x128xf32, #tpu.memory_space<hbm>> -> memref<80x128xf32, #tpu.memory_space<hbm>>
        %dma_start3A_857 = arith.constant 0 : i32
        %dma_start3A_858 = tpu.memref_slice %arg4[%arg0, %mul3A_846, %dma_start3A_857] : memref<2x10000x128xf32, #tpu.memory_space<hbm>> -> memref<1x80x128xf32, #tpu.memory_space<hbm>>
        %dma_start3A_859 = tpu.memref_squeeze %dma_start3A_858 : memref<1x80x128xf32, #tpu.memory_space<hbm>> -> memref<80x128xf32, #tpu.memory_space<hbm>>
        %dma_start3A_860 = arith.constant 0 : i32
        %dma_start3A_861 = arith.constant 0 : i32
        %dma_start3A_862 = tpu.memref_slice %arg8[%run_scoped3A_848, %dma_start3A_860, %dma_start3A_861] : memref<2x125x128xf32, #tpu.memory_space<vmem>> -> memref<1x80x128xf32, #tpu.memory_space<vmem>>
        %dma_start3A_863 = tpu.memref_squeeze %dma_start3A_862 : memref<1x80x128xf32, #tpu.memory_space<vmem>> -> memref<80x128xf32, #tpu.memory_space<vmem>>
        tpu.enqueue_dma source(%dma_start3A_863 : memref<80x128xf32, #tpu.memory_space<vmem>>) target(%dma_start3A_859 : memref<80x128xf32, #tpu.memory_space<hbm>>) target_semaphore(%run_scoped3A_849 : memref<!tpu.dma_semaphore, #tpu.memory_space<semaphore_mem>>)
        %dma_wait3A_864 = arith.constant 0 : i32
        %dma_wait3A_865 = arith.constant 0 : i32
        %dma_wait3A_866 = tpu.memref_slice %arg8[%run_scoped3A_848, %dma_wait3A_864, %dma_wait3A_865] : memref<2x125x128xf32, #tpu.memory_space<vmem>> -> memref<1x80x128xf32, #tpu.memory_space<vmem>>
        %dma_wait3A_867 = tpu.memref_squeeze %dma_wait3A_866 : memref<1x80x128xf32, #tpu.memory_space<vmem>> -> memref<80x128xf32, #tpu.memory_space<vmem>>
        %dma_wait3A_868 = arith.constant 0 : i32
        %dma_wait3A_869 = tpu.memref_slice %arg4[%arg0, %mul3A_846, %dma_wait3A_868] : memref<2x10000x128xf32, #tpu.memory_space<hbm>> -> memref<1x80x128xf32, #tpu.memory_space<hbm>>
        %dma_wait3A_870 = tpu.memref_squeeze %dma_wait3A_869 : memref<1x80x128xf32, #tpu.memory_space<hbm>> -> memref<80x128xf32, #tpu.memory_space<hbm>>
        %dma_wait3A_871 = arith.constant 0 : i32
        %dma_wait3A_872 = tpu.memref_slice %arg4[%arg0, %mul3A_846, %dma_wait3A_871] : memref<2x10000x128xf32, #tpu.memory_space<hbm>> -> memref<1x80x128xf32, #tpu.memory_space<hbm>>
        %dma_wait3A_873 = tpu.memref_squeeze %dma_wait3A_872 : memref<1x80x128xf32, #tpu.memory_space<hbm>> -> memref<80x128xf32, #tpu.memory_space<hbm>>
        %dma_wait3A_874 = arith.constant 0 : i32
        %dma_wait3A_875 = arith.constant 0 : i32
        %dma_wait3A_876 = tpu.memref_slice %arg8[%run_scoped3A_848, %dma_wait3A_874, %dma_wait3A_875] : memref<2x125x128xf32, #tpu.memory_space<vmem>> -> memref<1x80x128xf32, #tpu.memory_space<vmem>>
        %dma_wait3A_877 = tpu.memref_squeeze %dma_wait3A_876 : memref<1x80x128xf32, #tpu.memory_space<vmem>> -> memref<80x128xf32, #tpu.memory_space<vmem>>
        tpu.wait_dma2 semaphore(%run_scoped3A_849 : memref<!tpu.dma_semaphore, #tpu.memory_space<semaphore_mem>>) src(%dma_wait3A_877 : memref<80x128xf32, #tpu.memory_space<vmem>>) dst(%dma_wait3A_873 : memref<80x128xf32, #tpu.memory_space<hbm>>)
        tpu.yield
      }) : () -> ()
      "tpu.region"() ({
        %run_scoped3A_849 = tpu.sem_alloc : memref<!tpu.dma_semaphore, #tpu.memory_space<semaphore_mem>>
        %dma_start3A_850 = arith.constant 0 : i32
        %dma_start3A_851 = tpu.memref_slice %arg12[%mul3A_846, %dma_start3A_850] : memref<10000x16xf32, #tpu.memory_space<vmem_shared>> -> memref<80x16xf32, #tpu.memory_space<vmem_shared>>
        %dma_start3A_852 = arith.constant 0 : i32
        %dma_start3A_853 = tpu.memref_slice %arg12[%mul3A_846, %dma_start3A_852] : memref<10000x16xf32, #tpu.memory_space<vmem_shared>> -> memref<80x16xf32, #tpu.memory_space<vmem_shared>>
        tpu.enqueue_dma source(%dma_start3A_853 : memref<80x16xf32, #tpu.memory_space<vmem_shared>>) target(%arg10 : memref<80x16xf32, #tpu.memory_space<vmem>>) target_semaphore(%run_scoped3A_849 : memref<!tpu.dma_semaphore, #tpu.memory_space<semaphore_mem>>)
        %dma_wait3A_854 = arith.constant 0 : i32
        %dma_wait3A_855 = tpu.memref_slice %arg12[%mul3A_846, %dma_wait3A_854] : memref<10000x16xf32, #tpu.memory_space<vmem_shared>> -> memref<80x16xf32, #tpu.memory_space<vmem_shared>>
        %dma_wait3A_856 = arith.constant 0 : i32
        %dma_wait3A_857 = tpu.memref_slice %arg12[%mul3A_846, %dma_wait3A_856] : memref<10000x16xf32, #tpu.memory_space<vmem_shared>> -> memref<80x16xf32, #tpu.memory_space<vmem_shared>>
        tpu.wait_dma2 semaphore(%run_scoped3A_849 : memref<!tpu.dma_semaphore, #tpu.memory_space<semaphore_mem>>) src(%dma_wait3A_857 : memref<80x16xf32, #tpu.memory_space<vmem_shared>>) dst(%arg10 : memref<80x16xf32, #tpu.memory_space<vmem>>)
        tpu.yield
      }) : () -> ()
      "tpu.region"() ({
        %run_scoped3A_849 = tpu.sem_alloc : memref<!tpu.dma_semaphore, #tpu.memory_space<semaphore_mem>>
        %dma_start3A_850 = arith.constant 0 : i32
        %dma_start3A_851 = tpu.memref_slice %arg5[%arg0, %mul3A_846, %dma_start3A_850] : memref<2x10000x16xf32, #tpu.memory_space<hbm>> -> memref<1x80x16xf32, #tpu.memory_space<hbm>>
        %dma_start3A_852 = tpu.memref_squeeze %dma_start3A_851 : memref<1x80x16xf32, #tpu.memory_space<hbm>> -> memref<80x16xf32, #tpu.memory_space<hbm>>
        %dma_start3A_853 = arith.constant 0 : i32
        %dma_start3A_854 = tpu.memref_slice %arg5[%arg0, %mul3A_846, %dma_start3A_853] : memref<2x10000x16xf32, #tpu.memory_space<hbm>> -> memref<1x80x16xf32, #tpu.memory_space<hbm>>
        %dma_start3A_855 = tpu.memref_squeeze %dma_start3A_854 : memref<1x80x16xf32, #tpu.memory_space<hbm>> -> memref<80x16xf32, #tpu.memory_space<hbm>>
        tpu.enqueue_dma source(%arg10 : memref<80x16xf32, #tpu.memory_space<vmem>>) target(%dma_start3A_855 : memref<80x16xf32, #tpu.memory_space<hbm>>) target_semaphore(%run_scoped3A_849 : memref<!tpu.dma_semaphore, #tpu.memory_space<semaphore_mem>>)
        %dma_wait3A_856 = arith.constant 0 : i32
        %dma_wait3A_857 = tpu.memref_slice %arg5[%arg0, %mul3A_846, %dma_wait3A_856] : memref<2x10000x16xf32, #tpu.memory_space<hbm>> -> memref<1x80x16xf32, #tpu.memory_space<hbm>>
        %dma_wait3A_858 = tpu.memref_squeeze %dma_wait3A_857 : memref<1x80x16xf32, #tpu.memory_space<hbm>> -> memref<80x16xf32, #tpu.memory_space<hbm>>
        %dma_wait3A_859 = arith.constant 0 : i32
        %dma_wait3A_860 = tpu.memref_slice %arg5[%arg0, %mul3A_846, %dma_wait3A_859] : memref<2x10000x16xf32, #tpu.memory_space<hbm>> -> memref<1x80x16xf32, #tpu.memory_space<hbm>>
        %dma_wait3A_861 = tpu.memref_squeeze %dma_wait3A_860 : memref<1x80x16xf32, #tpu.memory_space<hbm>> -> memref<80x16xf32, #tpu.memory_space<hbm>>
        tpu.wait_dma2 semaphore(%run_scoped3A_849 : memref<!tpu.dma_semaphore, #tpu.memory_space<semaphore_mem>>) src(%arg10 : memref<80x16xf32, #tpu.memory_space<vmem>>) dst(%dma_wait3A_861 : memref<80x16xf32, #tpu.memory_space<hbm>>)
        tpu.yield
      }) : () -> ()
    } else {
    }
    %add3A_838 = arith.constant 112 : i32
    %add3A_839 = arith.addi %add3A_838, %arg1 : i32
    %lt3A_840 = arith.constant 125 : i32
    %lt3A_841 = arith.cmpi slt, %add3A_839, %lt3A_840 : i32
    %convert_element_type3A_842 = arith.extui %lt3A_841 : i1 to i32
    %cond3A_843 = arith.constant 0 : i32
    %cond3A_844 = arith.cmpi ne, %convert_element_type3A_842, %cond3A_843 : i32
    scf.if %cond3A_844 {
      %mul3A_845 = arith.constant 80 : i32
      %mul3A_846 = arith.muli %add3A_839, %mul3A_845 : i32
      %run_scoped3A_847 = arith.constant 0 : i32
      "tpu.region"() ({
        %run_scoped3A_849 = tpu.sem_alloc : memref<!tpu.dma_semaphore, #tpu.memory_space<semaphore_mem>>
        %dma_start3A_850 = arith.constant 0 : i32
        %dma_start3A_851 = arith.constant 0 : i32
        %dma_start3A_852 = tpu.memref_slice %arg8[%run_scoped3A_847, %dma_start3A_850, %dma_start3A_851] : memref<2x125x128xf32, #tpu.memory_space<vmem>> -> memref<1x80x128xf32, #tpu.memory_space<vmem>>
        %dma_start3A_853 = tpu.memref_squeeze %dma_start3A_852 : memref<1x80x128xf32, #tpu.memory_space<vmem>> -> memref<80x128xf32, #tpu.memory_space<vmem>>
        %dma_start3A_854 = arith.constant 0 : i32
        %dma_start3A_855 = tpu.memref_slice %arg11[%mul3A_846, %dma_start3A_854] : memref<10000x128xf32, #tpu.memory_space<vmem_shared>> -> memref<80x128xf32, #tpu.memory_space<vmem_shared>>
        %dma_start3A_856 = arith.constant 0 : i32
        %dma_start3A_857 = arith.constant 0 : i32
        %dma_start3A_858 = tpu.memref_slice %arg8[%run_scoped3A_847, %dma_start3A_856, %dma_start3A_857] : memref<2x125x128xf32, #tpu.memory_space<vmem>> -> memref<1x80x128xf32, #tpu.memory_space<vmem>>
        %dma_start3A_859 = tpu.memref_squeeze %dma_start3A_858 : memref<1x80x128xf32, #tpu.memory_space<vmem>> -> memref<80x128xf32, #tpu.memory_space<vmem>>
        %dma_start3A_860 = arith.constant 0 : i32
        %dma_start3A_861 = tpu.memref_slice %arg11[%mul3A_846, %dma_start3A_860] : memref<10000x128xf32, #tpu.memory_space<vmem_shared>> -> memref<80x128xf32, #tpu.memory_space<vmem_shared>>
        tpu.enqueue_dma source(%dma_start3A_861 : memref<80x128xf32, #tpu.memory_space<vmem_shared>>) target(%dma_start3A_859 : memref<80x128xf32, #tpu.memory_space<vmem>>) target_semaphore(%run_scoped3A_849 : memref<!tpu.dma_semaphore, #tpu.memory_space<semaphore_mem>>)
        %dma_wait3A_862 = arith.constant 0 : i32
        %dma_wait3A_863 = arith.constant 0 : i32
        %dma_wait3A_864 = tpu.memref_slice %arg8[%run_scoped3A_847, %dma_wait3A_862, %dma_wait3A_863] : memref<2x125x128xf32, #tpu.memory_space<vmem>> -> memref<1x80x128xf32, #tpu.memory_space<vmem>>
        %dma_wait3A_865 = tpu.memref_squeeze %dma_wait3A_864 : memref<1x80x128xf32, #tpu.memory_space<vmem>> -> memref<80x128xf32, #tpu.memory_space<vmem>>
        %dma_wait3A_866 = arith.constant 0 : i32
        %dma_wait3A_867 = tpu.memref_slice %arg11[%mul3A_846, %dma_wait3A_866] : memref<10000x128xf32, #tpu.memory_space<vmem_shared>> -> memref<80x128xf32, #tpu.memory_space<vmem_shared>>
        %dma_wait3A_868 = arith.constant 0 : i32
        %dma_wait3A_869 = arith.constant 0 : i32
        %dma_wait3A_870 = tpu.memref_slice %arg8[%run_scoped3A_847, %dma_wait3A_868, %dma_wait3A_869] : memref<2x125x128xf32, #tpu.memory_space<vmem>> -> memref<1x80x128xf32, #tpu.memory_space<vmem>>
        %dma_wait3A_871 = tpu.memref_squeeze %dma_wait3A_870 : memref<1x80x128xf32, #tpu.memory_space<vmem>> -> memref<80x128xf32, #tpu.memory_space<vmem>>
        %dma_wait3A_872 = arith.constant 0 : i32
        %dma_wait3A_873 = tpu.memref_slice %arg11[%mul3A_846, %dma_wait3A_872] : memref<10000x128xf32, #tpu.memory_space<vmem_shared>> -> memref<80x128xf32, #tpu.memory_space<vmem_shared>>
        tpu.wait_dma2 semaphore(%run_scoped3A_849 : memref<!tpu.dma_semaphore, #tpu.memory_space<semaphore_mem>>) src(%dma_wait3A_873 : memref<80x128xf32, #tpu.memory_space<vmem_shared>>) dst(%dma_wait3A_871 : memref<80x128xf32, #tpu.memory_space<vmem>>)
        tpu.yield
      }) : () -> ()
      %run_scoped3A_848 = arith.constant 0 : i32
      "tpu.region"() ({
        %run_scoped3A_849 = tpu.sem_alloc : memref<!tpu.dma_semaphore, #tpu.memory_space<semaphore_mem>>
        %dma_start3A_850 = arith.constant 0 : i32
        %dma_start3A_851 = arith.constant 0 : i32
        %dma_start3A_852 = tpu.memref_slice %arg8[%run_scoped3A_848, %dma_start3A_850, %dma_start3A_851] : memref<2x125x128xf32, #tpu.memory_space<vmem>> -> memref<1x80x128xf32, #tpu.memory_space<vmem>>
        %dma_start3A_853 = tpu.memref_squeeze %dma_start3A_852 : memref<1x80x128xf32, #tpu.memory_space<vmem>> -> memref<80x128xf32, #tpu.memory_space<vmem>>
        %dma_start3A_854 = arith.constant 0 : i32
        %dma_start3A_855 = tpu.memref_slice %arg4[%arg0, %mul3A_846, %dma_start3A_854] : memref<2x10000x128xf32, #tpu.memory_space<hbm>> -> memref<1x80x128xf32, #tpu.memory_space<hbm>>
        %dma_start3A_856 = tpu.memref_squeeze %dma_start3A_855 : memref<1x80x128xf32, #tpu.memory_space<hbm>> -> memref<80x128xf32, #tpu.memory_space<hbm>>
        %dma_start3A_857 = arith.constant 0 : i32
        %dma_start3A_858 = tpu.memref_slice %arg4[%arg0, %mul3A_846, %dma_start3A_857] : memref<2x10000x128xf32, #tpu.memory_space<hbm>> -> memref<1x80x128xf32, #tpu.memory_space<hbm>>
        %dma_start3A_859 = tpu.memref_squeeze %dma_start3A_858 : memref<1x80x128xf32, #tpu.memory_space<hbm>> -> memref<80x128xf32, #tpu.memory_space<hbm>>
        %dma_start3A_860 = arith.constant 0 : i32
        %dma_start3A_861 = arith.constant 0 : i32
        %dma_start3A_862 = tpu.memref_slice %arg8[%run_scoped3A_848, %dma_start3A_860, %dma_start3A_861] : memref<2x125x128xf32, #tpu.memory_space<vmem>> -> memref<1x80x128xf32, #tpu.memory_space<vmem>>
        %dma_start3A_863 = tpu.memref_squeeze %dma_start3A_862 : memref<1x80x128xf32, #tpu.memory_space<vmem>> -> memref<80x128xf32, #tpu.memory_space<vmem>>
        tpu.enqueue_dma source(%dma_start3A_863 : memref<80x128xf32, #tpu.memory_space<vmem>>) target(%dma_start3A_859 : memref<80x128xf32, #tpu.memory_space<hbm>>) target_semaphore(%run_scoped3A_849 : memref<!tpu.dma_semaphore, #tpu.memory_space<semaphore_mem>>)
        %dma_wait3A_864 = arith.constant 0 : i32
        %dma_wait3A_865 = arith.constant 0 : i32
        %dma_wait3A_866 = tpu.memref_slice %arg8[%run_scoped3A_848, %dma_wait3A_864, %dma_wait3A_865] : memref<2x125x128xf32, #tpu.memory_space<vmem>> -> memref<1x80x128xf32, #tpu.memory_space<vmem>>
        %dma_wait3A_867 = tpu.memref_squeeze %dma_wait3A_866 : memref<1x80x128xf32, #tpu.memory_space<vmem>> -> memref<80x128xf32, #tpu.memory_space<vmem>>
        %dma_wait3A_868 = arith.constant 0 : i32
        %dma_wait3A_869 = tpu.memref_slice %arg4[%arg0, %mul3A_846, %dma_wait3A_868] : memref<2x10000x128xf32, #tpu.memory_space<hbm>> -> memref<1x80x128xf32, #tpu.memory_space<hbm>>
        %dma_wait3A_870 = tpu.memref_squeeze %dma_wait3A_869 : memref<1x80x128xf32, #tpu.memory_space<hbm>> -> memref<80x128xf32, #tpu.memory_space<hbm>>
        %dma_wait3A_871 = arith.constant 0 : i32
        %dma_wait3A_872 = tpu.memref_slice %arg4[%arg0, %mul3A_846, %dma_wait3A_871] : memref<2x10000x128xf32, #tpu.memory_space<hbm>> -> memref<1x80x128xf32, #tpu.memory_space<hbm>>
        %dma_wait3A_873 = tpu.memref_squeeze %dma_wait3A_872 : memref<1x80x128xf32, #tpu.memory_space<hbm>> -> memref<80x128xf32, #tpu.memory_space<hbm>>
        %dma_wait3A_874 = arith.constant 0 : i32
        %dma_wait3A_875 = arith.constant 0 : i32
        %dma_wait3A_876 = tpu.memref_slice %arg8[%run_scoped3A_848, %dma_wait3A_874, %dma_wait3A_875] : memref<2x125x128xf32, #tpu.memory_space<vmem>> -> memref<1x80x128xf32, #tpu.memory_space<vmem>>
        %dma_wait3A_877 = tpu.memref_squeeze %dma_wait3A_876 : memref<1x80x128xf32, #tpu.memory_space<vmem>> -> memref<80x128xf32, #tpu.memory_space<vmem>>
        tpu.wait_dma2 semaphore(%run_scoped3A_849 : memref<!tpu.dma_semaphore, #tpu.memory_space<semaphore_mem>>) src(%dma_wait3A_877 : memref<80x128xf32, #tpu.memory_space<vmem>>) dst(%dma_wait3A_873 : memref<80x128xf32, #tpu.memory_space<hbm>>)
        tpu.yield
      }) : () -> ()
      "tpu.region"() ({
        %run_scoped3A_849 = tpu.sem_alloc : memref<!tpu.dma_semaphore, #tpu.memory_space<semaphore_mem>>
        %dma_start3A_850 = arith.constant 0 : i32
        %dma_start3A_851 = tpu.memref_slice %arg12[%mul3A_846, %dma_start3A_850] : memref<10000x16xf32, #tpu.memory_space<vmem_shared>> -> memref<80x16xf32, #tpu.memory_space<vmem_shared>>
        %dma_start3A_852 = arith.constant 0 : i32
        %dma_start3A_853 = tpu.memref_slice %arg12[%mul3A_846, %dma_start3A_852] : memref<10000x16xf32, #tpu.memory_space<vmem_shared>> -> memref<80x16xf32, #tpu.memory_space<vmem_shared>>
        tpu.enqueue_dma source(%dma_start3A_853 : memref<80x16xf32, #tpu.memory_space<vmem_shared>>) target(%arg10 : memref<80x16xf32, #tpu.memory_space<vmem>>) target_semaphore(%run_scoped3A_849 : memref<!tpu.dma_semaphore, #tpu.memory_space<semaphore_mem>>)
        %dma_wait3A_854 = arith.constant 0 : i32
        %dma_wait3A_855 = tpu.memref_slice %arg12[%mul3A_846, %dma_wait3A_854] : memref<10000x16xf32, #tpu.memory_space<vmem_shared>> -> memref<80x16xf32, #tpu.memory_space<vmem_shared>>
        %dma_wait3A_856 = arith.constant 0 : i32
        %dma_wait3A_857 = tpu.memref_slice %arg12[%mul3A_846, %dma_wait3A_856] : memref<10000x16xf32, #tpu.memory_space<vmem_shared>> -> memref<80x16xf32, #tpu.memory_space<vmem_shared>>
        tpu.wait_dma2 semaphore(%run_scoped3A_849 : memref<!tpu.dma_semaphore, #tpu.memory_space<semaphore_mem>>) src(%dma_wait3A_857 : memref<80x16xf32, #tpu.memory_space<vmem_shared>>) dst(%arg10 : memref<80x16xf32, #tpu.memory_space<vmem>>)
        tpu.yield
      }) : () -> ()
      "tpu.region"() ({
        %run_scoped3A_849 = tpu.sem_alloc : memref<!tpu.dma_semaphore, #tpu.memory_space<semaphore_mem>>
        %dma_start3A_850 = arith.constant 0 : i32
        %dma_start3A_851 = tpu.memref_slice %arg5[%arg0, %mul3A_846, %dma_start3A_850] : memref<2x10000x16xf32, #tpu.memory_space<hbm>> -> memref<1x80x16xf32, #tpu.memory_space<hbm>>
        %dma_start3A_852 = tpu.memref_squeeze %dma_start3A_851 : memref<1x80x16xf32, #tpu.memory_space<hbm>> -> memref<80x16xf32, #tpu.memory_space<hbm>>
        %dma_start3A_853 = arith.constant 0 : i32
        %dma_start3A_854 = tpu.memref_slice %arg5[%arg0, %mul3A_846, %dma_start3A_853] : memref<2x10000x16xf32, #tpu.memory_space<hbm>> -> memref<1x80x16xf32, #tpu.memory_space<hbm>>
        %dma_start3A_855 = tpu.memref_squeeze %dma_start3A_854 : memref<1x80x16xf32, #tpu.memory_space<hbm>> -> memref<80x16xf32, #tpu.memory_space<hbm>>
        tpu.enqueue_dma source(%arg10 : memref<80x16xf32, #tpu.memory_space<vmem>>) target(%dma_start3A_855 : memref<80x16xf32, #tpu.memory_space<hbm>>) target_semaphore(%run_scoped3A_849 : memref<!tpu.dma_semaphore, #tpu.memory_space<semaphore_mem>>)
        %dma_wait3A_856 = arith.constant 0 : i32
        %dma_wait3A_857 = tpu.memref_slice %arg5[%arg0, %mul3A_846, %dma_wait3A_856] : memref<2x10000x16xf32, #tpu.memory_space<hbm>> -> memref<1x80x16xf32, #tpu.memory_space<hbm>>
        %dma_wait3A_858 = tpu.memref_squeeze %dma_wait3A_857 : memref<1x80x16xf32, #tpu.memory_space<hbm>> -> memref<80x16xf32, #tpu.memory_space<hbm>>
        %dma_wait3A_859 = arith.constant 0 : i32
        %dma_wait3A_860 = tpu.memref_slice %arg5[%arg0, %mul3A_846, %dma_wait3A_859] : memref<2x10000x16xf32, #tpu.memory_space<hbm>> -> memref<1x80x16xf32, #tpu.memory_space<hbm>>
        %dma_wait3A_861 = tpu.memref_squeeze %dma_wait3A_860 : memref<1x80x16xf32, #tpu.memory_space<hbm>> -> memref<80x16xf32, #tpu.memory_space<hbm>>
        tpu.wait_dma2 semaphore(%run_scoped3A_849 : memref<!tpu.dma_semaphore, #tpu.memory_space<semaphore_mem>>) src(%arg10 : memref<80x16xf32, #tpu.memory_space<vmem>>) dst(%dma_wait3A_861 : memref<80x16xf32, #tpu.memory_space<hbm>>)
        tpu.yield
      }) : () -> ()
    } else {
    }
    return
  }
}

module attributes {stable_mosaic.version = 14 : i64} {
  func.func @_tc_body(%arg0: i32, %arg1: memref<2x2000x128xf32, #tpu.memory_space<vmem>>, %arg2: memref<2x2000x16xf32, #tpu.memory_space<vmem>>, %arg3: memref<2000x128xf32, #tpu.memory_space<vmem>>, %arg4: memref<128x128xf32, #tpu.memory_space<vmem>>, %arg5: memref<128x128xf32, #tpu.memory_space<vmem>>, %arg6: memref<1x128xf32, #tpu.memory_space<vmem>>, %arg7: memref<2000x128xf32, #tpu.memory_space<vmem>>) attributes {dimension_semantics = [#tpu.dimension_semantics<arbitrary>], iteration_bounds = array<i64: 5>, scalar_prefetch = 0 : i64, scratch_operands = 0 : i64, tpu.core_type = #tpu.core_type<tc>, window_params = [{transform_indices = @transform_0, window_bounds = array<i64: 2, 2000, 128>}, {transform_indices = @transform_1, window_bounds = array<i64: 2, 2000, 16>}, {transform_indices = @transform_2, window_bounds = array<i64: 2000, 128>}, {pipeline_mode = #tpu.pipeline_mode<synchronous>, transform_indices = @transform_3, window_bounds = array<i64: 128, 128>}, {pipeline_mode = #tpu.pipeline_mode<synchronous>, transform_indices = @transform_4, window_bounds = array<i64: 128, 128>}, {pipeline_mode = #tpu.pipeline_mode<synchronous>, transform_indices = @transform_5, window_bounds = array<i64: 1, 128>}, {transform_indices = @transform_6, window_bounds = array<i64: 2000, 128>}]} {
    %get3A = arith.constant 0 : index
    %get3A_0 = arith.constant 0 : index
    %get3A_1 = arith.constant 0 : index
    %get3A_2 = vector.load %arg1[%get3A, %get3A_0, %get3A_1] : memref<2x2000x128xf32, #tpu.memory_space<vmem>>, vector<1x2000x128xf32>
    %get3A_3 = vector.shape_cast %get3A_2 : vector<1x2000x128xf32> to vector<2000x128xf32>
    %get3A_4 = arith.constant 1 : index
    %get3A_5 = arith.constant 0 : index
    %get3A_6 = arith.constant 0 : index
    %get3A_7 = vector.load %arg1[%get3A_4, %get3A_5, %get3A_6] : memref<2x2000x128xf32, #tpu.memory_space<vmem>>, vector<1x2000x128xf32>
    %get3A_8 = vector.shape_cast %get3A_7 : vector<1x2000x128xf32> to vector<2000x128xf32>
    %add3A = arith.addf %get3A_3, %get3A_8 : vector<2000x128xf32>
    %get3A_9 = arith.constant 0 : index
    %get3A_10 = arith.constant 0 : index
    %get3A_11 = arith.constant 0 : index
    %get3A_12 = vector.load %arg2[%get3A_9, %get3A_10, %get3A_11] : memref<2x2000x16xf32, #tpu.memory_space<vmem>>, vector<1x2000x1xf32>
    %get3A_13 = vector.shape_cast %get3A_12 : vector<1x2000x1xf32> to vector<2000x1xf32>
    %get3A_14 = arith.constant 1 : index
    %get3A_15 = arith.constant 0 : index
    %get3A_16 = arith.constant 0 : index
    %get3A_17 = vector.load %arg2[%get3A_14, %get3A_15, %get3A_16] : memref<2x2000x16xf32, #tpu.memory_space<vmem>>, vector<1x2000x1xf32>
    %get3A_18 = vector.shape_cast %get3A_17 : vector<1x2000x1xf32> to vector<2000x1xf32>
    %add3A_19 = arith.addf %get3A_13, %get3A_18 : vector<2000x1xf32>
    %max3A = arith.constant 1.000000e+00 : f32
    %max3A_20 = vector.broadcast %max3A : f32 to vector<2000x1xf32>
    %max3A_21 = arith.maximumf %add3A_19, %max3A_20 : vector<2000x1xf32>
    %div3A = vector.broadcast %max3A_21 : vector<2000x1xf32> to vector<2000x128xf32>
    %div3A_22 = arith.divf %add3A, %div3A : vector<2000x128xf32>
    %get3A_23 = arith.constant 0 : index
    %get3A_24 = arith.constant 0 : index
    %get3A_25 = vector.load %arg4[%get3A_23, %get3A_24] : memref<128x128xf32, #tpu.memory_space<vmem>>, vector<128x128xf32>
    %dot_general3A = arith.constant dense<0.000000e+00> : vector<2000x128xf32>
    %dot_general3A_26 = tpu.matmul %div3A_22, %get3A_25, %dot_general3A {dimension_numbers = #tpu.dot_dimension_numbers<[1], [0], [0], [1], [0, 0, 1, 1], [], []>, precision = #tpu.contract_precision<fp32>, transpose_lhs_hint = false} : vector<2000x128xf32>, vector<128x128xf32>, vector<2000x128xf32> -> vector<2000x128xf32>
    %get3A_27 = arith.constant 0 : index
    %get3A_28 = arith.constant 0 : index
    %get3A_29 = vector.load %arg3[%get3A_27, %get3A_28] : memref<2000x128xf32, #tpu.memory_space<vmem>>, vector<2000x128xf32>
    %get3A_30 = arith.constant 0 : index
    %get3A_31 = arith.constant 0 : index
    %get3A_32 = vector.load %arg5[%get3A_30, %get3A_31] : memref<128x128xf32, #tpu.memory_space<vmem>>, vector<128x128xf32>
    %dot_general3A_33 = arith.constant dense<0.000000e+00> : vector<2000x128xf32>
    %dot_general3A_34 = tpu.matmul %get3A_29, %get3A_32, %dot_general3A_33 {dimension_numbers = #tpu.dot_dimension_numbers<[1], [0], [0], [1], [0, 0, 1, 1], [], []>, precision = #tpu.contract_precision<fp32>, transpose_lhs_hint = false} : vector<2000x128xf32>, vector<128x128xf32>, vector<2000x128xf32> -> vector<2000x128xf32>
    %add3A_35 = arith.addf %dot_general3A_26, %dot_general3A_34 : vector<2000x128xf32>
    %get3A_36 = arith.constant 0 : index
    %get3A_37 = arith.constant 0 : index
    %get3A_38 = vector.load %arg6[%get3A_36, %get3A_37] : memref<1x128xf32, #tpu.memory_space<vmem>>, vector<1x128xf32>
    %add3A_39 = vector.broadcast %get3A_38 : vector<1x128xf32> to vector<2000x128xf32>
    %add3A_40 = arith.addf %add3A_35, %add3A_39 : vector<2000x128xf32>
    %swap3A = arith.constant 0 : index
    %swap3A_41 = arith.constant 0 : index
    %swap3A_42 = vector.load %arg7[%swap3A, %swap3A_41] : memref<2000x128xf32, #tpu.memory_space<vmem>>, vector<2000x128xf32>
    tpu.vector_store %arg7[%swap3A, %swap3A_41], %add3A_40 {strides = array<i32>} : memref<2000x128xf32, #tpu.memory_space<vmem>>, vector<2000x128xf32>,
    return
  }
  func.func @transform_0(%arg0: i32) -> (i32, i32, i32) {
    %c0_i32 = arith.constant 0 : i32
    %c0_i32_0 = arith.constant 0 : i32
    %c0_i32_1 = arith.constant 0 : i32
    return %c0_i32, %arg0, %c0_i32_0 : i32, i32, i32
  }
  func.func @transform_1(%arg0: i32) -> (i32, i32, i32) {
    %c0_i32 = arith.constant 0 : i32
    %c0_i32_0 = arith.constant 0 : i32
    %c0_i32_1 = arith.constant 0 : i32
    return %c0_i32, %arg0, %c0_i32_0 : i32, i32, i32
  }
  func.func @transform_2(%arg0: i32) -> (i32, i32) {
    %c0_i32 = arith.constant 0 : i32
    %c0_i32_0 = arith.constant 0 : i32
    return %arg0, %c0_i32 : i32, i32
  }
  func.func @transform_3(%arg0: i32) -> (i32, i32) {
    %c0_i32 = arith.constant 0 : i32
    %c0_i32_0 = arith.constant 0 : i32
    %c0_i32_1 = arith.constant 0 : i32
    return %c0_i32, %c0_i32_0 : i32, i32
  }
  func.func @transform_4(%arg0: i32) -> (i32, i32) {
    %c0_i32 = arith.constant 0 : i32
    %c0_i32_0 = arith.constant 0 : i32
    %c0_i32_1 = arith.constant 0 : i32
    return %c0_i32, %c0_i32_0 : i32, i32
  }
  func.func @transform_5(%arg0: i32) -> (i32, i32) {
    %c0_i32 = arith.constant 0 : i32
    %c0_i32_0 = arith.constant 0 : i32
    %c0_i32_1 = arith.constant 0 : i32
    return %c0_i32, %c0_i32_0 : i32, i32
  }
  func.func @transform_6(%arg0: i32) -> (i32, i32) {
    %c0_i32 = arith.constant 0 : i32
    %c0_i32_0 = arith.constant 0 : i32
    return %arg0, %c0_i32 : i32, i32
  }
}

</mosaic_0001>

<sc_bundles>
// kernel: kernel.4.cloned.1.call-start
scs
__scs_entry_jumppad:
0x0: {  	(pc) =	sbr.rel $0x88, $3  }
0x1: {  	(tag) =	ssettag $0x0;
	lr =	simm.s32 $0x1  }
0x2: {  	[smem:$0x3F9C] =	sst lr;
	_ =	strace $0xD0000000  }
0x3: {  	_ = 	snop  }
0x4: {  	_ = 	snop  }
0x5: {  	_ = 	snop  }
0x6: {  	_ = 	snop  }
0x7: {  	_ = 	snop  }
__scs_overlays_trampoline_lowered:
0x8: {  	[smem:$0x3FAB] =	sst s0  }
0x9: {  	[smem:$0x3FAC] =	sst s1  }
0xa: {  	[smem:$0x3FAD] =	sst s2  }
0xb: {  	[smem:$0x3FAE] =	sst s3  }
0xc: {  	[smem:$0x3FAF] =	sst s4  }
0xd: {  	[smem:$0x3FB0] =	sst s5  }
0xe: {  	[smem:$0x3FB1] =	sst s6  }
0xf: {  	[smem:$0x3FB2] =	sst s7  }
0x10: {  	[smem:$0x3FB3] =	sst s8  }
0x11: {  	[smem:$0x3FB4] =	sst s9;
	s0 =	simm.s32 @!p0 $0x0  }
0x12: {  	s1 =	sld [smem:$0x3F9A];
	s0 =	simm.s32 @p0 $0x1  }
0x13: {  	[smem:$0x3FB5] =	sst s0;
	s0 =	simm.s32 @!p1 $0x0  }
0x14: {  	s2 =	sld [smem:$0x3F99];
	s0 =	simm.s32 @p1 $0x1  }
0x15: {  	[smem:$0x3FB6] =	sst s0;
	s0 =	simm.s32 @!p2 $0x0  }
0x16: {  	s3 =	sld [smem:$0x3FDB];
	s0 =	simm.s32 @p2 $0x1  }
0x17: {  	s4 =	simm.s32 $0x1BF5;
	[smem:$0x3FB8] =	sst s0  }
0x18: {  	s0 =	sld [smem:$0x3F9B];
	_ =	swait.ge [sflag:s4], $0x0  }
0x19: {  	s7 =	sld [smem:$0x3F9C]  }
0x1a: {  	s8 =	sadd.s32 $0xFFFFE003, lr  }
0x1b: {  	s9 =	sadd.s32 $0xFFFFFEF7, lr;
	s5 =	simm.s32 $0xFFFFFFFF;
	p2 =	slt.u32 s8, $0xFFFFF086  }
0x1c: {  	p1 =	slt.u32 s9, $0xF7A;
	s5 =	simm.s32 @!p2 $0x0  }
0x1d: {  	s5 =	simm.s32 @p1 $0x1;
	p0 =	seq.s32 s7, s2  }
0x1e: {  	s7 =	smul.u32 @!p0 $0xF7A, s2;
	p2 =	seq.s32 @!p0 s5, $0x0  }
0x1f: {  	s9 =	smul.u32 $0xF7A, s1;
	s8 =	simm.s32 @!p0 $0x1BF5;
	p2 =	por !p2, p0  }
0x20: {  	[sflag:s8] =	ssyncset.s32 @!p0 $0xFFFFF086;
	s6 =	sadd.s32 @!p0 s3, s7;
	s7 =	simm.s32 @!p0 $0x108  }
0x21: {  	s3 =	sadd.s32 s3, s9;
	s6 =	sadd.s32 @!p0 $0x88, s6;
	s7 =	simm.s32 @p2 $0x1082  }
0x22: {  	[simem:s7], [sflag:s8] =	dma.local @!p0 [hbm:s6], $0xF7A  }
0x23: {  	s9 =	sor.u32 $0xD0000000, s2;
	s6 =	simm.s32 $0x108;
	_ =	swait.ge @!p0 [sflag:s8], $0x0  }
0x24: {  	s3 =	sadd.s32 $0x88, s3;
	s6 =	simm.s32 @!p1 $0x1082;
	[sflag:s4] =	ssyncset.s32 $0xFFFFF086  }
0x25: {  	[simem:s6], [sflag:s4] =	dma.local [hbm:s3], $0xF7A  }
0x26: {  	[smem:$0x3F9C] =	sst s1;
	(tag) =	ssettag s2;
	_ =	strace s9  }
0x27: {  	s1 =	sld [smem:$0x3FAC]  }
0x28: {  	s2 =	sld [smem:$0x3FAD]  }
0x29: {  	s4 =	sld [smem:$0x3FAF]  }
0x2a: {  	p0 =	seq.s32 s5, $0x0;
	s5 =	sld [smem:$0x3FB0]  }
0x2b: {  	s6 =	sld [smem:$0x3FB1]  }
0x2c: {  	s7 =	sld [smem:$0x3FB2]  }
0x2d: {  	s3 =	simm.s32 $0x108;
	s8 =	sld [smem:$0x3FB3]  }
0x2e: {  	s3 =	simm.s32 @!p0 $0x1082;
	s9 =	sld [smem:$0x3FB4]  }
0x2f: {  	lr =	sadd.s32 s0, s3;
	s0 =	sld [smem:$0x3FAB]  }
0x30: {  	s3 =	sld [smem:$0x3FAE]  }
0x31: {  	[smem:$0x3FB7] =	sst s10  }
0x32: {  	s10 =	sld [smem:$0x3FB5];
	_ =	sdelay $0x3  }
0x33: {  	p0 =	seq.s32 s10, $0x1;
	s10 =	sld [smem:$0x3FB7];
	_ =	sdelay $0x3  }
0x34: {  	[smem:$0x3FB7] =	sst s10  }
0x35: {  	s10 =	sld [smem:$0x3FB6];
	_ =	sdelay $0x3  }
0x36: {  	p1 =	seq.s32 s10, $0x1;
	s10 =	sld [smem:$0x3FB7];
	_ =	sdelay $0x3  }
0x37: {  	[smem:$0x3FB7] =	sst s10  }
0x38: {  	s10 =	sld [smem:$0x3FB8]  }
0x39: {  	_ = 	snop;
	(pc) =	sbr.ind lr, $3  }
0x3a: {  	_ = 	snop  }
0x3b: {  	_ = 	snop  }
0x3c: {  	p2 =	seq.s32 s10, $0x1;
	s10 =	sld [smem:$0x3FB7]  }
0x3d: {  	_ =	shalt  }
0x3e: {  	_ =	shalt  }
0x3f: {  	_ =	shalt  }
0x40: {  	_ =	shalt  }
0x41: {  	_ =	shalt  }
0x42: {  	_ =	shalt  }
0x43: {  	_ =	shalt  }
0x44: {  	_ =	shalt  }
0x45: {  	_ =	shalt  }
0x46: {  	_ =	shalt  }
0x47: {  	_ =	shalt  }
0x48: {  	_ =	shalt  }
0x49: {  	_ =	shalt  }
0x4a: {  	_ =	shalt  }
0x4b: {  	_ =	shalt  }
0x4c: {  	_ =	shalt  }
0x4d: {  	_ =	shalt  }
0x4e: {  	_ =	shalt  }
0x4f: {  	_ =	shalt  }
0x50: {  	_ =	shalt  }
0x51: {  	_ =	shalt  }
0x52: {  	_ =	shalt  }
0x53: {  	_ =	shalt  }
0x54: {  	_ =	shalt  }
0x55: {  	_ =	shalt  }
0x56: {  	_ =	shalt  }
0x57: {  	_ =	shalt  }
0x58: {  	_ =	shalt  }
0x59: {  	_ =	shalt  }
0x5a: {  	_ =	shalt  }
0x5b: {  	_ =	shalt  }
0x5c: {  	_ =	shalt  }
0x5d: {  	_ =	shalt  }
0x5e: {  	_ =	shalt  }
0x5f: {  	_ =	shalt  }
0x60: {  	_ =	shalt  }
0x61: {  	_ =	shalt  }
0x62: {  	_ =	shalt  }
0x63: {  	_ =	shalt  }
0x64: {  	_ =	shalt  }
0x65: {  	_ =	shalt  }
0x66: {  	_ =	shalt  }
0x67: {  	_ =	shalt  }
0x68: {  	_ =	shalt  }
0x69: {  	_ =	shalt  }
0x6a: {  	_ =	shalt  }
0x6b: {  	_ =	shalt  }
0x6c: {  	_ =	shalt  }
0x6d: {  	_ =	shalt  }
0x6e: {  	_ =	shalt  }
0x6f: {  	_ =	shalt  }
0x70: {  	_ =	shalt  }
0x71: {  	_ =	shalt  }
0x72: {  	_ =	shalt  }
0x73: {  	_ =	shalt  }
0x74: {  	_ =	shalt  }
0x75: {  	_ =	shalt  }
0x76: {  	_ =	shalt  }
0x77: {  	_ =	shalt  }
0x78: {  	_ =	shalt  }
0x79: {  	_ =	shalt  }
0x7a: {  	_ =	shalt  }
0x7b: {  	_ =	shalt  }
0x7c: {  	_ =	shalt  }
0x7d: {  	_ =	shalt  }
0x7e: {  	_ =	shalt  }
0x7f: {  	_ =	shalt  }
0x80: {  	_ =	shalt  }
0x81: {  	_ =	shalt  }
0x82: {  	_ =	shalt  }
0x83: {  	_ =	shalt  }
0x84: {  	_ =	shalt  }
0x85: {  	_ =	shalt  }
0x86: {  	_ =	shalt  }
0x87: {  	_ =	shalt  }
.Lfunc_end0:
.L_simem_size_0:
called_computation_lowered:
.L_overlay_start_0:
0x88: {  	s2 =	sld [smem:$0x3FD9]  }
0x89: {  	s3 =	sld [smem:$0x3FFE];
	_ =	sdelay $0x1  }
0x8a: {  	s1 =	srdreg.scid  }
0x8b: {  	s0 =	sand.u32 $0x1, s1  }
0x8c: {  	s17 =	sshll.u32 s0, $0xA;
	s2 =	sadd.s32 s3, s2  }
0x8d: {  	s2 =	sadd.s32 s2, s17  }
0x8e: {  	[smem:$0x3FC3] =	sst s2  }
0x8f: {  	_ = 	snop  }
0x90: {  	s2 =	sld [smem:$0x3FC9]  }
0x91: {  	s18 =	sld [smem:$0x3FD0];
	(tm) =	ssettm $0x1  }
0x92: {  	s4 =	sld [smem:$0x3FFB];
	_ =	sdelay $0x3  }
0x93: {  	_ =	strace s4  }
0x94: {  	s4 =	sld [smem:$0x3FFC];
	_ =	sdelay $0x3  }
0x95: {  	_ =	strace s4  }
0x96: {  	s4 =	sld [smem:$0x3FFD];
	_ =	sdelay $0x3  }
0x97: {  	_ =	strace s4  }
0x98: {  	_ =	strace $0x8FFFFFFF  }
0x99: {  	s19 =	sld [smem:$0x3FDB];
	_ =	sdelay $0x1  }
0x9a: {  	s5 =	simm.s32 $_scs_section_size  }
0x9b: {  	s6 =	simm.s32 $_size__tile_overlayer_lowered;
	s7 =	simm.s32 $_tile_overlayer_lowered  }
0x9c: {  	s22 =	simm.s32 $0x1BFF;
	s21 =	sshll.u32 s7, $0x1;
	s4 =	sadd.s32 s5, s19  }
0x9d: {  	s8 =	simm.s32 $0x0;
	s20 =	sshll.u32 s6, $0x1;
	s6 =	sadd.s32 s21, s4  }
0x9e: {  	[timem:s8], [sflag:s22] =	dma.local [hbm:s6], s20  }
0x9f: {  	_ =	swait.ge [sflag:s22], s20  }
0xa0: {  	s5 =	ssub.s32 $0x0, s20;
	[sflag:s22] =	ssyncset.done $0x0  }
0xa1: {  	[sflag:s22] =	ssyncadd.s32 s5;
	_ =	sdelay $0x1  }
0xa2: {  	s23 =	simm.s32 $0x1B8B  }
0xa3: {  	_ =	swait.ge [sflag:s23], $0x1  }
0xa4: {  	[sflag:s23] =	ssyncset.done $0x0  }
0xa5: {  	s25 =	simm.s32 $0x1B8E;
	s24 =	sld [smem:$0x3FFE];
	[sflag:s23] =	ssyncadd.s32 $0xFFFFFFFF  }
0xa6: {  	s26 =	simm.s32 $execute0_lowered;
	[smem:$0x3FD2] =	sst s25  }
0xa7: {  	s6 =	sshll.u32 s26, $0x1;
	_ =	strace $0x80000046;
	[dreg:$0x1] =	wrdreg $0xFFFFFFFF  }
0xa8: {  	s28 =	simm.s32 $_size_execute0_lowered;
	s4 =	sadd.s32 s4, s6;
	[dreg:$0x0] =	wrdreg $0x0  }
0xa9: {  	s6 =	sshll.u32 s28, $0x1;
	[dreg:$0x2] =	wrdreg s4  }
0xaa: {  	[dreg:$0x3] =	wrdreg s6  }
0xab: {  	[dreg:$0x4] =	wrdreg $0xC0  }
0xac: {  	_ =	task [dreg:s8], $0x5FFFF  }
0xad: {  	[dreg:$0x1] =	wrdreg $0xFFFFFFFF  }
0xae: {  	[dreg:$0x0] =	wrdreg $0x60  }
0xaf: {  	[dreg:$0x2] =	wrdreg s2  }
0xb0: {  	[dreg:$0x3] =	wrdreg s18  }
0xb1: {  	[dreg:$0x4] =	wrdreg s24  }
0xb2: {  	[dreg:$0x5] =	wrdreg $0x99D00  }
0xb3: {  	[dreg:$0x6] =	wrdreg $0x1D2500  }
0xb4: {  	[dreg:$0x7] =	wrdreg $0x9  }
0xb5: {  	_ =	task.clear_ibuf [dreg:s8], $0x8FFFF;
	_ =	strace $0x90000046  }
0xb6: {  	s29 =	simm.s32 $0x9;
	_ =	strace $0x80000048  }
0xb7: {  	_ =	swait.ge [sflag:s29], $0x1  }
0xb8: {  	[sflag:s29] =	ssyncadd.s32 $0xFFFFFFFF  }
0xb9: {  	_ =	strace $0x90000048  }
0xba: {  	_ =	sfence  }
0xbb: {  	s30 =	sld [smem:$0x0];
	_ =	sdelay $0x2  }
0xbc: {  	s31 =	sshll.u32 s1, $0xD;
	s1 =	sshrl.u32 s1, $0x2  }
0xbd: {  	s3 =	sand.u32 $0x4000, s31;
	s1 =	sadd.s32 s1, s30  }
0xbe: {  	s0 =	sor.u32 s3, s0;
	s1 =	sshll.u32 s1, $0x11  }
0xbf: {  	s0 =	sor.u32 s1, s0  }
0xc0: {  	s0 =	sadd.s32 $0x8F2B, s0  }
0xc1: {  	[sflag:s0] =	ssyncadd.remote.s32 $0x1  }
0xc2: {  	_ =	sfence.sel $0xFFFF  }
0xc3: {  	[dreg:$0x0] =	wrdreg $0xFFFFFFFF;
	(pc) =	sbr.abs _section_cstart, $3  }
0xc4: {  	[dreg:$0x1] =	wrdreg $0xFFFFFFFF  }
0xc5: {  	_ =	task.clear_ibuf [dreg:s8], $0x2FFFF;
	_ =	strace $0x9FFFFFFF  }
0xc6: {  	(tm) =	ssettm $0x7FFFFFFF  }
0xc7: {  	_ =	shalt  }
tec
execute0_lowered:
.L_overlay_start_1:
0x0: {  	(tag) =	ssettag $0x1  }
0x1: {  	s6 =	rddreg [dreg:$0x1]  }
0x2: {  	s0 =	srdreg.scid;
	s17 =	rddreg [dreg:$0x2]  }
0x3: {  	s3 =	stileid.u32;
	s5 =	sand.u32 $0x1, s0;
	s10 =	sadd.s32 $0xB600, s17  }
0x4: {  	s20 =	sor.u32 $0x10, s3;
	s15 =	sor.u32 $0x20, s3;
	s25 =	smul.u32 $0x2800, s3  }
0x5: {  	s14 =	sor.u32 $0x30, s3;
	s13 =	sor.u32 $0x40, s3;
	s16 =	smul.u32 $0x138800, s5  }
0x6: {  	s12 =	sor.u32 $0x50, s3;
	s11 =	sor.u32 $0x60, s3;
	s8 =	smul.u32 $0x2800, s20  }
0x7: {  	s7 =	sor.u32 $0x70, s3;
	s0 =	ssub.s32 $0x2, s5;
	s21 =	smul.u32 $0x27100, s5  }
0x8: {  	s2 =	sshll.u32 s5, $0x4;
	s5 =	smul.u32 $0x2800, s13;
	s1 =	sshrl.u32 s0, $0x1  }
0x9: {  	s24 =	sor.u32 s3, s2;
	[smem:$0x7E1] =	sst s25;
	s0 =	ssub.s32 s0, s1  }
0xa: {  	s2 =	smul.u32 $0x2800, s24;
	[smem:$0x7E4] =	sst s8;
	s26 =	sadd.s32 s25, s16  }
0xb: {  	s8 =	sadd.s32 s16, s8;
	s19 =	sadd.s32 s16, s5;
	[smem:$0x7F3] =	sst s0  }
0xc: {  	s28 =	sshrl.u32 s26, $0x3;
	s4 =	sshrl.u32 s2, $0x3;
	s2 =	smul.u32 $0x2800, s15  }
0xd: {  	s19 =	sshrl.u32 s19, $0x3;
	s29 =	sadd.s32 s10, s28;
	s28 =	smul.u32 $0xA000, s20  }
0xe: {  	s8 =	sshrl.u32 s8, $0x3;
	s23 =	sadd.s32 s10, s19;
	s19 =	smul.u32 $0x500, s15  }
0xf: {  	s31 =	sadd.s32 s10, s8;
	s1 =	sadd.s32 s6, s4;
	s4 =	smul.u32 $0x2800, s14  }
0x10: {  	[dreg:$0x7] =	wrdreg s29;
	s6 =	smul.u32 $0x2800, s12;
	s30 =	sadd.s32 s16, s2  }
0x11: {  	[dreg:$0x8] =	wrdreg s31;
	s9 =	sadd.s32 s16, s4;
	s18 =	sshrl.u32 s30, $0x3  }
0x12: {  	s22 =	sadd.s32 s16, s6;
	s9 =	sshrl.u32 s9, $0x3;
	s8 =	sadd.s32 s10, s18  }
0x13: {  	[dreg:$0x9] =	wrdreg s8;
	s18 =	sadd.s32 s10, s9;
	s8 =	smul.u32 $0x2800, s11  }
0x14: {  	s9 =	smul.u32 $0x2800, s7;
	[dreg:$0xa] =	wrdreg s18;
	s18 =	sshrl.u32 s22, $0x3  }
0x15: {  	[dreg:$0xb] =	wrdreg s23;
	s23 =	sadd.s32 s21, s19;
	s24 =	sadd.s32 s10, s18  }
0x16: {  	s25 =	sadd.s32 s16, s8;
	s16 =	sadd.s32 s16, s9;
	[dreg:$0xc] =	wrdreg s24  }
0x17: {  	s18 =	sshrl.u32 s25, $0x3;
	s29 =	sshrl.u32 s16, $0x3;
	s16 =	smul.u32 $0x500, s3  }
0x18: {  	s24 =	sshrl.u32 s23, $0x3;
	s23 =	smul.u32 $0x500, s13;
	s26 =	sadd.s32 s10, s18  }
0x19: {  	s30 =	sadd.s32 s10, s29;
	s10 =	simm.s32 $0x0;
	[dreg:$0xd] =	wrdreg s26  }
0x1a: {  	s18 =	smul.u32 $0x500, s20;
	s29 =	sadd.s32 $0x1800, s17;
	[dreg:$0xe] =	wrdreg s30  }
0x1b: {  	[smem:$0x7FF] =	sst s10;
	s22 =	sadd.s32 s16, s21;
	s30 =	smul.u32 $0x1400, s20  }
0x1c: {  	s26 =	sadd.s32 s29, s24;
	s24 =	smul.u32 $0x500, s12;
	s31 =	sshrl.u32 s22, $0x3  }
0x1d: {  	s0 =	sadd.s32 s21, s18;
	s22 =	smul.u32 $0x500, s14;
	[dreg:$0x11] =	wrdreg s26  }
0x1e: {  	s20 =	sshrl.u32 s0, $0x3;
	s17 =	sadd.s32 s29, s31;
	s0 =	sadd.s32 s21, s23  }
0x1f: {  	s26 =	sadd.s32 s21, s24;
	[dreg:$0xf] =	wrdreg s17;
	s31 =	sadd.s32 s21, s22  }
0x20: {  	s25 =	sadd.s32 s29, s20;
	s20 =	sshrl.u32 s0, $0x3;
	s17 =	sshrl.u32 s31, $0x3  }
0x21: {  	[dreg:$0x10] =	wrdreg s25;
	s25 =	smul.u32 $0x500, s11;
	s17 =	sadd.s32 s29, s17  }
0x22: {  	s20 =	sadd.s32 s29, s20;
	[dreg:$0x12] =	wrdreg s17;
	s17 =	sshrl.u32 s26, $0x3  }
0x23: {  	[dreg:$0x13] =	wrdreg s20;
	s31 =	sadd.s32 s21, s25;
	s17 =	sadd.s32 s29, s17  }
0x24: {  	s26 =	smul.u32 $0x500, s7;
	s20 =	sshrl.u32 s31, $0x3;
	[dreg:$0x14] =	wrdreg s17  }
0x25: {  	s0 =	smul.u32 $0xA000, s3;
	s17 =	rddreg [dreg:$0x0];
	s20 =	sadd.s32 s29, s20  }
0x26: {  	s21 =	sadd.s32 s21, s26;
	[dreg:$0x15] =	wrdreg s20  }
0x27: {  	s0 =	sshrl.u32 s0, $0x2;
	s20 =	rddreg [dreg:$0x3];
	s31 =	sshrl.u32 s21, $0x3  }
0x28: {  	s21 =	rddreg [dreg:$0x4];
	s29 =	sadd.s32 s29, s31;
	s31 =	smul.u32 $0xA000, s15  }
0x29: {  	s0 =	sadd.s32 s0, s20;
	s16 =	sadd.s32 s16, s21;
	[dreg:$0x16] =	wrdreg s29  }
0x2a: {  	s29 =	smul.u32 $0x1400, s3;
	_ =	strace $0x80000047;
	[dreg:$0x17] =	wrdreg s0  }
0x2b: {  	s15 =	smul.u32 $0x1400, s15;
	[smem:$0x7E3] =	sst s16  }
0x2c: {  	s16 =	sadd.s32 s9, s20;
	[dreg:$0x6] =	wrdreg s1;
	s29 =	sshrl.u32 s29, $0x2  }
0x2d: {  	s0 =	sadd.s32 s29, s21;
	s29 =	sshrl.u32 s28, $0x2;
	s28 =	smul.u32 $0xA000, s14  }
0x2e: {  	s30 =	sshrl.u32 s30, $0x2;
	[smem:$0x7F1] =	sst s16;
	s14 =	smul.u32 $0x1400, s14  }
0x2f: {  	[dreg:$0x18] =	wrdreg s0;
	s0 =	sadd.s32 s29, s20;
	s29 =	smul.u32 $0xA000, s13  }
0x30: {  	s31 =	sshrl.u32 s31, $0x2;
	s13 =	smul.u32 $0x1400, s13;
	[dreg:$0x19] =	wrdreg s0  }
0x31: {  	s0 =	sadd.s32 s30, s21;
	s30 =	sshrl.u32 s15, $0x2;
	s15 =	smul.u32 $0xA000, s12  }
0x32: {  	s12 =	smul.u32 $0x1400, s12;
	[dreg:$0x1a] =	wrdreg s0;
	s0 =	sadd.s32 s31, s20  }
0x33: {  	s31 =	sshrl.u32 s28, $0x2;
	[dreg:$0x1b] =	wrdreg s0;
	s0 =	sadd.s32 s30, s21  }
0x34: {  	s28 =	sshrl.u32 s14, $0x2;
	[dreg:$0x1c] =	wrdreg s0;
	s0 =	sadd.s32 s31, s20  }
0x35: {  	s30 =	sshrl.u32 s29, $0x2;
	s29 =	smul.u32 $0xA000, s7;
	[dreg:$0x1d] =	wrdreg s0  }
0x36: {  	s0 =	sadd.s32 s28, s21;
	s28 =	sshrl.u32 s15, $0x2;
	s15 =	sld [smem:$0x7E1]  }
0x37: {  	s12 =	sshrl.u32 s12, $0x2;
	[dreg:$0x1e] =	wrdreg s0;
	s0 =	sadd.s32 s30, s20  }
0x38: {  	s13 =	sshrl.u32 s13, $0x2;
	s30 =	sadd.s32 s12, s21;
	[dreg:$0x1f] =	wrdreg s0  }
0x39: {  	s12 =	sshrl.u32 s29, $0x2;
	s29 =	sadd.s32 s18, s21;
	[smem:$0x7DC] =	sst s30  }
0x3a: {  	s31 =	smul.u32 $0xA000, s11;
	s18 =	sadd.s32 s26, s21;
	[smem:$0x7E6] =	sst s29  }
0x3b: {  	s7 =	smul.u32 $0x1400, s7;
	s26 =	sadd.s32 $0xA200, s1;
	[smem:$0x7F2] =	sst s18  }
0x3c: {  	s14 =	sshrl.u32 s31, $0x2;
	s0 =	sadd.s32 s13, s21;
	[smem:$0x7F9] =	sst s26  }
0x3d: {  	s31 =	sadd.s32 s14, s20;
	[smem:$0x7DA] =	sst s0  }
0x3e: {  	s7 =	sshrl.u32 s7, $0x2;
	s13 =	sadd.s32 s12, s20;
	[smem:$0x7DD] =	sst s31  }
0x3f: {  	s14 =	sadd.s32 s7, s21;
	[smem:$0x7DF] =	sst s13  }
0x40: {  	[smem:$0x7E0] =	sst s14  }
0x41: {  	s30 =	sadd.s32 s2, s20;
	s0 =	sadd.s32 s28, s20;
	s28 =	sld [smem:$0x7E4]  }
0x42: {  	s2 =	sadd.s32 s4, s20;
	[smem:$0x7E7] =	sst s30  }
0x43: {  	s4 =	sadd.s32 s22, s21;
	[smem:$0x7E9] =	sst s2  }
0x44: {  	s7 =	sadd.s32 s5, s20;
	[smem:$0x7EA] =	sst s4  }
0x45: {  	s12 =	sadd.s32 s6, s20;
	[smem:$0x7EB] =	sst s7  }
0x46: {  	[smem:$0x7ED] =	sst s12  }
0x47: {  	s22 =	sadd.s32 $0xA000, s1;
	s31 =	sadd.s32 s19, s21;
	s19 =	sld [smem:$0x7F3]  }
0x48: {  	s29 =	sadd.s32 $0xA300, s1;
	[smem:$0x7F5] =	sst s22  }
0x49: {  	[smem:$0x7FB] =	sst s29  }
0x4a: {  	[smem:$0x7DB] =	sst s0  }
0x4b: {  	s13 =	sadd.s32 s24, s21;
	[smem:$0x7E8] =	sst s31  }
0x4c: {  	s11 =	smul.u32 $0x1400, s11;
	s14 =	sadd.s32 s8, s20;
	[smem:$0x7EE] =	sst s13  }
0x4d: {  	s24 =	sadd.s32 $0xA100, s1;
	[smem:$0x7EF] =	sst s14  }
0x4e: {  	s11 =	sshrl.u32 s11, $0x2;
	s30 =	sadd.s32 $0x400, s1;
	[smem:$0x7F7] =	sst s24  }
0x4f: {  	p0 =	sgt.u32 s3, $0xC;
	s0 =	sadd.s32 s11, s21;
	[smem:$0x7FC] =	sst s30  }
0x50: {  	s9 =	simm.s32 $0x5;
	s11 =	sadd.s32 s23, s21;
	[smem:$0x7DE] =	sst s0  }
0x51: {  	s18 =	simm.s32 $0x4E80;
	s23 =	sadd.s32 $0x100, s1;
	[smem:$0x7EC] =	sst s11  }
0x52: {  	s26 =	simm.s32 $0x4;
	s31 =	sadd.s32 $0xA400, s1;
	[smem:$0x7F6] =	sst s23  }
0x53: {  	s8 =	simm.s32 $0x1000;
	s0 =	sadd.s32 s15, s20;
	[smem:$0x7FD] =	sst s31  }
0x54: {  	s13 =	simm.s32 $0x7D;
	s15 =	sadd.s32 s25, s21;
	[smem:$0x7E2] =	sst s0  }
0x55: {  	s14 =	simm.s32 $0x1;
	s25 =	sadd.s32 $0x200, s1;
	[smem:$0x7F0] =	sst s15  }
0x56: {  	s24 =	simm.s32 $0x2;
	s0 =	sadd.s32 s28, s20;
	[smem:$0x7F8] =	sst s25  }
0x57: {  	s11 =	simm.s32 $0x94D0;
	s28 =	sadd.s32 $0x300, s1;
	[smem:$0x7E5] =	sst s0  }
0x58: {  	s23 =	simm.s32 $0x3;
	s0 =	smax.u32 s19, $0x1;
	[smem:$0x7FA] =	sst s28  }
0x59: {  	v0 =	vimm.f32 $0.0e+00;
	v1 =	vimm.f32 $1.000000000e+00;
	s15 =	simm.s32 $0x8D00;
	[smem:$0x7F4] =	sst s0;
	s0 =	simm.s32 $0x0  }
.LBB2_1:
0x5a: {  	s22 =	simm.s32 $0x1040  }
0x5b: {  	[tilespmem:s22+$0x20] =	vst v0  }
0x5c: {  	[tilespmem:s22+$0x10] =	vst v0  }
0x5d: {  	[tilespmem:s22+$0x0] =	vst v0  }
0x5e: {  	[tilespmem:s22+$0xFFFFFFF0] =	vst v0  }
0x5f: {  	[tilespmem:s22+$0xFFFFFFE0] =	vst v0  }
0x60: {  	[tilespmem:s22+$0xFFFFFFD0] =	vst v0  }
0x61: {  	[tilespmem:s22+$0xFFFFFFC0] =	vst v0  }
0x62: {  	[smem:$0x7D9] =	sst s0;
	s29 =	simm.s32 $0x0;
	s25 =	simm.s32 $0x40;
	[tilespmem:s22+$0x30] =	vst v0  }
.LBB2_2:
0x63: {  	p1 =	sne.s32 s25, $0x13C0;
	[tilespmem:s29+$0x94D0] =	vst v0  }
0x64: {  	s22 =	sadd.s32 $0x80, s22;
	[tilespmem:s29+$0x8D00] =	vst v1  }
0x65: {  	[tilespmem:s22+$0x20] =	vst v0  }
0x66: {  	[tilespmem:s22+$0x10] =	vst v0  }
0x67: {  	[tilespmem:s22+$0x0] =	vst v0  }
.Ltmp0:
0x68: {  	[tilespmem:s22+$0xFFFFFFF0] =	vst v0;
	(pc) =	sbr.rel @p1 .LBB2_2-.Ltmp0, $4  }
0x69: {  	[tilespmem:s22+$0xFFFFFFE0] =	vst v0  }
0x6a: {  	[tilespmem:s22+$0xFFFFFFD0] =	vst v0  }
0x6b: {  	[tilespmem:s22+$0xFFFFFFC0] =	vst v0  }
0x6c: {  	s29 =	sshra.s32 s25, $0x2;
	s25 =	sadd.s32 $0x40, s25;
	[tilespmem:s22+$0x30] =	vst v0  }
0x6d: {  	[tilespmem:s29+$0x94D0] =	vst v0  }
0x6e: {  	[tilespmem:s29+$0x8D00] =	vst v1  }
0x6f: {  	[tilespmem:$0x9200] =	vst v1  }
0x70: {  	[tilespmem:$0x9210] =	vst v1  }
0x71: {  	[tilespmem:$0x9220] =	vst v1  }
0x72: {  	[tilespmem:$0x9230] =	vst v1  }
0x73: {  	[tilespmem:$0x9240] =	vst v1  }
0x74: {  	[tilespmem:$0x9250] =	vst v1  }
0x75: {  	[tilespmem:$0x9260] =	vst v1  }
0x76: {  	[tilespmem:$0x9270] =	vst v1  }
0x77: {  	[tilespmem:$0x9280] =	vst v1  }
0x78: {  	[tilespmem:$0x9290] =	vst v1  }
0x79: {  	[tilespmem:$0x92A0] =	vst v1  }
0x7a: {  	[tilespmem:$0x92B0] =	vst v1  }
0x7b: {  	[tilespmem:$0x92C0] =	vst v1  }
0x7c: {  	[tilespmem:$0x92D0] =	vst v1  }
0x7d: {  	[tilespmem:$0x92E0] =	vst v1  }
0x7e: {  	[tilespmem:$0x92F0] =	vst v1  }
0x7f: {  	[tilespmem:$0x9300] =	vst v1  }
0x80: {  	[tilespmem:$0x9310] =	vst v1  }
0x81: {  	[tilespmem:$0x9320] =	vst v1  }
0x82: {  	[tilespmem:$0x9330] =	vst v1  }
0x83: {  	[tilespmem:$0x9340] =	vst v1  }
0x84: {  	[tilespmem:$0x9350] =	vst v1  }
0x85: {  	[tilespmem:$0x9360] =	vst v1  }
0x86: {  	[tilespmem:$0x9370] =	vst v1  }
0x87: {  	[tilespmem:$0x9380] =	vst v1  }
0x88: {  	[tilespmem:$0x9390] =	vst v1  }
0x89: {  	[tilespmem:$0x93A0] =	vst v1  }
0x8a: {  	[tilespmem:$0x93B0] =	vst v1  }
0x8b: {  	[tilespmem:$0x93C0] =	vst v1  }
0x8c: {  	[tilespmem:$0x93D0] =	vst v1  }
0x8d: {  	[tilespmem:$0x93E0] =	vst v1  }
0x8e: {  	[tilespmem:$0x93F0] =	vst v1  }
0x8f: {  	[tilespmem:$0x9400] =	vst v1  }
0x90: {  	[tilespmem:$0x9410] =	vst v1  }
0x91: {  	[tilespmem:$0x9420] =	vst v1  }
0x92: {  	[tilespmem:$0x9430] =	vst v1  }
0x93: {  	[tilespmem:$0x9440] =	vst v1  }
0x94: {  	[tilespmem:$0x9450] =	vst v1  }
0x95: {  	[tilespmem:$0x9460] =	vst v1  }
0x96: {  	[tilespmem:$0x9470] =	vst v1  }
0x97: {  	[tilespmem:$0x9480] =	vst v1  }
0x98: {  	[tilespmem:$0x9490] =	vst v1  }
0x99: {  	[tilespmem:$0x94A0] =	vst v1  }
0x9a: {  	[tilespmem:$0x94B0] =	vst v1  }
0x9b: {  	[tilespmem:$0x94C0] =	vst v1;
	s22 =	rddreg [dreg:$0x17]  }
0x9c: {  	[spmem:s22] =	stream.linear.scatter [tilespmem:s8], [sflag:$0x5], $0x2800, $0x38;
	[tilespmem:$0x1F960] =	vst v63  }
0x9d: {  	_ =	swait.ge [sflag:s9], $0x2800  }
0x9e: {  	[sflag:s9] =	ssyncset.done $0x0  }
0x9f: {  	s29 =	rddreg [dreg:$0x18];
	[sflag:s9] =	ssyncadd.s32 $0xFFFFD800  }
0xa0: {  	[spmem:s29] =	stream.linear.scatter [tilespmem:s11], [sflag:$0x5], $0x500, $0x38;
	[tilespmem:$0x1F960] =	vst v63  }
0xa1: {  	_ =	swait.ge [sflag:s9], $0x500  }
0xa2: {  	[sflag:s9] =	ssyncset.done $0x0  }
0xa3: {  	s30 =	rddreg [dreg:$0x19];
	[sflag:s9] =	ssyncadd.s32 $0xFFFFFB00  }
0xa4: {  	[spmem:s30] =	stream.linear.scatter [tilespmem:s8], [sflag:$0x5], $0x2800, $0x38;
	[tilespmem:$0x1F960] =	vst v63  }
0xa5: {  	_ =	swait.ge [sflag:s9], $0x2800  }
0xa6: {  	[sflag:s9] =	ssyncset.done $0x0  }
0xa7: {  	s31 =	rddreg [dreg:$0x1a];
	[sflag:s9] =	ssyncadd.s32 $0xFFFFD800  }
0xa8: {  	[spmem:s31] =	stream.linear.scatter [tilespmem:s11], [sflag:$0x5], $0x500, $0x38;
	[tilespmem:$0x1F960] =	vst v63  }
0xa9: {  	_ =	swait.ge [sflag:s9], $0x500  }
0xaa: {  	[sflag:s9] =	ssyncset.done $0x0  }
0xab: {  	s0 =	rddreg [dreg:$0x1b];
	[sflag:s9] =	ssyncadd.s32 $0xFFFFFB00  }
0xac: {  	[spmem:s0] =	stream.linear.scatter [tilespmem:s8], [sflag:$0x5], $0x2800, $0x38;
	[tilespmem:$0x1F960] =	vst v63  }
0xad: {  	_ =	swait.ge [sflag:s9], $0x2800  }
0xae: {  	[sflag:s9] =	ssyncset.done $0x0  }
0xaf: {  	s1 =	rddreg [dreg:$0x1c];
	[sflag:s9] =	ssyncadd.s32 $0xFFFFD800  }
0xb0: {  	[spmem:s1] =	stream.linear.scatter [tilespmem:s11], [sflag:$0x5], $0x500, $0x38;
	[tilespmem:$0x1F960] =	vst v63  }
0xb1: {  	_ =	swait.ge [sflag:s9], $0x500  }
0xb2: {  	[sflag:s9] =	ssyncset.done $0x0  }
0xb3: {  	s2 =	rddreg [dreg:$0x1d];
	[sflag:s9] =	ssyncadd.s32 $0xFFFFFB00  }
0xb4: {  	[spmem:s2] =	stream.linear.scatter [tilespmem:s8], [sflag:$0x5], $0x2800, $0x38;
	[tilespmem:$0x1F960] =	vst v63  }
0xb5: {  	_ =	swait.ge [sflag:s9], $0x2800  }
0xb6: {  	[sflag:s9] =	ssyncset.done $0x0  }
0xb7: {  	s3 =	rddreg [dreg:$0x1e];
	[sflag:s9] =	ssyncadd.s32 $0xFFFFD800  }
0xb8: {  	[spmem:s3] =	stream.linear.scatter [tilespmem:s11], [sflag:$0x5], $0x500, $0x38;
	[tilespmem:$0x1F960] =	vst v63  }
0xb9: {  	_ =	swait.ge [sflag:s9], $0x500  }
0xba: {  	[sflag:s9] =	ssyncset.done $0x0  }
0xbb: {  	s4 =	rddreg [dreg:$0x1f];
	[sflag:s9] =	ssyncadd.s32 $0xFFFFFB00  }
0xbc: {  	[spmem:s4] =	stream.linear.scatter [tilespmem:s8], [sflag:$0x5], $0x2800, $0x38;
	[tilespmem:$0x1F960] =	vst v63  }
0xbd: {  	_ =	swait.ge [sflag:s9], $0x2800  }
0xbe: {  	s5 =	sld [smem:$0x7DA]  }
0xbf: {  	[sflag:s9] =	ssyncset.done $0x0  }
0xc0: {  	[sflag:s9] =	ssyncadd.s32 $0xFFFFD800  }
0xc1: {  	[spmem:s5] =	stream.linear.scatter [tilespmem:s11], [sflag:$0x5], $0x500, $0x38;
	[tilespmem:$0x1F960] =	vst v63  }
0xc2: {  	_ =	swait.ge [sflag:s9], $0x500  }
0xc3: {  	s6 =	sld [smem:$0x7DB]  }
0xc4: {  	[sflag:s9] =	ssyncset.done $0x0  }
0xc5: {  	[sflag:s9] =	ssyncadd.s32 $0xFFFFFB00  }
0xc6: {  	[spmem:s6] =	stream.linear.scatter [tilespmem:s8], [sflag:$0x5], $0x2800, $0x38;
	[tilespmem:$0x1F960] =	vst v63  }
0xc7: {  	_ =	swait.ge [sflag:s9], $0x2800  }
0xc8: {  	s7 =	sld [smem:$0x7DC]  }
0xc9: {  	[sflag:s9] =	ssyncset.done $0x0  }
0xca: {  	[sflag:s9] =	ssyncadd.s32 $0xFFFFD800  }
0xcb: {  	[spmem:s7] =	stream.linear.scatter [tilespmem:s11], [sflag:$0x5], $0x500, $0x38;
	[tilespmem:$0x1F960] =	vst v63  }
0xcc: {  	_ =	swait.ge [sflag:s9], $0x500  }
0xcd: {  	s12 =	sld [smem:$0x7DD]  }
0xce: {  	[sflag:s9] =	ssyncset.done $0x0  }
0xcf: {  	[sflag:s9] =	ssyncadd.s32 $0xFFFFFB00  }
0xd0: {  	[spmem:s12] =	stream.linear.scatter [tilespmem:s8], [sflag:$0x5], $0x2800, $0x38;
	[tilespmem:$0x1F960] =	vst v63  }
0xd1: {  	_ =	swait.ge [sflag:s9], $0x2800  }
0xd2: {  	s16 =	sld [smem:$0x7DE]  }
0xd3: {  	[sflag:s9] =	ssyncset.done $0x0  }
0xd4: {  	[sflag:s9] =	ssyncadd.s32 $0xFFFFD800  }
0xd5: {  	[spmem:s16] =	stream.linear.scatter [tilespmem:s11], [sflag:$0x5], $0x500, $0x38;
	[tilespmem:$0x1F960] =	vst v63  }
0xd6: {  	_ =	swait.ge [sflag:s9], $0x500  }
0xd7: {  	s22 =	sld [smem:$0x7DF]  }
0xd8: {  	[sflag:s9] =	ssyncset.done $0x0  }
0xd9: {  	s0 =	simm.s32 @!p0 $0x1000;
	[sflag:s9] =	ssyncadd.s32 $0xFFFFFB00  }
0xda: {  	[spmem:s22] =	stream.linear.scatter @!p0 [tilespmem:s0], [sflag:$0x5], $0x2800, $0x38;
	[tilespmem:$0x1F960] =	vst v63  }
0xdb: {  	s22 =	simm.s32 @!p0 $0x5  }
0xdc: {  	_ =	swait.ge @!p0 [sflag:s22], $0x2800  }
0xdd: {  	s25 =	sld [smem:$0x7E0]  }
0xde: {  	[sflag:s22] =	ssyncset.done @!p0 $0x0  }
0xdf: {  	s0 =	simm.s32 @!p0 $0x94D0;
	[sflag:s22] =	ssyncadd.s32 @!p0 $0xFFFFD800  }
0xe0: {  	[spmem:s25] =	stream.linear.scatter @!p0 [tilespmem:s0], [sflag:$0x5], $0x500, $0x38;
	[tilespmem:$0x1F960] =	vst v63  }
0xe1: {  	_ =	swait.ge @!p0 [sflag:s22], $0x500  }
0xe2: {  	[sflag:s22] =	ssyncset.done @!p0 $0x0  }
0xe3: {  	[sflag:s22] =	ssyncadd.s32 @!p0 $0xFFFFFB00  }
0xe4: {  	[bflag:$0x0] =	sbarrier.arrive $0xFFFF  }
0xe5: {  	s19 =	rddreg [dreg:$0x6]  }
0xe6: {  	[tilespmem:s10], [sflag:$0x5] =	stream.linear.gather [hbm4b:s19+s10], $0x800, $0x38;
	[tilespmem:$0x1F960] =	vst v63  }
0xe7: {  	_ =	swait.ge [sflag:s9], $0x800  }
0xe8: {  	s28 =	sld [smem:$0x7F5]  }
0xe9: {  	[sflag:s9] =	ssyncset.done $0x0  }
0xea: {  	s0 =	simm.s32 $0x800;
	[sflag:s9] =	ssyncadd.s32 $0xFFFFF800  }
0xeb: {  	[tilespmem:s0], [sflag:$0x5] =	stream.linear.gather [hbm4b:s28+s10], $0x800, $0x38;
	[tilespmem:$0x1F960] =	vst v63  }
0xec: {  	_ =	swait.ge [sflag:s9], $0x800  }
0xed: {  	[sflag:s9] =	ssyncset.done $0x0  }
0xee: {  	[sflag:s9] =	ssyncadd.s32 $0xFFFFF800  }
0xef: {  	[tilespmem:s8], [sflag:$0x1] =	stream.indirect.gather [hbm4b:s17+s13], $0x80, s10, s13, $0xb8;
	[tilespmem:$0x1F960] =	vst v63  }
0xf0: {  	_ =	swait.ge [sflag:s14], $0x3E80  }
0xf1: {  	[sflag:s14] =	ssyncset.done $0x0  }
0xf2: {  	[sflag:s14] =	ssyncadd.s32 $0xFFFFC180  }
0xf3: {  	[spmem:s20] =	stream.indirect.scatter.add.f32 [tilespmem:s8], [sflag:$0x3], $0x80, s0, s13, $0xb8;
	[tilespmem:$0x1F960] =	vst v63  }
0xf4: {  	_ = 	snop  }
0xf5: {  	[spmem:s21] =	stream.indirect.scatter.add.f32 [tilespmem:s15], [sflag:$0x2], $0x10, s0, s13, $0xb8;
	[tilespmem:$0x1F960] =	vst v63  }
0xf6: {  	s1 =	simm.s32 $0x80  }
0xf7: {  	[tilespmem:s18], [sflag:$0x1] =	stream.indirect.gather [hbm4b:s17+s13], $0x80, s1, s13, $0xb8;
	[tilespmem:$0x1F960] =	vst v63  }
0xf8: {  	_ =	swait.ge [sflag:s14], $0x3E80  }
0xf9: {  	[sflag:s14] =	ssyncset.done $0x0  }
0xfa: {  	s29 =	simm.s32 $0x880;
	[sflag:s14] =	ssyncadd.s32 $0xFFFFC180  }
0xfb: {  	[spmem:s20] =	stream.indirect.scatter.add.f32 [tilespmem:s18], [sflag:$0x4], $0x80, s29, s13, $0xb8;
	[tilespmem:$0x1F960] =	vst v63  }
0xfc: {  	_ = 	snop  }
0xfd: {  	[spmem:s21] =	stream.indirect.scatter.add.f32 [tilespmem:s15], [sflag:$0x2], $0x10, s29, s13, $0xb8;
	[tilespmem:$0x1F960] =	vst v63  }
0xfe: {  	_ =	swait.ge [sflag:s23], $0x3E80  }
0xff: {  	[sflag:s23] =	ssyncset.done $0x0  }
0x100: {  	s30 =	simm.s32 $0x100;
	[sflag:s23] =	ssyncadd.s32 $0xFFFFC180  }
0x101: {  	[tilespmem:s8], [sflag:$0x1] =	stream.indirect.gather [hbm4b:s17+s13], $0x80, s30, s13, $0xb8;
	[tilespmem:$0x1F960] =	vst v63  }
0x102: {  	_ =	swait.ge [sflag:s14], $0x3E80  }
0x103: {  	[sflag:s14] =	ssyncset.done $0x0  }
0x104: {  	s31 =	simm.s32 $0x900;
	[sflag:s14] =	ssyncadd.s32 $0xFFFFC180  }
0x105: {  	[spmem:s20] =	stream.indirect.scatter.add.f32 [tilespmem:s8], [sflag:$0x3], $0x80, s31, s13, $0xb8;
	[tilespmem:$0x1F960] =	vst v63  }
0x106: {  	_ = 	snop  }
0x107: {  	[spmem:s21] =	stream.indirect.scatter.add.f32 [tilespmem:s15], [sflag:$0x2], $0x10, s31, s13, $0xb8;
	[tilespmem:$0x1F960] =	vst v63  }
0x108: {  	_ =	swait.ge [sflag:s26], $0x3E80  }
0x109: {  	[sflag:s26] =	ssyncset.done $0x0  }
0x10a: {  	s2 =	simm.s32 $0x180;
	[sflag:s26] =	ssyncadd.s32 $0xFFFFC180  }
0x10b: {  	[tilespmem:s18], [sflag:$0x1] =	stream.indirect.gather [hbm4b:s17+s13], $0x80, s2, s13, $0xb8;
	[tilespmem:$0x1F960] =	vst v63  }
0x10c: {  	_ =	swait.ge [sflag:s14], $0x3E80  }
0x10d: {  	[sflag:s14] =	ssyncset.done $0x0  }
0x10e: {  	s4 =	simm.s32 $0x980;
	[sflag:s14] =	ssyncadd.s32 $0xFFFFC180  }
0x10f: {  	[spmem:s20] =	stream.indirect.scatter.add.f32 [tilespmem:s18], [sflag:$0x4], $0x80, s4, s13, $0xb8;
	[tilespmem:$0x1F960] =	vst v63  }
0x110: {  	_ = 	snop  }
0x111: {  	[spmem:s21] =	stream.indirect.scatter.add.f32 [tilespmem:s15], [sflag:$0x2], $0x10, s4, s13, $0xb8;
	[tilespmem:$0x1F960] =	vst v63  }
0x112: {  	_ =	swait.ge [sflag:s23], $0x3E80  }
0x113: {  	[sflag:s23] =	ssyncset.done $0x0  }
0x114: {  	s5 =	simm.s32 $0x200;
	[sflag:s23] =	ssyncadd.s32 $0xFFFFC180  }
0x115: {  	[tilespmem:s8], [sflag:$0x1] =	stream.indirect.gather [hbm4b:s17+s13], $0x80, s5, s13, $0xb8;
	[tilespmem:$0x1F960] =	vst v63  }
0x116: {  	_ =	swait.ge [sflag:s14], $0x3E80  }
0x117: {  	[sflag:s14] =	ssyncset.done $0x0  }
0x118: {  	s6 =	simm.s32 $0xA00;
	[sflag:s14] =	ssyncadd.s32 $0xFFFFC180  }
0x119: {  	[spmem:s20] =	stream.indirect.scatter.add.f32 [tilespmem:s8], [sflag:$0x3], $0x80, s6, s13, $0xb8;
	[tilespmem:$0x1F960] =	vst v63  }
0x11a: {  	_ = 	snop  }
0x11b: {  	[spmem:s21] =	stream.indirect.scatter.add.f32 [tilespmem:s15], [sflag:$0x2], $0x10, s6, s13, $0xb8;
	[tilespmem:$0x1F960] =	vst v63  }
0x11c: {  	_ =	swait.ge [sflag:s26], $0x3E80  }
0x11d: {  	[sflag:s26] =	ssyncset.done $0x0  }
0x11e: {  	s7 =	simm.s32 $0x280;
	[sflag:s26] =	ssyncadd.s32 $0xFFFFC180  }
0x11f: {  	[tilespmem:s18], [sflag:$0x1] =	stream.indirect.gather [hbm4b:s17+s13], $0x80, s7, s13, $0xb8;
	[tilespmem:$0x1F960] =	vst v63  }
0x120: {  	_ =	swait.ge [sflag:s14], $0x3E80  }
0x121: {  	[sflag:s14] =	ssyncset.done $0x0  }
0x122: {  	s12 =	simm.s32 $0xA80;
	[sflag:s14] =	ssyncadd.s32 $0xFFFFC180  }
0x123: {  	[spmem:s20] =	stream.indirect.scatter.add.f32 [tilespmem:s18], [sflag:$0x4], $0x80, s12, s13, $0xb8;
	[tilespmem:$0x1F960] =	vst v63  }
0x124: {  	_ = 	snop  }
0x125: {  	[spmem:s21] =	stream.indirect.scatter.add.f32 [tilespmem:s15], [sflag:$0x2], $0x10, s12, s13, $0xb8;
	[tilespmem:$0x1F960] =	vst v63  }
0x126: {  	_ =	swait.ge [sflag:s23], $0x3E80  }
0x127: {  	[sflag:s23] =	ssyncset.done $0x0  }
0x128: {  	s16 =	simm.s32 $0x300;
	[sflag:s23] =	ssyncadd.s32 $0xFFFFC180  }
0x129: {  	[tilespmem:s8], [sflag:$0x1] =	stream.indirect.gather [hbm4b:s17+s13], $0x80, s16, s13, $0xb8;
	[tilespmem:$0x1F960] =	vst v63  }
0x12a: {  	_ =	swait.ge [sflag:s14], $0x3E80  }
0x12b: {  	[sflag:s14] =	ssyncset.done $0x0  }
0x12c: {  	s19 =	simm.s32 $0xB00;
	[sflag:s14] =	ssyncadd.s32 $0xFFFFC180  }
0x12d: {  	[spmem:s20] =	stream.indirect.scatter.add.f32 [tilespmem:s8], [sflag:$0x3], $0x80, s19, s13, $0xb8;
	[tilespmem:$0x1F960] =	vst v63  }
0x12e: {  	_ = 	snop  }
0x12f: {  	[spmem:s21] =	stream.indirect.scatter.add.f32 [tilespmem:s15], [sflag:$0x2], $0x10, s19, s13, $0xb8;
	[tilespmem:$0x1F960] =	vst v63  }
0x130: {  	_ =	swait.ge [sflag:s26], $0x3E80  }
0x131: {  	[sflag:s26] =	ssyncset.done $0x0  }
0x132: {  	s25 =	simm.s32 $0x380;
	[sflag:s26] =	ssyncadd.s32 $0xFFFFC180  }
0x133: {  	[tilespmem:s18], [sflag:$0x1] =	stream.indirect.gather [hbm4b:s17+s13], $0x80, s25, s13, $0xb8;
	[tilespmem:$0x1F960] =	vst v63  }
0x134: {  	_ =	swait.ge [sflag:s14], $0x3E80  }
0x135: {  	[sflag:s14] =	ssyncset.done $0x0  }
0x136: {  	s28 =	simm.s32 $0xB80;
	[sflag:s14] =	ssyncadd.s32 $0xFFFFC180  }
0x137: {  	[spmem:s20] =	stream.indirect.scatter.add.f32 [tilespmem:s18], [sflag:$0x4], $0x80, s28, s13, $0xb8;
	[tilespmem:$0x1F960] =	vst v63  }
0x138: {  	_ = 	snop  }
0x139: {  	[spmem:s21] =	stream.indirect.scatter.add.f32 [tilespmem:s15], [sflag:$0x2], $0x10, s28, s13, $0xb8;
	[tilespmem:$0x1F960] =	vst v63  }
0x13a: {  	_ =	swait.ge [sflag:s23], $0x3E80  }
0x13b: {  	[sflag:s23] =	ssyncset.done $0x0  }
0x13c: {  	s29 =	simm.s32 $0x400;
	[sflag:s23] =	ssyncadd.s32 $0xFFFFC180  }
0x13d: {  	[tilespmem:s8], [sflag:$0x1] =	stream.indirect.gather [hbm4b:s17+s13], $0x80, s29, s13, $0xb8;
	[tilespmem:$0x1F960] =	vst v63  }
0x13e: {  	_ =	swait.ge [sflag:s14], $0x3E80  }
0x13f: {  	[sflag:s14] =	ssyncset.done $0x0  }
0x140: {  	s30 =	simm.s32 $0xC00;
	[sflag:s14] =	ssyncadd.s32 $0xFFFFC180  }
0x141: {  	[spmem:s20] =	stream.indirect.scatter.add.f32 [tilespmem:s8], [sflag:$0x3], $0x80, s30, s13, $0xb8;
	[tilespmem:$0x1F960] =	vst v63  }
0x142: {  	_ = 	snop  }
0x143: {  	[spmem:s21] =	stream.indirect.scatter.add.f32 [tilespmem:s15], [sflag:$0x2], $0x10, s30, s13, $0xb8;
	[tilespmem:$0x1F960] =	vst v63  }
0x144: {  	_ =	swait.ge [sflag:s26], $0x3E80  }
0x145: {  	[sflag:s26] =	ssyncset.done $0x0  }
0x146: {  	s31 =	simm.s32 $0x480;
	[sflag:s26] =	ssyncadd.s32 $0xFFFFC180  }
0x147: {  	[tilespmem:s18], [sflag:$0x1] =	stream.indirect.gather [hbm4b:s17+s13], $0x80, s31, s13, $0xb8;
	[tilespmem:$0x1F960] =	vst v63  }
0x148: {  	_ =	swait.ge [sflag:s14], $0x3E80  }
0x149: {  	[sflag:s14] =	ssyncset.done $0x0  }
0x14a: {  	s2 =	simm.s32 $0xC80;
	[sflag:s14] =	ssyncadd.s32 $0xFFFFC180  }
0x14b: {  	[spmem:s20] =	stream.indirect.scatter.add.f32 [tilespmem:s18], [sflag:$0x4], $0x80, s2, s13, $0xb8;
	[tilespmem:$0x1F960] =	vst v63  }
0x14c: {  	_ = 	snop  }
0x14d: {  	[spmem:s21] =	stream.indirect.scatter.add.f32 [tilespmem:s15], [sflag:$0x2], $0x10, s2, s13, $0xb8;
	[tilespmem:$0x1F960] =	vst v63  }
0x14e: {  	_ =	swait.ge [sflag:s23], $0x3E80  }
0x14f: {  	[sflag:s23] =	ssyncset.done $0x0  }
0x150: {  	s4 =	simm.s32 $0x500;
	[sflag:s23] =	ssyncadd.s32 $0xFFFFC180  }
0x151: {  	[tilespmem:s8], [sflag:$0x1] =	stream.indirect.gather [hbm4b:s17+s13], $0x80, s4, s13, $0xb8;
	[tilespmem:$0x1F960] =	vst v63  }
0x152: {  	_ =	swait.ge [sflag:s14], $0x3E80  }
0x153: {  	[sflag:s14] =	ssyncset.done $0x0  }
0x154: {  	s5 =	simm.s32 $0xD00;
	[sflag:s14] =	ssyncadd.s32 $0xFFFFC180  }
0x155: {  	[spmem:s20] =	stream.indirect.scatter.add.f32 [tilespmem:s8], [sflag:$0x3], $0x80, s5, s13, $0xb8;
	[tilespmem:$0x1F960] =	vst v63  }
0x156: {  	_ = 	snop  }
0x157: {  	[spmem:s21] =	stream.indirect.scatter.add.f32 [tilespmem:s15], [sflag:$0x2], $0x10, s5, s13, $0xb8;
	[tilespmem:$0x1F960] =	vst v63  }
0x158: {  	_ =	swait.ge [sflag:s26], $0x3E80  }
0x159: {  	[sflag:s26] =	ssyncset.done $0x0  }
0x15a: {  	s6 =	simm.s32 $0x580;
	[sflag:s26] =	ssyncadd.s32 $0xFFFFC180  }
0x15b: {  	[tilespmem:s18], [sflag:$0x1] =	stream.indirect.gather [hbm4b:s17+s13], $0x80, s6, s13, $0xb8;
	[tilespmem:$0x1F960] =	vst v63  }
0x15c: {  	_ =	swait.ge [sflag:s14], $0x3E80  }
0x15d: {  	[sflag:s14] =	ssyncset.done $0x0  }
0x15e: {  	s7 =	simm.s32 $0xD80;
	[sflag:s14] =	ssyncadd.s32 $0xFFFFC180  }
0x15f: {  	[spmem:s20] =	stream.indirect.scatter.add.f32 [tilespmem:s18], [sflag:$0x4], $0x80, s7, s13, $0xb8;
	[tilespmem:$0x1F960] =	vst v63  }
0x160: {  	_ = 	snop  }
0x161: {  	[spmem:s21] =	stream.indirect.scatter.add.f32 [tilespmem:s15], [sflag:$0x2], $0x10, s7, s13, $0xb8;
	[tilespmem:$0x1F960] =	vst v63  }
0x162: {  	_ =	swait.ge [sflag:s23], $0x3E80  }
0x163: {  	[sflag:s23] =	ssyncset.done $0x0  }
0x164: {  	s12 =	simm.s32 $0x600;
	[sflag:s23] =	ssyncadd.s32 $0xFFFFC180  }
0x165: {  	[tilespmem:s8], [sflag:$0x1] =	stream.indirect.gather [hbm4b:s17+s13], $0x80, s12, s13, $0xb8;
	[tilespmem:$0x1F960] =	vst v63  }
0x166: {  	_ =	swait.ge [sflag:s14], $0x3E80  }
0x167: {  	[sflag:s14] =	ssyncset.done $0x0  }
0x168: {  	s6 =	simm.s32 $0xE00;
	[sflag:s14] =	ssyncadd.s32 $0xFFFFC180  }
0x169: {  	[spmem:s20] =	stream.indirect.scatter.add.f32 [tilespmem:s8], [sflag:$0x3], $0x80, s6, s13, $0xb8;
	[tilespmem:$0x1F960] =	vst v63  }
0x16a: {  	_ = 	snop  }
0x16b: {  	[spmem:s21] =	stream.indirect.scatter.add.f32 [tilespmem:s15], [sflag:$0x2], $0x10, s6, s13, $0xb8;
	[tilespmem:$0x1F960] =	vst v63  }
0x16c: {  	_ =	swait.ge [sflag:s26], $0x3E80  }
0x16d: {  	[sflag:s26] =	ssyncset.done $0x0  }
0x16e: {  	s16 =	simm.s32 $0x680;
	[sflag:s26] =	ssyncadd.s32 $0xFFFFC180  }
0x16f: {  	[tilespmem:s18], [sflag:$0x1] =	stream.indirect.gather [hbm4b:s17+s13], $0x80, s16, s13, $0xb8;
	[tilespmem:$0x1F960] =	vst v63  }
0x170: {  	_ =	swait.ge [sflag:s14], $0x3E80  }
0x171: {  	[sflag:s14] =	ssyncset.done $0x0  }
0x172: {  	s2 =	simm.s32 $0xE80;
	[sflag:s14] =	ssyncadd.s32 $0xFFFFC180  }
0x173: {  	[spmem:s20] =	stream.indirect.scatter.add.f32 [tilespmem:s18], [sflag:$0x4], $0x80, s2, s13, $0xb8;
	[tilespmem:$0x1F960] =	vst v63  }
0x174: {  	_ = 	snop  }
0x175: {  	[spmem:s21] =	stream.indirect.scatter.add.f32 [tilespmem:s15], [sflag:$0x2], $0x10, s2, s13, $0xb8;
	[tilespmem:$0x1F960] =	vst v63  }
0x176: {  	_ =	swait.ge [sflag:s23], $0x3E80  }
0x177: {  	[sflag:s23] =	ssyncset.done $0x0  }
0x178: {  	s19 =	simm.s32 $0x700;
	[sflag:s23] =	ssyncadd.s32 $0xFFFFC180  }
0x179: {  	[tilespmem:s8], [sflag:$0x1] =	stream.indirect.gather [hbm4b:s17+s13], $0x80, s19, s13, $0xb8;
	[tilespmem:$0x1F960] =	vst v63  }
0x17a: {  	_ =	swait.ge [sflag:s14], $0x3E80  }
0x17b: {  	[sflag:s14] =	ssyncset.done $0x0  }
0x17c: {  	s12 =	simm.s32 $0xF00;
	[sflag:s14] =	ssyncadd.s32 $0xFFFFC180  }
0x17d: {  	[spmem:s20] =	stream.indirect.scatter.add.f32 [tilespmem:s8], [sflag:$0x3], $0x80, s12, s13, $0xb8;
	[tilespmem:$0x1F960] =	vst v63  }
0x17e: {  	_ = 	snop  }
0x17f: {  	[spmem:s21] =	stream.indirect.scatter.add.f32 [tilespmem:s15], [sflag:$0x2], $0x10, s12, s13, $0xb8;
	[tilespmem:$0x1F960] =	vst v63  }
0x180: {  	_ =	swait.ge [sflag:s26], $0x3E80  }
0x181: {  	[sflag:s26] =	ssyncset.done $0x0  }
0x182: {  	s25 =	simm.s32 $0x780;
	[sflag:s26] =	ssyncadd.s32 $0xFFFFC180  }
0x183: {  	[tilespmem:s18], [sflag:$0x1] =	stream.indirect.gather [hbm4b:s17+s13], $0x80, s25, s13, $0xb8;
	[tilespmem:$0x1F960] =	vst v63  }
0x184: {  	_ =	swait.ge [sflag:s14], $0x3E80  }
0x185: {  	[sflag:s14] =	ssyncset.done $0x0  }
0x186: {  	s1 =	simm.s32 $0xF80;
	[sflag:s14] =	ssyncadd.s32 $0xFFFFC180  }
0x187: {  	[spmem:s20] =	stream.indirect.scatter.add.f32 [tilespmem:s18], [sflag:$0x4], $0x80, s1, s13, $0xb8;
	[tilespmem:$0x1F960] =	vst v63  }
0x188: {  	_ = 	snop  }
0x189: {  	[spmem:s21] =	stream.indirect.scatter.add.f32 [tilespmem:s15], [sflag:$0x2], $0x10, s1, s13, $0xb8;
	[tilespmem:$0x1F960] =	vst v63  }
0x18a: {  	_ =	swait.ge [sflag:s23], $0x3E80  }
0x18b: {  	[sflag:s23] =	ssyncset.done $0x0  }
0x18c: {  	[sflag:s23] =	ssyncadd.s32 $0xFFFFC180  }
0x18d: {  	_ =	swait.ge [sflag:s26], $0x3E80  }
0x18e: {  	[sflag:s26] =	ssyncset.done $0x0  }
0x18f: {  	[sflag:s26] =	ssyncadd.s32 $0xFFFFC180  }
0x190: {  	_ =	swait.ge [sflag:s24], $0x7D0  }
0x191: {  	[sflag:s24] =	ssyncset.done $0x0  }
0x192: {  	[sflag:s24] =	ssyncadd.s32 $0xFFFFF830  }
0x193: {  	_ =	swait.ge [sflag:s24], $0x7D0  }
0x194: {  	[sflag:s24] =	ssyncset.done $0x0  }
0x195: {  	[sflag:s24] =	ssyncadd.s32 $0xFFFFF830  }
0x196: {  	_ =	swait.ge [sflag:s24], $0x7D0  }
0x197: {  	[sflag:s24] =	ssyncset.done $0x0  }
0x198: {  	[sflag:s24] =	ssyncadd.s32 $0xFFFFF830  }
0x199: {  	_ =	swait.ge [sflag:s24], $0x7D0  }
0x19a: {  	[sflag:s24] =	ssyncset.done $0x0  }
0x19b: {  	[sflag:s24] =	ssyncadd.s32 $0xFFFFF830  }
0x19c: {  	_ =	swait.ge [sflag:s24], $0x7D0  }
0x19d: {  	[sflag:s24] =	ssyncset.done $0x0  }
0x19e: {  	[sflag:s24] =	ssyncadd.s32 $0xFFFFF830  }
0x19f: {  	_ =	swait.ge [sflag:s24], $0x7D0  }
0x1a0: {  	[sflag:s24] =	ssyncset.done $0x0  }
0x1a1: {  	[sflag:s24] =	ssyncadd.s32 $0xFFFFF830  }
0x1a2: {  	_ =	swait.ge [sflag:s24], $0x7D0  }
0x1a3: {  	[sflag:s24] =	ssyncset.done $0x0  }
0x1a4: {  	[sflag:s24] =	ssyncadd.s32 $0xFFFFF830  }
0x1a5: {  	_ =	swait.ge [sflag:s24], $0x7D0  }
0x1a6: {  	[sflag:s24] =	ssyncset.done $0x0  }
0x1a7: {  	[sflag:s24] =	ssyncadd.s32 $0xFFFFF830  }
0x1a8: {  	_ =	swait.ge [sflag:s24], $0x7D0  }
0x1a9: {  	[sflag:s24] =	ssyncset.done $0x0  }
0x1aa: {  	[sflag:s24] =	ssyncadd.s32 $0xFFFFF830  }
0x1ab: {  	_ =	swait.ge [sflag:s24], $0x7D0  }
0x1ac: {  	[sflag:s24] =	ssyncset.done $0x0  }
0x1ad: {  	[sflag:s24] =	ssyncadd.s32 $0xFFFFF830  }
0x1ae: {  	_ =	swait.ge [sflag:s24], $0x7D0  }
0x1af: {  	[sflag:s24] =	ssyncset.done $0x0  }
0x1b0: {  	[sflag:s24] =	ssyncadd.s32 $0xFFFFF830  }
0x1b1: {  	_ =	swait.ge [sflag:s24], $0x7D0  }
0x1b2: {  	[sflag:s24] =	ssyncset.done $0x0  }
0x1b3: {  	[sflag:s24] =	ssyncadd.s32 $0xFFFFF830  }
0x1b4: {  	_ =	swait.ge [sflag:s24], $0x7D0  }
0x1b5: {  	[sflag:s24] =	ssyncset.done $0x0  }
0x1b6: {  	[sflag:s24] =	ssyncadd.s32 $0xFFFFF830  }
0x1b7: {  	_ =	swait.ge [sflag:s24], $0x7D0  }
0x1b8: {  	[sflag:s24] =	ssyncset.done $0x0  }
0x1b9: {  	[sflag:s24] =	ssyncadd.s32 $0xFFFFF830  }
0x1ba: {  	_ =	swait.ge [sflag:s24], $0x7D0  }
0x1bb: {  	[sflag:s24] =	ssyncset.done $0x0  }
0x1bc: {  	[sflag:s24] =	ssyncadd.s32 $0xFFFFF830  }
0x1bd: {  	_ =	swait.ge [sflag:s24], $0x7D0  }
0x1be: {  	s28 =	sld [smem:$0x7F6]  }
0x1bf: {  	[sflag:s24] =	ssyncset.done $0x0  }
0x1c0: {  	[sflag:s24] =	ssyncadd.s32 $0xFFFFF830  }
0x1c1: {  	[tilespmem:s10], [sflag:$0x5] =	stream.linear.gather [hbm4b:s28+s10], $0x800, $0x38;
	[tilespmem:$0x1F960] =	vst v63  }
0x1c2: {  	_ =	swait.ge [sflag:s9], $0x800  }
0x1c3: {  	s29 =	sld [smem:$0x7F7]  }
0x1c4: {  	[sflag:s9] =	ssyncset.done $0x0  }
0x1c5: {  	[sflag:s9] =	ssyncadd.s32 $0xFFFFF800  }
0x1c6: {  	[tilespmem:s0], [sflag:$0x5] =	stream.linear.gather [hbm4b:s29+s10], $0x800, $0x38;
	[tilespmem:$0x1F960] =	vst v63  }
0x1c7: {  	_ =	swait.ge [sflag:s9], $0x800  }
0x1c8: {  	[sflag:s9] =	ssyncset.done $0x0  }
0x1c9: {  	[sflag:s9] =	ssyncadd.s32 $0xFFFFF800  }
0x1ca: {  	[tilespmem:s8], [sflag:$0x1] =	stream.indirect.gather [hbm4b:s17+s13], $0x80, s10, s13, $0xb8;
	[tilespmem:$0x1F960] =	vst v63  }
0x1cb: {  	_ =	swait.ge [sflag:s14], $0x3E80  }
0x1cc: {  	[sflag:s14] =	ssyncset.done $0x0  }
0x1cd: {  	[sflag:s14] =	ssyncadd.s32 $0xFFFFC180  }
0x1ce: {  	[spmem:s20] =	stream.indirect.scatter.add.f32 [tilespmem:s8], [sflag:$0x3], $0x80, s0, s13, $0xb8;
	[tilespmem:$0x1F960] =	vst v63  }
0x1cf: {  	_ = 	snop  }
0x1d0: {  	[spmem:s21] =	stream.indirect.scatter.add.f32 [tilespmem:s15], [sflag:$0x2], $0x10, s0, s13, $0xb8;
	[tilespmem:$0x1F960] =	vst v63  }
0x1d1: {  	s3 =	simm.s32 $0x80  }
0x1d2: {  	[tilespmem:s18], [sflag:$0x1] =	stream.indirect.gather [hbm4b:s17+s13], $0x80, s3, s13, $0xb8;
	[tilespmem:$0x1F960] =	vst v63  }
0x1d3: {  	_ =	swait.ge [sflag:s14], $0x3E80  }
0x1d4: {  	[sflag:s14] =	ssyncset.done $0x0  }
0x1d5: {  	s30 =	simm.s32 $0x880;
	[sflag:s14] =	ssyncadd.s32 $0xFFFFC180  }
0x1d6: {  	[spmem:s20] =	stream.indirect.scatter.add.f32 [tilespmem:s18], [sflag:$0x4], $0x80, s30, s13, $0xb8;
	[tilespmem:$0x1F960] =	vst v63  }
0x1d7: {  	_ = 	snop  }
0x1d8: {  	[spmem:s21] =	stream.indirect.scatter.add.f32 [tilespmem:s15], [sflag:$0x2], $0x10, s30, s13, $0xb8;
	[tilespmem:$0x1F960] =	vst v63  }
0x1d9: {  	_ =	swait.ge [sflag:s23], $0x3E80  }
0x1da: {  	[sflag:s23] =	ssyncset.done $0x0  }
0x1db: {  	s31 =	simm.s32 $0x100;
	[sflag:s23] =	ssyncadd.s32 $0xFFFFC180  }
0x1dc: {  	[tilespmem:s8], [sflag:$0x1] =	stream.indirect.gather [hbm4b:s17+s13], $0x80, s31, s13, $0xb8;
	[tilespmem:$0x1F960] =	vst v63  }
0x1dd: {  	_ =	swait.ge [sflag:s14], $0x3E80  }
0x1de: {  	[sflag:s14] =	ssyncset.done $0x0  }
0x1df: {  	s4 =	simm.s32 $0x900;
	[sflag:s14] =	ssyncadd.s32 $0xFFFFC180  }
0x1e0: {  	[spmem:s20] =	stream.indirect.scatter.add.f32 [tilespmem:s8], [sflag:$0x3], $0x80, s4, s13, $0xb8;
	[tilespmem:$0x1F960] =	vst v63  }
0x1e1: {  	_ = 	snop  }
0x1e2: {  	[spmem:s21] =	stream.indirect.scatter.add.f32 [tilespmem:s15], [sflag:$0x2], $0x10, s4, s13, $0xb8;
	[tilespmem:$0x1F960] =	vst v63  }
0x1e3: {  	_ =	swait.ge [sflag:s26], $0x3E80  }
0x1e4: {  	[sflag:s26] =	ssyncset.done $0x0  }
0x1e5: {  	s5 =	simm.s32 $0x180;
	[sflag:s26] =	ssyncadd.s32 $0xFFFFC180  }
0x1e6: {  	[tilespmem:s18], [sflag:$0x1] =	stream.indirect.gather [hbm4b:s17+s13], $0x80, s5, s13, $0xb8;
	[tilespmem:$0x1F960] =	vst v63  }
0x1e7: {  	_ =	swait.ge [sflag:s14], $0x3E80  }
0x1e8: {  	[sflag:s14] =	ssyncset.done $0x0  }
0x1e9: {  	s7 =	simm.s32 $0x980;
	[sflag:s14] =	ssyncadd.s32 $0xFFFFC180  }
0x1ea: {  	[spmem:s20] =	stream.indirect.scatter.add.f32 [tilespmem:s18], [sflag:$0x4], $0x80, s7, s13, $0xb8;
	[tilespmem:$0x1F960] =	vst v63  }
0x1eb: {  	_ = 	snop  }
0x1ec: {  	[spmem:s21] =	stream.indirect.scatter.add.f32 [tilespmem:s15], [sflag:$0x2], $0x10, s7, s13, $0xb8;
	[tilespmem:$0x1F960] =	vst v63  }
0x1ed: {  	_ =	swait.ge [sflag:s23], $0x3E80  }
0x1ee: {  	[sflag:s23] =	ssyncset.done $0x0  }
0x1ef: {  	s16 =	simm.s32 $0x200;
	[sflag:s23] =	ssyncadd.s32 $0xFFFFC180  }
0x1f0: {  	[tilespmem:s8], [sflag:$0x1] =	stream.indirect.gather [hbm4b:s17+s13], $0x80, s16, s13, $0xb8;
	[tilespmem:$0x1F960] =	vst v63  }
0x1f1: {  	_ =	swait.ge [sflag:s14], $0x3E80  }
0x1f2: {  	[sflag:s14] =	ssyncset.done $0x0  }
0x1f3: {  	s19 =	simm.s32 $0xA00;
	[sflag:s14] =	ssyncadd.s32 $0xFFFFC180  }
0x1f4: {  	[spmem:s20] =	stream.indirect.scatter.add.f32 [tilespmem:s8], [sflag:$0x3], $0x80, s19, s13, $0xb8;
	[tilespmem:$0x1F960] =	vst v63  }
0x1f5: {  	_ = 	snop  }
0x1f6: {  	[spmem:s21] =	stream.indirect.scatter.add.f32 [tilespmem:s15], [sflag:$0x2], $0x10, s19, s13, $0xb8;
	[tilespmem:$0x1F960] =	vst v63  }
0x1f7: {  	_ =	swait.ge [sflag:s26], $0x3E80  }
0x1f8: {  	[sflag:s26] =	ssyncset.done $0x0  }
0x1f9: {  	s25 =	simm.s32 $0x280;
	[sflag:s26] =	ssyncadd.s32 $0xFFFFC180  }
0x1fa: {  	[tilespmem:s18], [sflag:$0x1] =	stream.indirect.gather [hbm4b:s17+s13], $0x80, s25, s13, $0xb8;
	[tilespmem:$0x1F960] =	vst v63  }
0x1fb: {  	_ =	swait.ge [sflag:s14], $0x3E80  }
0x1fc: {  	[sflag:s14] =	ssyncset.done $0x0  }
0x1fd: {  	s28 =	simm.s32 $0xA80;
	[sflag:s14] =	ssyncadd.s32 $0xFFFFC180  }
0x1fe: {  	[spmem:s20] =	stream.indirect.scatter.add.f32 [tilespmem:s18], [sflag:$0x4], $0x80, s28, s13, $0xb8;
	[tilespmem:$0x1F960] =	vst v63  }
0x1ff: {  	_ = 	snop  }
0x200: {  	[spmem:s21] =	stream.indirect.scatter.add.f32 [tilespmem:s15], [sflag:$0x2], $0x10, s28, s13, $0xb8;
	[tilespmem:$0x1F960] =	vst v63  }
0x201: {  	_ =	swait.ge [sflag:s23], $0x3E80  }
0x202: {  	[sflag:s23] =	ssyncset.done $0x0  }
0x203: {  	s29 =	simm.s32 $0x300;
	[sflag:s23] =	ssyncadd.s32 $0xFFFFC180  }
0x204: {  	[tilespmem:s8], [sflag:$0x1] =	stream.indirect.gather [hbm4b:s17+s13], $0x80, s29, s13, $0xb8;
	[tilespmem:$0x1F960] =	vst v63  }
0x205: {  	_ =	swait.ge [sflag:s14], $0x3E80  }
0x206: {  	[sflag:s14] =	ssyncset.done $0x0  }
0x207: {  	s31 =	simm.s32 $0xB00;
	[sflag:s14] =	ssyncadd.s32 $0xFFFFC180  }
0x208: {  	[spmem:s20] =	stream.indirect.scatter.add.f32 [tilespmem:s8], [sflag:$0x3], $0x80, s31, s13, $0xb8;
	[tilespmem:$0x1F960] =	vst v63  }
0x209: {  	_ = 	snop  }
0x20a: {  	[spmem:s21] =	stream.indirect.scatter.add.f32 [tilespmem:s15], [sflag:$0x2], $0x10, s31, s13, $0xb8;
	[tilespmem:$0x1F960] =	vst v63  }
0x20b: {  	_ =	swait.ge [sflag:s26], $0x3E80  }
0x20c: {  	[sflag:s26] =	ssyncset.done $0x0  }
0x20d: {  	s5 =	simm.s32 $0x380;
	[sflag:s26] =	ssyncadd.s32 $0xFFFFC180  }
0x20e: {  	[tilespmem:s18], [sflag:$0x1] =	stream.indirect.gather [hbm4b:s17+s13], $0x80, s5, s13, $0xb8;
	[tilespmem:$0x1F960] =	vst v63  }
0x20f: {  	_ =	swait.ge [sflag:s14], $0x3E80  }
0x210: {  	[sflag:s14] =	ssyncset.done $0x0  }
0x211: {  	s25 =	simm.s32 $0xB80;
	[sflag:s14] =	ssyncadd.s32 $0xFFFFC180  }
0x212: {  	[spmem:s20] =	stream.indirect.scatter.add.f32 [tilespmem:s18], [sflag:$0x4], $0x80, s25, s13, $0xb8;
	[tilespmem:$0x1F960] =	vst v63  }
0x213: {  	_ = 	snop  }
0x214: {  	[spmem:s21] =	stream.indirect.scatter.add.f32 [tilespmem:s15], [sflag:$0x2], $0x10, s25, s13, $0xb8;
	[tilespmem:$0x1F960] =	vst v63  }
0x215: {  	_ =	swait.ge [sflag:s23], $0x3E80  }
0x216: {  	[sflag:s23] =	ssyncset.done $0x0  }
0x217: {  	s28 =	simm.s32 $0x400;
	[sflag:s23] =	ssyncadd.s32 $0xFFFFC180  }
0x218: {  	[tilespmem:s8], [sflag:$0x1] =	stream.indirect.gather [hbm4b:s17+s13], $0x80, s28, s13, $0xb8;
	[tilespmem:$0x1F960] =	vst v63  }
0x219: {  	_ =	swait.ge [sflag:s14], $0x3E80  }
0x21a: {  	[sflag:s14] =	ssyncset.done $0x0  }
0x21b: {  	s31 =	simm.s32 $0xC00;
	[sflag:s14] =	ssyncadd.s32 $0xFFFFC180  }
0x21c: {  	[spmem:s20] =	stream.indirect.scatter.add.f32 [tilespmem:s8], [sflag:$0x3], $0x80, s31, s13, $0xb8;
	[tilespmem:$0x1F960] =	vst v63  }
0x21d: {  	_ = 	snop  }
0x21e: {  	[spmem:s21] =	stream.indirect.scatter.add.f32 [tilespmem:s15], [sflag:$0x2], $0x10, s31, s13, $0xb8;
	[tilespmem:$0x1F960] =	vst v63  }
0x21f: {  	_ =	swait.ge [sflag:s26], $0x3E80  }
0x220: {  	[sflag:s26] =	ssyncset.done $0x0  }
0x221: {  	s5 =	simm.s32 $0x480;
	[sflag:s26] =	ssyncadd.s32 $0xFFFFC180  }
0x222: {  	[tilespmem:s18], [sflag:$0x1] =	stream.indirect.gather [hbm4b:s17+s13], $0x80, s5, s13, $0xb8;
	[tilespmem:$0x1F960] =	vst v63  }
0x223: {  	_ =	swait.ge [sflag:s14], $0x3E80  }
0x224: {  	[sflag:s14] =	ssyncset.done $0x0  }
0x225: {  	s25 =	simm.s32 $0xC80;
	[sflag:s14] =	ssyncadd.s32 $0xFFFFC180  }
0x226: {  	[spmem:s20] =	stream.indirect.scatter.add.f32 [tilespmem:s18], [sflag:$0x4], $0x80, s25, s13, $0xb8;
	[tilespmem:$0x1F960] =	vst v63  }
0x227: {  	_ = 	snop  }
0x228: {  	[spmem:s21] =	stream.indirect.scatter.add.f32 [tilespmem:s15], [sflag:$0x2], $0x10, s25, s13, $0xb8;
	[tilespmem:$0x1F960] =	vst v63  }
0x229: {  	_ =	swait.ge [sflag:s23], $0x3E80  }
0x22a: {  	[sflag:s23] =	ssyncset.done $0x0  }
0x22b: {  	s31 =	simm.s32 $0x500;
	[sflag:s23] =	ssyncadd.s32 $0xFFFFC180  }
0x22c: {  	[tilespmem:s8], [sflag:$0x1] =	stream.indirect.gather [hbm4b:s17+s13], $0x80, s31, s13, $0xb8;
	[tilespmem:$0x1F960] =	vst v63  }
0x22d: {  	_ =	swait.ge [sflag:s14], $0x3E80  }
0x22e: {  	[sflag:s14] =	ssyncset.done $0x0  }
0x22f: {  	s25 =	simm.s32 $0xD00;
	[sflag:s14] =	ssyncadd.s32 $0xFFFFC180  }
0x230: {  	[spmem:s20] =	stream.indirect.scatter.add.f32 [tilespmem:s8], [sflag:$0x3], $0x80, s25, s13, $0xb8;
	[tilespmem:$0x1F960] =	vst v63  }
0x231: {  	_ = 	snop  }
0x232: {  	[spmem:s21] =	stream.indirect.scatter.add.f32 [tilespmem:s15], [sflag:$0x2], $0x10, s25, s13, $0xb8;
	[tilespmem:$0x1F960] =	vst v63  }
0x233: {  	_ =	swait.ge [sflag:s26], $0x3E80  }
0x234: {  	[sflag:s26] =	ssyncset.done $0x0  }
0x235: {  	s31 =	simm.s32 $0x580;
	[sflag:s26] =	ssyncadd.s32 $0xFFFFC180  }
0x236: {  	[tilespmem:s18], [sflag:$0x1] =	stream.indirect.gather [hbm4b:s17+s13], $0x80, s31, s13, $0xb8;
	[tilespmem:$0x1F960] =	vst v63  }
0x237: {  	_ =	swait.ge [sflag:s14], $0x3E80  }
0x238: {  	[sflag:s14] =	ssyncset.done $0x0  }
0x239: {  	s31 =	simm.s32 $0xD80;
	[sflag:s14] =	ssyncadd.s32 $0xFFFFC180  }
0x23a: {  	[spmem:s20] =	stream.indirect.scatter.add.f32 [tilespmem:s18], [sflag:$0x4], $0x80, s31, s13, $0xb8;
	[tilespmem:$0x1F960] =	vst v63  }
0x23b: {  	_ = 	snop  }
0x23c: {  	[spmem:s21] =	stream.indirect.scatter.add.f32 [tilespmem:s15], [sflag:$0x2], $0x10, s31, s13, $0xb8;
	[tilespmem:$0x1F960] =	vst v63  }
0x23d: {  	_ =	swait.ge [sflag:s23], $0x3E80  }
0x23e: {  	[sflag:s23] =	ssyncset.done $0x0  }
0x23f: {  	s25 =	simm.s32 $0x600;
	[sflag:s23] =	ssyncadd.s32 $0xFFFFC180  }
0x240: {  	[tilespmem:s8], [sflag:$0x1] =	stream.indirect.gather [hbm4b:s17+s13], $0x80, s25, s13, $0xb8;
	[tilespmem:$0x1F960] =	vst v63  }
0x241: {  	_ =	swait.ge [sflag:s14], $0x3E80  }
0x242: {  	[sflag:s14] =	ssyncset.done $0x0  }
0x243: {  	[sflag:s14] =	ssyncadd.s32 $0xFFFFC180  }
0x244: {  	[spmem:s20] =	stream.indirect.scatter.add.f32 [tilespmem:s8], [sflag:$0x3], $0x80, s6, s13, $0xb8;
	[tilespmem:$0x1F960] =	vst v63  }
0x245: {  	_ = 	snop  }
0x246: {  	[spmem:s21] =	stream.indirect.scatter.add.f32 [tilespmem:s15], [sflag:$0x2], $0x10, s6, s13, $0xb8;
	[tilespmem:$0x1F960] =	vst v63  }
0x247: {  	_ =	swait.ge [sflag:s26], $0x3E80  }
0x248: {  	[sflag:s26] =	ssyncset.done $0x0  }
0x249: {  	s25 =	simm.s32 $0x680;
	[sflag:s26] =	ssyncadd.s32 $0xFFFFC180  }
0x24a: {  	[tilespmem:s18], [sflag:$0x1] =	stream.indirect.gather [hbm4b:s17+s13], $0x80, s25, s13, $0xb8;
	[tilespmem:$0x1F960] =	vst v63  }
0x24b: {  	_ =	swait.ge [sflag:s14], $0x3E80  }
0x24c: {  	[sflag:s14] =	ssyncset.done $0x0  }
0x24d: {  	[sflag:s14] =	ssyncadd.s32 $0xFFFFC180  }
0x24e: {  	[spmem:s20] =	stream.indirect.scatter.add.f32 [tilespmem:s18], [sflag:$0x4], $0x80, s2, s13, $0xb8;
	[tilespmem:$0x1F960] =	vst v63  }
0x24f: {  	_ = 	snop  }
0x250: {  	[spmem:s21] =	stream.indirect.scatter.add.f32 [tilespmem:s15], [sflag:$0x2], $0x10, s2, s13, $0xb8;
	[tilespmem:$0x1F960] =	vst v63  }
0x251: {  	_ =	swait.ge [sflag:s23], $0x3E80  }
0x252: {  	[sflag:s23] =	ssyncset.done $0x0  }
0x253: {  	s25 =	simm.s32 $0x700;
	[sflag:s23] =	ssyncadd.s32 $0xFFFFC180  }
0x254: {  	[tilespmem:s8], [sflag:$0x1] =	stream.indirect.gather [hbm4b:s17+s13], $0x80, s25, s13, $0xb8;
	[tilespmem:$0x1F960] =	vst v63  }
0x255: {  	_ =	swait.ge [sflag:s14], $0x3E80  }
0x256: {  	[sflag:s14] =	ssyncset.done $0x0  }
0x257: {  	[sflag:s14] =	ssyncadd.s32 $0xFFFFC180  }
0x258: {  	[spmem:s20] =	stream.indirect.scatter.add.f32 [tilespmem:s8], [sflag:$0x3], $0x80, s12, s13, $0xb8;
	[tilespmem:$0x1F960] =	vst v63  }
0x259: {  	_ = 	snop  }
0x25a: {  	[spmem:s21] =	stream.indirect.scatter.add.f32 [tilespmem:s15], [sflag:$0x2], $0x10, s12, s13, $0xb8;
	[tilespmem:$0x1F960] =	vst v63  }
0x25b: {  	_ =	swait.ge [sflag:s26], $0x3E80  }
0x25c: {  	[sflag:s26] =	ssyncset.done $0x0  }
0x25d: {  	s25 =	simm.s32 $0x780;
	[sflag:s26] =	ssyncadd.s32 $0xFFFFC180  }
0x25e: {  	[tilespmem:s18], [sflag:$0x1] =	stream.indirect.gather [hbm4b:s17+s13], $0x80, s25, s13, $0xb8;
	[tilespmem:$0x1F960] =	vst v63  }
0x25f: {  	_ =	swait.ge [sflag:s14], $0x3E80  }
0x260: {  	[sflag:s14] =	ssyncset.done $0x0  }
0x261: {  	[sflag:s14] =	ssyncadd.s32 $0xFFFFC180  }
0x262: {  	[spmem:s20] =	stream.indirect.scatter.add.f32 [tilespmem:s18], [sflag:$0x4], $0x80, s1, s13, $0xb8;
	[tilespmem:$0x1F960] =	vst v63  }
0x263: {  	_ = 	snop  }
0x264: {  	[spmem:s21] =	stream.indirect.scatter.add.f32 [tilespmem:s15], [sflag:$0x2], $0x10, s1, s13, $0xb8;
	[tilespmem:$0x1F960] =	vst v63  }
0x265: {  	_ =	swait.ge [sflag:s23], $0x3E80  }
0x266: {  	[sflag:s23] =	ssyncset.done $0x0  }
0x267: {  	[sflag:s23] =	ssyncadd.s32 $0xFFFFC180  }
0x268: {  	_ =	swait.ge [sflag:s26], $0x3E80  }
0x269: {  	[sflag:s26] =	ssyncset.done $0x0  }
0x26a: {  	[sflag:s26] =	ssyncadd.s32 $0xFFFFC180  }
0x26b: {  	_ =	swait.ge [sflag:s24], $0x7D0  }
0x26c: {  	[sflag:s24] =	ssyncset.done $0x0  }
0x26d: {  	[sflag:s24] =	ssyncadd.s32 $0xFFFFF830  }
0x26e: {  	_ =	swait.ge [sflag:s24], $0x7D0  }
0x26f: {  	[sflag:s24] =	ssyncset.done $0x0  }
0x270: {  	[sflag:s24] =	ssyncadd.s32 $0xFFFFF830  }
0x271: {  	_ =	swait.ge [sflag:s24], $0x7D0  }
0x272: {  	[sflag:s24] =	ssyncset.done $0x0  }
0x273: {  	[sflag:s24] =	ssyncadd.s32 $0xFFFFF830  }
0x274: {  	_ =	swait.ge [sflag:s24], $0x7D0  }
0x275: {  	[sflag:s24] =	ssyncset.done $0x0  }
0x276: {  	[sflag:s24] =	ssyncadd.s32 $0xFFFFF830  }
0x277: {  	_ =	swait.ge [sflag:s24], $0x7D0  }
0x278: {  	[sflag:s24] =	ssyncset.done $0x0  }
0x279: {  	[sflag:s24] =	ssyncadd.s32 $0xFFFFF830  }
0x27a: {  	_ =	swait.ge [sflag:s24], $0x7D0  }
0x27b: {  	[sflag:s24] =	ssyncset.done $0x0  }
0x27c: {  	[sflag:s24] =	ssyncadd.s32 $0xFFFFF830  }
0x27d: {  	_ =	swait.ge [sflag:s24], $0x7D0  }
0x27e: {  	[sflag:s24] =	ssyncset.done $0x0  }
0x27f: {  	[sflag:s24] =	ssyncadd.s32 $0xFFFFF830  }
0x280: {  	_ =	swait.ge [sflag:s24], $0x7D0  }
0x281: {  	[sflag:s24] =	ssyncset.done $0x0  }
0x282: {  	[sflag:s24] =	ssyncadd.s32 $0xFFFFF830  }
0x283: {  	_ =	swait.ge [sflag:s24], $0x7D0  }
0x284: {  	[sflag:s24] =	ssyncset.done $0x0  }
0x285: {  	[sflag:s24] =	ssyncadd.s32 $0xFFFFF830  }
0x286: {  	_ =	swait.ge [sflag:s24], $0x7D0  }
0x287: {  	[sflag:s24] =	ssyncset.done $0x0  }
0x288: {  	[sflag:s24] =	ssyncadd.s32 $0xFFFFF830  }
0x289: {  	_ =	swait.ge [sflag:s24], $0x7D0  }
0x28a: {  	[sflag:s24] =	ssyncset.done $0x0  }
0x28b: {  	[sflag:s24] =	ssyncadd.s32 $0xFFFFF830  }
0x28c: {  	_ =	swait.ge [sflag:s24], $0x7D0  }
0x28d: {  	[sflag:s24] =	ssyncset.done $0x0  }
0x28e: {  	[sflag:s24] =	ssyncadd.s32 $0xFFFFF830  }
0x28f: {  	_ =	swait.ge [sflag:s24], $0x7D0  }
0x290: {  	[sflag:s24] =	ssyncset.done $0x0  }
0x291: {  	[sflag:s24] =	ssyncadd.s32 $0xFFFFF830  }
0x292: {  	_ =	swait.ge [sflag:s24], $0x7D0  }
0x293: {  	[sflag:s24] =	ssyncset.done $0x0  }
0x294: {  	[sflag:s24] =	ssyncadd.s32 $0xFFFFF830  }
0x295: {  	_ =	swait.ge [sflag:s24], $0x7D0  }
0x296: {  	[sflag:s24] =	ssyncset.done $0x0  }
0x297: {  	[sflag:s24] =	ssyncadd.s32 $0xFFFFF830  }
0x298: {  	_ =	swait.ge [sflag:s24], $0x7D0  }
0x299: {  	s25 =	sld [smem:$0x7F8]  }
0x29a: {  	[sflag:s24] =	ssyncset.done $0x0  }
0x29b: {  	[sflag:s24] =	ssyncadd.s32 $0xFFFFF830  }
0x29c: {  	[tilespmem:s10], [sflag:$0x5] =	stream.linear.gather [hbm4b:s25+s10], $0x800, $0x38;
	[tilespmem:$0x1F960] =	vst v63  }
0x29d: {  	_ =	swait.ge [sflag:s9], $0x800  }
0x29e: {  	s25 =	sld [smem:$0x7F9]  }
0x29f: {  	[sflag:s9] =	ssyncset.done $0x0  }
0x2a0: {  	[sflag:s9] =	ssyncadd.s32 $0xFFFFF800  }
0x2a1: {  	[tilespmem:s0], [sflag:$0x5] =	stream.linear.gather [hbm4b:s25+s10], $0x800, $0x38;
	[tilespmem:$0x1F960] =	vst v63  }
0x2a2: {  	_ =	swait.ge [sflag:s9], $0x800  }
0x2a3: {  	[sflag:s9] =	ssyncset.done $0x0  }
0x2a4: {  	[sflag:s9] =	ssyncadd.s32 $0xFFFFF800  }
0x2a5: {  	[tilespmem:s8], [sflag:$0x1] =	stream.indirect.gather [hbm4b:s17+s13], $0x80, s10, s13, $0xb8;
	[tilespmem:$0x1F960] =	vst v63  }
0x2a6: {  	_ =	swait.ge [sflag:s14], $0x3E80  }
0x2a7: {  	[sflag:s14] =	ssyncset.done $0x0  }
0x2a8: {  	[sflag:s14] =	ssyncadd.s32 $0xFFFFC180  }
0x2a9: {  	[spmem:s20] =	stream.indirect.scatter.add.f32 [tilespmem:s8], [sflag:$0x3], $0x80, s0, s13, $0xb8;
	[tilespmem:$0x1F960] =	vst v63  }
0x2aa: {  	_ = 	snop  }
0x2ab: {  	[spmem:s21] =	stream.indirect.scatter.add.f32 [tilespmem:s15], [sflag:$0x2], $0x10, s0, s13, $0xb8;
	[tilespmem:$0x1F960] =	vst v63  }
0x2ac: {  	s25 =	simm.s32 $0x80  }
0x2ad: {  	[tilespmem:s18], [sflag:$0x1] =	stream.indirect.gather [hbm4b:s17+s13], $0x80, s25, s13, $0xb8;
	[tilespmem:$0x1F960] =	vst v63  }
0x2ae: {  	_ =	swait.ge [sflag:s14], $0x3E80  }
0x2af: {  	[sflag:s14] =	ssyncset.done $0x0  }
0x2b0: {  	s25 =	simm.s32 $0x880;
	[sflag:s14] =	ssyncadd.s32 $0xFFFFC180  }
0x2b1: {  	[spmem:s20] =	stream.indirect.scatter.add.f32 [tilespmem:s18], [sflag:$0x4], $0x80, s25, s13, $0xb8;
	[tilespmem:$0x1F960] =	vst v63  }
0x2b2: {  	_ = 	snop  }
0x2b3: {  	[spmem:s21] =	stream.indirect.scatter.add.f32 [tilespmem:s15], [sflag:$0x2], $0x10, s25, s13, $0xb8;
	[tilespmem:$0x1F960] =	vst v63  }
0x2b4: {  	_ =	swait.ge [sflag:s23], $0x3E80  }
0x2b5: {  	[sflag:s23] =	ssyncset.done $0x0  }
0x2b6: {  	s25 =	simm.s32 $0x100;
	[sflag:s23] =	ssyncadd.s32 $0xFFFFC180  }
0x2b7: {  	[tilespmem:s8], [sflag:$0x1] =	stream.indirect.gather [hbm4b:s17+s13], $0x80, s25, s13, $0xb8;
	[tilespmem:$0x1F960] =	vst v63  }
0x2b8: {  	_ =	swait.ge [sflag:s14], $0x3E80  }
0x2b9: {  	[sflag:s14] =	ssyncset.done $0x0  }
0x2ba: {  	s30 =	simm.s32 $0x900;
	[sflag:s14] =	ssyncadd.s32 $0xFFFFC180  }
0x2bb: {  	[spmem:s20] =	stream.indirect.scatter.add.f32 [tilespmem:s8], [sflag:$0x3], $0x80, s30, s13, $0xb8;
	[tilespmem:$0x1F960] =	vst v63  }
0x2bc: {  	_ = 	snop  }
0x2bd: {  	[spmem:s21] =	stream.indirect.scatter.add.f32 [tilespmem:s15], [sflag:$0x2], $0x10, s30, s13, $0xb8;
	[tilespmem:$0x1F960] =	vst v63  }
0x2be: {  	_ =	swait.ge [sflag:s26], $0x3E80  }
0x2bf: {  	[sflag:s26] =	ssyncset.done $0x0  }
0x2c0: {  	s30 =	simm.s32 $0x180;
	[sflag:s26] =	ssyncadd.s32 $0xFFFFC180  }
0x2c1: {  	[tilespmem:s18], [sflag:$0x1] =	stream.indirect.gather [hbm4b:s17+s13], $0x80, s30, s13, $0xb8;
	[tilespmem:$0x1F960] =	vst v63  }
0x2c2: {  	_ =	swait.ge [sflag:s14], $0x3E80  }
0x2c3: {  	[sflag:s14] =	ssyncset.done $0x0  }
0x2c4: {  	s4 =	simm.s32 $0x980;
	[sflag:s14] =	ssyncadd.s32 $0xFFFFC180  }
0x2c5: {  	[spmem:s20] =	stream.indirect.scatter.add.f32 [tilespmem:s18], [sflag:$0x4], $0x80, s4, s13, $0xb8;
	[tilespmem:$0x1F960] =	vst v63  }
0x2c6: {  	_ = 	snop  }
0x2c7: {  	[spmem:s21] =	stream.indirect.scatter.add.f32 [tilespmem:s15], [sflag:$0x2], $0x10, s4, s13, $0xb8;
	[tilespmem:$0x1F960] =	vst v63  }
0x2c8: {  	_ =	swait.ge [sflag:s23], $0x3E80  }
0x2c9: {  	[sflag:s23] =	ssyncset.done $0x0  }
0x2ca: {  	s30 =	simm.s32 $0x200;
	[sflag:s23] =	ssyncadd.s32 $0xFFFFC180  }
0x2cb: {  	[tilespmem:s8], [sflag:$0x1] =	stream.indirect.gather [hbm4b:s17+s13], $0x80, s30, s13, $0xb8;
	[tilespmem:$0x1F960] =	vst v63  }
0x2cc: {  	_ =	swait.ge [sflag:s14], $0x3E80  }
0x2cd: {  	[sflag:s14] =	ssyncset.done $0x0  }
0x2ce: {  	s7 =	simm.s32 $0xA00;
	[sflag:s14] =	ssyncadd.s32 $0xFFFFC180  }
0x2cf: {  	[spmem:s20] =	stream.indirect.scatter.add.f32 [tilespmem:s8], [sflag:$0x3], $0x80, s7, s13, $0xb8;
	[tilespmem:$0x1F960] =	vst v63  }
0x2d0: {  	_ = 	snop  }
0x2d1: {  	[spmem:s21] =	stream.indirect.scatter.add.f32 [tilespmem:s15], [sflag:$0x2], $0x10, s7, s13, $0xb8;
	[tilespmem:$0x1F960] =	vst v63  }
0x2d2: {  	_ =	swait.ge [sflag:s26], $0x3E80  }
0x2d3: {  	[sflag:s26] =	ssyncset.done $0x0  }
0x2d4: {  	s7 =	simm.s32 $0x280;
	[sflag:s26] =	ssyncadd.s32 $0xFFFFC180  }
0x2d5: {  	[tilespmem:s18], [sflag:$0x1] =	stream.indirect.gather [hbm4b:s17+s13], $0x80, s7, s13, $0xb8;
	[tilespmem:$0x1F960] =	vst v63  }
0x2d6: {  	_ =	swait.ge [sflag:s14], $0x3E80  }
0x2d7: {  	[sflag:s14] =	ssyncset.done $0x0  }
0x2d8: {  	s16 =	simm.s32 $0xA80;
	[sflag:s14] =	ssyncadd.s32 $0xFFFFC180  }
0x2d9: {  	[spmem:s20] =	stream.indirect.scatter.add.f32 [tilespmem:s18], [sflag:$0x4], $0x80, s16, s13, $0xb8;
	[tilespmem:$0x1F960] =	vst v63  }
0x2da: {  	_ = 	snop  }
0x2db: {  	[spmem:s21] =	stream.indirect.scatter.add.f32 [tilespmem:s15], [sflag:$0x2], $0x10, s16, s13, $0xb8;
	[tilespmem:$0x1F960] =	vst v63  }
0x2dc: {  	_ =	swait.ge [sflag:s23], $0x3E80  }
0x2dd: {  	[sflag:s23] =	ssyncset.done $0x0  }
0x2de: {  	s16 =	simm.s32 $0x300;
	[sflag:s23] =	ssyncadd.s32 $0xFFFFC180  }
0x2df: {  	[tilespmem:s8], [sflag:$0x1] =	stream.indirect.gather [hbm4b:s17+s13], $0x80, s16, s13, $0xb8;
	[tilespmem:$0x1F960] =	vst v63  }
0x2e0: {  	_ =	swait.ge [sflag:s14], $0x3E80  }
0x2e1: {  	[sflag:s14] =	ssyncset.done $0x0  }
0x2e2: {  	s19 =	simm.s32 $0xB00;
	[sflag:s14] =	ssyncadd.s32 $0xFFFFC180  }
0x2e3: {  	[spmem:s20] =	stream.indirect.scatter.add.f32 [tilespmem:s8], [sflag:$0x3], $0x80, s19, s13, $0xb8;
	[tilespmem:$0x1F960] =	vst v63  }
0x2e4: {  	_ = 	snop  }
0x2e5: {  	[spmem:s21] =	stream.indirect.scatter.add.f32 [tilespmem:s15], [sflag:$0x2], $0x10, s19, s13, $0xb8;
	[tilespmem:$0x1F960] =	vst v63  }
0x2e6: {  	_ =	swait.ge [sflag:s26], $0x3E80  }
0x2e7: {  	[sflag:s26] =	ssyncset.done $0x0  }
0x2e8: {  	s19 =	simm.s32 $0x380;
	[sflag:s26] =	ssyncadd.s32 $0xFFFFC180  }
0x2e9: {  	[tilespmem:s18], [sflag:$0x1] =	stream.indirect.gather [hbm4b:s17+s13], $0x80, s19, s13, $0xb8;
	[tilespmem:$0x1F960] =	vst v63  }
0x2ea: {  	_ =	swait.ge [sflag:s14], $0x3E80  }
0x2eb: {  	[sflag:s14] =	ssyncset.done $0x0  }
0x2ec: {  	s29 =	simm.s32 $0xB80;
	[sflag:s14] =	ssyncadd.s32 $0xFFFFC180  }
0x2ed: {  	[spmem:s20] =	stream.indirect.scatter.add.f32 [tilespmem:s18], [sflag:$0x4], $0x80, s29, s13, $0xb8;
	[tilespmem:$0x1F960] =	vst v63  }
0x2ee: {  	_ = 	snop  }
0x2ef: {  	[spmem:s21] =	stream.indirect.scatter.add.f32 [tilespmem:s15], [sflag:$0x2], $0x10, s29, s13, $0xb8;
	[tilespmem:$0x1F960] =	vst v63  }
0x2f0: {  	_ =	swait.ge [sflag:s23], $0x3E80  }
0x2f1: {  	[sflag:s23] =	ssyncset.done $0x0  }
0x2f2: {  	s25 =	simm.s32 $0x400;
	[sflag:s23] =	ssyncadd.s32 $0xFFFFC180  }
0x2f3: {  	[tilespmem:s8], [sflag:$0x1] =	stream.indirect.gather [hbm4b:s17+s13], $0x80, s25, s13, $0xb8;
	[tilespmem:$0x1F960] =	vst v63  }
0x2f4: {  	_ =	swait.ge [sflag:s14], $0x3E80  }
0x2f5: {  	[sflag:s14] =	ssyncset.done $0x0  }
0x2f6: {  	s28 =	simm.s32 $0xC00;
	[sflag:s14] =	ssyncadd.s32 $0xFFFFC180  }
0x2f7: {  	[spmem:s20] =	stream.indirect.scatter.add.f32 [tilespmem:s8], [sflag:$0x3], $0x80, s28, s13, $0xb8;
	[tilespmem:$0x1F960] =	vst v63  }
0x2f8: {  	_ = 	snop  }
0x2f9: {  	[spmem:s21] =	stream.indirect.scatter.add.f32 [tilespmem:s15], [sflag:$0x2], $0x10, s28, s13, $0xb8;
	[tilespmem:$0x1F960] =	vst v63  }
0x2fa: {  	_ =	swait.ge [sflag:s26], $0x3E80  }
0x2fb: {  	[sflag:s26] =	ssyncset.done $0x0  }
0x2fc: {  	s29 =	simm.s32 $0x480;
	[sflag:s26] =	ssyncadd.s32 $0xFFFFC180  }
0x2fd: {  	[tilespmem:s18], [sflag:$0x1] =	stream.indirect.gather [hbm4b:s17+s13], $0x80, s29, s13, $0xb8;
	[tilespmem:$0x1F960] =	vst v63  }
0x2fe: {  	_ =	swait.ge [sflag:s14], $0x3E80  }
0x2ff: {  	[sflag:s14] =	ssyncset.done $0x0  }
0x300: {  	s5 =	simm.s32 $0xC80;
	[sflag:s14] =	ssyncadd.s32 $0xFFFFC180  }
0x301: {  	[spmem:s20] =	stream.indirect.scatter.add.f32 [tilespmem:s18], [sflag:$0x4], $0x80, s5, s13, $0xb8;
	[tilespmem:$0x1F960] =	vst v63  }
0x302: {  	_ = 	snop  }
0x303: {  	[spmem:s21] =	stream.indirect.scatter.add.f32 [tilespmem:s15], [sflag:$0x2], $0x10, s5, s13, $0xb8;
	[tilespmem:$0x1F960] =	vst v63  }
0x304: {  	_ =	swait.ge [sflag:s23], $0x3E80  }
0x305: {  	[sflag:s23] =	ssyncset.done $0x0  }
0x306: {  	s30 =	simm.s32 $0x500;
	[sflag:s23] =	ssyncadd.s32 $0xFFFFC180  }
0x307: {  	[tilespmem:s8], [sflag:$0x1] =	stream.indirect.gather [hbm4b:s17+s13], $0x80, s30, s13, $0xb8;
	[tilespmem:$0x1F960] =	vst v63  }
0x308: {  	_ =	swait.ge [sflag:s14], $0x3E80  }
0x309: {  	[sflag:s14] =	ssyncset.done $0x0  }
0x30a: {  	s3 =	simm.s32 $0xD00;
	[sflag:s14] =	ssyncadd.s32 $0xFFFFC180  }
0x30b: {  	[spmem:s20] =	stream.indirect.scatter.add.f32 [tilespmem:s8], [sflag:$0x3], $0x80, s3, s13, $0xb8;
	[tilespmem:$0x1F960] =	vst v63  }
0x30c: {  	_ = 	snop  }
0x30d: {  	[spmem:s21] =	stream.indirect.scatter.add.f32 [tilespmem:s15], [sflag:$0x2], $0x10, s3, s13, $0xb8;
	[tilespmem:$0x1F960] =	vst v63  }
0x30e: {  	_ =	swait.ge [sflag:s26], $0x3E80  }
0x30f: {  	[sflag:s26] =	ssyncset.done $0x0  }
0x310: {  	s4 =	simm.s32 $0x580;
	[sflag:s26] =	ssyncadd.s32 $0xFFFFC180  }
0x311: {  	[tilespmem:s18], [sflag:$0x1] =	stream.indirect.gather [hbm4b:s17+s13], $0x80, s4, s13, $0xb8;
	[tilespmem:$0x1F960] =	vst v63  }
0x312: {  	_ =	swait.ge [sflag:s14], $0x3E80  }
0x313: {  	[sflag:s14] =	ssyncset.done $0x0  }
0x314: {  	s31 =	simm.s32 $0xD80;
	[sflag:s14] =	ssyncadd.s32 $0xFFFFC180  }
0x315: {  	[spmem:s20] =	stream.indirect.scatter.add.f32 [tilespmem:s18], [sflag:$0x4], $0x80, s31, s13, $0xb8;
	[tilespmem:$0x1F960] =	vst v63  }
0x316: {  	_ = 	snop  }
0x317: {  	[spmem:s21] =	stream.indirect.scatter.add.f32 [tilespmem:s15], [sflag:$0x2], $0x10, s31, s13, $0xb8;
	[tilespmem:$0x1F960] =	vst v63  }
0x318: {  	_ =	swait.ge [sflag:s23], $0x3E80  }
0x319: {  	[sflag:s23] =	ssyncset.done $0x0  }
0x31a: {  	s5 =	simm.s32 $0x600;
	[sflag:s23] =	ssyncadd.s32 $0xFFFFC180  }
0x31b: {  	[tilespmem:s8], [sflag:$0x1] =	stream.indirect.gather [hbm4b:s17+s13], $0x80, s5, s13, $0xb8;
	[tilespmem:$0x1F960] =	vst v63  }
0x31c: {  	_ =	swait.ge [sflag:s14], $0x3E80  }
0x31d: {  	[sflag:s14] =	ssyncset.done $0x0  }
0x31e: {  	[sflag:s14] =	ssyncadd.s32 $0xFFFFC180  }
0x31f: {  	[spmem:s20] =	stream.indirect.scatter.add.f32 [tilespmem:s8], [sflag:$0x3], $0x80, s6, s13, $0xb8;
	[tilespmem:$0x1F960] =	vst v63  }
0x320: {  	_ = 	snop  }
0x321: {  	[spmem:s21] =	stream.indirect.scatter.add.f32 [tilespmem:s15], [sflag:$0x2], $0x10, s6, s13, $0xb8;
	[tilespmem:$0x1F960] =	vst v63  }
0x322: {  	_ =	swait.ge [sflag:s26], $0x3E80  }
0x323: {  	[sflag:s26] =	ssyncset.done $0x0  }
0x324: {  	s19 =	simm.s32 $0x680;
	[sflag:s26] =	ssyncadd.s32 $0xFFFFC180  }
0x325: {  	[tilespmem:s18], [sflag:$0x1] =	stream.indirect.gather [hbm4b:s17+s13], $0x80, s19, s13, $0xb8;
	[tilespmem:$0x1F960] =	vst v63  }
0x326: {  	_ =	swait.ge [sflag:s14], $0x3E80  }
0x327: {  	[sflag:s14] =	ssyncset.done $0x0  }
0x328: {  	[sflag:s14] =	ssyncadd.s32 $0xFFFFC180  }
0x329: {  	[spmem:s20] =	stream.indirect.scatter.add.f32 [tilespmem:s18], [sflag:$0x4], $0x80, s2, s13, $0xb8;
	[tilespmem:$0x1F960] =	vst v63  }
0x32a: {  	_ = 	snop  }
0x32b: {  	[spmem:s21] =	stream.indirect.scatter.add.f32 [tilespmem:s15], [sflag:$0x2], $0x10, s2, s13, $0xb8;
	[tilespmem:$0x1F960] =	vst v63  }
0x32c: {  	_ =	swait.ge [sflag:s23], $0x3E80  }
0x32d: {  	[sflag:s23] =	ssyncset.done $0x0  }
0x32e: {  	s25 =	simm.s32 $0x700;
	[sflag:s23] =	ssyncadd.s32 $0xFFFFC180  }
0x32f: {  	[tilespmem:s8], [sflag:$0x1] =	stream.indirect.gather [hbm4b:s17+s13], $0x80, s25, s13, $0xb8;
	[tilespmem:$0x1F960] =	vst v63  }
0x330: {  	_ =	swait.ge [sflag:s14], $0x3E80  }
0x331: {  	[sflag:s14] =	ssyncset.done $0x0  }
0x332: {  	[sflag:s14] =	ssyncadd.s32 $0xFFFFC180  }
0x333: {  	[spmem:s20] =	stream.indirect.scatter.add.f32 [tilespmem:s8], [sflag:$0x3], $0x80, s12, s13, $0xb8;
	[tilespmem:$0x1F960] =	vst v63  }
0x334: {  	_ = 	snop  }
0x335: {  	[spmem:s21] =	stream.indirect.scatter.add.f32 [tilespmem:s15], [sflag:$0x2], $0x10, s12, s13, $0xb8;
	[tilespmem:$0x1F960] =	vst v63  }
0x336: {  	_ =	swait.ge [sflag:s26], $0x3E80  }
0x337: {  	[sflag:s26] =	ssyncset.done $0x0  }
0x338: {  	s28 =	simm.s32 $0x780;
	[sflag:s26] =	ssyncadd.s32 $0xFFFFC180  }
0x339: {  	[tilespmem:s18], [sflag:$0x1] =	stream.indirect.gather [hbm4b:s17+s13], $0x80, s28, s13, $0xb8;
	[tilespmem:$0x1F960] =	vst v63  }
0x33a: {  	_ =	swait.ge [sflag:s14], $0x3E80  }
0x33b: {  	[sflag:s14] =	ssyncset.done $0x0  }
0x33c: {  	[sflag:s14] =	ssyncadd.s32 $0xFFFFC180  }
0x33d: {  	[spmem:s20] =	stream.indirect.scatter.add.f32 [tilespmem:s18], [sflag:$0x4], $0x80, s1, s13, $0xb8;
	[tilespmem:$0x1F960] =	vst v63  }
0x33e: {  	_ = 	snop  }
0x33f: {  	[spmem:s21] =	stream.indirect.scatter.add.f32 [tilespmem:s15], [sflag:$0x2], $0x10, s1, s13, $0xb8;
	[tilespmem:$0x1F960] =	vst v63  }
0x340: {  	_ =	swait.ge [sflag:s23], $0x3E80  }
0x341: {  	[sflag:s23] =	ssyncset.done $0x0  }
0x342: {  	[sflag:s23] =	ssyncadd.s32 $0xFFFFC180  }
0x343: {  	_ =	swait.ge [sflag:s26], $0x3E80  }
0x344: {  	[sflag:s26] =	ssyncset.done $0x0  }
0x345: {  	[sflag:s26] =	ssyncadd.s32 $0xFFFFC180  }
0x346: {  	_ =	swait.ge [sflag:s24], $0x7D0  }
0x347: {  	[sflag:s24] =	ssyncset.done $0x0  }
0x348: {  	[sflag:s24] =	ssyncadd.s32 $0xFFFFF830  }
0x349: {  	_ =	swait.ge [sflag:s24], $0x7D0  }
0x34a: {  	[sflag:s24] =	ssyncset.done $0x0  }
0x34b: {  	[sflag:s24] =	ssyncadd.s32 $0xFFFFF830  }
0x34c: {  	_ =	swait.ge [sflag:s24], $0x7D0  }
0x34d: {  	[sflag:s24] =	ssyncset.done $0x0  }
0x34e: {  	[sflag:s24] =	ssyncadd.s32 $0xFFFFF830  }
0x34f: {  	_ =	swait.ge [sflag:s24], $0x7D0  }
0x350: {  	[sflag:s24] =	ssyncset.done $0x0  }
0x351: {  	[sflag:s24] =	ssyncadd.s32 $0xFFFFF830  }
0x352: {  	_ =	swait.ge [sflag:s24], $0x7D0  }
0x353: {  	[sflag:s24] =	ssyncset.done $0x0  }
0x354: {  	[sflag:s24] =	ssyncadd.s32 $0xFFFFF830  }
0x355: {  	_ =	swait.ge [sflag:s24], $0x7D0  }
0x356: {  	[sflag:s24] =	ssyncset.done $0x0  }
0x357: {  	[sflag:s24] =	ssyncadd.s32 $0xFFFFF830  }
0x358: {  	_ =	swait.ge [sflag:s24], $0x7D0  }
0x359: {  	[sflag:s24] =	ssyncset.done $0x0  }
0x35a: {  	[sflag:s24] =	ssyncadd.s32 $0xFFFFF830  }
0x35b: {  	_ =	swait.ge [sflag:s24], $0x7D0  }
0x35c: {  	[sflag:s24] =	ssyncset.done $0x0  }
0x35d: {  	[sflag:s24] =	ssyncadd.s32 $0xFFFFF830  }
0x35e: {  	_ =	swait.ge [sflag:s24], $0x7D0  }
0x35f: {  	[sflag:s24] =	ssyncset.done $0x0  }
0x360: {  	[sflag:s24] =	ssyncadd.s32 $0xFFFFF830  }
0x361: {  	_ =	swait.ge [sflag:s24], $0x7D0  }
0x362: {  	[sflag:s24] =	ssyncset.done $0x0  }
0x363: {  	[sflag:s24] =	ssyncadd.s32 $0xFFFFF830  }
0x364: {  	_ =	swait.ge [sflag:s24], $0x7D0  }
0x365: {  	[sflag:s24] =	ssyncset.done $0x0  }
0x366: {  	[sflag:s24] =	ssyncadd.s32 $0xFFFFF830  }
0x367: {  	_ =	swait.ge [sflag:s24], $0x7D0  }
0x368: {  	[sflag:s24] =	ssyncset.done $0x0  }
0x369: {  	[sflag:s24] =	ssyncadd.s32 $0xFFFFF830  }
0x36a: {  	_ =	swait.ge [sflag:s24], $0x7D0  }
0x36b: {  	[sflag:s24] =	ssyncset.done $0x0  }
0x36c: {  	[sflag:s24] =	ssyncadd.s32 $0xFFFFF830  }
0x36d: {  	_ =	swait.ge [sflag:s24], $0x7D0  }
0x36e: {  	[sflag:s24] =	ssyncset.done $0x0  }
0x36f: {  	[sflag:s24] =	ssyncadd.s32 $0xFFFFF830  }
0x370: {  	_ =	swait.ge [sflag:s24], $0x7D0  }
0x371: {  	[sflag:s24] =	ssyncset.done $0x0  }
0x372: {  	[sflag:s24] =	ssyncadd.s32 $0xFFFFF830  }
0x373: {  	_ =	swait.ge [sflag:s24], $0x7D0  }
0x374: {  	s29 =	sld [smem:$0x7FA]  }
0x375: {  	[sflag:s24] =	ssyncset.done $0x0  }
0x376: {  	[sflag:s24] =	ssyncadd.s32 $0xFFFFF830  }
0x377: {  	[tilespmem:s10], [sflag:$0x5] =	stream.linear.gather [hbm4b:s29+s10], $0x800, $0x38;
	[tilespmem:$0x1F960] =	vst v63  }
0x378: {  	_ =	swait.ge [sflag:s9], $0x800  }
0x379: {  	s30 =	sld [smem:$0x7FB]  }
0x37a: {  	[sflag:s9] =	ssyncset.done $0x0  }
0x37b: {  	[sflag:s9] =	ssyncadd.s32 $0xFFFFF800  }
0x37c: {  	[tilespmem:s0], [sflag:$0x5] =	stream.linear.gather [hbm4b:s30+s10], $0x800, $0x38;
	[tilespmem:$0x1F960] =	vst v63  }
0x37d: {  	_ =	swait.ge [sflag:s9], $0x800  }
0x37e: {  	[sflag:s9] =	ssyncset.done $0x0  }
0x37f: {  	[sflag:s9] =	ssyncadd.s32 $0xFFFFF800  }
0x380: {  	[tilespmem:s8], [sflag:$0x1] =	stream.indirect.gather [hbm4b:s17+s13], $0x80, s10, s13, $0xb8;
	[tilespmem:$0x1F960] =	vst v63  }
0x381: {  	_ =	swait.ge [sflag:s14], $0x3E80  }
0x382: {  	[sflag:s14] =	ssyncset.done $0x0  }
0x383: {  	[sflag:s14] =	ssyncadd.s32 $0xFFFFC180  }
0x384: {  	[spmem:s20] =	stream.indirect.scatter.add.f32 [tilespmem:s8], [sflag:$0x3], $0x80, s0, s13, $0xb8;
	[tilespmem:$0x1F960] =	vst v63  }
0x385: {  	_ = 	snop  }
0x386: {  	[spmem:s21] =	stream.indirect.scatter.add.f32 [tilespmem:s15], [sflag:$0x2], $0x10, s0, s13, $0xb8;
	[tilespmem:$0x1F960] =	vst v63  }
0x387: {  	s31 =	simm.s32 $0x80  }
0x388: {  	[tilespmem:s18], [sflag:$0x1] =	stream.indirect.gather [hbm4b:s17+s13], $0x80, s31, s13, $0xb8;
	[tilespmem:$0x1F960] =	vst v63  }
0x389: {  	_ =	swait.ge [sflag:s14], $0x3E80  }
0x38a: {  	[sflag:s14] =	ssyncset.done $0x0  }
0x38b: {  	s2 =	simm.s32 $0x880;
	[sflag:s14] =	ssyncadd.s32 $0xFFFFC180  }
0x38c: {  	[spmem:s20] =	stream.indirect.scatter.add.f32 [tilespmem:s18], [sflag:$0x4], $0x80, s2, s13, $0xb8;
	[tilespmem:$0x1F960] =	vst v63  }
0x38d: {  	_ = 	snop  }
0x38e: {  	[spmem:s21] =	stream.indirect.scatter.add.f32 [tilespmem:s15], [sflag:$0x2], $0x10, s2, s13, $0xb8;
	[tilespmem:$0x1F960] =	vst v63  }
0x38f: {  	_ =	swait.ge [sflag:s23], $0x3E80  }
0x390: {  	[sflag:s23] =	ssyncset.done $0x0  }
0x391: {  	s4 =	simm.s32 $0x100;
	[sflag:s23] =	ssyncadd.s32 $0xFFFFC180  }
0x392: {  	[tilespmem:s8], [sflag:$0x1] =	stream.indirect.gather [hbm4b:s17+s13], $0x80, s4, s13, $0xb8;
	[tilespmem:$0x1F960] =	vst v63  }
0x393: {  	_ =	swait.ge [sflag:s14], $0x3E80  }
0x394: {  	[sflag:s14] =	ssyncset.done $0x0  }
0x395: {  	s5 =	simm.s32 $0x900;
	[sflag:s14] =	ssyncadd.s32 $0xFFFFC180  }
0x396: {  	[spmem:s20] =	stream.indirect.scatter.add.f32 [tilespmem:s8], [sflag:$0x3], $0x80, s5, s13, $0xb8;
	[tilespmem:$0x1F960] =	vst v63  }
0x397: {  	_ = 	snop  }
0x398: {  	[spmem:s21] =	stream.indirect.scatter.add.f32 [tilespmem:s15], [sflag:$0x2], $0x10, s5, s13, $0xb8;
	[tilespmem:$0x1F960] =	vst v63  }
0x399: {  	_ =	swait.ge [sflag:s26], $0x3E80  }
0x39a: {  	[sflag:s26] =	ssyncset.done $0x0  }
0x39b: {  	s6 =	simm.s32 $0x180;
	[sflag:s26] =	ssyncadd.s32 $0xFFFFC180  }
0x39c: {  	[tilespmem:s18], [sflag:$0x1] =	stream.indirect.gather [hbm4b:s17+s13], $0x80, s6, s13, $0xb8;
	[tilespmem:$0x1F960] =	vst v63  }
0x39d: {  	_ =	swait.ge [sflag:s14], $0x3E80  }
0x39e: {  	[sflag:s14] =	ssyncset.done $0x0  }
0x39f: {  	s12 =	simm.s32 $0x980;
	[sflag:s14] =	ssyncadd.s32 $0xFFFFC180  }
0x3a0: {  	[spmem:s20] =	stream.indirect.scatter.add.f32 [tilespmem:s18], [sflag:$0x4], $0x80, s12, s13, $0xb8;
	[tilespmem:$0x1F960] =	vst v63  }
0x3a1: {  	_ = 	snop  }
0x3a2: {  	[spmem:s21] =	stream.indirect.scatter.add.f32 [tilespmem:s15], [sflag:$0x2], $0x10, s12, s13, $0xb8;
	[tilespmem:$0x1F960] =	vst v63  }
0x3a3: {  	_ =	swait.ge [sflag:s23], $0x3E80  }
0x3a4: {  	[sflag:s23] =	ssyncset.done $0x0  }
0x3a5: {  	s19 =	simm.s32 $0x200;
	[sflag:s23] =	ssyncadd.s32 $0xFFFFC180  }
0x3a6: {  	[tilespmem:s8], [sflag:$0x1] =	stream.indirect.gather [hbm4b:s17+s13], $0x80, s19, s13, $0xb8;
	[tilespmem:$0x1F960] =	vst v63  }
0x3a7: {  	_ =	swait.ge [sflag:s14], $0x3E80  }
0x3a8: {  	[sflag:s14] =	ssyncset.done $0x0  }
0x3a9: {  	s25 =	simm.s32 $0xA00;
	[sflag:s14] =	ssyncadd.s32 $0xFFFFC180  }
0x3aa: {  	[spmem:s20] =	stream.indirect.scatter.add.f32 [tilespmem:s8], [sflag:$0x3], $0x80, s25, s13, $0xb8;
	[tilespmem:$0x1F960] =	vst v63  }
0x3ab: {  	_ = 	snop  }
0x3ac: {  	[spmem:s21] =	stream.indirect.scatter.add.f32 [tilespmem:s15], [sflag:$0x2], $0x10, s25, s13, $0xb8;
	[tilespmem:$0x1F960] =	vst v63  }
0x3ad: {  	_ =	swait.ge [sflag:s26], $0x3E80  }
0x3ae: {  	[sflag:s26] =	ssyncset.done $0x0  }
0x3af: {  	s28 =	simm.s32 $0x280;
	[sflag:s26] =	ssyncadd.s32 $0xFFFFC180  }
0x3b0: {  	[tilespmem:s18], [sflag:$0x1] =	stream.indirect.gather [hbm4b:s17+s13], $0x80, s28, s13, $0xb8;
	[tilespmem:$0x1F960] =	vst v63  }
0x3b1: {  	_ =	swait.ge [sflag:s14], $0x3E80  }
0x3b2: {  	[sflag:s14] =	ssyncset.done $0x0  }
0x3b3: {  	s29 =	simm.s32 $0xA80;
	[sflag:s14] =	ssyncadd.s32 $0xFFFFC180  }
0x3b4: {  	[spmem:s20] =	stream.indirect.scatter.add.f32 [tilespmem:s18], [sflag:$0x4], $0x80, s29, s13, $0xb8;
	[tilespmem:$0x1F960] =	vst v63  }
0x3b5: {  	_ = 	snop  }
0x3b6: {  	[spmem:s21] =	stream.indirect.scatter.add.f32 [tilespmem:s15], [sflag:$0x2], $0x10, s29, s13, $0xb8;
	[tilespmem:$0x1F960] =	vst v63  }
0x3b7: {  	_ =	swait.ge [sflag:s23], $0x3E80  }
0x3b8: {  	[sflag:s23] =	ssyncset.done $0x0  }
0x3b9: {  	s31 =	simm.s32 $0x300;
	[sflag:s23] =	ssyncadd.s32 $0xFFFFC180  }
0x3ba: {  	[tilespmem:s8], [sflag:$0x1] =	stream.indirect.gather [hbm4b:s17+s13], $0x80, s31, s13, $0xb8;
	[tilespmem:$0x1F960] =	vst v63  }
0x3bb: {  	_ =	swait.ge [sflag:s14], $0x3E80  }
0x3bc: {  	[sflag:s14] =	ssyncset.done $0x0  }
0x3bd: {  	s2 =	simm.s32 $0xB00;
	[sflag:s14] =	ssyncadd.s32 $0xFFFFC180  }
0x3be: {  	[spmem:s20] =	stream.indirect.scatter.add.f32 [tilespmem:s8], [sflag:$0x3], $0x80, s2, s13, $0xb8;
	[tilespmem:$0x1F960] =	vst v63  }
0x3bf: {  	_ = 	snop  }
0x3c0: {  	[spmem:s21] =	stream.indirect.scatter.add.f32 [tilespmem:s15], [sflag:$0x2], $0x10, s2, s13, $0xb8;
	[tilespmem:$0x1F960] =	vst v63  }
0x3c1: {  	_ =	swait.ge [sflag:s26], $0x3E80  }
0x3c2: {  	[sflag:s26] =	ssyncset.done $0x0  }
0x3c3: {  	s16 =	simm.s32 $0x380;
	[sflag:s26] =	ssyncadd.s32 $0xFFFFC180  }
0x3c4: {  	[tilespmem:s18], [sflag:$0x1] =	stream.indirect.gather [hbm4b:s17+s13], $0x80, s16, s13, $0xb8;
	[tilespmem:$0x1F960] =	vst v63  }
0x3c5: {  	_ =	swait.ge [sflag:s14], $0x3E80  }
0x3c6: {  	[sflag:s14] =	ssyncset.done $0x0  }
0x3c7: {  	s5 =	simm.s32 $0xB80;
	[sflag:s14] =	ssyncadd.s32 $0xFFFFC180  }
0x3c8: {  	[spmem:s20] =	stream.indirect.scatter.add.f32 [tilespmem:s18], [sflag:$0x4], $0x80, s5, s13, $0xb8;
	[tilespmem:$0x1F960] =	vst v63  }
0x3c9: {  	_ = 	snop  }
0x3ca: {  	[spmem:s21] =	stream.indirect.scatter.add.f32 [tilespmem:s15], [sflag:$0x2], $0x10, s5, s13, $0xb8;
	[tilespmem:$0x1F960] =	vst v63  }
0x3cb: {  	_ =	swait.ge [sflag:s23], $0x3E80  }
0x3cc: {  	[sflag:s23] =	ssyncset.done $0x0  }
0x3cd: {  	s7 =	simm.s32 $0x400;
	[sflag:s23] =	ssyncadd.s32 $0xFFFFC180  }
0x3ce: {  	[tilespmem:s8], [sflag:$0x1] =	stream.indirect.gather [hbm4b:s17+s13], $0x80, s7, s13, $0xb8;
	[tilespmem:$0x1F960] =	vst v63  }
0x3cf: {  	_ =	swait.ge [sflag:s14], $0x3E80  }
0x3d0: {  	[sflag:s14] =	ssyncset.done $0x0  }
0x3d1: {  	s7 =	simm.s32 $0xC00;
	[sflag:s14] =	ssyncadd.s32 $0xFFFFC180  }
0x3d2: {  	[spmem:s20] =	stream.indirect.scatter.add.f32 [tilespmem:s8], [sflag:$0x3], $0x80, s7, s13, $0xb8;
	[tilespmem:$0x1F960] =	vst v63  }
0x3d3: {  	_ = 	snop  }
0x3d4: {  	[spmem:s21] =	stream.indirect.scatter.add.f32 [tilespmem:s15], [sflag:$0x2], $0x10, s7, s13, $0xb8;
	[tilespmem:$0x1F960] =	vst v63  }
0x3d5: {  	_ =	swait.ge [sflag:s26], $0x3E80  }
0x3d6: {  	[sflag:s26] =	ssyncset.done $0x0  }
0x3d7: {  	s16 =	simm.s32 $0x480;
	[sflag:s26] =	ssyncadd.s32 $0xFFFFC180  }
0x3d8: {  	[tilespmem:s18], [sflag:$0x1] =	stream.indirect.gather [hbm4b:s17+s13], $0x80, s16, s13, $0xb8;
	[tilespmem:$0x1F960] =	vst v63  }
0x3d9: {  	_ =	swait.ge [sflag:s14], $0x3E80  }
0x3da: {  	[sflag:s14] =	ssyncset.done $0x0  }
0x3db: {  	s25 =	simm.s32 $0xC80;
	[sflag:s14] =	ssyncadd.s32 $0xFFFFC180  }
0x3dc: {  	[spmem:s20] =	stream.indirect.scatter.add.f32 [tilespmem:s18], [sflag:$0x4], $0x80, s25, s13, $0xb8;
	[tilespmem:$0x1F960] =	vst v63  }
0x3dd: {  	_ = 	snop  }
0x3de: {  	[spmem:s21] =	stream.indirect.scatter.add.f32 [tilespmem:s15], [sflag:$0x2], $0x10, s25, s13, $0xb8;
	[tilespmem:$0x1F960] =	vst v63  }
0x3df: {  	_ =	swait.ge [sflag:s23], $0x3E80  }
0x3e0: {  	[sflag:s23] =	ssyncset.done $0x0  }
0x3e1: {  	s31 =	simm.s32 $0x500;
	[sflag:s23] =	ssyncadd.s32 $0xFFFFC180  }
0x3e2: {  	[tilespmem:s8], [sflag:$0x1] =	stream.indirect.gather [hbm4b:s17+s13], $0x80, s31, s13, $0xb8;
	[tilespmem:$0x1F960] =	vst v63  }
0x3e3: {  	_ =	swait.ge [sflag:s14], $0x3E80  }
0x3e4: {  	[sflag:s14] =	ssyncset.done $0x0  }
0x3e5: {  	s2 =	simm.s32 $0xD00;
	[sflag:s14] =	ssyncadd.s32 $0xFFFFC180  }
0x3e6: {  	[spmem:s20] =	stream.indirect.scatter.add.f32 [tilespmem:s8], [sflag:$0x3], $0x80, s2, s13, $0xb8;
	[tilespmem:$0x1F960] =	vst v63  }
0x3e7: {  	_ = 	snop  }
0x3e8: {  	[spmem:s21] =	stream.indirect.scatter.add.f32 [tilespmem:s15], [sflag:$0x2], $0x10, s2, s13, $0xb8;
	[tilespmem:$0x1F960] =	vst v63  }
0x3e9: {  	_ =	swait.ge [sflag:s26], $0x3E80  }
0x3ea: {  	[sflag:s26] =	ssyncset.done $0x0  }
0x3eb: {  	s3 =	simm.s32 $0x580;
	[sflag:s26] =	ssyncadd.s32 $0xFFFFC180  }
0x3ec: {  	[tilespmem:s18], [sflag:$0x1] =	stream.indirect.gather [hbm4b:s17+s13], $0x80, s3, s13, $0xb8;
	[tilespmem:$0x1F960] =	vst v63  }
0x3ed: {  	_ =	swait.ge [sflag:s14], $0x3E80  }
0x3ee: {  	[sflag:s14] =	ssyncset.done $0x0  }
0x3ef: {  	s7 =	simm.s32 $0xD80;
	[sflag:s14] =	ssyncadd.s32 $0xFFFFC180  }
0x3f0: {  	[spmem:s20] =	stream.indirect.scatter.add.f32 [tilespmem:s18], [sflag:$0x4], $0x80, s7, s13, $0xb8;
	[tilespmem:$0x1F960] =	vst v63  }
0x3f1: {  	_ = 	snop  }
0x3f2: {  	[spmem:s21] =	stream.indirect.scatter.add.f32 [tilespmem:s15], [sflag:$0x2], $0x10, s7, s13, $0xb8;
	[tilespmem:$0x1F960] =	vst v63  }
0x3f3: {  	_ =	swait.ge [sflag:s23], $0x3E80  }
0x3f4: {  	[sflag:s23] =	ssyncset.done $0x0  }
0x3f5: {  	s16 =	simm.s32 $0x600;
	[sflag:s23] =	ssyncadd.s32 $0xFFFFC180  }
0x3f6: {  	[tilespmem:s8], [sflag:$0x1] =	stream.indirect.gather [hbm4b:s17+s13], $0x80, s16, s13, $0xb8;
	[tilespmem:$0x1F960] =	vst v63  }
0x3f7: {  	_ =	swait.ge [sflag:s14], $0x3E80  }
0x3f8: {  	[sflag:s14] =	ssyncset.done $0x0  }
0x3f9: {  	s25 =	simm.s32 $0xE00;
	[sflag:s14] =	ssyncadd.s32 $0xFFFFC180  }
0x3fa: {  	[spmem:s20] =	stream.indirect.scatter.add.f32 [tilespmem:s8], [sflag:$0x3], $0x80, s25, s13, $0xb8;
	[tilespmem:$0x1F960] =	vst v63  }
0x3fb: {  	_ = 	snop  }
0x3fc: {  	[spmem:s21] =	stream.indirect.scatter.add.f32 [tilespmem:s15], [sflag:$0x2], $0x10, s25, s13, $0xb8;
	[tilespmem:$0x1F960] =	vst v63  }
0x3fd: {  	_ =	swait.ge [sflag:s26], $0x3E80  }
0x3fe: {  	[sflag:s26] =	ssyncset.done $0x0  }
0x3ff: {  	s3 =	simm.s32 $0x680;
	[sflag:s26] =	ssyncadd.s32 $0xFFFFC180  }
0x400: {  	[tilespmem:s18], [sflag:$0x1] =	stream.indirect.gather [hbm4b:s17+s13], $0x80, s3, s13, $0xb8;
	[tilespmem:$0x1F960] =	vst v63  }
0x401: {  	_ =	swait.ge [sflag:s14], $0x3E80  }
0x402: {  	[sflag:s14] =	ssyncset.done $0x0  }
0x403: {  	s16 =	simm.s32 $0xE80;
	[sflag:s14] =	ssyncadd.s32 $0xFFFFC180  }
0x404: {  	[spmem:s20] =	stream.indirect.scatter.add.f32 [tilespmem:s18], [sflag:$0x4], $0x80, s16, s13, $0xb8;
	[tilespmem:$0x1F960] =	vst v63  }
0x405: {  	_ = 	snop  }
0x406: {  	[spmem:s21] =	stream.indirect.scatter.add.f32 [tilespmem:s15], [sflag:$0x2], $0x10, s16, s13, $0xb8;
	[tilespmem:$0x1F960] =	vst v63  }
0x407: {  	_ =	swait.ge [sflag:s23], $0x3E80  }
0x408: {  	[sflag:s23] =	ssyncset.done $0x0  }
0x409: {  	s25 =	simm.s32 $0x700;
	[sflag:s23] =	ssyncadd.s32 $0xFFFFC180  }
0x40a: {  	[tilespmem:s8], [sflag:$0x1] =	stream.indirect.gather [hbm4b:s17+s13], $0x80, s25, s13, $0xb8;
	[tilespmem:$0x1F960] =	vst v63  }
0x40b: {  	_ =	swait.ge [sflag:s14], $0x3E80  }
0x40c: {  	[sflag:s14] =	ssyncset.done $0x0  }
0x40d: {  	s16 =	simm.s32 $0xF00;
	[sflag:s14] =	ssyncadd.s32 $0xFFFFC180  }
0x40e: {  	[spmem:s20] =	stream.indirect.scatter.add.f32 [tilespmem:s8], [sflag:$0x3], $0x80, s16, s13, $0xb8;
	[tilespmem:$0x1F960] =	vst v63  }
0x40f: {  	_ = 	snop  }
0x410: {  	[spmem:s21] =	stream.indirect.scatter.add.f32 [tilespmem:s15], [sflag:$0x2], $0x10, s16, s13, $0xb8;
	[tilespmem:$0x1F960] =	vst v63  }
0x411: {  	_ =	swait.ge [sflag:s26], $0x3E80  }
0x412: {  	[sflag:s26] =	ssyncset.done $0x0  }
0x413: {  	s25 =	simm.s32 $0x780;
	[sflag:s26] =	ssyncadd.s32 $0xFFFFC180  }
0x414: {  	[tilespmem:s18], [sflag:$0x1] =	stream.indirect.gather [hbm4b:s17+s13], $0x80, s25, s13, $0xb8;
	[tilespmem:$0x1F960] =	vst v63  }
0x415: {  	_ =	swait.ge [sflag:s14], $0x3E80  }
0x416: {  	[sflag:s14] =	ssyncset.done $0x0  }
0x417: {  	s25 =	simm.s32 $0xF80;
	[sflag:s14] =	ssyncadd.s32 $0xFFFFC180  }
0x418: {  	[spmem:s20] =	stream.indirect.scatter.add.f32 [tilespmem:s18], [sflag:$0x4], $0x80, s25, s13, $0xb8;
	[tilespmem:$0x1F960] =	vst v63  }
0x419: {  	_ = 	snop  }
0x41a: {  	[spmem:s21] =	stream.indirect.scatter.add.f32 [tilespmem:s15], [sflag:$0x2], $0x10, s25, s13, $0xb8;
	[tilespmem:$0x1F960] =	vst v63  }
0x41b: {  	_ =	swait.ge [sflag:s23], $0x3E80  }
0x41c: {  	[sflag:s23] =	ssyncset.done $0x0  }
0x41d: {  	[sflag:s23] =	ssyncadd.s32 $0xFFFFC180  }
0x41e: {  	_ =	swait.ge [sflag:s26], $0x3E80  }
0x41f: {  	[sflag:s26] =	ssyncset.done $0x0  }
0x420: {  	[sflag:s26] =	ssyncadd.s32 $0xFFFFC180  }
0x421: {  	_ =	swait.ge [sflag:s24], $0x7D0  }
0x422: {  	[sflag:s24] =	ssyncset.done $0x0  }
0x423: {  	[sflag:s24] =	ssyncadd.s32 $0xFFFFF830  }
0x424: {  	_ =	swait.ge [sflag:s24], $0x7D0  }
0x425: {  	[sflag:s24] =	ssyncset.done $0x0  }
0x426: {  	[sflag:s24] =	ssyncadd.s32 $0xFFFFF830  }
0x427: {  	_ =	swait.ge [sflag:s24], $0x7D0  }
0x428: {  	[sflag:s24] =	ssyncset.done $0x0  }
0x429: {  	[sflag:s24] =	ssyncadd.s32 $0xFFFFF830  }
0x42a: {  	_ =	swait.ge [sflag:s24], $0x7D0  }
0x42b: {  	[sflag:s24] =	ssyncset.done $0x0  }
0x42c: {  	[sflag:s24] =	ssyncadd.s32 $0xFFFFF830  }
0x42d: {  	_ =	swait.ge [sflag:s24], $0x7D0  }
0x42e: {  	[sflag:s24] =	ssyncset.done $0x0  }
0x42f: {  	[sflag:s24] =	ssyncadd.s32 $0xFFFFF830  }
0x430: {  	_ =	swait.ge [sflag:s24], $0x7D0  }
0x431: {  	[sflag:s24] =	ssyncset.done $0x0  }
0x432: {  	[sflag:s24] =	ssyncadd.s32 $0xFFFFF830  }
0x433: {  	_ =	swait.ge [sflag:s24], $0x7D0  }
0x434: {  	[sflag:s24] =	ssyncset.done $0x0  }
0x435: {  	[sflag:s24] =	ssyncadd.s32 $0xFFFFF830  }
0x436: {  	_ =	swait.ge [sflag:s24], $0x7D0  }
0x437: {  	[sflag:s24] =	ssyncset.done $0x0  }
0x438: {  	[sflag:s24] =	ssyncadd.s32 $0xFFFFF830  }
0x439: {  	_ =	swait.ge [sflag:s24], $0x7D0  }
0x43a: {  	[sflag:s24] =	ssyncset.done $0x0  }
0x43b: {  	[sflag:s24] =	ssyncadd.s32 $0xFFFFF830  }
0x43c: {  	_ =	swait.ge [sflag:s24], $0x7D0  }
0x43d: {  	[sflag:s24] =	ssyncset.done $0x0  }
0x43e: {  	[sflag:s24] =	ssyncadd.s32 $0xFFFFF830  }
0x43f: {  	_ =	swait.ge [sflag:s24], $0x7D0  }
0x440: {  	[sflag:s24] =	ssyncset.done $0x0  }
0x441: {  	[sflag:s24] =	ssyncadd.s32 $0xFFFFF830  }
0x442: {  	_ =	swait.ge [sflag:s24], $0x7D0  }
0x443: {  	[sflag:s24] =	ssyncset.done $0x0  }
0x444: {  	[sflag:s24] =	ssyncadd.s32 $0xFFFFF830  }
0x445: {  	_ =	swait.ge [sflag:s24], $0x7D0  }
0x446: {  	[sflag:s24] =	ssyncset.done $0x0  }
0x447: {  	[sflag:s24] =	ssyncadd.s32 $0xFFFFF830  }
0x448: {  	_ =	swait.ge [sflag:s24], $0x7D0  }
0x449: {  	[sflag:s24] =	ssyncset.done $0x0  }
0x44a: {  	[sflag:s24] =	ssyncadd.s32 $0xFFFFF830  }
0x44b: {  	_ =	swait.ge [sflag:s24], $0x7D0  }
0x44c: {  	[sflag:s24] =	ssyncset.done $0x0  }
0x44d: {  	[sflag:s24] =	ssyncadd.s32 $0xFFFFF830  }
0x44e: {  	_ =	swait.ge [sflag:s24], $0x7D0  }
0x44f: {  	s25 =	sld [smem:$0x7FC]  }
0x450: {  	[sflag:s24] =	ssyncset.done $0x0  }
0x451: {  	[sflag:s24] =	ssyncadd.s32 $0xFFFFF830  }
0x452: {  	[tilespmem:s10], [sflag:$0x5] =	stream.linear.gather [hbm4b:s25+s10], $0x800, $0x38;
	[tilespmem:$0x1F960] =	vst v63  }
0x453: {  	_ =	swait.ge [sflag:s9], $0x800  }
0x454: {  	s25 =	sld [smem:$0x7FD]  }
0x455: {  	[sflag:s9] =	ssyncset.done $0x0  }
0x456: {  	[sflag:s9] =	ssyncadd.s32 $0xFFFFF800  }
0x457: {  	[tilespmem:s0], [sflag:$0x5] =	stream.linear.gather [hbm4b:s25+s10], $0x800, $0x38;
	[tilespmem:$0x1F960] =	vst v63  }
0x458: {  	_ =	swait.ge [sflag:s9], $0x800  }
0x459: {  	[sflag:s9] =	ssyncset.done $0x0  }
0x45a: {  	[sflag:s9] =	ssyncadd.s32 $0xFFFFF800  }
0x45b: {  	[tilespmem:s8], [sflag:$0x1] =	stream.indirect.gather [hbm4b:s17+s13], $0x80, s10, s13, $0xb8;
	[tilespmem:$0x1F960] =	vst v63  }
0x45c: {  	_ =	swait.ge [sflag:s14], $0x3E80  }
0x45d: {  	[sflag:s14] =	ssyncset.done $0x0  }
0x45e: {  	[sflag:s14] =	ssyncadd.s32 $0xFFFFC180  }
0x45f: {  	[spmem:s20] =	stream.indirect.scatter.add.f32 [tilespmem:s8], [sflag:$0x3], $0x80, s0, s13, $0xb8;
	[tilespmem:$0x1F960] =	vst v63  }
0x460: {  	_ = 	snop  }
0x461: {  	[spmem:s21] =	stream.indirect.scatter.add.f32 [tilespmem:s15], [sflag:$0x2], $0x10, s0, s13, $0xb8;
	[tilespmem:$0x1F960] =	vst v63  }
0x462: {  	s25 =	simm.s32 $0x80  }
0x463: {  	[tilespmem:s18], [sflag:$0x1] =	stream.indirect.gather [hbm4b:s17+s13], $0x80, s25, s13, $0xb8;
	[tilespmem:$0x1F960] =	vst v63  }
0x464: {  	_ =	swait.ge [sflag:s14], $0x3E80  }
0x465: {  	[sflag:s14] =	ssyncset.done $0x0  }
0x466: {  	s25 =	simm.s32 $0x880;
	[sflag:s14] =	ssyncadd.s32 $0xFFFFC180  }
0x467: {  	[spmem:s20] =	stream.indirect.scatter.add.f32 [tilespmem:s18], [sflag:$0x4], $0x80, s25, s13, $0xb8;
	[tilespmem:$0x1F960] =	vst v63  }
0x468: {  	_ = 	snop  }
0x469: {  	[spmem:s21] =	stream.indirect.scatter.add.f32 [tilespmem:s15], [sflag:$0x2], $0x10, s25, s13, $0xb8;
	[tilespmem:$0x1F960] =	vst v63  }
0x46a: {  	_ =	swait.ge [sflag:s23], $0x3E80  }
0x46b: {  	[sflag:s23] =	ssyncset.done $0x0  }
0x46c: {  	s25 =	simm.s32 $0x100;
	[sflag:s23] =	ssyncadd.s32 $0xFFFFC180  }
0x46d: {  	[tilespmem:s8], [sflag:$0x1] =	stream.indirect.gather [hbm4b:s17+s13], $0x80, s25, s13, $0xb8;
	[tilespmem:$0x1F960] =	vst v63  }
0x46e: {  	_ =	swait.ge [sflag:s14], $0x3E80  }
0x46f: {  	[sflag:s14] =	ssyncset.done $0x0  }
0x470: {  	s30 =	simm.s32 $0x900;
	[sflag:s14] =	ssyncadd.s32 $0xFFFFC180  }
0x471: {  	[spmem:s20] =	stream.indirect.scatter.add.f32 [tilespmem:s8], [sflag:$0x3], $0x80, s30, s13, $0xb8;
	[tilespmem:$0x1F960] =	vst v63  }
0x472: {  	_ = 	snop  }
0x473: {  	[spmem:s21] =	stream.indirect.scatter.add.f32 [tilespmem:s15], [sflag:$0x2], $0x10, s30, s13, $0xb8;
	[tilespmem:$0x1F960] =	vst v63  }
0x474: {  	_ =	swait.ge [sflag:s26], $0x3E80  }
0x475: {  	[sflag:s26] =	ssyncset.done $0x0  }
0x476: {  	s30 =	simm.s32 $0x180;
	[sflag:s26] =	ssyncadd.s32 $0xFFFFC180  }
0x477: {  	[tilespmem:s18], [sflag:$0x1] =	stream.indirect.gather [hbm4b:s17+s13], $0x80, s30, s13, $0xb8;
	[tilespmem:$0x1F960] =	vst v63  }
0x478: {  	_ =	swait.ge [sflag:s14], $0x3E80  }
0x479: {  	[sflag:s14] =	ssyncset.done $0x0  }
0x47a: {  	s4 =	simm.s32 $0x980;
	[sflag:s14] =	ssyncadd.s32 $0xFFFFC180  }
0x47b: {  	[spmem:s20] =	stream.indirect.scatter.add.f32 [tilespmem:s18], [sflag:$0x4], $0x80, s4, s13, $0xb8;
	[tilespmem:$0x1F960] =	vst v63  }
0x47c: {  	_ = 	snop  }
0x47d: {  	[spmem:s21] =	stream.indirect.scatter.add.f32 [tilespmem:s15], [sflag:$0x2], $0x10, s4, s13, $0xb8;
	[tilespmem:$0x1F960] =	vst v63  }
0x47e: {  	_ =	swait.ge [sflag:s23], $0x3E80  }
0x47f: {  	[sflag:s23] =	ssyncset.done $0x0  }
0x480: {  	s4 =	simm.s32 $0x200;
	[sflag:s23] =	ssyncadd.s32 $0xFFFFC180  }
0x481: {  	[tilespmem:s8], [sflag:$0x1] =	stream.indirect.gather [hbm4b:s17+s13], $0x80, s4, s13, $0xb8;
	[tilespmem:$0x1F960] =	vst v63  }
0x482: {  	_ =	swait.ge [sflag:s14], $0x3E80  }
0x483: {  	[sflag:s14] =	ssyncset.done $0x0  }
0x484: {  	s6 =	simm.s32 $0xA00;
	[sflag:s14] =	ssyncadd.s32 $0xFFFFC180  }
0x485: {  	[spmem:s20] =	stream.indirect.scatter.add.f32 [tilespmem:s8], [sflag:$0x3], $0x80, s6, s13, $0xb8;
	[tilespmem:$0x1F960] =	vst v63  }
0x486: {  	_ = 	snop  }
0x487: {  	[spmem:s21] =	stream.indirect.scatter.add.f32 [tilespmem:s15], [sflag:$0x2], $0x10, s6, s13, $0xb8;
	[tilespmem:$0x1F960] =	vst v63  }
0x488: {  	_ =	swait.ge [sflag:s26], $0x3E80  }
0x489: {  	[sflag:s26] =	ssyncset.done $0x0  }
0x48a: {  	s25 =	simm.s32 $0x280;
	[sflag:s26] =	ssyncadd.s32 $0xFFFFC180  }
0x48b: {  	[tilespmem:s18], [sflag:$0x1] =	stream.indirect.gather [hbm4b:s17+s13], $0x80, s25, s13, $0xb8;
	[tilespmem:$0x1F960] =	vst v63  }
0x48c: {  	_ =	swait.ge [sflag:s14], $0x3E80  }
0x48d: {  	[sflag:s14] =	ssyncset.done $0x0  }
0x48e: {  	s12 =	simm.s32 $0xA80;
	[sflag:s14] =	ssyncadd.s32 $0xFFFFC180  }
0x48f: {  	[spmem:s20] =	stream.indirect.scatter.add.f32 [tilespmem:s18], [sflag:$0x4], $0x80, s12, s13, $0xb8;
	[tilespmem:$0x1F960] =	vst v63  }
0x490: {  	_ = 	snop  }
0x491: {  	[spmem:s21] =	stream.indirect.scatter.add.f32 [tilespmem:s15], [sflag:$0x2], $0x10, s12, s13, $0xb8;
	[tilespmem:$0x1F960] =	vst v63  }
0x492: {  	_ =	swait.ge [sflag:s23], $0x3E80  }
0x493: {  	[sflag:s23] =	ssyncset.done $0x0  }
0x494: {  	s30 =	simm.s32 $0x300;
	[sflag:s23] =	ssyncadd.s32 $0xFFFFC180  }
0x495: {  	[tilespmem:s8], [sflag:$0x1] =	stream.indirect.gather [hbm4b:s17+s13], $0x80, s30, s13, $0xb8;
	[tilespmem:$0x1F960] =	vst v63  }
0x496: {  	_ =	swait.ge [sflag:s14], $0x3E80  }
0x497: {  	[sflag:s14] =	ssyncset.done $0x0  }
0x498: {  	s19 =	simm.s32 $0xB00;
	[sflag:s14] =	ssyncadd.s32 $0xFFFFC180  }
0x499: {  	[spmem:s20] =	stream.indirect.scatter.add.f32 [tilespmem:s8], [sflag:$0x3], $0x80, s19, s13, $0xb8;
	[tilespmem:$0x1F960] =	vst v63  }
0x49a: {  	_ = 	snop  }
0x49b: {  	[spmem:s21] =	stream.indirect.scatter.add.f32 [tilespmem:s15], [sflag:$0x2], $0x10, s19, s13, $0xb8;
	[tilespmem:$0x1F960] =	vst v63  }
0x49c: {  	_ =	swait.ge [sflag:s26], $0x3E80  }
0x49d: {  	[sflag:s26] =	ssyncset.done $0x0  }
0x49e: {  	s4 =	simm.s32 $0x380;
	[sflag:s26] =	ssyncadd.s32 $0xFFFFC180  }
0x49f: {  	[tilespmem:s18], [sflag:$0x1] =	stream.indirect.gather [hbm4b:s17+s13], $0x80, s4, s13, $0xb8;
	[tilespmem:$0x1F960] =	vst v63  }
0x4a0: {  	_ =	swait.ge [sflag:s14], $0x3E80  }
0x4a1: {  	[sflag:s14] =	ssyncset.done $0x0  }
0x4a2: {  	s29 =	simm.s32 $0xB80;
	[sflag:s14] =	ssyncadd.s32 $0xFFFFC180  }
0x4a3: {  	[spmem:s20] =	stream.indirect.scatter.add.f32 [tilespmem:s18], [sflag:$0x4], $0x80, s29, s13, $0xb8;
	[tilespmem:$0x1F960] =	vst v63  }
0x4a4: {  	_ = 	snop  }
0x4a5: {  	[spmem:s21] =	stream.indirect.scatter.add.f32 [tilespmem:s15], [sflag:$0x2], $0x10, s29, s13, $0xb8;
	[tilespmem:$0x1F960] =	vst v63  }
0x4a6: {  	_ =	swait.ge [sflag:s23], $0x3E80  }
0x4a7: {  	[sflag:s23] =	ssyncset.done $0x0  }
0x4a8: {  	s6 =	simm.s32 $0x400;
	[sflag:s23] =	ssyncadd.s32 $0xFFFFC180  }
0x4a9: {  	[tilespmem:s8], [sflag:$0x1] =	stream.indirect.gather [hbm4b:s17+s13], $0x80, s6, s13, $0xb8;
	[tilespmem:$0x1F960] =	vst v63  }
0x4aa: {  	_ =	swait.ge [sflag:s14], $0x3E80  }
0x4ab: {  	[sflag:s14] =	ssyncset.done $0x0  }
0x4ac: {  	s28 =	simm.s32 $0xC00;
	[sflag:s14] =	ssyncadd.s32 $0xFFFFC180  }
0x4ad: {  	[spmem:s20] =	stream.indirect.scatter.add.f32 [tilespmem:s8], [sflag:$0x3], $0x80, s28, s13, $0xb8;
	[tilespmem:$0x1F960] =	vst v63  }
0x4ae: {  	_ = 	snop  }
0x4af: {  	[spmem:s21] =	stream.indirect.scatter.add.f32 [tilespmem:s15], [sflag:$0x2], $0x10, s28, s13, $0xb8;
	[tilespmem:$0x1F960] =	vst v63  }
0x4b0: {  	_ =	swait.ge [sflag:s26], $0x3E80  }
0x4b1: {  	[sflag:s26] =	ssyncset.done $0x0  }
0x4b2: {  	s12 =	simm.s32 $0x480;
	[sflag:s26] =	ssyncadd.s32 $0xFFFFC180  }
0x4b3: {  	[tilespmem:s18], [sflag:$0x1] =	stream.indirect.gather [hbm4b:s17+s13], $0x80, s12, s13, $0xb8;
	[tilespmem:$0x1F960] =	vst v63  }
0x4b4: {  	_ =	swait.ge [sflag:s14], $0x3E80  }
0x4b5: {  	[sflag:s14] =	ssyncset.done $0x0  }
0x4b6: {  	s5 =	simm.s32 $0xC80;
	[sflag:s14] =	ssyncadd.s32 $0xFFFFC180  }
0x4b7: {  	[spmem:s20] =	stream.indirect.scatter.add.f32 [tilespmem:s18], [sflag:$0x4], $0x80, s5, s13, $0xb8;
	[tilespmem:$0x1F960] =	vst v63  }
0x4b8: {  	_ = 	snop  }
0x4b9: {  	[spmem:s21] =	stream.indirect.scatter.add.f32 [tilespmem:s15], [sflag:$0x2], $0x10, s5, s13, $0xb8;
	[tilespmem:$0x1F960] =	vst v63  }
0x4ba: {  	_ =	swait.ge [sflag:s23], $0x3E80  }
0x4bb: {  	[sflag:s23] =	ssyncset.done $0x0  }
0x4bc: {  	s19 =	simm.s32 $0x500;
	[sflag:s23] =	ssyncadd.s32 $0xFFFFC180  }
0x4bd: {  	[tilespmem:s8], [sflag:$0x1] =	stream.indirect.gather [hbm4b:s17+s13], $0x80, s19, s13, $0xb8;
	[tilespmem:$0x1F960] =	vst v63  }
0x4be: {  	_ =	swait.ge [sflag:s14], $0x3E80  }
0x4bf: {  	[sflag:s14] =	ssyncset.done $0x0  }
0x4c0: {  	s2 =	simm.s32 $0xD00;
	[sflag:s14] =	ssyncadd.s32 $0xFFFFC180  }
0x4c1: {  	[spmem:s20] =	stream.indirect.scatter.add.f32 [tilespmem:s8], [sflag:$0x3], $0x80, s2, s13, $0xb8;
	[tilespmem:$0x1F960] =	vst v63  }
0x4c2: {  	_ = 	snop  }
0x4c3: {  	[spmem:s21] =	stream.indirect.scatter.add.f32 [tilespmem:s15], [sflag:$0x2], $0x10, s2, s13, $0xb8;
	[tilespmem:$0x1F960] =	vst v63  }
0x4c4: {  	_ =	swait.ge [sflag:s26], $0x3E80  }
0x4c5: {  	[sflag:s26] =	ssyncset.done $0x0  }
0x4c6: {  	s25 =	simm.s32 $0x580;
	[sflag:s26] =	ssyncadd.s32 $0xFFFFC180  }
0x4c7: {  	[tilespmem:s18], [sflag:$0x1] =	stream.indirect.gather [hbm4b:s17+s13], $0x80, s25, s13, $0xb8;
	[tilespmem:$0x1F960] =	vst v63  }
0x4c8: {  	_ =	swait.ge [sflag:s14], $0x3E80  }
0x4c9: {  	[sflag:s14] =	ssyncset.done $0x0  }
0x4ca: {  	s31 =	simm.s32 $0xD80;
	[sflag:s14] =	ssyncadd.s32 $0xFFFFC180  }
0x4cb: {  	[spmem:s20] =	stream.indirect.scatter.add.f32 [tilespmem:s18], [sflag:$0x4], $0x80, s31, s13, $0xb8;
	[tilespmem:$0x1F960] =	vst v63  }
0x4cc: {  	_ = 	snop  }
0x4cd: {  	[spmem:s21] =	stream.indirect.scatter.add.f32 [tilespmem:s15], [sflag:$0x2], $0x10, s31, s13, $0xb8;
	[tilespmem:$0x1F960] =	vst v63  }
0x4ce: {  	_ =	swait.ge [sflag:s23], $0x3E80  }
0x4cf: {  	[sflag:s23] =	ssyncset.done $0x0  }
0x4d0: {  	s28 =	simm.s32 $0x600;
	[sflag:s23] =	ssyncadd.s32 $0xFFFFC180  }
0x4d1: {  	[tilespmem:s8], [sflag:$0x1] =	stream.indirect.gather [hbm4b:s17+s13], $0x80, s28, s13, $0xb8;
	[tilespmem:$0x1F960] =	vst v63  }
0x4d2: {  	_ =	swait.ge [sflag:s14], $0x3E80  }
0x4d3: {  	[sflag:s14] =	ssyncset.done $0x0  }
0x4d4: {  	s7 =	simm.s32 $0xE00;
	[sflag:s14] =	ssyncadd.s32 $0xFFFFC180  }
0x4d5: {  	[spmem:s20] =	stream.indirect.scatter.add.f32 [tilespmem:s8], [sflag:$0x3], $0x80, s7, s13, $0xb8;
	[tilespmem:$0x1F960] =	vst v63  }
0x4d6: {  	_ = 	snop  }
0x4d7: {  	[spmem:s21] =	stream.indirect.scatter.add.f32 [tilespmem:s15], [sflag:$0x2], $0x10, s7, s13, $0xb8;
	[tilespmem:$0x1F960] =	vst v63  }
0x4d8: {  	_ =	swait.ge [sflag:s26], $0x3E80  }
0x4d9: {  	[sflag:s26] =	ssyncset.done $0x0  }
0x4da: {  	s29 =	simm.s32 $0x680;
	[sflag:s26] =	ssyncadd.s32 $0xFFFFC180  }
0x4db: {  	[tilespmem:s18], [sflag:$0x1] =	stream.indirect.gather [hbm4b:s17+s13], $0x80, s29, s13, $0xb8;
	[tilespmem:$0x1F960] =	vst v63  }
0x4dc: {  	_ =	swait.ge [sflag:s14], $0x3E80  }
0x4dd: {  	[sflag:s14] =	ssyncset.done $0x0  }
0x4de: {  	s3 =	simm.s32 $0xE80;
	[sflag:s14] =	ssyncadd.s32 $0xFFFFC180  }
0x4df: {  	[spmem:s20] =	stream.indirect.scatter.add.f32 [tilespmem:s18], [sflag:$0x4], $0x80, s3, s13, $0xb8;
	[tilespmem:$0x1F960] =	vst v63  }
0x4e0: {  	_ = 	snop  }
0x4e1: {  	[spmem:s21] =	stream.indirect.scatter.add.f32 [tilespmem:s15], [sflag:$0x2], $0x10, s3, s13, $0xb8;
	[tilespmem:$0x1F960] =	vst v63  }
0x4e2: {  	_ =	swait.ge [sflag:s23], $0x3E80  }
0x4e3: {  	[sflag:s23] =	ssyncset.done $0x0  }
0x4e4: {  	s30 =	simm.s32 $0x700;
	[sflag:s23] =	ssyncadd.s32 $0xFFFFC180  }
0x4e5: {  	[tilespmem:s8], [sflag:$0x1] =	stream.indirect.gather [hbm4b:s17+s13], $0x80, s30, s13, $0xb8;
	[tilespmem:$0x1F960] =	vst v63  }
0x4e6: {  	_ =	swait.ge [sflag:s14], $0x3E80  }
0x4e7: {  	[sflag:s14] =	ssyncset.done $0x0  }
0x4e8: {  	s16 =	simm.s32 $0xF00;
	[sflag:s14] =	ssyncadd.s32 $0xFFFFC180  }
0x4e9: {  	[spmem:s20] =	stream.indirect.scatter.add.f32 [tilespmem:s8], [sflag:$0x3], $0x80, s16, s13, $0xb8;
	[tilespmem:$0x1F960] =	vst v63  }
0x4ea: {  	_ = 	snop  }
0x4eb: {  	[spmem:s21] =	stream.indirect.scatter.add.f32 [tilespmem:s15], [sflag:$0x2], $0x10, s16, s13, $0xb8;
	[tilespmem:$0x1F960] =	vst v63  }
0x4ec: {  	_ =	swait.ge [sflag:s26], $0x3E80  }
0x4ed: {  	[sflag:s26] =	ssyncset.done $0x0  }
0x4ee: {  	s31 =	simm.s32 $0x780;
	[sflag:s26] =	ssyncadd.s32 $0xFFFFC180  }
0x4ef: {  	[tilespmem:s18], [sflag:$0x1] =	stream.indirect.gather [hbm4b:s17+s13], $0x80, s31, s13, $0xb8;
	[tilespmem:$0x1F960] =	vst v63  }
0x4f0: {  	_ =	swait.ge [sflag:s14], $0x3E80  }
0x4f1: {  	[sflag:s14] =	ssyncset.done $0x0  }
0x4f2: {  	s1 =	simm.s32 $0xF80;
	[sflag:s14] =	ssyncadd.s32 $0xFFFFC180  }
0x4f3: {  	[spmem:s20] =	stream.indirect.scatter.add.f32 [tilespmem:s18], [sflag:$0x4], $0x80, s1, s13, $0xb8;
	[tilespmem:$0x1F960] =	vst v63  }
0x4f4: {  	_ = 	snop  }
0x4f5: {  	[spmem:s21] =	stream.indirect.scatter.add.f32 [tilespmem:s15], [sflag:$0x2], $0x10, s1, s13, $0xb8;
	[tilespmem:$0x1F960] =	vst v63  }
0x4f6: {  	_ =	swait.ge [sflag:s23], $0x3E80  }
0x4f7: {  	[sflag:s23] =	ssyncset.done $0x0  }
0x4f8: {  	[sflag:s23] =	ssyncadd.s32 $0xFFFFC180  }
0x4f9: {  	_ =	swait.ge [sflag:s26], $0x3E80  }
0x4fa: {  	[sflag:s26] =	ssyncset.done $0x0  }
0x4fb: {  	[sflag:s26] =	ssyncadd.s32 $0xFFFFC180  }
0x4fc: {  	_ =	swait.ge [sflag:s24], $0x7D0  }
0x4fd: {  	[sflag:s24] =	ssyncset.done $0x0  }
0x4fe: {  	[sflag:s24] =	ssyncadd.s32 $0xFFFFF830  }
0x4ff: {  	_ =	swait.ge [sflag:s24], $0x7D0  }
0x500: {  	[sflag:s24] =	ssyncset.done $0x0  }
0x501: {  	[sflag:s24] =	ssyncadd.s32 $0xFFFFF830  }
0x502: {  	_ =	swait.ge [sflag:s24], $0x7D0  }
0x503: {  	[sflag:s24] =	ssyncset.done $0x0  }
0x504: {  	[sflag:s24] =	ssyncadd.s32 $0xFFFFF830  }
0x505: {  	_ =	swait.ge [sflag:s24], $0x7D0  }
0x506: {  	[sflag:s24] =	ssyncset.done $0x0  }
0x507: {  	[sflag:s24] =	ssyncadd.s32 $0xFFFFF830  }
0x508: {  	_ =	swait.ge [sflag:s24], $0x7D0  }
0x509: {  	[sflag:s24] =	ssyncset.done $0x0  }
0x50a: {  	[sflag:s24] =	ssyncadd.s32 $0xFFFFF830  }
0x50b: {  	_ =	swait.ge [sflag:s24], $0x7D0  }
0x50c: {  	[sflag:s24] =	ssyncset.done $0x0  }
0x50d: {  	[sflag:s24] =	ssyncadd.s32 $0xFFFFF830  }
0x50e: {  	_ =	swait.ge [sflag:s24], $0x7D0  }
0x50f: {  	[sflag:s24] =	ssyncset.done $0x0  }
0x510: {  	[sflag:s24] =	ssyncadd.s32 $0xFFFFF830  }
0x511: {  	_ =	swait.ge [sflag:s24], $0x7D0  }
0x512: {  	[sflag:s24] =	ssyncset.done $0x0  }
0x513: {  	[sflag:s24] =	ssyncadd.s32 $0xFFFFF830  }
0x514: {  	_ =	swait.ge [sflag:s24], $0x7D0  }
0x515: {  	[sflag:s24] =	ssyncset.done $0x0  }
0x516: {  	[sflag:s24] =	ssyncadd.s32 $0xFFFFF830  }
0x517: {  	_ =	swait.ge [sflag:s24], $0x7D0  }
0x518: {  	[sflag:s24] =	ssyncset.done $0x0  }
0x519: {  	[sflag:s24] =	ssyncadd.s32 $0xFFFFF830  }
0x51a: {  	_ =	swait.ge [sflag:s24], $0x7D0  }
0x51b: {  	[sflag:s24] =	ssyncset.done $0x0  }
0x51c: {  	[sflag:s24] =	ssyncadd.s32 $0xFFFFF830  }
0x51d: {  	_ =	swait.ge [sflag:s24], $0x7D0  }
0x51e: {  	[sflag:s24] =	ssyncset.done $0x0  }
0x51f: {  	[sflag:s24] =	ssyncadd.s32 $0xFFFFF830  }
0x520: {  	_ =	swait.ge [sflag:s24], $0x7D0  }
0x521: {  	[sflag:s24] =	ssyncset.done $0x0  }
0x522: {  	[sflag:s24] =	ssyncadd.s32 $0xFFFFF830  }
0x523: {  	_ =	swait.ge [sflag:s24], $0x7D0  }
0x524: {  	[sflag:s24] =	ssyncset.done $0x0  }
0x525: {  	[sflag:s24] =	ssyncadd.s32 $0xFFFFF830  }
0x526: {  	_ =	swait.ge [sflag:s24], $0x7D0  }
0x527: {  	[sflag:s24] =	ssyncset.done $0x0  }
0x528: {  	[sflag:s24] =	ssyncadd.s32 $0xFFFFF830  }
0x529: {  	_ =	swait.ge [sflag:s24], $0x7D0  }
0x52a: {  	[sflag:s24] =	ssyncset.done $0x0  }
0x52b: {  	[sflag:s24] =	ssyncadd.s32 $0xFFFFF830  }
0x52c: {  	[bflag:$0x0] =	sbarrier.arrive $0xFFFF  }
0x52d: {  	s0 =	sld [smem:$0x7E2];
	_ =	sdelay $0x2  }
0x52e: {  	[tilespmem:s8], [sflag:$0x5] =	stream.linear.gather [spmem:s0], $0x2800, $0x38;
	[tilespmem:$0x1F960] =	vst v63  }
0x52f: {  	_ =	swait.ge [sflag:s9], $0x2800  }
0x530: {  	[sflag:s9] =	ssyncset.done $0x0  }
0x531: {  	s1 =	rddreg [dreg:$0x7];
	[sflag:s9] =	ssyncadd.s32 $0xFFFFD800  }
0x532: {  	[hbm4b:s1+s10] =	stream.linear.scatter [tilespmem:s8], [sflag:$0x5], $0x2800, $0x38;
	[tilespmem:$0x1F960] =	vst v63  }
0x533: {  	_ =	swait.ge [sflag:s9], $0x2800  }
0x534: {  	s2 =	sld [smem:$0x7E3]  }
0x535: {  	[sflag:s9] =	ssyncset.done $0x0  }
0x536: {  	[sflag:s9] =	ssyncadd.s32 $0xFFFFD800  }
0x537: {  	[tilespmem:s11], [sflag:$0x5] =	stream.linear.gather [spmem:s2], $0x500, $0x38;
	[tilespmem:$0x1F960] =	vst v63  }
0x538: {  	_ =	swait.ge [sflag:s9], $0x500  }
0x539: {  	[sflag:s9] =	ssyncset.done $0x0  }
0x53a: {  	s3 =	rddreg [dreg:$0xf];
	[sflag:s9] =	ssyncadd.s32 $0xFFFFFB00  }
0x53b: {  	[hbm4b:s3+s10] =	stream.linear.scatter [tilespmem:s11], [sflag:$0x5], $0x500, $0x38;
	[tilespmem:$0x1F960] =	vst v63  }
0x53c: {  	_ =	swait.ge [sflag:s9], $0x500  }
0x53d: {  	s4 =	sld [smem:$0x7E5]  }
0x53e: {  	[sflag:s9] =	ssyncset.done $0x0  }
0x53f: {  	[sflag:s9] =	ssyncadd.s32 $0xFFFFFB00  }
0x540: {  	[tilespmem:s8], [sflag:$0x5] =	stream.linear.gather [spmem:s4], $0x2800, $0x38;
	[tilespmem:$0x1F960] =	vst v63  }
0x541: {  	_ =	swait.ge [sflag:s9], $0x2800  }
0x542: {  	[sflag:s9] =	ssyncset.done $0x0  }
0x543: {  	s5 =	rddreg [dreg:$0x8];
	[sflag:s9] =	ssyncadd.s32 $0xFFFFD800  }
0x544: {  	[hbm4b:s5+s10] =	stream.linear.scatter [tilespmem:s8], [sflag:$0x5], $0x2800, $0x38;
	[tilespmem:$0x1F960] =	vst v63  }
0x545: {  	_ =	swait.ge [sflag:s9], $0x2800  }
0x546: {  	s6 =	sld [smem:$0x7E6]  }
0x547: {  	[sflag:s9] =	ssyncset.done $0x0  }
0x548: {  	[sflag:s9] =	ssyncadd.s32 $0xFFFFD800  }
0x549: {  	[tilespmem:s11], [sflag:$0x5] =	stream.linear.gather [spmem:s6], $0x500, $0x38;
	[tilespmem:$0x1F960] =	vst v63  }
0x54a: {  	_ =	swait.ge [sflag:s9], $0x500  }
0x54b: {  	[sflag:s9] =	ssyncset.done $0x0  }
0x54c: {  	s7 =	rddreg [dreg:$0x10];
	[sflag:s9] =	ssyncadd.s32 $0xFFFFFB00  }
0x54d: {  	[hbm4b:s7+s10] =	stream.linear.scatter [tilespmem:s11], [sflag:$0x5], $0x500, $0x38;
	[tilespmem:$0x1F960] =	vst v63  }
0x54e: {  	_ =	swait.ge [sflag:s9], $0x500  }
0x54f: {  	s12 =	sld [smem:$0x7E7]  }
0x550: {  	[sflag:s9] =	ssyncset.done $0x0  }
0x551: {  	[sflag:s9] =	ssyncadd.s32 $0xFFFFFB00  }
0x552: {  	[tilespmem:s8], [sflag:$0x5] =	stream.linear.gather [spmem:s12], $0x2800, $0x38;
	[tilespmem:$0x1F960] =	vst v63  }
0x553: {  	_ =	swait.ge [sflag:s9], $0x2800  }
0x554: {  	[sflag:s9] =	ssyncset.done $0x0  }
0x555: {  	s16 =	rddreg [dreg:$0x9];
	[sflag:s9] =	ssyncadd.s32 $0xFFFFD800  }
0x556: {  	[hbm4b:s16+s10] =	stream.linear.scatter [tilespmem:s8], [sflag:$0x5], $0x2800, $0x38;
	[tilespmem:$0x1F960] =	vst v63  }
0x557: {  	_ =	swait.ge [sflag:s9], $0x2800  }
0x558: {  	s19 =	sld [smem:$0x7E8]  }
0x559: {  	[sflag:s9] =	ssyncset.done $0x0  }
0x55a: {  	[sflag:s9] =	ssyncadd.s32 $0xFFFFD800  }
0x55b: {  	[tilespmem:s11], [sflag:$0x5] =	stream.linear.gather [spmem:s19], $0x500, $0x38;
	[tilespmem:$0x1F960] =	vst v63  }
0x55c: {  	_ =	swait.ge [sflag:s9], $0x500  }
0x55d: {  	[sflag:s9] =	ssyncset.done $0x0  }
0x55e: {  	s28 =	rddreg [dreg:$0x11];
	[sflag:s9] =	ssyncadd.s32 $0xFFFFFB00  }
0x55f: {  	[hbm4b:s28+s10] =	stream.linear.scatter [tilespmem:s11], [sflag:$0x5], $0x500, $0x38;
	[tilespmem:$0x1F960] =	vst v63  }
0x560: {  	_ =	swait.ge [sflag:s9], $0x500  }
0x561: {  	s29 =	sld [smem:$0x7E9]  }
0x562: {  	[sflag:s9] =	ssyncset.done $0x0  }
0x563: {  	[sflag:s9] =	ssyncadd.s32 $0xFFFFFB00  }
0x564: {  	[tilespmem:s8], [sflag:$0x5] =	stream.linear.gather [spmem:s29], $0x2800, $0x38;
	[tilespmem:$0x1F960] =	vst v63  }
0x565: {  	_ =	swait.ge [sflag:s9], $0x2800  }
0x566: {  	[sflag:s9] =	ssyncset.done $0x0  }
0x567: {  	s30 =	rddreg [dreg:$0xa];
	[sflag:s9] =	ssyncadd.s32 $0xFFFFD800  }
0x568: {  	[hbm4b:s30+s10] =	stream.linear.scatter [tilespmem:s8], [sflag:$0x5], $0x2800, $0x38;
	[tilespmem:$0x1F960] =	vst v63  }
0x569: {  	_ =	swait.ge [sflag:s9], $0x2800  }
0x56a: {  	s31 =	sld [smem:$0x7EA]  }
0x56b: {  	[sflag:s9] =	ssyncset.done $0x0  }
0x56c: {  	[sflag:s9] =	ssyncadd.s32 $0xFFFFD800  }
0x56d: {  	[tilespmem:s11], [sflag:$0x5] =	stream.linear.gather [spmem:s31], $0x500, $0x38;
	[tilespmem:$0x1F960] =	vst v63  }
0x56e: {  	_ =	swait.ge [sflag:s9], $0x500  }
0x56f: {  	[sflag:s9] =	ssyncset.done $0x0  }
0x570: {  	s0 =	rddreg [dreg:$0x12];
	[sflag:s9] =	ssyncadd.s32 $0xFFFFFB00  }
0x571: {  	[hbm4b:s0+s10] =	stream.linear.scatter [tilespmem:s11], [sflag:$0x5], $0x500, $0x38;
	[tilespmem:$0x1F960] =	vst v63  }
0x572: {  	_ =	swait.ge [sflag:s9], $0x500  }
0x573: {  	s1 =	sld [smem:$0x7EB]  }
0x574: {  	[sflag:s9] =	ssyncset.done $0x0  }
0x575: {  	[sflag:s9] =	ssyncadd.s32 $0xFFFFFB00  }
0x576: {  	[tilespmem:s8], [sflag:$0x5] =	stream.linear.gather [spmem:s1], $0x2800, $0x38;
	[tilespmem:$0x1F960] =	vst v63  }
0x577: {  	_ =	swait.ge [sflag:s9], $0x2800  }
0x578: {  	[sflag:s9] =	ssyncset.done $0x0  }
0x579: {  	s2 =	rddreg [dreg:$0xb];
	[sflag:s9] =	ssyncadd.s32 $0xFFFFD800  }
0x57a: {  	[hbm4b:s2+s10] =	stream.linear.scatter [tilespmem:s8], [sflag:$0x5], $0x2800, $0x38;
	[tilespmem:$0x1F960] =	vst v63  }
0x57b: {  	_ =	swait.ge [sflag:s9], $0x2800  }
0x57c: {  	s3 =	sld [smem:$0x7EC]  }
0x57d: {  	[sflag:s9] =	ssyncset.done $0x0  }
0x57e: {  	[sflag:s9] =	ssyncadd.s32 $0xFFFFD800  }
0x57f: {  	[tilespmem:s11], [sflag:$0x5] =	stream.linear.gather [spmem:s3], $0x500, $0x38;
	[tilespmem:$0x1F960] =	vst v63  }
0x580: {  	_ =	swait.ge [sflag:s9], $0x500  }
0x581: {  	[sflag:s9] =	ssyncset.done $0x0  }
0x582: {  	s4 =	rddreg [dreg:$0x13];
	[sflag:s9] =	ssyncadd.s32 $0xFFFFFB00  }
0x583: {  	[hbm4b:s4+s10] =	stream.linear.scatter [tilespmem:s11], [sflag:$0x5], $0x500, $0x38;
	[tilespmem:$0x1F960] =	vst v63  }
0x584: {  	_ =	swait.ge [sflag:s9], $0x500  }
0x585: {  	s5 =	sld [smem:$0x7ED]  }
0x586: {  	[sflag:s9] =	ssyncset.done $0x0  }
0x587: {  	[sflag:s9] =	ssyncadd.s32 $0xFFFFFB00  }
0x588: {  	[tilespmem:s8], [sflag:$0x5] =	stream.linear.gather [spmem:s5], $0x2800, $0x38;
	[tilespmem:$0x1F960] =	vst v63  }
0x589: {  	_ =	swait.ge [sflag:s9], $0x2800  }
0x58a: {  	[sflag:s9] =	ssyncset.done $0x0  }
0x58b: {  	s6 =	rddreg [dreg:$0xc];
	[sflag:s9] =	ssyncadd.s32 $0xFFFFD800  }
0x58c: {  	[hbm4b:s6+s10] =	stream.linear.scatter [tilespmem:s8], [sflag:$0x5], $0x2800, $0x38;
	[tilespmem:$0x1F960] =	vst v63  }
0x58d: {  	_ =	swait.ge [sflag:s9], $0x2800  }
0x58e: {  	s7 =	sld [smem:$0x7EE]  }
0x58f: {  	[sflag:s9] =	ssyncset.done $0x0  }
0x590: {  	[sflag:s9] =	ssyncadd.s32 $0xFFFFD800  }
0x591: {  	[tilespmem:s11], [sflag:$0x5] =	stream.linear.gather [spmem:s7], $0x500, $0x38;
	[tilespmem:$0x1F960] =	vst v63  }
0x592: {  	_ =	swait.ge [sflag:s9], $0x500  }
0x593: {  	[sflag:s9] =	ssyncset.done $0x0  }
0x594: {  	s12 =	rddreg [dreg:$0x14];
	[sflag:s9] =	ssyncadd.s32 $0xFFFFFB00  }
0x595: {  	[hbm4b:s12+s10] =	stream.linear.scatter [tilespmem:s11], [sflag:$0x5], $0x500, $0x38;
	[tilespmem:$0x1F960] =	vst v63  }
0x596: {  	_ =	swait.ge [sflag:s9], $0x500  }
0x597: {  	s16 =	sld [smem:$0x7EF]  }
0x598: {  	[sflag:s9] =	ssyncset.done $0x0  }
0x599: {  	[sflag:s9] =	ssyncadd.s32 $0xFFFFFB00  }
0x59a: {  	[tilespmem:s8], [sflag:$0x5] =	stream.linear.gather [spmem:s16], $0x2800, $0x38;
	[tilespmem:$0x1F960] =	vst v63  }
0x59b: {  	_ =	swait.ge [sflag:s9], $0x2800  }
0x59c: {  	[sflag:s9] =	ssyncset.done $0x0  }
0x59d: {  	s19 =	rddreg [dreg:$0xd];
	[sflag:s9] =	ssyncadd.s32 $0xFFFFD800  }
0x59e: {  	[hbm4b:s19+s10] =	stream.linear.scatter [tilespmem:s8], [sflag:$0x5], $0x2800, $0x38;
	[tilespmem:$0x1F960] =	vst v63  }
0x59f: {  	_ =	swait.ge [sflag:s9], $0x2800  }
0x5a0: {  	s28 =	sld [smem:$0x7F0]  }
0x5a1: {  	[sflag:s9] =	ssyncset.done $0x0  }
0x5a2: {  	[sflag:s9] =	ssyncadd.s32 $0xFFFFD800  }
0x5a3: {  	[tilespmem:s11], [sflag:$0x5] =	stream.linear.gather [spmem:s28], $0x500, $0x38;
	[tilespmem:$0x1F960] =	vst v63  }
0x5a4: {  	_ =	swait.ge [sflag:s9], $0x500  }
0x5a5: {  	[sflag:s9] =	ssyncset.done $0x0  }
0x5a6: {  	s29 =	rddreg [dreg:$0x15];
	[sflag:s9] =	ssyncadd.s32 $0xFFFFFB00  }
0x5a7: {  	[hbm4b:s29+s10] =	stream.linear.scatter [tilespmem:s11], [sflag:$0x5], $0x500, $0x38;
	[tilespmem:$0x1F960] =	vst v63  }
0x5a8: {  	_ =	swait.ge [sflag:s9], $0x500  }
0x5a9: {  	s25 =	sld [smem:$0x7F1]  }
0x5aa: {  	[sflag:s9] =	ssyncset.done $0x0  }
0x5ab: {  	s0 =	simm.s32 @!p0 $0x1000;
	[sflag:s9] =	ssyncadd.s32 $0xFFFFFB00  }
0x5ac: {  	[tilespmem:s0], [sflag:$0x5] =	stream.linear.gather @!p0 [spmem:s25], $0x2800, $0x38;
	[tilespmem:$0x1F960] =	vst v63  }
0x5ad: {  	_ =	swait.ge @!p0 [sflag:s22], $0x2800  }
0x5ae: {  	[sflag:s22] =	ssyncset.done @!p0 $0x0  }
0x5af: {  	s25 =	simm.s32 @!p0 $0x0;
	s29 =	rddreg [dreg:$0xe];
	[sflag:s22] =	ssyncadd.s32 @!p0 $0xFFFFD800  }
0x5b0: {  	[hbm4b:s29+s25] =	stream.linear.scatter @!p0 [tilespmem:s0], [sflag:$0x5], $0x2800, $0x38;
	[tilespmem:$0x1F960] =	vst v63  }
0x5b1: {  	_ =	swait.ge @!p0 [sflag:s22], $0x2800  }
0x5b2: {  	s29 =	sld [smem:$0x7F2]  }
0x5b3: {  	[sflag:s22] =	ssyncset.done @!p0 $0x0  }
0x5b4: {  	s0 =	simm.s32 @!p0 $0x94D0;
	[sflag:s22] =	ssyncadd.s32 @!p0 $0xFFFFD800  }
0x5b5: {  	[tilespmem:s0], [sflag:$0x5] =	stream.linear.gather @!p0 [spmem:s29], $0x500, $0x38;
	[tilespmem:$0x1F960] =	vst v63  }
0x5b6: {  	_ =	swait.ge @!p0 [sflag:s22], $0x500  }
0x5b7: {  	[sflag:s22] =	ssyncset.done @!p0 $0x0  }
0x5b8: {  	s29 =	rddreg [dreg:$0x16];
	[sflag:s22] =	ssyncadd.s32 @!p0 $0xFFFFFB00  }
0x5b9: {  	[hbm4b:s29+s25] =	stream.linear.scatter @!p0 [tilespmem:s0], [sflag:$0x5], $0x500, $0x38;
	[tilespmem:$0x1F960] =	vst v63  }
0x5ba: {  	_ =	swait.ge @!p0 [sflag:s22], $0x500  }
0x5bb: {  	s30 =	sld [smem:$0x7D9]  }
0x5bc: {  	s31 =	sld [smem:$0x7F4];
	_ =	sdelay $0x1  }
0x5bd: {  	s0 =	sadd.s32 $0x1, s30  }
0x5be: {  	p1 =	sne.s32 s0, s31  }
.Ltmp1:
0x5bf: {  	_ = 	snop;
	(pc) =	sbr.rel @p1 .LBB2_1-.Ltmp1, $3  }
0x5c0: {  	_ =	sdelay $0x1  }
0x5c1: {  	[sflag:s22] =	ssyncset.done @!p0 $0x0  }
0x5c2: {  	[sflag:s22] =	ssyncadd.s32 @!p0 $0xFFFFFB00  }
0x5c3: {  	_ =	sfence.sel $0x180000  }
0x5c4: {  	[bflag:$0x0] =	sbarrier.arrive $0xFFFF  }
0x5c5: {  	_ =	strace $0x90000047  }
0x5c6: {  	s0 =	stileid.u32;
	[bflag:$0x2] =	sbarrier.arrive $0xFFFF  }
0x5c7: {  	p0 =	sne.s32 s0, $0x0;
	s0 =	rddreg [dreg:$0x5]  }
0x5c8: {  	s0 =	sadd.s32 @!p0 $0x100000, s0  }
0x5c9: {  	[sflag:s0] =	ssyncadd.tile.s32 @!p0 $0x1;
	_ =	shalt  }
.Lfunc_end2:
_tile_overlayer_lowered:
.L_overlay_start_2:
0x5ca: {  	(tag) =	ssettag $0x2  }
0x5cb: {  	s0 =	rddreg [dreg:$0x0];
	s2 =	stileid.u32  }
0x5cc: {  	s1 =	rddreg [dreg:$0x1];
	p0 =	sne.s32 s2, $0x0  }
0x5cd: {  	s3 =	rddreg [dreg:$0x2];
	[bflag:$0x3] =	sbarrier.arrive $0xFFFF;
	s2 =	simm.s32 @!p0 $0x1C05  }
0x5ce: {  	[timem:s3], [sflag:s2] =	dma.local @!p0 [hbm:s0], s1  }
0x5cf: {  	s0 =	simm.s32 @!p0 $0x5  }
0x5d0: {  	_ =	swait.ge @!p0 [sflag:s0], s1  }
0x5d1: {  	s1 =	ssub.s32 @!p0 $0x0, s1;
	[sflag:s0] =	ssyncset.done @!p0 $0x0  }
0x5d2: {  	[sflag:s0] =	ssyncadd.s32 @!p0 s1  }
0x5d3: {  	[bflag:$0x3] =	sbarrier.arrive $0xFFFF  }
0x5d4: {  	_ =	shalt  }

</sc_bundles>
